<compile_context>
chip_gen: v7x
topology: tpu7x:2x2x1
jax: 0.10.2.dev20260603
libtpu: 0.0.44.dev20260713+nightly
codegen_flags: <defaults>
</compile_context>

<pallas_src>
import functools
import math

import jax
import jax.numpy as jnp
from jax import lax
from jax.experimental import pallas as pl
from jax.experimental.pallas import tpu as pltpu
from jax.experimental.pallas import tpu_sc as plsc

_NC, _NS, _L = 2, 16, 16
_NW = _NC * _NS
_NBINS = 256
_PAD = 16
_HIST = _NBINS + 2 * _PAD
_R = 8
_W = 12
_PPS = 14
_NHS = 224
_HSW = _NHS // _NW
_NP = 3136
_C = 0.5 / (2.55 * 2.55)
_LN2 = 0.6931471805599453
_S = math.sqrt(_C)
_P2 = (-1.14304035007432, 1.3828088222386625, -0.2335195385462943)
_C0 = _P2[0] - 127.0 * _LN2


def _vlog(q):
    bits = plsc.bitcast(q, jnp.int32)
    ef = (bits >> 23).astype(jnp.float32)
    m = plsc.bitcast((bits & jnp.int32(0x007FFFFF)) | jnp.int32(0x3F800000),
                     jnp.float32)
    p = jnp.float32(_P2[2])
    p = p * m + jnp.float32(_P2[1])
    p = p * m + jnp.float32(_C0)
    return ef * jnp.float32(_LN2) + p


def _sc_hist(images):
    mesh = plsc.VectorSubcoreMesh(core_axis_name="c", subcore_axis_name="s")

    @functools.partial(
        pl.kernel,
        mesh=mesh,
        compiler_params=pltpu.CompilerParams(use_tc_tiling_on_sc=False,
                                             needs_layout_passes=False),
        out_type=jax.ShapeDtypeStruct((_NHS, _L), jnp.float32),
        scratch_types=[
            pltpu.VMEM((2, _R, _PPS * _R), jnp.float32),
            pltpu.VMEM((_HSW, _L), jnp.float32),
            pltpu.VMEM((_L * _HIST,), jnp.float32),
            pltpu.SemaphoreType.DMA,
            pltpu.SemaphoreType.DMA,
            pltpu.SemaphoreType.DMA,
        ],
    )
    def k(img_hbm, out_hbm, in_v, stage_v, hist_v, sem, sin0, sin1):
        wid = lax.axis_index("s") * _NC + lax.axis_index("c")
        iota = lax.iota(jnp.int32, _L)
        lanebase = iota * _HIST
        zeros = jnp.full((_L,), 1e-12, jnp.float32)
        colv = [jnp.minimum(iota * _R + cc, _PPS * _R - 1) for cc in range(_R)]

        for i in range(_HIST):
            hist_v[pl.ds(_L * i, _L)] = zeros

        def src_slice(hs):
            img = hs // 56
            rem = hs - img * 56
            prow = rem // 2
            half = rem - prow * 2
            return img_hbm.at[img // 2, img % 2, 0, pl.ds(prow * _R, _R),
                              pl.ds(half * (_PPS * _R), _PPS * _R)]

        dummy_src = img_hbm.at[0, 0, 0, pl.ds(0, _R), pl.ds(0, _PPS * _R)]
        pltpu.async_copy(src_slice(wid * _HSW), in_v.at[0], sin0)

        def strip_body(t, carry):
            hs = wid * _HSW + t
            buf = t % 2
            nxt = t + 1

            @pl.when(jnp.logical_and(nxt < _HSW, nxt % 2 == 0))
            def _():
                pltpu.async_copy(src_slice(hs + 1), in_v.at[0], sin0)

            @pl.when(jnp.logical_and(nxt < _HSW, nxt % 2 == 1))
            def _():
                pltpu.async_copy(src_slice(hs + 1), in_v.at[1], sin1)

            @pl.when(buf == 0)
            def _():
                pltpu.make_async_copy(dummy_src, in_v.at[0], sin0).wait()

            @pl.when(buf == 1)
            def _():
                pltpu.make_async_copy(dummy_src, in_v.at[1], sin1).wait()

            bufv = jnp.broadcast_to(buf, (_L,))

            def row_body(r, carry2):
                rowv = jnp.broadcast_to(r, (_L,))
                for cc in range(_R):
                    pix = plsc.load_gather(in_v, [bufv, rowv, colv[cc]])
                    u = pix * 255.0
                    j0 = u.astype(jnp.int32)
                    frac = u - j0.astype(jnp.float32)
                    sidx = lanebase + j0
                    base = (frac * frac) * jnp.float32(-_C)
                    t2 = frac * jnp.float32(2.0 * _C)
                    td = {0: None}
                    for a in range(1, _W // 2 + 1):
                        td[a] = t2 * jnp.float32(a)
                    for kk in range(_W):
                        delta = _W // 2 - kk
                        cd = jnp.float32(-_C * delta * delta)
                        if delta > 0:
                            arg = (base - td[delta]) + cd
                        elif delta < 0:
                            arg = (base + td[-delta]) + cd
                        else:
                            arg = base
                        v = jnp.exp(arg)
                        plsc.addupdate_scatter(
                            hist_v, [sidx + (kk + _PAD - _W // 2)], v)
                return carry2

            lax.fori_loop(0, _R, row_body, 0)

            def ent_body(p, entvec):
                base = p * _HIST + _PAD
                acc = jnp.zeros((_L,), jnp.float32)
                eacc = jnp.zeros((_L,), jnp.float32)
                for i in range(_NBINS // _L):
                    sl = pl.ds(base + _L * i, _L)
                    h = hist_v[sl]
                    hist_v[sl] = zeros
                    acc = acc + h
                    eacc = eacc + h * _vlog(h)
                tv = jnp.broadcast_to(jnp.sum(acc), (_L,)) + jnp.float32(6.4e-9)
                sv = jnp.broadcast_to(jnp.sum(eacc), (_L,))
                ent = _vlog(tv) - sv / tv
                return jnp.where(iota == p, ent, entvec)

            entvec = lax.fori_loop(0, _PPS, ent_body,
                                   jnp.zeros((_L,), jnp.float32))
            stage_v[t, pl.ds(0, _L)] = entvec
            pltpu.async_copy(stage_v.at[t], out_hbm.at[hs], sem)
            return carry

        lax.fori_loop(0, _HSW, strip_body, 0)
        for t in range(_HSW):
            pltpu.make_async_copy(stage_v.at[t],
                                  out_hbm.at[wid * _HSW + t], sem).wait()

    return k(images)


def kernel(coords, images):
    del coords
    depth = images[:, :, 3:4]
    ent = _sc_hist(depth)
    return ent[:, :_PPS].reshape(2, 2, 1, 28, 28)

# --- scband reference (transcript-rebuilt; emitter-appended) ---
"""Pipeline reference for scband-patch-info-gain-loss-82085414961155 (READ-ONLY COPY).

The authoritative reference and input builder live on the scoring server;
editing this copy changes nothing except your own understanding.
"""

import jax, jax.numpy as jnp
import numpy as np

REGION_SIZE = 8
BANDWIDTH = 0.01
N_BINS = 256
EPS = 1e-10


def setup_inputs(seed: int = 0) -> dict:
    key = jax.random.key(seed)
    k1, k2 = jax.random.split(key)
    coords = jax.random.uniform(k1, (2, 2, 200, 2), dtype=jnp.float32)
    images = jax.random.uniform(k2, (2, 2, 4, 224, 224), dtype=jnp.float32)
    return {"coords": coords, "images": images}


def _patch_entropy(x):
    # x: [N, SF, 1, H, W] -- kernel-density soft histogram per non-overlapping
    # region_size x region_size patch, then Shannon entropy per patch.
    N, SF, C, H, W = x.shape
    r = REGION_SIZE
    hp, wp = H // r, W // r
    bins = jnp.linspace(0.0, 1.0, N_BINS, dtype=jnp.float32)
    # extract non-overlapping patches (equivalent to unfold with stride=region_size)
    p = x.reshape(N * SF, hp, r, wp, r)
    p = p.transpose(0, 1, 3, 2, 4).reshape(N * SF, hp * wp, r * r)
    # soft histogram via gaussian kernel around each bin center
    resid = p[..., None] - bins  # [N*SF, P, r*r, N_BINS]
    kern = jnp.exp(-0.5 * (resid / BANDWIDTH) ** 2)
    pdf = kern.mean(axis=2)  # [N*SF, P, N_BINS]
    pdf = pdf / (pdf.sum(axis=-1, keepdims=True) + EPS)
    ent = -jnp.sum(pdf * jnp.log(pdf + EPS), axis=-1)  # [N*SF, P]
    return ent.reshape(N, SF, 1, hp, wp)


def reference(coords, images):
    # forward: entropy of the depth channel (last channel), per patch
    N, SF, KP, _ = coords.shape
    depth = images[:, :, -1][:, :, None]  # images[:, :, -1].unsqueeze(2)
    depth_entropy = _patch_entropy(depth)
    return depth_entropy

if __name__ == "__main__":
    import jax
    _d = setup_inputs()
    print(jax.jit(kernel)(*tuple(_d.values())))

</pallas_src>

<mosaic_0001>
#map = affine_map<(d0, d1) -> (0, 0, 0, 0, 0)>
#map1 = affine_map<(d0, d1) -> (0, 0)>
module attributes {stable_mosaic.version = 14 : i64} {
  func.func @k(%arg0: i32, %arg1: i32, %arg2: memref<2x2x1x224x224xf32, #tpu.memory_space<hbm>>, %arg3: memref<224x16xf32, #tpu.memory_space<hbm>>, %arg4: memref<2x8x112xf32, #tpu.memory_space<vmem>>, %arg5: memref<7x16xf32, #tpu.memory_space<vmem>>, %arg6: memref<4608xf32, #tpu.memory_space<vmem>>, %arg7: memref<!tpu.dma_semaphore, #tpu.memory_space<semaphore_mem>>, %arg8: memref<!tpu.dma_semaphore, #tpu.memory_space<semaphore_mem>>, %arg9: memref<!tpu.dma_semaphore, #tpu.memory_space<semaphore_mem>>) attributes {dimension_semantics = [#tpu.dimension_semantics<core_parallel>, #tpu.dimension_semantics<subcore_parallel>], iteration_bounds = array<i64: 2, 16>, scalar_prefetch = 0 : i64, scratch_operands = 6 : i64, tpu.core_type = #tpu.core_type<sc_vector_subcore>, window_params = [{transform_indices = #map}, {transform_indices = #map1}]} {
    %mul3A = arith.constant 2 : i32
    %mul3A_0 = arith.muli %arg1, %mul3A : i32
    %add3A = arith.addi %mul3A_0, %arg0 : i32
    %iota3A = tpu.iota {dimensions = array<i32: 0>} : vector<16xi32>
    %mul3A_1 = arith.constant 288 : i32
    %mul3A_2 = vector.broadcast %mul3A_1 : i32 to vector<16xi32>
    %mul3A_3 = arith.muli %iota3A, %mul3A_2 : vector<16xi32>
    %broadcast_in_dim3A = arith.constant 9.99999996E-13 : f32
    %broadcast_in_dim3A_4 = vector.broadcast %broadcast_in_dim3A : f32 to vector<16xf32>
    %mul3A_5 = arith.constant 8 : i32
    %mul3A_6 = vector.broadcast %mul3A_5 : i32 to vector<16xi32>
    %mul3A_7 = arith.muli %iota3A, %mul3A_6 : vector<16xi32>
    %add3A_8 = arith.constant 0 : i32
    %add3A_9 = vector.broadcast %add3A_8 : i32 to vector<16xi32>
    %add3A_10 = arith.addi %mul3A_7, %add3A_9 : vector<16xi32>
    %min3A = arith.constant 111 : i32
    %min3A_11 = vector.broadcast %min3A : i32 to vector<16xi32>
    %min3A_12 = arith.minsi %add3A_10, %min3A_11 : vector<16xi32>
    %mul3A_13 = arith.constant 8 : i32
    %mul3A_14 = vector.broadcast %mul3A_13 : i32 to vector<16xi32>
    %mul3A_15 = arith.muli %iota3A, %mul3A_14 : vector<16xi32>
    %add3A_16 = arith.constant 1 : i32
    %add3A_17 = vector.broadcast %add3A_16 : i32 to vector<16xi32>
    %add3A_18 = arith.addi %mul3A_15, %add3A_17 : vector<16xi32>
    %min3A_19 = arith.constant 111 : i32
    %min3A_20 = vector.broadcast %min3A_19 : i32 to vector<16xi32>
    %min3A_21 = arith.minsi %add3A_18, %min3A_20 : vector<16xi32>
    %mul3A_22 = arith.constant 8 : i32
    %mul3A_23 = vector.broadcast %mul3A_22 : i32 to vector<16xi32>
    %mul3A_24 = arith.muli %iota3A, %mul3A_23 : vector<16xi32>
    %add3A_25 = arith.constant 2 : i32
    %add3A_26 = vector.broadcast %add3A_25 : i32 to vector<16xi32>
    %add3A_27 = arith.addi %mul3A_24, %add3A_26 : vector<16xi32>
    %min3A_28 = arith.constant 111 : i32
    %min3A_29 = vector.broadcast %min3A_28 : i32 to vector<16xi32>
    %min3A_30 = arith.minsi %add3A_27, %min3A_29 : vector<16xi32>
    %mul3A_31 = arith.constant 8 : i32
    %mul3A_32 = vector.broadcast %mul3A_31 : i32 to vector<16xi32>
    %mul3A_33 = arith.muli %iota3A, %mul3A_32 : vector<16xi32>
    %add3A_34 = arith.constant 3 : i32
    %add3A_35 = vector.broadcast %add3A_34 : i32 to vector<16xi32>
    %add3A_36 = arith.addi %mul3A_33, %add3A_35 : vector<16xi32>
    %min3A_37 = arith.constant 111 : i32
    %min3A_38 = vector.broadcast %min3A_37 : i32 to vector<16xi32>
    %min3A_39 = arith.minsi %add3A_36, %min3A_38 : vector<16xi32>
    %mul3A_40 = arith.constant 8 : i32
    %mul3A_41 = vector.broadcast %mul3A_40 : i32 to vector<16xi32>
    %mul3A_42 = arith.muli %iota3A, %mul3A_41 : vector<16xi32>
    %add3A_43 = arith.constant 4 : i32
    %add3A_44 = vector.broadcast %add3A_43 : i32 to vector<16xi32>
    %add3A_45 = arith.addi %mul3A_42, %add3A_44 : vector<16xi32>
    %min3A_46 = arith.constant 111 : i32
    %min3A_47 = vector.broadcast %min3A_46 : i32 to vector<16xi32>
    %min3A_48 = arith.minsi %add3A_45, %min3A_47 : vector<16xi32>
    %mul3A_49 = arith.constant 8 : i32
    %mul3A_50 = vector.broadcast %mul3A_49 : i32 to vector<16xi32>
    %mul3A_51 = arith.muli %iota3A, %mul3A_50 : vector<16xi32>
    %add3A_52 = arith.constant 5 : i32
    %add3A_53 = vector.broadcast %add3A_52 : i32 to vector<16xi32>
    %add3A_54 = arith.addi %mul3A_51, %add3A_53 : vector<16xi32>
    %min3A_55 = arith.constant 111 : i32
    %min3A_56 = vector.broadcast %min3A_55 : i32 to vector<16xi32>
    %min3A_57 = arith.minsi %add3A_54, %min3A_56 : vector<16xi32>
    %mul3A_58 = arith.constant 8 : i32
    %mul3A_59 = vector.broadcast %mul3A_58 : i32 to vector<16xi32>
    %mul3A_60 = arith.muli %iota3A, %mul3A_59 : vector<16xi32>
    %add3A_61 = arith.constant 6 : i32
    %add3A_62 = vector.broadcast %add3A_61 : i32 to vector<16xi32>
    %add3A_63 = arith.addi %mul3A_60, %add3A_62 : vector<16xi32>
    %min3A_64 = arith.constant 111 : i32
    %min3A_65 = vector.broadcast %min3A_64 : i32 to vector<16xi32>
    %min3A_66 = arith.minsi %add3A_63, %min3A_65 : vector<16xi32>
    %mul3A_67 = arith.constant 8 : i32
    %mul3A_68 = vector.broadcast %mul3A_67 : i32 to vector<16xi32>
    %mul3A_69 = arith.muli %iota3A, %mul3A_68 : vector<16xi32>
    %add3A_70 = arith.constant 7 : i32
    %add3A_71 = vector.broadcast %add3A_70 : i32 to vector<16xi32>
    %add3A_72 = arith.addi %mul3A_69, %add3A_71 : vector<16xi32>
    %min3A_73 = arith.constant 111 : i32
    %min3A_74 = vector.broadcast %min3A_73 : i32 to vector<16xi32>
    %min3A_75 = arith.minsi %add3A_72, %min3A_74 : vector<16xi32>
    %swap3A = arith.constant 0 : index
    %swap3A_76 = tpu.vector_load %arg6[%swap3A] {strides = array<i32>} : memref<4608xf32, #tpu.memory_space<vmem>>, vector<16xf32>,
    tpu.vector_store %arg6[%swap3A], %broadcast_in_dim3A_4 {strides = array<i32>} : memref<4608xf32, #tpu.memory_space<vmem>>, vector<16xf32>,
    %swap3A_77 = arith.constant 16 : index
    %swap3A_78 = tpu.vector_load %arg6[%swap3A_77] {strides = array<i32>} : memref<4608xf32, #tpu.memory_space<vmem>>, vector<16xf32>,
    tpu.vector_store %arg6[%swap3A_77], %broadcast_in_dim3A_4 {strides = array<i32>} : memref<4608xf32, #tpu.memory_space<vmem>>, vector<16xf32>,
    %swap3A_79 = arith.constant 32 : index
    %swap3A_80 = tpu.vector_load %arg6[%swap3A_79] {strides = array<i32>} : memref<4608xf32, #tpu.memory_space<vmem>>, vector<16xf32>,
    tpu.vector_store %arg6[%swap3A_79], %broadcast_in_dim3A_4 {strides = array<i32>} : memref<4608xf32, #tpu.memory_space<vmem>>, vector<16xf32>,
    %swap3A_81 = arith.constant 48 : index
    %swap3A_82 = tpu.vector_load %arg6[%swap3A_81] {strides = array<i32>} : memref<4608xf32, #tpu.memory_space<vmem>>, vector<16xf32>,
    tpu.vector_store %arg6[%swap3A_81], %broadcast_in_dim3A_4 {strides = array<i32>} : memref<4608xf32, #tpu.memory_space<vmem>>, vector<16xf32>,
    %swap3A_83 = arith.constant 64 : index
    %swap3A_84 = tpu.vector_load %arg6[%swap3A_83] {strides = array<i32>} : memref<4608xf32, #tpu.memory_space<vmem>>, vector<16xf32>,
    tpu.vector_store %arg6[%swap3A_83], %broadcast_in_dim3A_4 {strides = array<i32>} : memref<4608xf32, #tpu.memory_space<vmem>>, vector<16xf32>,
    %swap3A_85 = arith.constant 80 : index
    %swap3A_86 = tpu.vector_load %arg6[%swap3A_85] {strides = array<i32>} : memref<4608xf32, #tpu.memory_space<vmem>>, vector<16xf32>,
    tpu.vector_store %arg6[%swap3A_85], %broadcast_in_dim3A_4 {strides = array<i32>} : memref<4608xf32, #tpu.memory_space<vmem>>, vector<16xf32>,
    %swap3A_87 = arith.constant 96 : index
    %swap3A_88 = tpu.vector_load %arg6[%swap3A_87] {strides = array<i32>} : memref<4608xf32, #tpu.memory_space<vmem>>, vector<16xf32>,
    tpu.vector_store %arg6[%swap3A_87], %broadcast_in_dim3A_4 {strides = array<i32>} : memref<4608xf32, #tpu.memory_space<vmem>>, vector<16xf32>,
    %swap3A_89 = arith.constant 112 : index
    %swap3A_90 = tpu.vector_load %arg6[%swap3A_89] {strides = array<i32>} : memref<4608xf32, #tpu.memory_space<vmem>>, vector<16xf32>,
    tpu.vector_store %arg6[%swap3A_89], %broadcast_in_dim3A_4 {strides = array<i32>} : memref<4608xf32, #tpu.memory_space<vmem>>, vector<16xf32>,
    %swap3A_91 = arith.constant 128 : index
    %swap3A_92 = tpu.vector_load %arg6[%swap3A_91] {strides = array<i32>} : memref<4608xf32, #tpu.memory_space<vmem>>, vector<16xf32>,
    tpu.vector_store %arg6[%swap3A_91], %broadcast_in_dim3A_4 {strides = array<i32>} : memref<4608xf32, #tpu.memory_space<vmem>>, vector<16xf32>,
    %swap3A_93 = arith.constant 144 : index
    %swap3A_94 = tpu.vector_load %arg6[%swap3A_93] {strides = array<i32>} : memref<4608xf32, #tpu.memory_space<vmem>>, vector<16xf32>,
    tpu.vector_store %arg6[%swap3A_93], %broadcast_in_dim3A_4 {strides = array<i32>} : memref<4608xf32, #tpu.memory_space<vmem>>, vector<16xf32>,
    %swap3A_95 = arith.constant 160 : index
    %swap3A_96 = tpu.vector_load %arg6[%swap3A_95] {strides = array<i32>} : memref<4608xf32, #tpu.memory_space<vmem>>, vector<16xf32>,
    tpu.vector_store %arg6[%swap3A_95], %broadcast_in_dim3A_4 {strides = array<i32>} : memref<4608xf32, #tpu.memory_space<vmem>>, vector<16xf32>,
    %swap3A_97 = arith.constant 176 : index
    %swap3A_98 = tpu.vector_load %arg6[%swap3A_97] {strides = array<i32>} : memref<4608xf32, #tpu.memory_space<vmem>>, vector<16xf32>,
    tpu.vector_store %arg6[%swap3A_97], %broadcast_in_dim3A_4 {strides = array<i32>} : memref<4608xf32, #tpu.memory_space<vmem>>, vector<16xf32>,
    %swap3A_99 = arith.constant 192 : index
    %swap3A_100 = tpu.vector_load %arg6[%swap3A_99] {strides = array<i32>} : memref<4608xf32, #tpu.memory_space<vmem>>, vector<16xf32>,
    tpu.vector_store %arg6[%swap3A_99], %broadcast_in_dim3A_4 {strides = array<i32>} : memref<4608xf32, #tpu.memory_space<vmem>>, vector<16xf32>,
    %swap3A_101 = arith.constant 208 : index
    %swap3A_102 = tpu.vector_load %arg6[%swap3A_101] {strides = array<i32>} : memref<4608xf32, #tpu.memory_space<vmem>>, vector<16xf32>,
    tpu.vector_store %arg6[%swap3A_101], %broadcast_in_dim3A_4 {strides = array<i32>} : memref<4608xf32, #tpu.memory_space<vmem>>, vector<16xf32>,
    %swap3A_103 = arith.constant 224 : index
    %swap3A_104 = tpu.vector_load %arg6[%swap3A_103] {strides = array<i32>} : memref<4608xf32, #tpu.memory_space<vmem>>, vector<16xf32>,
    tpu.vector_store %arg6[%swap3A_103], %broadcast_in_dim3A_4 {strides = array<i32>} : memref<4608xf32, #tpu.memory_space<vmem>>, vector<16xf32>,
    %swap3A_105 = arith.constant 240 : index
    %swap3A_106 = tpu.vector_load %arg6[%swap3A_105] {strides = array<i32>} : memref<4608xf32, #tpu.memory_space<vmem>>, vector<16xf32>,
    tpu.vector_store %arg6[%swap3A_105], %broadcast_in_dim3A_4 {strides = array<i32>} : memref<4608xf32, #tpu.memory_space<vmem>>, vector<16xf32>,
    %swap3A_107 = arith.constant 256 : index
    %swap3A_108 = tpu.vector_load %arg6[%swap3A_107] {strides = array<i32>} : memref<4608xf32, #tpu.memory_space<vmem>>, vector<16xf32>,
    tpu.vector_store %arg6[%swap3A_107], %broadcast_in_dim3A_4 {strides = array<i32>} : memref<4608xf32, #tpu.memory_space<vmem>>, vector<16xf32>,
    %swap3A_109 = arith.constant 272 : index
    %swap3A_110 = tpu.vector_load %arg6[%swap3A_109] {strides = array<i32>} : memref<4608xf32, #tpu.memory_space<vmem>>, vector<16xf32>,
    tpu.vector_store %arg6[%swap3A_109], %broadcast_in_dim3A_4 {strides = array<i32>} : memref<4608xf32, #tpu.memory_space<vmem>>, vector<16xf32>,
    %swap3A_111 = arith.constant 288 : index
    %swap3A_112 = tpu.vector_load %arg6[%swap3A_111] {strides = array<i32>} : memref<4608xf32, #tpu.memory_space<vmem>>, vector<16xf32>,
    tpu.vector_store %arg6[%swap3A_111], %broadcast_in_dim3A_4 {strides = array<i32>} : memref<4608xf32, #tpu.memory_space<vmem>>, vector<16xf32>,
    %swap3A_113 = arith.constant 304 : index
    %swap3A_114 = tpu.vector_load %arg6[%swap3A_113] {strides = array<i32>} : memref<4608xf32, #tpu.memory_space<vmem>>, vector<16xf32>,
    tpu.vector_store %arg6[%swap3A_113], %broadcast_in_dim3A_4 {strides = array<i32>} : memref<4608xf32, #tpu.memory_space<vmem>>, vector<16xf32>,
    %swap3A_115 = arith.constant 320 : index
    %swap3A_116 = tpu.vector_load %arg6[%swap3A_115] {strides = array<i32>} : memref<4608xf32, #tpu.memory_space<vmem>>, vector<16xf32>,
    tpu.vector_store %arg6[%swap3A_115], %broadcast_in_dim3A_4 {strides = array<i32>} : memref<4608xf32, #tpu.memory_space<vmem>>, vector<16xf32>,
    %swap3A_117 = arith.constant 336 : index
    %swap3A_118 = tpu.vector_load %arg6[%swap3A_117] {strides = array<i32>} : memref<4608xf32, #tpu.memory_space<vmem>>, vector<16xf32>,
    tpu.vector_store %arg6[%swap3A_117], %broadcast_in_dim3A_4 {strides = array<i32>} : memref<4608xf32, #tpu.memory_space<vmem>>, vector<16xf32>,
    %swap3A_119 = arith.constant 352 : index
    %swap3A_120 = tpu.vector_load %arg6[%swap3A_119] {strides = array<i32>} : memref<4608xf32, #tpu.memory_space<vmem>>, vector<16xf32>,
    tpu.vector_store %arg6[%swap3A_119], %broadcast_in_dim3A_4 {strides = array<i32>} : memref<4608xf32, #tpu.memory_space<vmem>>, vector<16xf32>,
    %swap3A_121 = arith.constant 368 : index
    %swap3A_122 = tpu.vector_load %arg6[%swap3A_121] {strides = array<i32>} : memref<4608xf32, #tpu.memory_space<vmem>>, vector<16xf32>,
    tpu.vector_store %arg6[%swap3A_121], %broadcast_in_dim3A_4 {strides = array<i32>} : memref<4608xf32, #tpu.memory_space<vmem>>, vector<16xf32>,
    %swap3A_123 = arith.constant 384 : index
    %swap3A_124 = tpu.vector_load %arg6[%swap3A_123] {strides = array<i32>} : memref<4608xf32, #tpu.memory_space<vmem>>, vector<16xf32>,
    tpu.vector_store %arg6[%swap3A_123], %broadcast_in_dim3A_4 {strides = array<i32>} : memref<4608xf32, #tpu.memory_space<vmem>>, vector<16xf32>,
    %swap3A_125 = arith.constant 400 : index
    %swap3A_126 = tpu.vector_load %arg6[%swap3A_125] {strides = array<i32>} : memref<4608xf32, #tpu.memory_space<vmem>>, vector<16xf32>,
    tpu.vector_store %arg6[%swap3A_125], %broadcast_in_dim3A_4 {strides = array<i32>} : memref<4608xf32, #tpu.memory_space<vmem>>, vector<16xf32>,
    %swap3A_127 = arith.constant 416 : index
    %swap3A_128 = tpu.vector_load %arg6[%swap3A_127] {strides = array<i32>} : memref<4608xf32, #tpu.memory_space<vmem>>, vector<16xf32>,
    tpu.vector_store %arg6[%swap3A_127], %broadcast_in_dim3A_4 {strides = array<i32>} : memref<4608xf32, #tpu.memory_space<vmem>>, vector<16xf32>,
    %swap3A_129 = arith.constant 432 : index
    %swap3A_130 = tpu.vector_load %arg6[%swap3A_129] {strides = array<i32>} : memref<4608xf32, #tpu.memory_space<vmem>>, vector<16xf32>,
    tpu.vector_store %arg6[%swap3A_129], %broadcast_in_dim3A_4 {strides = array<i32>} : memref<4608xf32, #tpu.memory_space<vmem>>, vector<16xf32>,
    %swap3A_131 = arith.constant 448 : index
    %swap3A_132 = tpu.vector_load %arg6[%swap3A_131] {strides = array<i32>} : memref<4608xf32, #tpu.memory_space<vmem>>, vector<16xf32>,
    tpu.vector_store %arg6[%swap3A_131], %broadcast_in_dim3A_4 {strides = array<i32>} : memref<4608xf32, #tpu.memory_space<vmem>>, vector<16xf32>,
    %swap3A_133 = arith.constant 464 : index
    %swap3A_134 = tpu.vector_load %arg6[%swap3A_133] {strides = array<i32>} : memref<4608xf32, #tpu.memory_space<vmem>>, vector<16xf32>,
    tpu.vector_store %arg6[%swap3A_133], %broadcast_in_dim3A_4 {strides = array<i32>} : memref<4608xf32, #tpu.memory_space<vmem>>, vector<16xf32>,
    %swap3A_135 = arith.constant 480 : index
    %swap3A_136 = tpu.vector_load %arg6[%swap3A_135] {strides = array<i32>} : memref<4608xf32, #tpu.memory_space<vmem>>, vector<16xf32>,
    tpu.vector_store %arg6[%swap3A_135], %broadcast_in_dim3A_4 {strides = array<i32>} : memref<4608xf32, #tpu.memory_space<vmem>>, vector<16xf32>,
    %swap3A_137 = arith.constant 496 : index
    %swap3A_138 = tpu.vector_load %arg6[%swap3A_137] {strides = array<i32>} : memref<4608xf32, #tpu.memory_space<vmem>>, vector<16xf32>,
    tpu.vector_store %arg6[%swap3A_137], %broadcast_in_dim3A_4 {strides = array<i32>} : memref<4608xf32, #tpu.memory_space<vmem>>, vector<16xf32>,
    %swap3A_139 = arith.constant 512 : index
    %swap3A_140 = tpu.vector_load %arg6[%swap3A_139] {strides = array<i32>} : memref<4608xf32, #tpu.memory_space<vmem>>, vector<16xf32>,
    tpu.vector_store %arg6[%swap3A_139], %broadcast_in_dim3A_4 {strides = array<i32>} : memref<4608xf32, #tpu.memory_space<vmem>>, vector<16xf32>,
    %swap3A_141 = arith.constant 528 : index
    %swap3A_142 = tpu.vector_load %arg6[%swap3A_141] {strides = array<i32>} : memref<4608xf32, #tpu.memory_space<vmem>>, vector<16xf32>,
    tpu.vector_store %arg6[%swap3A_141], %broadcast_in_dim3A_4 {strides = array<i32>} : memref<4608xf32, #tpu.memory_space<vmem>>, vector<16xf32>,
    %swap3A_143 = arith.constant 544 : index
    %swap3A_144 = tpu.vector_load %arg6[%swap3A_143] {strides = array<i32>} : memref<4608xf32, #tpu.memory_space<vmem>>, vector<16xf32>,
    tpu.vector_store %arg6[%swap3A_143], %broadcast_in_dim3A_4 {strides = array<i32>} : memref<4608xf32, #tpu.memory_space<vmem>>, vector<16xf32>,
    %swap3A_145 = arith.constant 560 : index
    %swap3A_146 = tpu.vector_load %arg6[%swap3A_145] {strides = array<i32>} : memref<4608xf32, #tpu.memory_space<vmem>>, vector<16xf32>,
    tpu.vector_store %arg6[%swap3A_145], %broadcast_in_dim3A_4 {strides = array<i32>} : memref<4608xf32, #tpu.memory_space<vmem>>, vector<16xf32>,
    %swap3A_147 = arith.constant 576 : index
    %swap3A_148 = tpu.vector_load %arg6[%swap3A_147] {strides = array<i32>} : memref<4608xf32, #tpu.memory_space<vmem>>, vector<16xf32>,
    tpu.vector_store %arg6[%swap3A_147], %broadcast_in_dim3A_4 {strides = array<i32>} : memref<4608xf32, #tpu.memory_space<vmem>>, vector<16xf32>,
    %swap3A_149 = arith.constant 592 : index
    %swap3A_150 = tpu.vector_load %arg6[%swap3A_149] {strides = array<i32>} : memref<4608xf32, #tpu.memory_space<vmem>>, vector<16xf32>,
    tpu.vector_store %arg6[%swap3A_149], %broadcast_in_dim3A_4 {strides = array<i32>} : memref<4608xf32, #tpu.memory_space<vmem>>, vector<16xf32>,
    %swap3A_151 = arith.constant 608 : index
    %swap3A_152 = tpu.vector_load %arg6[%swap3A_151] {strides = array<i32>} : memref<4608xf32, #tpu.memory_space<vmem>>, vector<16xf32>,
    tpu.vector_store %arg6[%swap3A_151], %broadcast_in_dim3A_4 {strides = array<i32>} : memref<4608xf32, #tpu.memory_space<vmem>>, vector<16xf32>,
    %swap3A_153 = arith.constant 624 : index
    %swap3A_154 = tpu.vector_load %arg6[%swap3A_153] {strides = array<i32>} : memref<4608xf32, #tpu.memory_space<vmem>>, vector<16xf32>,
    tpu.vector_store %arg6[%swap3A_153], %broadcast_in_dim3A_4 {strides = array<i32>} : memref<4608xf32, #tpu.memory_space<vmem>>, vector<16xf32>,
    %swap3A_155 = arith.constant 640 : index
    %swap3A_156 = tpu.vector_load %arg6[%swap3A_155] {strides = array<i32>} : memref<4608xf32, #tpu.memory_space<vmem>>, vector<16xf32>,
    tpu.vector_store %arg6[%swap3A_155], %broadcast_in_dim3A_4 {strides = array<i32>} : memref<4608xf32, #tpu.memory_space<vmem>>, vector<16xf32>,
    %swap3A_157 = arith.constant 656 : index
    %swap3A_158 = tpu.vector_load %arg6[%swap3A_157] {strides = array<i32>} : memref<4608xf32, #tpu.memory_space<vmem>>, vector<16xf32>,
    tpu.vector_store %arg6[%swap3A_157], %broadcast_in_dim3A_4 {strides = array<i32>} : memref<4608xf32, #tpu.memory_space<vmem>>, vector<16xf32>,
    %swap3A_159 = arith.constant 672 : index
    %swap3A_160 = tpu.vector_load %arg6[%swap3A_159] {strides = array<i32>} : memref<4608xf32, #tpu.memory_space<vmem>>, vector<16xf32>,
    tpu.vector_store %arg6[%swap3A_159], %broadcast_in_dim3A_4 {strides = array<i32>} : memref<4608xf32, #tpu.memory_space<vmem>>, vector<16xf32>,
    %swap3A_161 = arith.constant 688 : index
    %swap3A_162 = tpu.vector_load %arg6[%swap3A_161] {strides = array<i32>} : memref<4608xf32, #tpu.memory_space<vmem>>, vector<16xf32>,
    tpu.vector_store %arg6[%swap3A_161], %broadcast_in_dim3A_4 {strides = array<i32>} : memref<4608xf32, #tpu.memory_space<vmem>>, vector<16xf32>,
    %swap3A_163 = arith.constant 704 : index
    %swap3A_164 = tpu.vector_load %arg6[%swap3A_163] {strides = array<i32>} : memref<4608xf32, #tpu.memory_space<vmem>>, vector<16xf32>,
    tpu.vector_store %arg6[%swap3A_163], %broadcast_in_dim3A_4 {strides = array<i32>} : memref<4608xf32, #tpu.memory_space<vmem>>, vector<16xf32>,
    %swap3A_165 = arith.constant 720 : index
    %swap3A_166 = tpu.vector_load %arg6[%swap3A_165] {strides = array<i32>} : memref<4608xf32, #tpu.memory_space<vmem>>, vector<16xf32>,
    tpu.vector_store %arg6[%swap3A_165], %broadcast_in_dim3A_4 {strides = array<i32>} : memref<4608xf32, #tpu.memory_space<vmem>>, vector<16xf32>,
    %swap3A_167 = arith.constant 736 : index
    %swap3A_168 = tpu.vector_load %arg6[%swap3A_167] {strides = array<i32>} : memref<4608xf32, #tpu.memory_space<vmem>>, vector<16xf32>,
    tpu.vector_store %arg6[%swap3A_167], %broadcast_in_dim3A_4 {strides = array<i32>} : memref<4608xf32, #tpu.memory_space<vmem>>, vector<16xf32>,
    %swap3A_169 = arith.constant 752 : index
    %swap3A_170 = tpu.vector_load %arg6[%swap3A_169] {strides = array<i32>} : memref<4608xf32, #tpu.memory_space<vmem>>, vector<16xf32>,
    tpu.vector_store %arg6[%swap3A_169], %broadcast_in_dim3A_4 {strides = array<i32>} : memref<4608xf32, #tpu.memory_space<vmem>>, vector<16xf32>,
    %swap3A_171 = arith.constant 768 : index
    %swap3A_172 = tpu.vector_load %arg6[%swap3A_171] {strides = array<i32>} : memref<4608xf32, #tpu.memory_space<vmem>>, vector<16xf32>,
    tpu.vector_store %arg6[%swap3A_171], %broadcast_in_dim3A_4 {strides = array<i32>} : memref<4608xf32, #tpu.memory_space<vmem>>, vector<16xf32>,
    %swap3A_173 = arith.constant 784 : index
    %swap3A_174 = tpu.vector_load %arg6[%swap3A_173] {strides = array<i32>} : memref<4608xf32, #tpu.memory_space<vmem>>, vector<16xf32>,
    tpu.vector_store %arg6[%swap3A_173], %broadcast_in_dim3A_4 {strides = array<i32>} : memref<4608xf32, #tpu.memory_space<vmem>>, vector<16xf32>,
    %swap3A_175 = arith.constant 800 : index
    %swap3A_176 = tpu.vector_load %arg6[%swap3A_175] {strides = array<i32>} : memref<4608xf32, #tpu.memory_space<vmem>>, vector<16xf32>,
    tpu.vector_store %arg6[%swap3A_175], %broadcast_in_dim3A_4 {strides = array<i32>} : memref<4608xf32, #tpu.memory_space<vmem>>, vector<16xf32>,
    %swap3A_177 = arith.constant 816 : index
    %swap3A_178 = tpu.vector_load %arg6[%swap3A_177] {strides = array<i32>} : memref<4608xf32, #tpu.memory_space<vmem>>, vector<16xf32>,
    tpu.vector_store %arg6[%swap3A_177], %broadcast_in_dim3A_4 {strides = array<i32>} : memref<4608xf32, #tpu.memory_space<vmem>>, vector<16xf32>,
    %swap3A_179 = arith.constant 832 : index
    %swap3A_180 = tpu.vector_load %arg6[%swap3A_179] {strides = array<i32>} : memref<4608xf32, #tpu.memory_space<vmem>>, vector<16xf32>,
    tpu.vector_store %arg6[%swap3A_179], %broadcast_in_dim3A_4 {strides = array<i32>} : memref<4608xf32, #tpu.memory_space<vmem>>, vector<16xf32>,
    %swap3A_181 = arith.constant 848 : index
    %swap3A_182 = tpu.vector_load %arg6[%swap3A_181] {strides = array<i32>} : memref<4608xf32, #tpu.memory_space<vmem>>, vector<16xf32>,
    tpu.vector_store %arg6[%swap3A_181], %broadcast_in_dim3A_4 {strides = array<i32>} : memref<4608xf32, #tpu.memory_space<vmem>>, vector<16xf32>,
    %swap3A_183 = arith.constant 864 : index
    %swap3A_184 = tpu.vector_load %arg6[%swap3A_183] {strides = array<i32>} : memref<4608xf32, #tpu.memory_space<vmem>>, vector<16xf32>,
    tpu.vector_store %arg6[%swap3A_183], %broadcast_in_dim3A_4 {strides = array<i32>} : memref<4608xf32, #tpu.memory_space<vmem>>, vector<16xf32>,
    %swap3A_185 = arith.constant 880 : index
    %swap3A_186 = tpu.vector_load %arg6[%swap3A_185] {strides = array<i32>} : memref<4608xf32, #tpu.memory_space<vmem>>, vector<16xf32>,
    tpu.vector_store %arg6[%swap3A_185], %broadcast_in_dim3A_4 {strides = array<i32>} : memref<4608xf32, #tpu.memory_space<vmem>>, vector<16xf32>,
    %swap3A_187 = arith.constant 896 : index
    %swap3A_188 = tpu.vector_load %arg6[%swap3A_187] {strides = array<i32>} : memref<4608xf32, #tpu.memory_space<vmem>>, vector<16xf32>,
    tpu.vector_store %arg6[%swap3A_187], %broadcast_in_dim3A_4 {strides = array<i32>} : memref<4608xf32, #tpu.memory_space<vmem>>, vector<16xf32>,
    %swap3A_189 = arith.constant 912 : index
    %swap3A_190 = tpu.vector_load %arg6[%swap3A_189] {strides = array<i32>} : memref<4608xf32, #tpu.memory_space<vmem>>, vector<16xf32>,
    tpu.vector_store %arg6[%swap3A_189], %broadcast_in_dim3A_4 {strides = array<i32>} : memref<4608xf32, #tpu.memory_space<vmem>>, vector<16xf32>,
    %swap3A_191 = arith.constant 928 : index
    %swap3A_192 = tpu.vector_load %arg6[%swap3A_191] {strides = array<i32>} : memref<4608xf32, #tpu.memory_space<vmem>>, vector<16xf32>,
    tpu.vector_store %arg6[%swap3A_191], %broadcast_in_dim3A_4 {strides = array<i32>} : memref<4608xf32, #tpu.memory_space<vmem>>, vector<16xf32>,
    %swap3A_193 = arith.constant 944 : index
    %swap3A_194 = tpu.vector_load %arg6[%swap3A_193] {strides = array<i32>} : memref<4608xf32, #tpu.memory_space<vmem>>, vector<16xf32>,
    tpu.vector_store %arg6[%swap3A_193], %broadcast_in_dim3A_4 {strides = array<i32>} : memref<4608xf32, #tpu.memory_space<vmem>>, vector<16xf32>,
    %swap3A_195 = arith.constant 960 : index
    %swap3A_196 = tpu.vector_load %arg6[%swap3A_195] {strides = array<i32>} : memref<4608xf32, #tpu.memory_space<vmem>>, vector<16xf32>,
    tpu.vector_store %arg6[%swap3A_195], %broadcast_in_dim3A_4 {strides = array<i32>} : memref<4608xf32, #tpu.memory_space<vmem>>, vector<16xf32>,
    %swap3A_197 = arith.constant 976 : index
    %swap3A_198 = tpu.vector_load %arg6[%swap3A_197] {strides = array<i32>} : memref<4608xf32, #tpu.memory_space<vmem>>, vector<16xf32>,
    tpu.vector_store %arg6[%swap3A_197], %broadcast_in_dim3A_4 {strides = array<i32>} : memref<4608xf32, #tpu.memory_space<vmem>>, vector<16xf32>,
    %swap3A_199 = arith.constant 992 : index
    %swap3A_200 = tpu.vector_load %arg6[%swap3A_199] {strides = array<i32>} : memref<4608xf32, #tpu.memory_space<vmem>>, vector<16xf32>,
    tpu.vector_store %arg6[%swap3A_199], %broadcast_in_dim3A_4 {strides = array<i32>} : memref<4608xf32, #tpu.memory_space<vmem>>, vector<16xf32>,
    %swap3A_201 = arith.constant 1008 : index
    %swap3A_202 = tpu.vector_load %arg6[%swap3A_201] {strides = array<i32>} : memref<4608xf32, #tpu.memory_space<vmem>>, vector<16xf32>,
    tpu.vector_store %arg6[%swap3A_201], %broadcast_in_dim3A_4 {strides = array<i32>} : memref<4608xf32, #tpu.memory_space<vmem>>, vector<16xf32>,
    %swap3A_203 = arith.constant 1024 : index
    %swap3A_204 = tpu.vector_load %arg6[%swap3A_203] {strides = array<i32>} : memref<4608xf32, #tpu.memory_space<vmem>>, vector<16xf32>,
    tpu.vector_store %arg6[%swap3A_203], %broadcast_in_dim3A_4 {strides = array<i32>} : memref<4608xf32, #tpu.memory_space<vmem>>, vector<16xf32>,
    %swap3A_205 = arith.constant 1040 : index
    %swap3A_206 = tpu.vector_load %arg6[%swap3A_205] {strides = array<i32>} : memref<4608xf32, #tpu.memory_space<vmem>>, vector<16xf32>,
    tpu.vector_store %arg6[%swap3A_205], %broadcast_in_dim3A_4 {strides = array<i32>} : memref<4608xf32, #tpu.memory_space<vmem>>, vector<16xf32>,
    %swap3A_207 = arith.constant 1056 : index
    %swap3A_208 = tpu.vector_load %arg6[%swap3A_207] {strides = array<i32>} : memref<4608xf32, #tpu.memory_space<vmem>>, vector<16xf32>,
    tpu.vector_store %arg6[%swap3A_207], %broadcast_in_dim3A_4 {strides = array<i32>} : memref<4608xf32, #tpu.memory_space<vmem>>, vector<16xf32>,
    %swap3A_209 = arith.constant 1072 : index
    %swap3A_210 = tpu.vector_load %arg6[%swap3A_209] {strides = array<i32>} : memref<4608xf32, #tpu.memory_space<vmem>>, vector<16xf32>,
    tpu.vector_store %arg6[%swap3A_209], %broadcast_in_dim3A_4 {strides = array<i32>} : memref<4608xf32, #tpu.memory_space<vmem>>, vector<16xf32>,
    %swap3A_211 = arith.constant 1088 : index
    %swap3A_212 = tpu.vector_load %arg6[%swap3A_211] {strides = array<i32>} : memref<4608xf32, #tpu.memory_space<vmem>>, vector<16xf32>,
    tpu.vector_store %arg6[%swap3A_211], %broadcast_in_dim3A_4 {strides = array<i32>} : memref<4608xf32, #tpu.memory_space<vmem>>, vector<16xf32>,
    %swap3A_213 = arith.constant 1104 : index
    %swap3A_214 = tpu.vector_load %arg6[%swap3A_213] {strides = array<i32>} : memref<4608xf32, #tpu.memory_space<vmem>>, vector<16xf32>,
    tpu.vector_store %arg6[%swap3A_213], %broadcast_in_dim3A_4 {strides = array<i32>} : memref<4608xf32, #tpu.memory_space<vmem>>, vector<16xf32>,
    %swap3A_215 = arith.constant 1120 : index
    %swap3A_216 = tpu.vector_load %arg6[%swap3A_215] {strides = array<i32>} : memref<4608xf32, #tpu.memory_space<vmem>>, vector<16xf32>,
    tpu.vector_store %arg6[%swap3A_215], %broadcast_in_dim3A_4 {strides = array<i32>} : memref<4608xf32, #tpu.memory_space<vmem>>, vector<16xf32>,
    %swap3A_217 = arith.constant 1136 : index
    %swap3A_218 = tpu.vector_load %arg6[%swap3A_217] {strides = array<i32>} : memref<4608xf32, #tpu.memory_space<vmem>>, vector<16xf32>,
    tpu.vector_store %arg6[%swap3A_217], %broadcast_in_dim3A_4 {strides = array<i32>} : memref<4608xf32, #tpu.memory_space<vmem>>, vector<16xf32>,
    %swap3A_219 = arith.constant 1152 : index
    %swap3A_220 = tpu.vector_load %arg6[%swap3A_219] {strides = array<i32>} : memref<4608xf32, #tpu.memory_space<vmem>>, vector<16xf32>,
    tpu.vector_store %arg6[%swap3A_219], %broadcast_in_dim3A_4 {strides = array<i32>} : memref<4608xf32, #tpu.memory_space<vmem>>, vector<16xf32>,
    %swap3A_221 = arith.constant 1168 : index
    %swap3A_222 = tpu.vector_load %arg6[%swap3A_221] {strides = array<i32>} : memref<4608xf32, #tpu.memory_space<vmem>>, vector<16xf32>,
    tpu.vector_store %arg6[%swap3A_221], %broadcast_in_dim3A_4 {strides = array<i32>} : memref<4608xf32, #tpu.memory_space<vmem>>, vector<16xf32>,
    %swap3A_223 = arith.constant 1184 : index
    %swap3A_224 = tpu.vector_load %arg6[%swap3A_223] {strides = array<i32>} : memref<4608xf32, #tpu.memory_space<vmem>>, vector<16xf32>,
    tpu.vector_store %arg6[%swap3A_223], %broadcast_in_dim3A_4 {strides = array<i32>} : memref<4608xf32, #tpu.memory_space<vmem>>, vector<16xf32>,
    %swap3A_225 = arith.constant 1200 : index
    %swap3A_226 = tpu.vector_load %arg6[%swap3A_225] {strides = array<i32>} : memref<4608xf32, #tpu.memory_space<vmem>>, vector<16xf32>,
    tpu.vector_store %arg6[%swap3A_225], %broadcast_in_dim3A_4 {strides = array<i32>} : memref<4608xf32, #tpu.memory_space<vmem>>, vector<16xf32>,
    %swap3A_227 = arith.constant 1216 : index
    %swap3A_228 = tpu.vector_load %arg6[%swap3A_227] {strides = array<i32>} : memref<4608xf32, #tpu.memory_space<vmem>>, vector<16xf32>,
    tpu.vector_store %arg6[%swap3A_227], %broadcast_in_dim3A_4 {strides = array<i32>} : memref<4608xf32, #tpu.memory_space<vmem>>, vector<16xf32>,
    %swap3A_229 = arith.constant 1232 : index
    %swap3A_230 = tpu.vector_load %arg6[%swap3A_229] {strides = array<i32>} : memref<4608xf32, #tpu.memory_space<vmem>>, vector<16xf32>,
    tpu.vector_store %arg6[%swap3A_229], %broadcast_in_dim3A_4 {strides = array<i32>} : memref<4608xf32, #tpu.memory_space<vmem>>, vector<16xf32>,
    %swap3A_231 = arith.constant 1248 : index
    %swap3A_232 = tpu.vector_load %arg6[%swap3A_231] {strides = array<i32>} : memref<4608xf32, #tpu.memory_space<vmem>>, vector<16xf32>,
    tpu.vector_store %arg6[%swap3A_231], %broadcast_in_dim3A_4 {strides = array<i32>} : memref<4608xf32, #tpu.memory_space<vmem>>, vector<16xf32>,
    %swap3A_233 = arith.constant 1264 : index
    %swap3A_234 = tpu.vector_load %arg6[%swap3A_233] {strides = array<i32>} : memref<4608xf32, #tpu.memory_space<vmem>>, vector<16xf32>,
    tpu.vector_store %arg6[%swap3A_233], %broadcast_in_dim3A_4 {strides = array<i32>} : memref<4608xf32, #tpu.memory_space<vmem>>, vector<16xf32>,
    %swap3A_235 = arith.constant 1280 : index
    %swap3A_236 = tpu.vector_load %arg6[%swap3A_235] {strides = array<i32>} : memref<4608xf32, #tpu.memory_space<vmem>>, vector<16xf32>,
    tpu.vector_store %arg6[%swap3A_235], %broadcast_in_dim3A_4 {strides = array<i32>} : memref<4608xf32, #tpu.memory_space<vmem>>, vector<16xf32>,
    %swap3A_237 = arith.constant 1296 : index
    %swap3A_238 = tpu.vector_load %arg6[%swap3A_237] {strides = array<i32>} : memref<4608xf32, #tpu.memory_space<vmem>>, vector<16xf32>,
    tpu.vector_store %arg6[%swap3A_237], %broadcast_in_dim3A_4 {strides = array<i32>} : memref<4608xf32, #tpu.memory_space<vmem>>, vector<16xf32>,
    %swap3A_239 = arith.constant 1312 : index
    %swap3A_240 = tpu.vector_load %arg6[%swap3A_239] {strides = array<i32>} : memref<4608xf32, #tpu.memory_space<vmem>>, vector<16xf32>,
    tpu.vector_store %arg6[%swap3A_239], %broadcast_in_dim3A_4 {strides = array<i32>} : memref<4608xf32, #tpu.memory_space<vmem>>, vector<16xf32>,
    %swap3A_241 = arith.constant 1328 : index
    %swap3A_242 = tpu.vector_load %arg6[%swap3A_241] {strides = array<i32>} : memref<4608xf32, #tpu.memory_space<vmem>>, vector<16xf32>,
    tpu.vector_store %arg6[%swap3A_241], %broadcast_in_dim3A_4 {strides = array<i32>} : memref<4608xf32, #tpu.memory_space<vmem>>, vector<16xf32>,
    %swap3A_243 = arith.constant 1344 : index
    %swap3A_244 = tpu.vector_load %arg6[%swap3A_243] {strides = array<i32>} : memref<4608xf32, #tpu.memory_space<vmem>>, vector<16xf32>,
    tpu.vector_store %arg6[%swap3A_243], %broadcast_in_dim3A_4 {strides = array<i32>} : memref<4608xf32, #tpu.memory_space<vmem>>, vector<16xf32>,
    %swap3A_245 = arith.constant 1360 : index
    %swap3A_246 = tpu.vector_load %arg6[%swap3A_245] {strides = array<i32>} : memref<4608xf32, #tpu.memory_space<vmem>>, vector<16xf32>,
    tpu.vector_store %arg6[%swap3A_245], %broadcast_in_dim3A_4 {strides = array<i32>} : memref<4608xf32, #tpu.memory_space<vmem>>, vector<16xf32>,
    %swap3A_247 = arith.constant 1376 : index
    %swap3A_248 = tpu.vector_load %arg6[%swap3A_247] {strides = array<i32>} : memref<4608xf32, #tpu.memory_space<vmem>>, vector<16xf32>,
    tpu.vector_store %arg6[%swap3A_247], %broadcast_in_dim3A_4 {strides = array<i32>} : memref<4608xf32, #tpu.memory_space<vmem>>, vector<16xf32>,
    %swap3A_249 = arith.constant 1392 : index
    %swap3A_250 = tpu.vector_load %arg6[%swap3A_249] {strides = array<i32>} : memref<4608xf32, #tpu.memory_space<vmem>>, vector<16xf32>,
    tpu.vector_store %arg6[%swap3A_249], %broadcast_in_dim3A_4 {strides = array<i32>} : memref<4608xf32, #tpu.memory_space<vmem>>, vector<16xf32>,
    %swap3A_251 = arith.constant 1408 : index
    %swap3A_252 = tpu.vector_load %arg6[%swap3A_251] {strides = array<i32>} : memref<4608xf32, #tpu.memory_space<vmem>>, vector<16xf32>,
    tpu.vector_store %arg6[%swap3A_251], %broadcast_in_dim3A_4 {strides = array<i32>} : memref<4608xf32, #tpu.memory_space<vmem>>, vector<16xf32>,
    %swap3A_253 = arith.constant 1424 : index
    %swap3A_254 = tpu.vector_load %arg6[%swap3A_253] {strides = array<i32>} : memref<4608xf32, #tpu.memory_space<vmem>>, vector<16xf32>,
    tpu.vector_store %arg6[%swap3A_253], %broadcast_in_dim3A_4 {strides = array<i32>} : memref<4608xf32, #tpu.memory_space<vmem>>, vector<16xf32>,
    %swap3A_255 = arith.constant 1440 : index
    %swap3A_256 = tpu.vector_load %arg6[%swap3A_255] {strides = array<i32>} : memref<4608xf32, #tpu.memory_space<vmem>>, vector<16xf32>,
    tpu.vector_store %arg6[%swap3A_255], %broadcast_in_dim3A_4 {strides = array<i32>} : memref<4608xf32, #tpu.memory_space<vmem>>, vector<16xf32>,
    %swap3A_257 = arith.constant 1456 : index
    %swap3A_258 = tpu.vector_load %arg6[%swap3A_257] {strides = array<i32>} : memref<4608xf32, #tpu.memory_space<vmem>>, vector<16xf32>,
    tpu.vector_store %arg6[%swap3A_257], %broadcast_in_dim3A_4 {strides = array<i32>} : memref<4608xf32, #tpu.memory_space<vmem>>, vector<16xf32>,
    %swap3A_259 = arith.constant 1472 : index
    %swap3A_260 = tpu.vector_load %arg6[%swap3A_259] {strides = array<i32>} : memref<4608xf32, #tpu.memory_space<vmem>>, vector<16xf32>,
    tpu.vector_store %arg6[%swap3A_259], %broadcast_in_dim3A_4 {strides = array<i32>} : memref<4608xf32, #tpu.memory_space<vmem>>, vector<16xf32>,
    %swap3A_261 = arith.constant 1488 : index
    %swap3A_262 = tpu.vector_load %arg6[%swap3A_261] {strides = array<i32>} : memref<4608xf32, #tpu.memory_space<vmem>>, vector<16xf32>,
    tpu.vector_store %arg6[%swap3A_261], %broadcast_in_dim3A_4 {strides = array<i32>} : memref<4608xf32, #tpu.memory_space<vmem>>, vector<16xf32>,
    %swap3A_263 = arith.constant 1504 : index
    %swap3A_264 = tpu.vector_load %arg6[%swap3A_263] {strides = array<i32>} : memref<4608xf32, #tpu.memory_space<vmem>>, vector<16xf32>,
    tpu.vector_store %arg6[%swap3A_263], %broadcast_in_dim3A_4 {strides = array<i32>} : memref<4608xf32, #tpu.memory_space<vmem>>, vector<16xf32>,
    %swap3A_265 = arith.constant 1520 : index
    %swap3A_266 = tpu.vector_load %arg6[%swap3A_265] {strides = array<i32>} : memref<4608xf32, #tpu.memory_space<vmem>>, vector<16xf32>,
    tpu.vector_store %arg6[%swap3A_265], %broadcast_in_dim3A_4 {strides = array<i32>} : memref<4608xf32, #tpu.memory_space<vmem>>, vector<16xf32>,
    %swap3A_267 = arith.constant 1536 : index
    %swap3A_268 = tpu.vector_load %arg6[%swap3A_267] {strides = array<i32>} : memref<4608xf32, #tpu.memory_space<vmem>>, vector<16xf32>,
    tpu.vector_store %arg6[%swap3A_267], %broadcast_in_dim3A_4 {strides = array<i32>} : memref<4608xf32, #tpu.memory_space<vmem>>, vector<16xf32>,
    %swap3A_269 = arith.constant 1552 : index
    %swap3A_270 = tpu.vector_load %arg6[%swap3A_269] {strides = array<i32>} : memref<4608xf32, #tpu.memory_space<vmem>>, vector<16xf32>,
    tpu.vector_store %arg6[%swap3A_269], %broadcast_in_dim3A_4 {strides = array<i32>} : memref<4608xf32, #tpu.memory_space<vmem>>, vector<16xf32>,
    %swap3A_271 = arith.constant 1568 : index
    %swap3A_272 = tpu.vector_load %arg6[%swap3A_271] {strides = array<i32>} : memref<4608xf32, #tpu.memory_space<vmem>>, vector<16xf32>,
    tpu.vector_store %arg6[%swap3A_271], %broadcast_in_dim3A_4 {strides = array<i32>} : memref<4608xf32, #tpu.memory_space<vmem>>, vector<16xf32>,
    %swap3A_273 = arith.constant 1584 : index
    %swap3A_274 = tpu.vector_load %arg6[%swap3A_273] {strides = array<i32>} : memref<4608xf32, #tpu.memory_space<vmem>>, vector<16xf32>,
    tpu.vector_store %arg6[%swap3A_273], %broadcast_in_dim3A_4 {strides = array<i32>} : memref<4608xf32, #tpu.memory_space<vmem>>, vector<16xf32>,
    %swap3A_275 = arith.constant 1600 : index
    %swap3A_276 = tpu.vector_load %arg6[%swap3A_275] {strides = array<i32>} : memref<4608xf32, #tpu.memory_space<vmem>>, vector<16xf32>,
    tpu.vector_store %arg6[%swap3A_275], %broadcast_in_dim3A_4 {strides = array<i32>} : memref<4608xf32, #tpu.memory_space<vmem>>, vector<16xf32>,
    %swap3A_277 = arith.constant 1616 : index
    %swap3A_278 = tpu.vector_load %arg6[%swap3A_277] {strides = array<i32>} : memref<4608xf32, #tpu.memory_space<vmem>>, vector<16xf32>,
    tpu.vector_store %arg6[%swap3A_277], %broadcast_in_dim3A_4 {strides = array<i32>} : memref<4608xf32, #tpu.memory_space<vmem>>, vector<16xf32>,
    %swap3A_279 = arith.constant 1632 : index
    %swap3A_280 = tpu.vector_load %arg6[%swap3A_279] {strides = array<i32>} : memref<4608xf32, #tpu.memory_space<vmem>>, vector<16xf32>,
    tpu.vector_store %arg6[%swap3A_279], %broadcast_in_dim3A_4 {strides = array<i32>} : memref<4608xf32, #tpu.memory_space<vmem>>, vector<16xf32>,
    %swap3A_281 = arith.constant 1648 : index
    %swap3A_282 = tpu.vector_load %arg6[%swap3A_281] {strides = array<i32>} : memref<4608xf32, #tpu.memory_space<vmem>>, vector<16xf32>,
    tpu.vector_store %arg6[%swap3A_281], %broadcast_in_dim3A_4 {strides = array<i32>} : memref<4608xf32, #tpu.memory_space<vmem>>, vector<16xf32>,
    %swap3A_283 = arith.constant 1664 : index
    %swap3A_284 = tpu.vector_load %arg6[%swap3A_283] {strides = array<i32>} : memref<4608xf32, #tpu.memory_space<vmem>>, vector<16xf32>,
    tpu.vector_store %arg6[%swap3A_283], %broadcast_in_dim3A_4 {strides = array<i32>} : memref<4608xf32, #tpu.memory_space<vmem>>, vector<16xf32>,
    %swap3A_285 = arith.constant 1680 : index
    %swap3A_286 = tpu.vector_load %arg6[%swap3A_285] {strides = array<i32>} : memref<4608xf32, #tpu.memory_space<vmem>>, vector<16xf32>,
    tpu.vector_store %arg6[%swap3A_285], %broadcast_in_dim3A_4 {strides = array<i32>} : memref<4608xf32, #tpu.memory_space<vmem>>, vector<16xf32>,
    %swap3A_287 = arith.constant 1696 : index
    %swap3A_288 = tpu.vector_load %arg6[%swap3A_287] {strides = array<i32>} : memref<4608xf32, #tpu.memory_space<vmem>>, vector<16xf32>,
    tpu.vector_store %arg6[%swap3A_287], %broadcast_in_dim3A_4 {strides = array<i32>} : memref<4608xf32, #tpu.memory_space<vmem>>, vector<16xf32>,
    %swap3A_289 = arith.constant 1712 : index
    %swap3A_290 = tpu.vector_load %arg6[%swap3A_289] {strides = array<i32>} : memref<4608xf32, #tpu.memory_space<vmem>>, vector<16xf32>,
    tpu.vector_store %arg6[%swap3A_289], %broadcast_in_dim3A_4 {strides = array<i32>} : memref<4608xf32, #tpu.memory_space<vmem>>, vector<16xf32>,
    %swap3A_291 = arith.constant 1728 : index
    %swap3A_292 = tpu.vector_load %arg6[%swap3A_291] {strides = array<i32>} : memref<4608xf32, #tpu.memory_space<vmem>>, vector<16xf32>,
    tpu.vector_store %arg6[%swap3A_291], %broadcast_in_dim3A_4 {strides = array<i32>} : memref<4608xf32, #tpu.memory_space<vmem>>, vector<16xf32>,
    %swap3A_293 = arith.constant 1744 : index
    %swap3A_294 = tpu.vector_load %arg6[%swap3A_293] {strides = array<i32>} : memref<4608xf32, #tpu.memory_space<vmem>>, vector<16xf32>,
    tpu.vector_store %arg6[%swap3A_293], %broadcast_in_dim3A_4 {strides = array<i32>} : memref<4608xf32, #tpu.memory_space<vmem>>, vector<16xf32>,
    %swap3A_295 = arith.constant 1760 : index
    %swap3A_296 = tpu.vector_load %arg6[%swap3A_295] {strides = array<i32>} : memref<4608xf32, #tpu.memory_space<vmem>>, vector<16xf32>,
    tpu.vector_store %arg6[%swap3A_295], %broadcast_in_dim3A_4 {strides = array<i32>} : memref<4608xf32, #tpu.memory_space<vmem>>, vector<16xf32>,
    %swap3A_297 = arith.constant 1776 : index
    %swap3A_298 = tpu.vector_load %arg6[%swap3A_297] {strides = array<i32>} : memref<4608xf32, #tpu.memory_space<vmem>>, vector<16xf32>,
    tpu.vector_store %arg6[%swap3A_297], %broadcast_in_dim3A_4 {strides = array<i32>} : memref<4608xf32, #tpu.memory_space<vmem>>, vector<16xf32>,
    %swap3A_299 = arith.constant 1792 : index
    %swap3A_300 = tpu.vector_load %arg6[%swap3A_299] {strides = array<i32>} : memref<4608xf32, #tpu.memory_space<vmem>>, vector<16xf32>,
    tpu.vector_store %arg6[%swap3A_299], %broadcast_in_dim3A_4 {strides = array<i32>} : memref<4608xf32, #tpu.memory_space<vmem>>, vector<16xf32>,
    %swap3A_301 = arith.constant 1808 : index
    %swap3A_302 = tpu.vector_load %arg6[%swap3A_301] {strides = array<i32>} : memref<4608xf32, #tpu.memory_space<vmem>>, vector<16xf32>,
    tpu.vector_store %arg6[%swap3A_301], %broadcast_in_dim3A_4 {strides = array<i32>} : memref<4608xf32, #tpu.memory_space<vmem>>, vector<16xf32>,
    %swap3A_303 = arith.constant 1824 : index
    %swap3A_304 = tpu.vector_load %arg6[%swap3A_303] {strides = array<i32>} : memref<4608xf32, #tpu.memory_space<vmem>>, vector<16xf32>,
    tpu.vector_store %arg6[%swap3A_303], %broadcast_in_dim3A_4 {strides = array<i32>} : memref<4608xf32, #tpu.memory_space<vmem>>, vector<16xf32>,
    %swap3A_305 = arith.constant 1840 : index
    %swap3A_306 = tpu.vector_load %arg6[%swap3A_305] {strides = array<i32>} : memref<4608xf32, #tpu.memory_space<vmem>>, vector<16xf32>,
    tpu.vector_store %arg6[%swap3A_305], %broadcast_in_dim3A_4 {strides = array<i32>} : memref<4608xf32, #tpu.memory_space<vmem>>, vector<16xf32>,
    %swap3A_307 = arith.constant 1856 : index
    %swap3A_308 = tpu.vector_load %arg6[%swap3A_307] {strides = array<i32>} : memref<4608xf32, #tpu.memory_space<vmem>>, vector<16xf32>,
    tpu.vector_store %arg6[%swap3A_307], %broadcast_in_dim3A_4 {strides = array<i32>} : memref<4608xf32, #tpu.memory_space<vmem>>, vector<16xf32>,
    %swap3A_309 = arith.constant 1872 : index
    %swap3A_310 = tpu.vector_load %arg6[%swap3A_309] {strides = array<i32>} : memref<4608xf32, #tpu.memory_space<vmem>>, vector<16xf32>,
    tpu.vector_store %arg6[%swap3A_309], %broadcast_in_dim3A_4 {strides = array<i32>} : memref<4608xf32, #tpu.memory_space<vmem>>, vector<16xf32>,
    %swap3A_311 = arith.constant 1888 : index
    %swap3A_312 = tpu.vector_load %arg6[%swap3A_311] {strides = array<i32>} : memref<4608xf32, #tpu.memory_space<vmem>>, vector<16xf32>,
    tpu.vector_store %arg6[%swap3A_311], %broadcast_in_dim3A_4 {strides = array<i32>} : memref<4608xf32, #tpu.memory_space<vmem>>, vector<16xf32>,
    %swap3A_313 = arith.constant 1904 : index
    %swap3A_314 = tpu.vector_load %arg6[%swap3A_313] {strides = array<i32>} : memref<4608xf32, #tpu.memory_space<vmem>>, vector<16xf32>,
    tpu.vector_store %arg6[%swap3A_313], %broadcast_in_dim3A_4 {strides = array<i32>} : memref<4608xf32, #tpu.memory_space<vmem>>, vector<16xf32>,
    %swap3A_315 = arith.constant 1920 : index
    %swap3A_316 = tpu.vector_load %arg6[%swap3A_315] {strides = array<i32>} : memref<4608xf32, #tpu.memory_space<vmem>>, vector<16xf32>,
    tpu.vector_store %arg6[%swap3A_315], %broadcast_in_dim3A_4 {strides = array<i32>} : memref<4608xf32, #tpu.memory_space<vmem>>, vector<16xf32>,
    %swap3A_317 = arith.constant 1936 : index
    %swap3A_318 = tpu.vector_load %arg6[%swap3A_317] {strides = array<i32>} : memref<4608xf32, #tpu.memory_space<vmem>>, vector<16xf32>,
    tpu.vector_store %arg6[%swap3A_317], %broadcast_in_dim3A_4 {strides = array<i32>} : memref<4608xf32, #tpu.memory_space<vmem>>, vector<16xf32>,
    %swap3A_319 = arith.constant 1952 : index
    %swap3A_320 = tpu.vector_load %arg6[%swap3A_319] {strides = array<i32>} : memref<4608xf32, #tpu.memory_space<vmem>>, vector<16xf32>,
    tpu.vector_store %arg6[%swap3A_319], %broadcast_in_dim3A_4 {strides = array<i32>} : memref<4608xf32, #tpu.memory_space<vmem>>, vector<16xf32>,
    %swap3A_321 = arith.constant 1968 : index
    %swap3A_322 = tpu.vector_load %arg6[%swap3A_321] {strides = array<i32>} : memref<4608xf32, #tpu.memory_space<vmem>>, vector<16xf32>,
    tpu.vector_store %arg6[%swap3A_321], %broadcast_in_dim3A_4 {strides = array<i32>} : memref<4608xf32, #tpu.memory_space<vmem>>, vector<16xf32>,
    %swap3A_323 = arith.constant 1984 : index
    %swap3A_324 = tpu.vector_load %arg6[%swap3A_323] {strides = array<i32>} : memref<4608xf32, #tpu.memory_space<vmem>>, vector<16xf32>,
    tpu.vector_store %arg6[%swap3A_323], %broadcast_in_dim3A_4 {strides = array<i32>} : memref<4608xf32, #tpu.memory_space<vmem>>, vector<16xf32>,
    %swap3A_325 = arith.constant 2000 : index
    %swap3A_326 = tpu.vector_load %arg6[%swap3A_325] {strides = array<i32>} : memref<4608xf32, #tpu.memory_space<vmem>>, vector<16xf32>,
    tpu.vector_store %arg6[%swap3A_325], %broadcast_in_dim3A_4 {strides = array<i32>} : memref<4608xf32, #tpu.memory_space<vmem>>, vector<16xf32>,
    %swap3A_327 = arith.constant 2016 : index
    %swap3A_328 = tpu.vector_load %arg6[%swap3A_327] {strides = array<i32>} : memref<4608xf32, #tpu.memory_space<vmem>>, vector<16xf32>,
    tpu.vector_store %arg6[%swap3A_327], %broadcast_in_dim3A_4 {strides = array<i32>} : memref<4608xf32, #tpu.memory_space<vmem>>, vector<16xf32>,
    %swap3A_329 = arith.constant 2032 : index
    %swap3A_330 = tpu.vector_load %arg6[%swap3A_329] {strides = array<i32>} : memref<4608xf32, #tpu.memory_space<vmem>>, vector<16xf32>,
    tpu.vector_store %arg6[%swap3A_329], %broadcast_in_dim3A_4 {strides = array<i32>} : memref<4608xf32, #tpu.memory_space<vmem>>, vector<16xf32>,
    %swap3A_331 = arith.constant 2048 : index
    %swap3A_332 = tpu.vector_load %arg6[%swap3A_331] {strides = array<i32>} : memref<4608xf32, #tpu.memory_space<vmem>>, vector<16xf32>,
    tpu.vector_store %arg6[%swap3A_331], %broadcast_in_dim3A_4 {strides = array<i32>} : memref<4608xf32, #tpu.memory_space<vmem>>, vector<16xf32>,
    %swap3A_333 = arith.constant 2064 : index
    %swap3A_334 = tpu.vector_load %arg6[%swap3A_333] {strides = array<i32>} : memref<4608xf32, #tpu.memory_space<vmem>>, vector<16xf32>,
    tpu.vector_store %arg6[%swap3A_333], %broadcast_in_dim3A_4 {strides = array<i32>} : memref<4608xf32, #tpu.memory_space<vmem>>, vector<16xf32>,
    %swap3A_335 = arith.constant 2080 : index
    %swap3A_336 = tpu.vector_load %arg6[%swap3A_335] {strides = array<i32>} : memref<4608xf32, #tpu.memory_space<vmem>>, vector<16xf32>,
    tpu.vector_store %arg6[%swap3A_335], %broadcast_in_dim3A_4 {strides = array<i32>} : memref<4608xf32, #tpu.memory_space<vmem>>, vector<16xf32>,
    %swap3A_337 = arith.constant 2096 : index
    %swap3A_338 = tpu.vector_load %arg6[%swap3A_337] {strides = array<i32>} : memref<4608xf32, #tpu.memory_space<vmem>>, vector<16xf32>,
    tpu.vector_store %arg6[%swap3A_337], %broadcast_in_dim3A_4 {strides = array<i32>} : memref<4608xf32, #tpu.memory_space<vmem>>, vector<16xf32>,
    %swap3A_339 = arith.constant 2112 : index
    %swap3A_340 = tpu.vector_load %arg6[%swap3A_339] {strides = array<i32>} : memref<4608xf32, #tpu.memory_space<vmem>>, vector<16xf32>,
    tpu.vector_store %arg6[%swap3A_339], %broadcast_in_dim3A_4 {strides = array<i32>} : memref<4608xf32, #tpu.memory_space<vmem>>, vector<16xf32>,
    %swap3A_341 = arith.constant 2128 : index
    %swap3A_342 = tpu.vector_load %arg6[%swap3A_341] {strides = array<i32>} : memref<4608xf32, #tpu.memory_space<vmem>>, vector<16xf32>,
    tpu.vector_store %arg6[%swap3A_341], %broadcast_in_dim3A_4 {strides = array<i32>} : memref<4608xf32, #tpu.memory_space<vmem>>, vector<16xf32>,
    %swap3A_343 = arith.constant 2144 : index
    %swap3A_344 = tpu.vector_load %arg6[%swap3A_343] {strides = array<i32>} : memref<4608xf32, #tpu.memory_space<vmem>>, vector<16xf32>,
    tpu.vector_store %arg6[%swap3A_343], %broadcast_in_dim3A_4 {strides = array<i32>} : memref<4608xf32, #tpu.memory_space<vmem>>, vector<16xf32>,
    %swap3A_345 = arith.constant 2160 : index
    %swap3A_346 = tpu.vector_load %arg6[%swap3A_345] {strides = array<i32>} : memref<4608xf32, #tpu.memory_space<vmem>>, vector<16xf32>,
    tpu.vector_store %arg6[%swap3A_345], %broadcast_in_dim3A_4 {strides = array<i32>} : memref<4608xf32, #tpu.memory_space<vmem>>, vector<16xf32>,
    %swap3A_347 = arith.constant 2176 : index
    %swap3A_348 = tpu.vector_load %arg6[%swap3A_347] {strides = array<i32>} : memref<4608xf32, #tpu.memory_space<vmem>>, vector<16xf32>,
    tpu.vector_store %arg6[%swap3A_347], %broadcast_in_dim3A_4 {strides = array<i32>} : memref<4608xf32, #tpu.memory_space<vmem>>, vector<16xf32>,
    %swap3A_349 = arith.constant 2192 : index
    %swap3A_350 = tpu.vector_load %arg6[%swap3A_349] {strides = array<i32>} : memref<4608xf32, #tpu.memory_space<vmem>>, vector<16xf32>,
    tpu.vector_store %arg6[%swap3A_349], %broadcast_in_dim3A_4 {strides = array<i32>} : memref<4608xf32, #tpu.memory_space<vmem>>, vector<16xf32>,
    %swap3A_351 = arith.constant 2208 : index
    %swap3A_352 = tpu.vector_load %arg6[%swap3A_351] {strides = array<i32>} : memref<4608xf32, #tpu.memory_space<vmem>>, vector<16xf32>,
    tpu.vector_store %arg6[%swap3A_351], %broadcast_in_dim3A_4 {strides = array<i32>} : memref<4608xf32, #tpu.memory_space<vmem>>, vector<16xf32>,
    %swap3A_353 = arith.constant 2224 : index
    %swap3A_354 = tpu.vector_load %arg6[%swap3A_353] {strides = array<i32>} : memref<4608xf32, #tpu.memory_space<vmem>>, vector<16xf32>,
    tpu.vector_store %arg6[%swap3A_353], %broadcast_in_dim3A_4 {strides = array<i32>} : memref<4608xf32, #tpu.memory_space<vmem>>, vector<16xf32>,
    %swap3A_355 = arith.constant 2240 : index
    %swap3A_356 = tpu.vector_load %arg6[%swap3A_355] {strides = array<i32>} : memref<4608xf32, #tpu.memory_space<vmem>>, vector<16xf32>,
    tpu.vector_store %arg6[%swap3A_355], %broadcast_in_dim3A_4 {strides = array<i32>} : memref<4608xf32, #tpu.memory_space<vmem>>, vector<16xf32>,
    %swap3A_357 = arith.constant 2256 : index
    %swap3A_358 = tpu.vector_load %arg6[%swap3A_357] {strides = array<i32>} : memref<4608xf32, #tpu.memory_space<vmem>>, vector<16xf32>,
    tpu.vector_store %arg6[%swap3A_357], %broadcast_in_dim3A_4 {strides = array<i32>} : memref<4608xf32, #tpu.memory_space<vmem>>, vector<16xf32>,
    %swap3A_359 = arith.constant 2272 : index
    %swap3A_360 = tpu.vector_load %arg6[%swap3A_359] {strides = array<i32>} : memref<4608xf32, #tpu.memory_space<vmem>>, vector<16xf32>,
    tpu.vector_store %arg6[%swap3A_359], %broadcast_in_dim3A_4 {strides = array<i32>} : memref<4608xf32, #tpu.memory_space<vmem>>, vector<16xf32>,
    %swap3A_361 = arith.constant 2288 : index
    %swap3A_362 = tpu.vector_load %arg6[%swap3A_361] {strides = array<i32>} : memref<4608xf32, #tpu.memory_space<vmem>>, vector<16xf32>,
    tpu.vector_store %arg6[%swap3A_361], %broadcast_in_dim3A_4 {strides = array<i32>} : memref<4608xf32, #tpu.memory_space<vmem>>, vector<16xf32>,
    %swap3A_363 = arith.constant 2304 : index
    %swap3A_364 = tpu.vector_load %arg6[%swap3A_363] {strides = array<i32>} : memref<4608xf32, #tpu.memory_space<vmem>>, vector<16xf32>,
    tpu.vector_store %arg6[%swap3A_363], %broadcast_in_dim3A_4 {strides = array<i32>} : memref<4608xf32, #tpu.memory_space<vmem>>, vector<16xf32>,
    %swap3A_365 = arith.constant 2320 : index
    %swap3A_366 = tpu.vector_load %arg6[%swap3A_365] {strides = array<i32>} : memref<4608xf32, #tpu.memory_space<vmem>>, vector<16xf32>,
    tpu.vector_store %arg6[%swap3A_365], %broadcast_in_dim3A_4 {strides = array<i32>} : memref<4608xf32, #tpu.memory_space<vmem>>, vector<16xf32>,
    %swap3A_367 = arith.constant 2336 : index
    %swap3A_368 = tpu.vector_load %arg6[%swap3A_367] {strides = array<i32>} : memref<4608xf32, #tpu.memory_space<vmem>>, vector<16xf32>,
    tpu.vector_store %arg6[%swap3A_367], %broadcast_in_dim3A_4 {strides = array<i32>} : memref<4608xf32, #tpu.memory_space<vmem>>, vector<16xf32>,
    %swap3A_369 = arith.constant 2352 : index
    %swap3A_370 = tpu.vector_load %arg6[%swap3A_369] {strides = array<i32>} : memref<4608xf32, #tpu.memory_space<vmem>>, vector<16xf32>,
    tpu.vector_store %arg6[%swap3A_369], %broadcast_in_dim3A_4 {strides = array<i32>} : memref<4608xf32, #tpu.memory_space<vmem>>, vector<16xf32>,
    %swap3A_371 = arith.constant 2368 : index
    %swap3A_372 = tpu.vector_load %arg6[%swap3A_371] {strides = array<i32>} : memref<4608xf32, #tpu.memory_space<vmem>>, vector<16xf32>,
    tpu.vector_store %arg6[%swap3A_371], %broadcast_in_dim3A_4 {strides = array<i32>} : memref<4608xf32, #tpu.memory_space<vmem>>, vector<16xf32>,
    %swap3A_373 = arith.constant 2384 : index
    %swap3A_374 = tpu.vector_load %arg6[%swap3A_373] {strides = array<i32>} : memref<4608xf32, #tpu.memory_space<vmem>>, vector<16xf32>,
    tpu.vector_store %arg6[%swap3A_373], %broadcast_in_dim3A_4 {strides = array<i32>} : memref<4608xf32, #tpu.memory_space<vmem>>, vector<16xf32>,
    %swap3A_375 = arith.constant 2400 : index
    %swap3A_376 = tpu.vector_load %arg6[%swap3A_375] {strides = array<i32>} : memref<4608xf32, #tpu.memory_space<vmem>>, vector<16xf32>,
    tpu.vector_store %arg6[%swap3A_375], %broadcast_in_dim3A_4 {strides = array<i32>} : memref<4608xf32, #tpu.memory_space<vmem>>, vector<16xf32>,
    %swap3A_377 = arith.constant 2416 : index
    %swap3A_378 = tpu.vector_load %arg6[%swap3A_377] {strides = array<i32>} : memref<4608xf32, #tpu.memory_space<vmem>>, vector<16xf32>,
    tpu.vector_store %arg6[%swap3A_377], %broadcast_in_dim3A_4 {strides = array<i32>} : memref<4608xf32, #tpu.memory_space<vmem>>, vector<16xf32>,
    %swap3A_379 = arith.constant 2432 : index
    %swap3A_380 = tpu.vector_load %arg6[%swap3A_379] {strides = array<i32>} : memref<4608xf32, #tpu.memory_space<vmem>>, vector<16xf32>,
    tpu.vector_store %arg6[%swap3A_379], %broadcast_in_dim3A_4 {strides = array<i32>} : memref<4608xf32, #tpu.memory_space<vmem>>, vector<16xf32>,
    %swap3A_381 = arith.constant 2448 : index
    %swap3A_382 = tpu.vector_load %arg6[%swap3A_381] {strides = array<i32>} : memref<4608xf32, #tpu.memory_space<vmem>>, vector<16xf32>,
    tpu.vector_store %arg6[%swap3A_381], %broadcast_in_dim3A_4 {strides = array<i32>} : memref<4608xf32, #tpu.memory_space<vmem>>, vector<16xf32>,
    %swap3A_383 = arith.constant 2464 : index
    %swap3A_384 = tpu.vector_load %arg6[%swap3A_383] {strides = array<i32>} : memref<4608xf32, #tpu.memory_space<vmem>>, vector<16xf32>,
    tpu.vector_store %arg6[%swap3A_383], %broadcast_in_dim3A_4 {strides = array<i32>} : memref<4608xf32, #tpu.memory_space<vmem>>, vector<16xf32>,
    %swap3A_385 = arith.constant 2480 : index
    %swap3A_386 = tpu.vector_load %arg6[%swap3A_385] {strides = array<i32>} : memref<4608xf32, #tpu.memory_space<vmem>>, vector<16xf32>,
    tpu.vector_store %arg6[%swap3A_385], %broadcast_in_dim3A_4 {strides = array<i32>} : memref<4608xf32, #tpu.memory_space<vmem>>, vector<16xf32>,
    %swap3A_387 = arith.constant 2496 : index
    %swap3A_388 = tpu.vector_load %arg6[%swap3A_387] {strides = array<i32>} : memref<4608xf32, #tpu.memory_space<vmem>>, vector<16xf32>,
    tpu.vector_store %arg6[%swap3A_387], %broadcast_in_dim3A_4 {strides = array<i32>} : memref<4608xf32, #tpu.memory_space<vmem>>, vector<16xf32>,
    %swap3A_389 = arith.constant 2512 : index
    %swap3A_390 = tpu.vector_load %arg6[%swap3A_389] {strides = array<i32>} : memref<4608xf32, #tpu.memory_space<vmem>>, vector<16xf32>,
    tpu.vector_store %arg6[%swap3A_389], %broadcast_in_dim3A_4 {strides = array<i32>} : memref<4608xf32, #tpu.memory_space<vmem>>, vector<16xf32>,
    %swap3A_391 = arith.constant 2528 : index
    %swap3A_392 = tpu.vector_load %arg6[%swap3A_391] {strides = array<i32>} : memref<4608xf32, #tpu.memory_space<vmem>>, vector<16xf32>,
    tpu.vector_store %arg6[%swap3A_391], %broadcast_in_dim3A_4 {strides = array<i32>} : memref<4608xf32, #tpu.memory_space<vmem>>, vector<16xf32>,
    %swap3A_393 = arith.constant 2544 : index
    %swap3A_394 = tpu.vector_load %arg6[%swap3A_393] {strides = array<i32>} : memref<4608xf32, #tpu.memory_space<vmem>>, vector<16xf32>,
    tpu.vector_store %arg6[%swap3A_393], %broadcast_in_dim3A_4 {strides = array<i32>} : memref<4608xf32, #tpu.memory_space<vmem>>, vector<16xf32>,
    %swap3A_395 = arith.constant 2560 : index
    %swap3A_396 = tpu.vector_load %arg6[%swap3A_395] {strides = array<i32>} : memref<4608xf32, #tpu.memory_space<vmem>>, vector<16xf32>,
    tpu.vector_store %arg6[%swap3A_395], %broadcast_in_dim3A_4 {strides = array<i32>} : memref<4608xf32, #tpu.memory_space<vmem>>, vector<16xf32>,
    %swap3A_397 = arith.constant 2576 : index
    %swap3A_398 = tpu.vector_load %arg6[%swap3A_397] {strides = array<i32>} : memref<4608xf32, #tpu.memory_space<vmem>>, vector<16xf32>,
    tpu.vector_store %arg6[%swap3A_397], %broadcast_in_dim3A_4 {strides = array<i32>} : memref<4608xf32, #tpu.memory_space<vmem>>, vector<16xf32>,
    %swap3A_399 = arith.constant 2592 : index
    %swap3A_400 = tpu.vector_load %arg6[%swap3A_399] {strides = array<i32>} : memref<4608xf32, #tpu.memory_space<vmem>>, vector<16xf32>,
    tpu.vector_store %arg6[%swap3A_399], %broadcast_in_dim3A_4 {strides = array<i32>} : memref<4608xf32, #tpu.memory_space<vmem>>, vector<16xf32>,
    %swap3A_401 = arith.constant 2608 : index
    %swap3A_402 = tpu.vector_load %arg6[%swap3A_401] {strides = array<i32>} : memref<4608xf32, #tpu.memory_space<vmem>>, vector<16xf32>,
    tpu.vector_store %arg6[%swap3A_401], %broadcast_in_dim3A_4 {strides = array<i32>} : memref<4608xf32, #tpu.memory_space<vmem>>, vector<16xf32>,
    %swap3A_403 = arith.constant 2624 : index
    %swap3A_404 = tpu.vector_load %arg6[%swap3A_403] {strides = array<i32>} : memref<4608xf32, #tpu.memory_space<vmem>>, vector<16xf32>,
    tpu.vector_store %arg6[%swap3A_403], %broadcast_in_dim3A_4 {strides = array<i32>} : memref<4608xf32, #tpu.memory_space<vmem>>, vector<16xf32>,
    %swap3A_405 = arith.constant 2640 : index
    %swap3A_406 = tpu.vector_load %arg6[%swap3A_405] {strides = array<i32>} : memref<4608xf32, #tpu.memory_space<vmem>>, vector<16xf32>,
    tpu.vector_store %arg6[%swap3A_405], %broadcast_in_dim3A_4 {strides = array<i32>} : memref<4608xf32, #tpu.memory_space<vmem>>, vector<16xf32>,
    %swap3A_407 = arith.constant 2656 : index
    %swap3A_408 = tpu.vector_load %arg6[%swap3A_407] {strides = array<i32>} : memref<4608xf32, #tpu.memory_space<vmem>>, vector<16xf32>,
    tpu.vector_store %arg6[%swap3A_407], %broadcast_in_dim3A_4 {strides = array<i32>} : memref<4608xf32, #tpu.memory_space<vmem>>, vector<16xf32>,
    %swap3A_409 = arith.constant 2672 : index
    %swap3A_410 = tpu.vector_load %arg6[%swap3A_409] {strides = array<i32>} : memref<4608xf32, #tpu.memory_space<vmem>>, vector<16xf32>,
    tpu.vector_store %arg6[%swap3A_409], %broadcast_in_dim3A_4 {strides = array<i32>} : memref<4608xf32, #tpu.memory_space<vmem>>, vector<16xf32>,
    %swap3A_411 = arith.constant 2688 : index
    %swap3A_412 = tpu.vector_load %arg6[%swap3A_411] {strides = array<i32>} : memref<4608xf32, #tpu.memory_space<vmem>>, vector<16xf32>,
    tpu.vector_store %arg6[%swap3A_411], %broadcast_in_dim3A_4 {strides = array<i32>} : memref<4608xf32, #tpu.memory_space<vmem>>, vector<16xf32>,
    %swap3A_413 = arith.constant 2704 : index
    %swap3A_414 = tpu.vector_load %arg6[%swap3A_413] {strides = array<i32>} : memref<4608xf32, #tpu.memory_space<vmem>>, vector<16xf32>,
    tpu.vector_store %arg6[%swap3A_413], %broadcast_in_dim3A_4 {strides = array<i32>} : memref<4608xf32, #tpu.memory_space<vmem>>, vector<16xf32>,
    %swap3A_415 = arith.constant 2720 : index
    %swap3A_416 = tpu.vector_load %arg6[%swap3A_415] {strides = array<i32>} : memref<4608xf32, #tpu.memory_space<vmem>>, vector<16xf32>,
    tpu.vector_store %arg6[%swap3A_415], %broadcast_in_dim3A_4 {strides = array<i32>} : memref<4608xf32, #tpu.memory_space<vmem>>, vector<16xf32>,
    %swap3A_417 = arith.constant 2736 : index
    %swap3A_418 = tpu.vector_load %arg6[%swap3A_417] {strides = array<i32>} : memref<4608xf32, #tpu.memory_space<vmem>>, vector<16xf32>,
    tpu.vector_store %arg6[%swap3A_417], %broadcast_in_dim3A_4 {strides = array<i32>} : memref<4608xf32, #tpu.memory_space<vmem>>, vector<16xf32>,
    %swap3A_419 = arith.constant 2752 : index
    %swap3A_420 = tpu.vector_load %arg6[%swap3A_419] {strides = array<i32>} : memref<4608xf32, #tpu.memory_space<vmem>>, vector<16xf32>,
    tpu.vector_store %arg6[%swap3A_419], %broadcast_in_dim3A_4 {strides = array<i32>} : memref<4608xf32, #tpu.memory_space<vmem>>, vector<16xf32>,
    %swap3A_421 = arith.constant 2768 : index
    %swap3A_422 = tpu.vector_load %arg6[%swap3A_421] {strides = array<i32>} : memref<4608xf32, #tpu.memory_space<vmem>>, vector<16xf32>,
    tpu.vector_store %arg6[%swap3A_421], %broadcast_in_dim3A_4 {strides = array<i32>} : memref<4608xf32, #tpu.memory_space<vmem>>, vector<16xf32>,
    %swap3A_423 = arith.constant 2784 : index
    %swap3A_424 = tpu.vector_load %arg6[%swap3A_423] {strides = array<i32>} : memref<4608xf32, #tpu.memory_space<vmem>>, vector<16xf32>,
    tpu.vector_store %arg6[%swap3A_423], %broadcast_in_dim3A_4 {strides = array<i32>} : memref<4608xf32, #tpu.memory_space<vmem>>, vector<16xf32>,
    %swap3A_425 = arith.constant 2800 : index
    %swap3A_426 = tpu.vector_load %arg6[%swap3A_425] {strides = array<i32>} : memref<4608xf32, #tpu.memory_space<vmem>>, vector<16xf32>,
    tpu.vector_store %arg6[%swap3A_425], %broadcast_in_dim3A_4 {strides = array<i32>} : memref<4608xf32, #tpu.memory_space<vmem>>, vector<16xf32>,
    %swap3A_427 = arith.constant 2816 : index
    %swap3A_428 = tpu.vector_load %arg6[%swap3A_427] {strides = array<i32>} : memref<4608xf32, #tpu.memory_space<vmem>>, vector<16xf32>,
    tpu.vector_store %arg6[%swap3A_427], %broadcast_in_dim3A_4 {strides = array<i32>} : memref<4608xf32, #tpu.memory_space<vmem>>, vector<16xf32>,
    %swap3A_429 = arith.constant 2832 : index
    %swap3A_430 = tpu.vector_load %arg6[%swap3A_429] {strides = array<i32>} : memref<4608xf32, #tpu.memory_space<vmem>>, vector<16xf32>,
    tpu.vector_store %arg6[%swap3A_429], %broadcast_in_dim3A_4 {strides = array<i32>} : memref<4608xf32, #tpu.memory_space<vmem>>, vector<16xf32>,
    %swap3A_431 = arith.constant 2848 : index
    %swap3A_432 = tpu.vector_load %arg6[%swap3A_431] {strides = array<i32>} : memref<4608xf32, #tpu.memory_space<vmem>>, vector<16xf32>,
    tpu.vector_store %arg6[%swap3A_431], %broadcast_in_dim3A_4 {strides = array<i32>} : memref<4608xf32, #tpu.memory_space<vmem>>, vector<16xf32>,
    %swap3A_433 = arith.constant 2864 : index
    %swap3A_434 = tpu.vector_load %arg6[%swap3A_433] {strides = array<i32>} : memref<4608xf32, #tpu.memory_space<vmem>>, vector<16xf32>,
    tpu.vector_store %arg6[%swap3A_433], %broadcast_in_dim3A_4 {strides = array<i32>} : memref<4608xf32, #tpu.memory_space<vmem>>, vector<16xf32>,
    %swap3A_435 = arith.constant 2880 : index
    %swap3A_436 = tpu.vector_load %arg6[%swap3A_435] {strides = array<i32>} : memref<4608xf32, #tpu.memory_space<vmem>>, vector<16xf32>,
    tpu.vector_store %arg6[%swap3A_435], %broadcast_in_dim3A_4 {strides = array<i32>} : memref<4608xf32, #tpu.memory_space<vmem>>, vector<16xf32>,
    %swap3A_437 = arith.constant 2896 : index
    %swap3A_438 = tpu.vector_load %arg6[%swap3A_437] {strides = array<i32>} : memref<4608xf32, #tpu.memory_space<vmem>>, vector<16xf32>,
    tpu.vector_store %arg6[%swap3A_437], %broadcast_in_dim3A_4 {strides = array<i32>} : memref<4608xf32, #tpu.memory_space<vmem>>, vector<16xf32>,
    %swap3A_439 = arith.constant 2912 : index
    %swap3A_440 = tpu.vector_load %arg6[%swap3A_439] {strides = array<i32>} : memref<4608xf32, #tpu.memory_space<vmem>>, vector<16xf32>,
    tpu.vector_store %arg6[%swap3A_439], %broadcast_in_dim3A_4 {strides = array<i32>} : memref<4608xf32, #tpu.memory_space<vmem>>, vector<16xf32>,
    %swap3A_441 = arith.constant 2928 : index
    %swap3A_442 = tpu.vector_load %arg6[%swap3A_441] {strides = array<i32>} : memref<4608xf32, #tpu.memory_space<vmem>>, vector<16xf32>,
    tpu.vector_store %arg6[%swap3A_441], %broadcast_in_dim3A_4 {strides = array<i32>} : memref<4608xf32, #tpu.memory_space<vmem>>, vector<16xf32>,
    %swap3A_443 = arith.constant 2944 : index
    %swap3A_444 = tpu.vector_load %arg6[%swap3A_443] {strides = array<i32>} : memref<4608xf32, #tpu.memory_space<vmem>>, vector<16xf32>,
    tpu.vector_store %arg6[%swap3A_443], %broadcast_in_dim3A_4 {strides = array<i32>} : memref<4608xf32, #tpu.memory_space<vmem>>, vector<16xf32>,
    %swap3A_445 = arith.constant 2960 : index
    %swap3A_446 = tpu.vector_load %arg6[%swap3A_445] {strides = array<i32>} : memref<4608xf32, #tpu.memory_space<vmem>>, vector<16xf32>,
    tpu.vector_store %arg6[%swap3A_445], %broadcast_in_dim3A_4 {strides = array<i32>} : memref<4608xf32, #tpu.memory_space<vmem>>, vector<16xf32>,
    %swap3A_447 = arith.constant 2976 : index
    %swap3A_448 = tpu.vector_load %arg6[%swap3A_447] {strides = array<i32>} : memref<4608xf32, #tpu.memory_space<vmem>>, vector<16xf32>,
    tpu.vector_store %arg6[%swap3A_447], %broadcast_in_dim3A_4 {strides = array<i32>} : memref<4608xf32, #tpu.memory_space<vmem>>, vector<16xf32>,
    %swap3A_449 = arith.constant 2992 : index
    %swap3A_450 = tpu.vector_load %arg6[%swap3A_449] {strides = array<i32>} : memref<4608xf32, #tpu.memory_space<vmem>>, vector<16xf32>,
    tpu.vector_store %arg6[%swap3A_449], %broadcast_in_dim3A_4 {strides = array<i32>} : memref<4608xf32, #tpu.memory_space<vmem>>, vector<16xf32>,
    %swap3A_451 = arith.constant 3008 : index
    %swap3A_452 = tpu.vector_load %arg6[%swap3A_451] {strides = array<i32>} : memref<4608xf32, #tpu.memory_space<vmem>>, vector<16xf32>,
    tpu.vector_store %arg6[%swap3A_451], %broadcast_in_dim3A_4 {strides = array<i32>} : memref<4608xf32, #tpu.memory_space<vmem>>, vector<16xf32>,
    %swap3A_453 = arith.constant 3024 : index
    %swap3A_454 = tpu.vector_load %arg6[%swap3A_453] {strides = array<i32>} : memref<4608xf32, #tpu.memory_space<vmem>>, vector<16xf32>,
    tpu.vector_store %arg6[%swap3A_453], %broadcast_in_dim3A_4 {strides = array<i32>} : memref<4608xf32, #tpu.memory_space<vmem>>, vector<16xf32>,
    %swap3A_455 = arith.constant 3040 : index
    %swap3A_456 = tpu.vector_load %arg6[%swap3A_455] {strides = array<i32>} : memref<4608xf32, #tpu.memory_space<vmem>>, vector<16xf32>,
    tpu.vector_store %arg6[%swap3A_455], %broadcast_in_dim3A_4 {strides = array<i32>} : memref<4608xf32, #tpu.memory_space<vmem>>, vector<16xf32>,
    %swap3A_457 = arith.constant 3056 : index
    %swap3A_458 = tpu.vector_load %arg6[%swap3A_457] {strides = array<i32>} : memref<4608xf32, #tpu.memory_space<vmem>>, vector<16xf32>,
    tpu.vector_store %arg6[%swap3A_457], %broadcast_in_dim3A_4 {strides = array<i32>} : memref<4608xf32, #tpu.memory_space<vmem>>, vector<16xf32>,
    %swap3A_459 = arith.constant 3072 : index
    %swap3A_460 = tpu.vector_load %arg6[%swap3A_459] {strides = array<i32>} : memref<4608xf32, #tpu.memory_space<vmem>>, vector<16xf32>,
    tpu.vector_store %arg6[%swap3A_459], %broadcast_in_dim3A_4 {strides = array<i32>} : memref<4608xf32, #tpu.memory_space<vmem>>, vector<16xf32>,
    %swap3A_461 = arith.constant 3088 : index
    %swap3A_462 = tpu.vector_load %arg6[%swap3A_461] {strides = array<i32>} : memref<4608xf32, #tpu.memory_space<vmem>>, vector<16xf32>,
    tpu.vector_store %arg6[%swap3A_461], %broadcast_in_dim3A_4 {strides = array<i32>} : memref<4608xf32, #tpu.memory_space<vmem>>, vector<16xf32>,
    %swap3A_463 = arith.constant 3104 : index
    %swap3A_464 = tpu.vector_load %arg6[%swap3A_463] {strides = array<i32>} : memref<4608xf32, #tpu.memory_space<vmem>>, vector<16xf32>,
    tpu.vector_store %arg6[%swap3A_463], %broadcast_in_dim3A_4 {strides = array<i32>} : memref<4608xf32, #tpu.memory_space<vmem>>, vector<16xf32>,
    %swap3A_465 = arith.constant 3120 : index
    %swap3A_466 = tpu.vector_load %arg6[%swap3A_465] {strides = array<i32>} : memref<4608xf32, #tpu.memory_space<vmem>>, vector<16xf32>,
    tpu.vector_store %arg6[%swap3A_465], %broadcast_in_dim3A_4 {strides = array<i32>} : memref<4608xf32, #tpu.memory_space<vmem>>, vector<16xf32>,
    %swap3A_467 = arith.constant 3136 : index
    %swap3A_468 = tpu.vector_load %arg6[%swap3A_467] {strides = array<i32>} : memref<4608xf32, #tpu.memory_space<vmem>>, vector<16xf32>,
    tpu.vector_store %arg6[%swap3A_467], %broadcast_in_dim3A_4 {strides = array<i32>} : memref<4608xf32, #tpu.memory_space<vmem>>, vector<16xf32>,
    %swap3A_469 = arith.constant 3152 : index
    %swap3A_470 = tpu.vector_load %arg6[%swap3A_469] {strides = array<i32>} : memref<4608xf32, #tpu.memory_space<vmem>>, vector<16xf32>,
    tpu.vector_store %arg6[%swap3A_469], %broadcast_in_dim3A_4 {strides = array<i32>} : memref<4608xf32, #tpu.memory_space<vmem>>, vector<16xf32>,
    %swap3A_471 = arith.constant 3168 : index
    %swap3A_472 = tpu.vector_load %arg6[%swap3A_471] {strides = array<i32>} : memref<4608xf32, #tpu.memory_space<vmem>>, vector<16xf32>,
    tpu.vector_store %arg6[%swap3A_471], %broadcast_in_dim3A_4 {strides = array<i32>} : memref<4608xf32, #tpu.memory_space<vmem>>, vector<16xf32>,
    %swap3A_473 = arith.constant 3184 : index
    %swap3A_474 = tpu.vector_load %arg6[%swap3A_473] {strides = array<i32>} : memref<4608xf32, #tpu.memory_space<vmem>>, vector<16xf32>,
    tpu.vector_store %arg6[%swap3A_473], %broadcast_in_dim3A_4 {strides = array<i32>} : memref<4608xf32, #tpu.memory_space<vmem>>, vector<16xf32>,
    %swap3A_475 = arith.constant 3200 : index
    %swap3A_476 = tpu.vector_load %arg6[%swap3A_475] {strides = array<i32>} : memref<4608xf32, #tpu.memory_space<vmem>>, vector<16xf32>,
    tpu.vector_store %arg6[%swap3A_475], %broadcast_in_dim3A_4 {strides = array<i32>} : memref<4608xf32, #tpu.memory_space<vmem>>, vector<16xf32>,
    %swap3A_477 = arith.constant 3216 : index
    %swap3A_478 = tpu.vector_load %arg6[%swap3A_477] {strides = array<i32>} : memref<4608xf32, #tpu.memory_space<vmem>>, vector<16xf32>,
    tpu.vector_store %arg6[%swap3A_477], %broadcast_in_dim3A_4 {strides = array<i32>} : memref<4608xf32, #tpu.memory_space<vmem>>, vector<16xf32>,
    %swap3A_479 = arith.constant 3232 : index
    %swap3A_480 = tpu.vector_load %arg6[%swap3A_479] {strides = array<i32>} : memref<4608xf32, #tpu.memory_space<vmem>>, vector<16xf32>,
    tpu.vector_store %arg6[%swap3A_479], %broadcast_in_dim3A_4 {strides = array<i32>} : memref<4608xf32, #tpu.memory_space<vmem>>, vector<16xf32>,
    %swap3A_481 = arith.constant 3248 : index
    %swap3A_482 = tpu.vector_load %arg6[%swap3A_481] {strides = array<i32>} : memref<4608xf32, #tpu.memory_space<vmem>>, vector<16xf32>,
    tpu.vector_store %arg6[%swap3A_481], %broadcast_in_dim3A_4 {strides = array<i32>} : memref<4608xf32, #tpu.memory_space<vmem>>, vector<16xf32>,
    %swap3A_483 = arith.constant 3264 : index
    %swap3A_484 = tpu.vector_load %arg6[%swap3A_483] {strides = array<i32>} : memref<4608xf32, #tpu.memory_space<vmem>>, vector<16xf32>,
    tpu.vector_store %arg6[%swap3A_483], %broadcast_in_dim3A_4 {strides = array<i32>} : memref<4608xf32, #tpu.memory_space<vmem>>, vector<16xf32>,
    %swap3A_485 = arith.constant 3280 : index
    %swap3A_486 = tpu.vector_load %arg6[%swap3A_485] {strides = array<i32>} : memref<4608xf32, #tpu.memory_space<vmem>>, vector<16xf32>,
    tpu.vector_store %arg6[%swap3A_485], %broadcast_in_dim3A_4 {strides = array<i32>} : memref<4608xf32, #tpu.memory_space<vmem>>, vector<16xf32>,
    %swap3A_487 = arith.constant 3296 : index
    %swap3A_488 = tpu.vector_load %arg6[%swap3A_487] {strides = array<i32>} : memref<4608xf32, #tpu.memory_space<vmem>>, vector<16xf32>,
    tpu.vector_store %arg6[%swap3A_487], %broadcast_in_dim3A_4 {strides = array<i32>} : memref<4608xf32, #tpu.memory_space<vmem>>, vector<16xf32>,
    %swap3A_489 = arith.constant 3312 : index
    %swap3A_490 = tpu.vector_load %arg6[%swap3A_489] {strides = array<i32>} : memref<4608xf32, #tpu.memory_space<vmem>>, vector<16xf32>,
    tpu.vector_store %arg6[%swap3A_489], %broadcast_in_dim3A_4 {strides = array<i32>} : memref<4608xf32, #tpu.memory_space<vmem>>, vector<16xf32>,
    %swap3A_491 = arith.constant 3328 : index
    %swap3A_492 = tpu.vector_load %arg6[%swap3A_491] {strides = array<i32>} : memref<4608xf32, #tpu.memory_space<vmem>>, vector<16xf32>,
    tpu.vector_store %arg6[%swap3A_491], %broadcast_in_dim3A_4 {strides = array<i32>} : memref<4608xf32, #tpu.memory_space<vmem>>, vector<16xf32>,
    %swap3A_493 = arith.constant 3344 : index
    %swap3A_494 = tpu.vector_load %arg6[%swap3A_493] {strides = array<i32>} : memref<4608xf32, #tpu.memory_space<vmem>>, vector<16xf32>,
    tpu.vector_store %arg6[%swap3A_493], %broadcast_in_dim3A_4 {strides = array<i32>} : memref<4608xf32, #tpu.memory_space<vmem>>, vector<16xf32>,
    %swap3A_495 = arith.constant 3360 : index
    %swap3A_496 = tpu.vector_load %arg6[%swap3A_495] {strides = array<i32>} : memref<4608xf32, #tpu.memory_space<vmem>>, vector<16xf32>,
    tpu.vector_store %arg6[%swap3A_495], %broadcast_in_dim3A_4 {strides = array<i32>} : memref<4608xf32, #tpu.memory_space<vmem>>, vector<16xf32>,
    %swap3A_497 = arith.constant 3376 : index
    %swap3A_498 = tpu.vector_load %arg6[%swap3A_497] {strides = array<i32>} : memref<4608xf32, #tpu.memory_space<vmem>>, vector<16xf32>,
    tpu.vector_store %arg6[%swap3A_497], %broadcast_in_dim3A_4 {strides = array<i32>} : memref<4608xf32, #tpu.memory_space<vmem>>, vector<16xf32>,
    %swap3A_499 = arith.constant 3392 : index
    %swap3A_500 = tpu.vector_load %arg6[%swap3A_499] {strides = array<i32>} : memref<4608xf32, #tpu.memory_space<vmem>>, vector<16xf32>,
    tpu.vector_store %arg6[%swap3A_499], %broadcast_in_dim3A_4 {strides = array<i32>} : memref<4608xf32, #tpu.memory_space<vmem>>, vector<16xf32>,
    %swap3A_501 = arith.constant 3408 : index
    %swap3A_502 = tpu.vector_load %arg6[%swap3A_501] {strides = array<i32>} : memref<4608xf32, #tpu.memory_space<vmem>>, vector<16xf32>,
    tpu.vector_store %arg6[%swap3A_501], %broadcast_in_dim3A_4 {strides = array<i32>} : memref<4608xf32, #tpu.memory_space<vmem>>, vector<16xf32>,
    %swap3A_503 = arith.constant 3424 : index
    %swap3A_504 = tpu.vector_load %arg6[%swap3A_503] {strides = array<i32>} : memref<4608xf32, #tpu.memory_space<vmem>>, vector<16xf32>,
    tpu.vector_store %arg6[%swap3A_503], %broadcast_in_dim3A_4 {strides = array<i32>} : memref<4608xf32, #tpu.memory_space<vmem>>, vector<16xf32>,
    %swap3A_505 = arith.constant 3440 : index
    %swap3A_506 = tpu.vector_load %arg6[%swap3A_505] {strides = array<i32>} : memref<4608xf32, #tpu.memory_space<vmem>>, vector<16xf32>,
    tpu.vector_store %arg6[%swap3A_505], %broadcast_in_dim3A_4 {strides = array<i32>} : memref<4608xf32, #tpu.memory_space<vmem>>, vector<16xf32>,
    %swap3A_507 = arith.constant 3456 : index
    %swap3A_508 = tpu.vector_load %arg6[%swap3A_507] {strides = array<i32>} : memref<4608xf32, #tpu.memory_space<vmem>>, vector<16xf32>,
    tpu.vector_store %arg6[%swap3A_507], %broadcast_in_dim3A_4 {strides = array<i32>} : memref<4608xf32, #tpu.memory_space<vmem>>, vector<16xf32>,
    %swap3A_509 = arith.constant 3472 : index
    %swap3A_510 = tpu.vector_load %arg6[%swap3A_509] {strides = array<i32>} : memref<4608xf32, #tpu.memory_space<vmem>>, vector<16xf32>,
    tpu.vector_store %arg6[%swap3A_509], %broadcast_in_dim3A_4 {strides = array<i32>} : memref<4608xf32, #tpu.memory_space<vmem>>, vector<16xf32>,
    %swap3A_511 = arith.constant 3488 : index
    %swap3A_512 = tpu.vector_load %arg6[%swap3A_511] {strides = array<i32>} : memref<4608xf32, #tpu.memory_space<vmem>>, vector<16xf32>,
    tpu.vector_store %arg6[%swap3A_511], %broadcast_in_dim3A_4 {strides = array<i32>} : memref<4608xf32, #tpu.memory_space<vmem>>, vector<16xf32>,
    %swap3A_513 = arith.constant 3504 : index
    %swap3A_514 = tpu.vector_load %arg6[%swap3A_513] {strides = array<i32>} : memref<4608xf32, #tpu.memory_space<vmem>>, vector<16xf32>,
    tpu.vector_store %arg6[%swap3A_513], %broadcast_in_dim3A_4 {strides = array<i32>} : memref<4608xf32, #tpu.memory_space<vmem>>, vector<16xf32>,
    %swap3A_515 = arith.constant 3520 : index
    %swap3A_516 = tpu.vector_load %arg6[%swap3A_515] {strides = array<i32>} : memref<4608xf32, #tpu.memory_space<vmem>>, vector<16xf32>,
    tpu.vector_store %arg6[%swap3A_515], %broadcast_in_dim3A_4 {strides = array<i32>} : memref<4608xf32, #tpu.memory_space<vmem>>, vector<16xf32>,
    %swap3A_517 = arith.constant 3536 : index
    %swap3A_518 = tpu.vector_load %arg6[%swap3A_517] {strides = array<i32>} : memref<4608xf32, #tpu.memory_space<vmem>>, vector<16xf32>,
    tpu.vector_store %arg6[%swap3A_517], %broadcast_in_dim3A_4 {strides = array<i32>} : memref<4608xf32, #tpu.memory_space<vmem>>, vector<16xf32>,
    %swap3A_519 = arith.constant 3552 : index
    %swap3A_520 = tpu.vector_load %arg6[%swap3A_519] {strides = array<i32>} : memref<4608xf32, #tpu.memory_space<vmem>>, vector<16xf32>,
    tpu.vector_store %arg6[%swap3A_519], %broadcast_in_dim3A_4 {strides = array<i32>} : memref<4608xf32, #tpu.memory_space<vmem>>, vector<16xf32>,
    %swap3A_521 = arith.constant 3568 : index
    %swap3A_522 = tpu.vector_load %arg6[%swap3A_521] {strides = array<i32>} : memref<4608xf32, #tpu.memory_space<vmem>>, vector<16xf32>,
    tpu.vector_store %arg6[%swap3A_521], %broadcast_in_dim3A_4 {strides = array<i32>} : memref<4608xf32, #tpu.memory_space<vmem>>, vector<16xf32>,
    %swap3A_523 = arith.constant 3584 : index
    %swap3A_524 = tpu.vector_load %arg6[%swap3A_523] {strides = array<i32>} : memref<4608xf32, #tpu.memory_space<vmem>>, vector<16xf32>,
    tpu.vector_store %arg6[%swap3A_523], %broadcast_in_dim3A_4 {strides = array<i32>} : memref<4608xf32, #tpu.memory_space<vmem>>, vector<16xf32>,
    %swap3A_525 = arith.constant 3600 : index
    %swap3A_526 = tpu.vector_load %arg6[%swap3A_525] {strides = array<i32>} : memref<4608xf32, #tpu.memory_space<vmem>>, vector<16xf32>,
    tpu.vector_store %arg6[%swap3A_525], %broadcast_in_dim3A_4 {strides = array<i32>} : memref<4608xf32, #tpu.memory_space<vmem>>, vector<16xf32>,
    %swap3A_527 = arith.constant 3616 : index
    %swap3A_528 = tpu.vector_load %arg6[%swap3A_527] {strides = array<i32>} : memref<4608xf32, #tpu.memory_space<vmem>>, vector<16xf32>,
    tpu.vector_store %arg6[%swap3A_527], %broadcast_in_dim3A_4 {strides = array<i32>} : memref<4608xf32, #tpu.memory_space<vmem>>, vector<16xf32>,
    %swap3A_529 = arith.constant 3632 : index
    %swap3A_530 = tpu.vector_load %arg6[%swap3A_529] {strides = array<i32>} : memref<4608xf32, #tpu.memory_space<vmem>>, vector<16xf32>,
    tpu.vector_store %arg6[%swap3A_529], %broadcast_in_dim3A_4 {strides = array<i32>} : memref<4608xf32, #tpu.memory_space<vmem>>, vector<16xf32>,
    %swap3A_531 = arith.constant 3648 : index
    %swap3A_532 = tpu.vector_load %arg6[%swap3A_531] {strides = array<i32>} : memref<4608xf32, #tpu.memory_space<vmem>>, vector<16xf32>,
    tpu.vector_store %arg6[%swap3A_531], %broadcast_in_dim3A_4 {strides = array<i32>} : memref<4608xf32, #tpu.memory_space<vmem>>, vector<16xf32>,
    %swap3A_533 = arith.constant 3664 : index
    %swap3A_534 = tpu.vector_load %arg6[%swap3A_533] {strides = array<i32>} : memref<4608xf32, #tpu.memory_space<vmem>>, vector<16xf32>,
    tpu.vector_store %arg6[%swap3A_533], %broadcast_in_dim3A_4 {strides = array<i32>} : memref<4608xf32, #tpu.memory_space<vmem>>, vector<16xf32>,
    %swap3A_535 = arith.constant 3680 : index
    %swap3A_536 = tpu.vector_load %arg6[%swap3A_535] {strides = array<i32>} : memref<4608xf32, #tpu.memory_space<vmem>>, vector<16xf32>,
    tpu.vector_store %arg6[%swap3A_535], %broadcast_in_dim3A_4 {strides = array<i32>} : memref<4608xf32, #tpu.memory_space<vmem>>, vector<16xf32>,
    %swap3A_537 = arith.constant 3696 : index
    %swap3A_538 = tpu.vector_load %arg6[%swap3A_537] {strides = array<i32>} : memref<4608xf32, #tpu.memory_space<vmem>>, vector<16xf32>,
    tpu.vector_store %arg6[%swap3A_537], %broadcast_in_dim3A_4 {strides = array<i32>} : memref<4608xf32, #tpu.memory_space<vmem>>, vector<16xf32>,
    %swap3A_539 = arith.constant 3712 : index
    %swap3A_540 = tpu.vector_load %arg6[%swap3A_539] {strides = array<i32>} : memref<4608xf32, #tpu.memory_space<vmem>>, vector<16xf32>,
    tpu.vector_store %arg6[%swap3A_539], %broadcast_in_dim3A_4 {strides = array<i32>} : memref<4608xf32, #tpu.memory_space<vmem>>, vector<16xf32>,
    %swap3A_541 = arith.constant 3728 : index
    %swap3A_542 = tpu.vector_load %arg6[%swap3A_541] {strides = array<i32>} : memref<4608xf32, #tpu.memory_space<vmem>>, vector<16xf32>,
    tpu.vector_store %arg6[%swap3A_541], %broadcast_in_dim3A_4 {strides = array<i32>} : memref<4608xf32, #tpu.memory_space<vmem>>, vector<16xf32>,
    %swap3A_543 = arith.constant 3744 : index
    %swap3A_544 = tpu.vector_load %arg6[%swap3A_543] {strides = array<i32>} : memref<4608xf32, #tpu.memory_space<vmem>>, vector<16xf32>,
    tpu.vector_store %arg6[%swap3A_543], %broadcast_in_dim3A_4 {strides = array<i32>} : memref<4608xf32, #tpu.memory_space<vmem>>, vector<16xf32>,
    %swap3A_545 = arith.constant 3760 : index
    %swap3A_546 = tpu.vector_load %arg6[%swap3A_545] {strides = array<i32>} : memref<4608xf32, #tpu.memory_space<vmem>>, vector<16xf32>,
    tpu.vector_store %arg6[%swap3A_545], %broadcast_in_dim3A_4 {strides = array<i32>} : memref<4608xf32, #tpu.memory_space<vmem>>, vector<16xf32>,
    %swap3A_547 = arith.constant 3776 : index
    %swap3A_548 = tpu.vector_load %arg6[%swap3A_547] {strides = array<i32>} : memref<4608xf32, #tpu.memory_space<vmem>>, vector<16xf32>,
    tpu.vector_store %arg6[%swap3A_547], %broadcast_in_dim3A_4 {strides = array<i32>} : memref<4608xf32, #tpu.memory_space<vmem>>, vector<16xf32>,
    %swap3A_549 = arith.constant 3792 : index
    %swap3A_550 = tpu.vector_load %arg6[%swap3A_549] {strides = array<i32>} : memref<4608xf32, #tpu.memory_space<vmem>>, vector<16xf32>,
    tpu.vector_store %arg6[%swap3A_549], %broadcast_in_dim3A_4 {strides = array<i32>} : memref<4608xf32, #tpu.memory_space<vmem>>, vector<16xf32>,
    %swap3A_551 = arith.constant 3808 : index
    %swap3A_552 = tpu.vector_load %arg6[%swap3A_551] {strides = array<i32>} : memref<4608xf32, #tpu.memory_space<vmem>>, vector<16xf32>,
    tpu.vector_store %arg6[%swap3A_551], %broadcast_in_dim3A_4 {strides = array<i32>} : memref<4608xf32, #tpu.memory_space<vmem>>, vector<16xf32>,
    %swap3A_553 = arith.constant 3824 : index
    %swap3A_554 = tpu.vector_load %arg6[%swap3A_553] {strides = array<i32>} : memref<4608xf32, #tpu.memory_space<vmem>>, vector<16xf32>,
    tpu.vector_store %arg6[%swap3A_553], %broadcast_in_dim3A_4 {strides = array<i32>} : memref<4608xf32, #tpu.memory_space<vmem>>, vector<16xf32>,
    %swap3A_555 = arith.constant 3840 : index
    %swap3A_556 = tpu.vector_load %arg6[%swap3A_555] {strides = array<i32>} : memref<4608xf32, #tpu.memory_space<vmem>>, vector<16xf32>,
    tpu.vector_store %arg6[%swap3A_555], %broadcast_in_dim3A_4 {strides = array<i32>} : memref<4608xf32, #tpu.memory_space<vmem>>, vector<16xf32>,
    %swap3A_557 = arith.constant 3856 : index
    %swap3A_558 = tpu.vector_load %arg6[%swap3A_557] {strides = array<i32>} : memref<4608xf32, #tpu.memory_space<vmem>>, vector<16xf32>,
    tpu.vector_store %arg6[%swap3A_557], %broadcast_in_dim3A_4 {strides = array<i32>} : memref<4608xf32, #tpu.memory_space<vmem>>, vector<16xf32>,
    %swap3A_559 = arith.constant 3872 : index
    %swap3A_560 = tpu.vector_load %arg6[%swap3A_559] {strides = array<i32>} : memref<4608xf32, #tpu.memory_space<vmem>>, vector<16xf32>,
    tpu.vector_store %arg6[%swap3A_559], %broadcast_in_dim3A_4 {strides = array<i32>} : memref<4608xf32, #tpu.memory_space<vmem>>, vector<16xf32>,
    %swap3A_561 = arith.constant 3888 : index
    %swap3A_562 = tpu.vector_load %arg6[%swap3A_561] {strides = array<i32>} : memref<4608xf32, #tpu.memory_space<vmem>>, vector<16xf32>,
    tpu.vector_store %arg6[%swap3A_561], %broadcast_in_dim3A_4 {strides = array<i32>} : memref<4608xf32, #tpu.memory_space<vmem>>, vector<16xf32>,
    %swap3A_563 = arith.constant 3904 : index
    %swap3A_564 = tpu.vector_load %arg6[%swap3A_563] {strides = array<i32>} : memref<4608xf32, #tpu.memory_space<vmem>>, vector<16xf32>,
    tpu.vector_store %arg6[%swap3A_563], %broadcast_in_dim3A_4 {strides = array<i32>} : memref<4608xf32, #tpu.memory_space<vmem>>, vector<16xf32>,
    %swap3A_565 = arith.constant 3920 : index
    %swap3A_566 = tpu.vector_load %arg6[%swap3A_565] {strides = array<i32>} : memref<4608xf32, #tpu.memory_space<vmem>>, vector<16xf32>,
    tpu.vector_store %arg6[%swap3A_565], %broadcast_in_dim3A_4 {strides = array<i32>} : memref<4608xf32, #tpu.memory_space<vmem>>, vector<16xf32>,
    %swap3A_567 = arith.constant 3936 : index
    %swap3A_568 = tpu.vector_load %arg6[%swap3A_567] {strides = array<i32>} : memref<4608xf32, #tpu.memory_space<vmem>>, vector<16xf32>,
    tpu.vector_store %arg6[%swap3A_567], %broadcast_in_dim3A_4 {strides = array<i32>} : memref<4608xf32, #tpu.memory_space<vmem>>, vector<16xf32>,
    %swap3A_569 = arith.constant 3952 : index
    %swap3A_570 = tpu.vector_load %arg6[%swap3A_569] {strides = array<i32>} : memref<4608xf32, #tpu.memory_space<vmem>>, vector<16xf32>,
    tpu.vector_store %arg6[%swap3A_569], %broadcast_in_dim3A_4 {strides = array<i32>} : memref<4608xf32, #tpu.memory_space<vmem>>, vector<16xf32>,
    %swap3A_571 = arith.constant 3968 : index
    %swap3A_572 = tpu.vector_load %arg6[%swap3A_571] {strides = array<i32>} : memref<4608xf32, #tpu.memory_space<vmem>>, vector<16xf32>,
    tpu.vector_store %arg6[%swap3A_571], %broadcast_in_dim3A_4 {strides = array<i32>} : memref<4608xf32, #tpu.memory_space<vmem>>, vector<16xf32>,
    %swap3A_573 = arith.constant 3984 : index
    %swap3A_574 = tpu.vector_load %arg6[%swap3A_573] {strides = array<i32>} : memref<4608xf32, #tpu.memory_space<vmem>>, vector<16xf32>,
    tpu.vector_store %arg6[%swap3A_573], %broadcast_in_dim3A_4 {strides = array<i32>} : memref<4608xf32, #tpu.memory_space<vmem>>, vector<16xf32>,
    %swap3A_575 = arith.constant 4000 : index
    %swap3A_576 = tpu.vector_load %arg6[%swap3A_575] {strides = array<i32>} : memref<4608xf32, #tpu.memory_space<vmem>>, vector<16xf32>,
    tpu.vector_store %arg6[%swap3A_575], %broadcast_in_dim3A_4 {strides = array<i32>} : memref<4608xf32, #tpu.memory_space<vmem>>, vector<16xf32>,
    %swap3A_577 = arith.constant 4016 : index
    %swap3A_578 = tpu.vector_load %arg6[%swap3A_577] {strides = array<i32>} : memref<4608xf32, #tpu.memory_space<vmem>>, vector<16xf32>,
    tpu.vector_store %arg6[%swap3A_577], %broadcast_in_dim3A_4 {strides = array<i32>} : memref<4608xf32, #tpu.memory_space<vmem>>, vector<16xf32>,
    %swap3A_579 = arith.constant 4032 : index
    %swap3A_580 = tpu.vector_load %arg6[%swap3A_579] {strides = array<i32>} : memref<4608xf32, #tpu.memory_space<vmem>>, vector<16xf32>,
    tpu.vector_store %arg6[%swap3A_579], %broadcast_in_dim3A_4 {strides = array<i32>} : memref<4608xf32, #tpu.memory_space<vmem>>, vector<16xf32>,
    %swap3A_581 = arith.constant 4048 : index
    %swap3A_582 = tpu.vector_load %arg6[%swap3A_581] {strides = array<i32>} : memref<4608xf32, #tpu.memory_space<vmem>>, vector<16xf32>,
    tpu.vector_store %arg6[%swap3A_581], %broadcast_in_dim3A_4 {strides = array<i32>} : memref<4608xf32, #tpu.memory_space<vmem>>, vector<16xf32>,
    %swap3A_583 = arith.constant 4064 : index
    %swap3A_584 = tpu.vector_load %arg6[%swap3A_583] {strides = array<i32>} : memref<4608xf32, #tpu.memory_space<vmem>>, vector<16xf32>,
    tpu.vector_store %arg6[%swap3A_583], %broadcast_in_dim3A_4 {strides = array<i32>} : memref<4608xf32, #tpu.memory_space<vmem>>, vector<16xf32>,
    %swap3A_585 = arith.constant 4080 : index
    %swap3A_586 = tpu.vector_load %arg6[%swap3A_585] {strides = array<i32>} : memref<4608xf32, #tpu.memory_space<vmem>>, vector<16xf32>,
    tpu.vector_store %arg6[%swap3A_585], %broadcast_in_dim3A_4 {strides = array<i32>} : memref<4608xf32, #tpu.memory_space<vmem>>, vector<16xf32>,
    %swap3A_587 = arith.constant 4096 : index
    %swap3A_588 = tpu.vector_load %arg6[%swap3A_587] {strides = array<i32>} : memref<4608xf32, #tpu.memory_space<vmem>>, vector<16xf32>,
    tpu.vector_store %arg6[%swap3A_587], %broadcast_in_dim3A_4 {strides = array<i32>} : memref<4608xf32, #tpu.memory_space<vmem>>, vector<16xf32>,
    %swap3A_589 = arith.constant 4112 : index
    %swap3A_590 = tpu.vector_load %arg6[%swap3A_589] {strides = array<i32>} : memref<4608xf32, #tpu.memory_space<vmem>>, vector<16xf32>,
    tpu.vector_store %arg6[%swap3A_589], %broadcast_in_dim3A_4 {strides = array<i32>} : memref<4608xf32, #tpu.memory_space<vmem>>, vector<16xf32>,
    %swap3A_591 = arith.constant 4128 : index
    %swap3A_592 = tpu.vector_load %arg6[%swap3A_591] {strides = array<i32>} : memref<4608xf32, #tpu.memory_space<vmem>>, vector<16xf32>,
    tpu.vector_store %arg6[%swap3A_591], %broadcast_in_dim3A_4 {strides = array<i32>} : memref<4608xf32, #tpu.memory_space<vmem>>, vector<16xf32>,
    %swap3A_593 = arith.constant 4144 : index
    %swap3A_594 = tpu.vector_load %arg6[%swap3A_593] {strides = array<i32>} : memref<4608xf32, #tpu.memory_space<vmem>>, vector<16xf32>,
    tpu.vector_store %arg6[%swap3A_593], %broadcast_in_dim3A_4 {strides = array<i32>} : memref<4608xf32, #tpu.memory_space<vmem>>, vector<16xf32>,
    %swap3A_595 = arith.constant 4160 : index
    %swap3A_596 = tpu.vector_load %arg6[%swap3A_595] {strides = array<i32>} : memref<4608xf32, #tpu.memory_space<vmem>>, vector<16xf32>,
    tpu.vector_store %arg6[%swap3A_595], %broadcast_in_dim3A_4 {strides = array<i32>} : memref<4608xf32, #tpu.memory_space<vmem>>, vector<16xf32>,
    %swap3A_597 = arith.constant 4176 : index
    %swap3A_598 = tpu.vector_load %arg6[%swap3A_597] {strides = array<i32>} : memref<4608xf32, #tpu.memory_space<vmem>>, vector<16xf32>,
    tpu.vector_store %arg6[%swap3A_597], %broadcast_in_dim3A_4 {strides = array<i32>} : memref<4608xf32, #tpu.memory_space<vmem>>, vector<16xf32>,
    %swap3A_599 = arith.constant 4192 : index
    %swap3A_600 = tpu.vector_load %arg6[%swap3A_599] {strides = array<i32>} : memref<4608xf32, #tpu.memory_space<vmem>>, vector<16xf32>,
    tpu.vector_store %arg6[%swap3A_599], %broadcast_in_dim3A_4 {strides = array<i32>} : memref<4608xf32, #tpu.memory_space<vmem>>, vector<16xf32>,
    %swap3A_601 = arith.constant 4208 : index
    %swap3A_602 = tpu.vector_load %arg6[%swap3A_601] {strides = array<i32>} : memref<4608xf32, #tpu.memory_space<vmem>>, vector<16xf32>,
    tpu.vector_store %arg6[%swap3A_601], %broadcast_in_dim3A_4 {strides = array<i32>} : memref<4608xf32, #tpu.memory_space<vmem>>, vector<16xf32>,
    %swap3A_603 = arith.constant 4224 : index
    %swap3A_604 = tpu.vector_load %arg6[%swap3A_603] {strides = array<i32>} : memref<4608xf32, #tpu.memory_space<vmem>>, vector<16xf32>,
    tpu.vector_store %arg6[%swap3A_603], %broadcast_in_dim3A_4 {strides = array<i32>} : memref<4608xf32, #tpu.memory_space<vmem>>, vector<16xf32>,
    %swap3A_605 = arith.constant 4240 : index
    %swap3A_606 = tpu.vector_load %arg6[%swap3A_605] {strides = array<i32>} : memref<4608xf32, #tpu.memory_space<vmem>>, vector<16xf32>,
    tpu.vector_store %arg6[%swap3A_605], %broadcast_in_dim3A_4 {strides = array<i32>} : memref<4608xf32, #tpu.memory_space<vmem>>, vector<16xf32>,
    %swap3A_607 = arith.constant 4256 : index
    %swap3A_608 = tpu.vector_load %arg6[%swap3A_607] {strides = array<i32>} : memref<4608xf32, #tpu.memory_space<vmem>>, vector<16xf32>,
    tpu.vector_store %arg6[%swap3A_607], %broadcast_in_dim3A_4 {strides = array<i32>} : memref<4608xf32, #tpu.memory_space<vmem>>, vector<16xf32>,
    %swap3A_609 = arith.constant 4272 : index
    %swap3A_610 = tpu.vector_load %arg6[%swap3A_609] {strides = array<i32>} : memref<4608xf32, #tpu.memory_space<vmem>>, vector<16xf32>,
    tpu.vector_store %arg6[%swap3A_609], %broadcast_in_dim3A_4 {strides = array<i32>} : memref<4608xf32, #tpu.memory_space<vmem>>, vector<16xf32>,
    %swap3A_611 = arith.constant 4288 : index
    %swap3A_612 = tpu.vector_load %arg6[%swap3A_611] {strides = array<i32>} : memref<4608xf32, #tpu.memory_space<vmem>>, vector<16xf32>,
    tpu.vector_store %arg6[%swap3A_611], %broadcast_in_dim3A_4 {strides = array<i32>} : memref<4608xf32, #tpu.memory_space<vmem>>, vector<16xf32>,
    %swap3A_613 = arith.constant 4304 : index
    %swap3A_614 = tpu.vector_load %arg6[%swap3A_613] {strides = array<i32>} : memref<4608xf32, #tpu.memory_space<vmem>>, vector<16xf32>,
    tpu.vector_store %arg6[%swap3A_613], %broadcast_in_dim3A_4 {strides = array<i32>} : memref<4608xf32, #tpu.memory_space<vmem>>, vector<16xf32>,
    %swap3A_615 = arith.constant 4320 : index
    %swap3A_616 = tpu.vector_load %arg6[%swap3A_615] {strides = array<i32>} : memref<4608xf32, #tpu.memory_space<vmem>>, vector<16xf32>,
    tpu.vector_store %arg6[%swap3A_615], %broadcast_in_dim3A_4 {strides = array<i32>} : memref<4608xf32, #tpu.memory_space<vmem>>, vector<16xf32>,
    %swap3A_617 = arith.constant 4336 : index
    %swap3A_618 = tpu.vector_load %arg6[%swap3A_617] {strides = array<i32>} : memref<4608xf32, #tpu.memory_space<vmem>>, vector<16xf32>,
    tpu.vector_store %arg6[%swap3A_617], %broadcast_in_dim3A_4 {strides = array<i32>} : memref<4608xf32, #tpu.memory_space<vmem>>, vector<16xf32>,
    %swap3A_619 = arith.constant 4352 : index
    %swap3A_620 = tpu.vector_load %arg6[%swap3A_619] {strides = array<i32>} : memref<4608xf32, #tpu.memory_space<vmem>>, vector<16xf32>,
    tpu.vector_store %arg6[%swap3A_619], %broadcast_in_dim3A_4 {strides = array<i32>} : memref<4608xf32, #tpu.memory_space<vmem>>, vector<16xf32>,
    %swap3A_621 = arith.constant 4368 : index
    %swap3A_622 = tpu.vector_load %arg6[%swap3A_621] {strides = array<i32>} : memref<4608xf32, #tpu.memory_space<vmem>>, vector<16xf32>,
    tpu.vector_store %arg6[%swap3A_621], %broadcast_in_dim3A_4 {strides = array<i32>} : memref<4608xf32, #tpu.memory_space<vmem>>, vector<16xf32>,
    %swap3A_623 = arith.constant 4384 : index
    %swap3A_624 = tpu.vector_load %arg6[%swap3A_623] {strides = array<i32>} : memref<4608xf32, #tpu.memory_space<vmem>>, vector<16xf32>,
    tpu.vector_store %arg6[%swap3A_623], %broadcast_in_dim3A_4 {strides = array<i32>} : memref<4608xf32, #tpu.memory_space<vmem>>, vector<16xf32>,
    %swap3A_625 = arith.constant 4400 : index
    %swap3A_626 = tpu.vector_load %arg6[%swap3A_625] {strides = array<i32>} : memref<4608xf32, #tpu.memory_space<vmem>>, vector<16xf32>,
    tpu.vector_store %arg6[%swap3A_625], %broadcast_in_dim3A_4 {strides = array<i32>} : memref<4608xf32, #tpu.memory_space<vmem>>, vector<16xf32>,
    %swap3A_627 = arith.constant 4416 : index
    %swap3A_628 = tpu.vector_load %arg6[%swap3A_627] {strides = array<i32>} : memref<4608xf32, #tpu.memory_space<vmem>>, vector<16xf32>,
    tpu.vector_store %arg6[%swap3A_627], %broadcast_in_dim3A_4 {strides = array<i32>} : memref<4608xf32, #tpu.memory_space<vmem>>, vector<16xf32>,
    %swap3A_629 = arith.constant 4432 : index
    %swap3A_630 = tpu.vector_load %arg6[%swap3A_629] {strides = array<i32>} : memref<4608xf32, #tpu.memory_space<vmem>>, vector<16xf32>,
    tpu.vector_store %arg6[%swap3A_629], %broadcast_in_dim3A_4 {strides = array<i32>} : memref<4608xf32, #tpu.memory_space<vmem>>, vector<16xf32>,
    %swap3A_631 = arith.constant 4448 : index
    %swap3A_632 = tpu.vector_load %arg6[%swap3A_631] {strides = array<i32>} : memref<4608xf32, #tpu.memory_space<vmem>>, vector<16xf32>,
    tpu.vector_store %arg6[%swap3A_631], %broadcast_in_dim3A_4 {strides = array<i32>} : memref<4608xf32, #tpu.memory_space<vmem>>, vector<16xf32>,
    %swap3A_633 = arith.constant 4464 : index
    %swap3A_634 = tpu.vector_load %arg6[%swap3A_633] {strides = array<i32>} : memref<4608xf32, #tpu.memory_space<vmem>>, vector<16xf32>,
    tpu.vector_store %arg6[%swap3A_633], %broadcast_in_dim3A_4 {strides = array<i32>} : memref<4608xf32, #tpu.memory_space<vmem>>, vector<16xf32>,
    %swap3A_635 = arith.constant 4480 : index
    %swap3A_636 = tpu.vector_load %arg6[%swap3A_635] {strides = array<i32>} : memref<4608xf32, #tpu.memory_space<vmem>>, vector<16xf32>,
    tpu.vector_store %arg6[%swap3A_635], %broadcast_in_dim3A_4 {strides = array<i32>} : memref<4608xf32, #tpu.memory_space<vmem>>, vector<16xf32>,
    %swap3A_637 = arith.constant 4496 : index
    %swap3A_638 = tpu.vector_load %arg6[%swap3A_637] {strides = array<i32>} : memref<4608xf32, #tpu.memory_space<vmem>>, vector<16xf32>,
    tpu.vector_store %arg6[%swap3A_637], %broadcast_in_dim3A_4 {strides = array<i32>} : memref<4608xf32, #tpu.memory_space<vmem>>, vector<16xf32>,
    %swap3A_639 = arith.constant 4512 : index
    %swap3A_640 = tpu.vector_load %arg6[%swap3A_639] {strides = array<i32>} : memref<4608xf32, #tpu.memory_space<vmem>>, vector<16xf32>,
    tpu.vector_store %arg6[%swap3A_639], %broadcast_in_dim3A_4 {strides = array<i32>} : memref<4608xf32, #tpu.memory_space<vmem>>, vector<16xf32>,
    %swap3A_641 = arith.constant 4528 : index
    %swap3A_642 = tpu.vector_load %arg6[%swap3A_641] {strides = array<i32>} : memref<4608xf32, #tpu.memory_space<vmem>>, vector<16xf32>,
    tpu.vector_store %arg6[%swap3A_641], %broadcast_in_dim3A_4 {strides = array<i32>} : memref<4608xf32, #tpu.memory_space<vmem>>, vector<16xf32>,
    %swap3A_643 = arith.constant 4544 : index
    %swap3A_644 = tpu.vector_load %arg6[%swap3A_643] {strides = array<i32>} : memref<4608xf32, #tpu.memory_space<vmem>>, vector<16xf32>,
    tpu.vector_store %arg6[%swap3A_643], %broadcast_in_dim3A_4 {strides = array<i32>} : memref<4608xf32, #tpu.memory_space<vmem>>, vector<16xf32>,
    %swap3A_645 = arith.constant 4560 : index
    %swap3A_646 = tpu.vector_load %arg6[%swap3A_645] {strides = array<i32>} : memref<4608xf32, #tpu.memory_space<vmem>>, vector<16xf32>,
    tpu.vector_store %arg6[%swap3A_645], %broadcast_in_dim3A_4 {strides = array<i32>} : memref<4608xf32, #tpu.memory_space<vmem>>, vector<16xf32>,
    %swap3A_647 = arith.constant 4576 : index
    %swap3A_648 = tpu.vector_load %arg6[%swap3A_647] {strides = array<i32>} : memref<4608xf32, #tpu.memory_space<vmem>>, vector<16xf32>,
    tpu.vector_store %arg6[%swap3A_647], %broadcast_in_dim3A_4 {strides = array<i32>} : memref<4608xf32, #tpu.memory_space<vmem>>, vector<16xf32>,
    %swap3A_649 = arith.constant 4592 : index
    %swap3A_650 = tpu.vector_load %arg6[%swap3A_649] {strides = array<i32>} : memref<4608xf32, #tpu.memory_space<vmem>>, vector<16xf32>,
    tpu.vector_store %arg6[%swap3A_649], %broadcast_in_dim3A_4 {strides = array<i32>} : memref<4608xf32, #tpu.memory_space<vmem>>, vector<16xf32>,
    %mul3A_651 = arith.constant 7 : i32
    %mul3A_652 = arith.muli %add3A, %mul3A_651 : i32
    %jit3A = arith.constant 56 : i32
    %div3A = arith.divsi %mul3A_652, %jit3A : i32
    %sign3A = arith.constant 0 : i32
    %sign3A_653 = arith.cmpi sgt, %mul3A_652, %sign3A : i32
    %sign3A_654 = arith.extui %sign3A_653 : i1 to i32
    %sign3A_655 = arith.constant 0 : i32
    %sign3A_656 = arith.cmpi slt, %mul3A_652, %sign3A_655 : i32
    %sign3A_657 = arith.extui %sign3A_656 : i1 to i32
    %sign3A_658 = arith.subi %sign3A_654, %sign3A_657 : i32
    %sign3A_659 = arith.constant 0 : i32
    %sign3A_660 = arith.cmpi sgt, %jit3A, %sign3A_659 : i32
    %sign3A_661 = arith.extui %sign3A_660 : i1 to i32
    %sign3A_662 = arith.constant 0 : i32
    %sign3A_663 = arith.cmpi slt, %jit3A, %sign3A_662 : i32
    %sign3A_664 = arith.extui %sign3A_663 : i1 to i32
    %sign3A_665 = arith.subi %sign3A_661, %sign3A_664 : i32
    %ne3A = arith.cmpi ne, %sign3A_658, %sign3A_665 : i32
    %rem3A = arith.remsi %mul3A_652, %jit3A : i32
    %ne3A_666 = arith.constant 0 : i32
    %ne3A_667 = arith.cmpi ne, %rem3A, %ne3A_666 : i32
    %and3A = arith.andi %ne3A, %ne3A_667 : i1
    %sub3A = arith.constant 1 : i32
    %sub3A_668 = arith.subi %div3A, %sub3A : i32
    %select_n3A = arith.select %and3A, %sub3A_668, %div3A : i32
    %mul3A_669 = arith.constant 56 : i32
    %mul3A_670 = arith.muli %select_n3A, %mul3A_669 : i32
    %sub3A_671 = arith.subi %mul3A_652, %mul3A_670 : i32
    %jit3A_672 = arith.constant 2 : i32
    %div3A_673 = arith.divsi %sub3A_671, %jit3A_672 : i32
    %sign3A_674 = arith.constant 0 : i32
    %sign3A_675 = arith.cmpi sgt, %sub3A_671, %sign3A_674 : i32
    %sign3A_676 = arith.extui %sign3A_675 : i1 to i32
    %sign3A_677 = arith.constant 0 : i32
    %sign3A_678 = arith.cmpi slt, %sub3A_671, %sign3A_677 : i32
    %sign3A_679 = arith.extui %sign3A_678 : i1 to i32
    %sign3A_680 = arith.subi %sign3A_676, %sign3A_679 : i32
    %sign3A_681 = arith.constant 0 : i32
    %sign3A_682 = arith.cmpi sgt, %jit3A_672, %sign3A_681 : i32
    %sign3A_683 = arith.extui %sign3A_682 : i1 to i32
    %sign3A_684 = arith.constant 0 : i32
    %sign3A_685 = arith.cmpi slt, %jit3A_672, %sign3A_684 : i32
    %sign3A_686 = arith.extui %sign3A_685 : i1 to i32
    %sign3A_687 = arith.subi %sign3A_683, %sign3A_686 : i32
    %ne3A_688 = arith.cmpi ne, %sign3A_680, %sign3A_687 : i32
    %rem3A_689 = arith.remsi %sub3A_671, %jit3A_672 : i32
    %ne3A_690 = arith.constant 0 : i32
    %ne3A_691 = arith.cmpi ne, %rem3A_689, %ne3A_690 : i32
    %and3A_692 = arith.andi %ne3A_688, %ne3A_691 : i1
    %sub3A_693 = arith.constant 1 : i32
    %sub3A_694 = arith.subi %div3A_673, %sub3A_693 : i32
    %select_n3A_695 = arith.select %and3A_692, %sub3A_694, %div3A_673 : i32
    %mul3A_696 = arith.constant 2 : i32
    %mul3A_697 = arith.muli %select_n3A_695, %mul3A_696 : i32
    %sub3A_698 = arith.subi %sub3A_671, %mul3A_697 : i32
    %jit3A_699 = arith.constant 2 : i32
    %div3A_700 = arith.divsi %select_n3A, %jit3A_699 : i32
    %sign3A_701 = arith.constant 0 : i32
    %sign3A_702 = arith.cmpi sgt, %select_n3A, %sign3A_701 : i32
    %sign3A_703 = arith.extui %sign3A_702 : i1 to i32
    %sign3A_704 = arith.constant 0 : i32
    %sign3A_705 = arith.cmpi slt, %select_n3A, %sign3A_704 : i32
    %sign3A_706 = arith.extui %sign3A_705 : i1 to i32
    %sign3A_707 = arith.subi %sign3A_703, %sign3A_706 : i32
    %sign3A_708 = arith.constant 0 : i32
    %sign3A_709 = arith.cmpi sgt, %jit3A_699, %sign3A_708 : i32
    %sign3A_710 = arith.extui %sign3A_709 : i1 to i32
    %sign3A_711 = arith.constant 0 : i32
    %sign3A_712 = arith.cmpi slt, %jit3A_699, %sign3A_711 : i32
    %sign3A_713 = arith.extui %sign3A_712 : i1 to i32
    %sign3A_714 = arith.subi %sign3A_710, %sign3A_713 : i32
    %ne3A_715 = arith.cmpi ne, %sign3A_707, %sign3A_714 : i32
    %rem3A_716 = arith.remsi %select_n3A, %jit3A_699 : i32
    %ne3A_717 = arith.constant 0 : i32
    %ne3A_718 = arith.cmpi ne, %rem3A_716, %ne3A_717 : i32
    %and3A_719 = arith.andi %ne3A_715, %ne3A_718 : i1
    %sub3A_720 = arith.constant 1 : i32
    %sub3A_721 = arith.subi %div3A_700, %sub3A_720 : i32
    %select_n3A_722 = arith.select %and3A_719, %sub3A_721, %div3A_700 : i32
    %jit3A_723 = arith.constant 2 : i32
    %eq3A = arith.constant 0 : i32
    %eq3A_724 = arith.cmpi eq, %jit3A_723, %eq3A : i32
    %jit3A_725 = arith.constant 1 : i32
    %select_n3A_726 = arith.select %eq3A_724, %jit3A_725, %jit3A_723 : i32
    %rem3A_727 = arith.remsi %select_n3A, %select_n3A_726 : i32
    %ne3A_728 = arith.constant 0 : i32
    %ne3A_729 = arith.cmpi ne, %rem3A_727, %ne3A_728 : i32
    %lt3A = arith.constant 0 : i32
    %lt3A_730 = arith.cmpi slt, %rem3A_727, %lt3A : i32
    %lt3A_731 = arith.constant 0 : i32
    %lt3A_732 = arith.cmpi slt, %select_n3A_726, %lt3A_731 : i32
    %ne3A_733 = arith.xori %lt3A_730, %lt3A_732 : i1
    %and3A_734 = arith.andi %ne3A_733, %ne3A_729 : i1
    %add3A_735 = arith.addi %rem3A_727, %select_n3A_726 : i32
    %select_n3A_736 = arith.select %and3A_734, %add3A_735, %rem3A_727 : i32
    %mul3A_737 = arith.constant 8 : i32
    %mul3A_738 = arith.muli %select_n3A_695, %mul3A_737 : i32
    %mul3A_739 = arith.constant 112 : i32
    %mul3A_740 = arith.muli %sub3A_698, %mul3A_739 : i32
    %dma_start3A = arith.constant 0 : i32
    %dma_start3A_741 = arith.constant 0 : i32
    %dma_start3A_742 = arith.constant 0 : i32
    %dma_start3A_743 = arith.constant 0 : i32
    %dma_start3A_744 = tpu.memref_slice %arg4[%dma_start3A_741, %dma_start3A_742, %dma_start3A_743] : memref<2x8x112xf32, #tpu.memory_space<vmem>> -> memref<1x8x112xf32, #tpu.memory_space<vmem>>
    %dma_start3A_745 = tpu.memref_squeeze %dma_start3A_744 : memref<1x8x112xf32, #tpu.memory_space<vmem>> -> memref<8x112xf32, #tpu.memory_space<vmem>>
    %dma_start3A_746 = tpu.memref_slice %arg2[%select_n3A_722, %select_n3A_736, %dma_start3A, %mul3A_738, %mul3A_740] : memref<2x2x1x224x224xf32, #tpu.memory_space<hbm>> -> memref<1x1x1x8x112xf32, #tpu.memory_space<hbm>>
    %dma_start3A_747 = tpu.memref_squeeze %dma_start3A_746 : memref<1x1x1x8x112xf32, #tpu.memory_space<hbm>> -> memref<8x112xf32, #tpu.memory_space<hbm>>
    %dma_start3A_748 = arith.constant 0 : i32
    %dma_start3A_749 = arith.constant 0 : i32
    %dma_start3A_750 = tpu.memref_slice %arg4[%dma_start3A_741, %dma_start3A_748, %dma_start3A_749] : memref<2x8x112xf32, #tpu.memory_space<vmem>> -> memref<1x8x112xf32, #tpu.memory_space<vmem>>
    %dma_start3A_751 = tpu.memref_squeeze %dma_start3A_750 : memref<1x8x112xf32, #tpu.memory_space<vmem>> -> memref<8x112xf32, #tpu.memory_space<vmem>>
    %dma_start3A_752 = tpu.memref_slice %arg2[%select_n3A_722, %select_n3A_736, %dma_start3A, %mul3A_738, %mul3A_740] : memref<2x2x1x224x224xf32, #tpu.memory_space<hbm>> -> memref<1x1x1x8x112xf32, #tpu.memory_space<hbm>>
    %dma_start3A_753 = tpu.memref_squeeze %dma_start3A_752 : memref<1x1x1x8x112xf32, #tpu.memory_space<hbm>> -> memref<8x112xf32, #tpu.memory_space<hbm>>
    tpu.enqueue_dma source(%dma_start3A_753 : memref<8x112xf32, #tpu.memory_space<hbm>>) target(%dma_start3A_751 : memref<8x112xf32, #tpu.memory_space<vmem>>) target_semaphore(%arg8 : memref<!tpu.dma_semaphore, #tpu.memory_space<semaphore_mem>>)
    %scan3A = arith.constant 0 : i32
    %scan3A_754 = arith.constant 0 : i32
    %scan3A_755 = arith.constant 0 : i32
    %scan3A_756 = arith.constant 0 : i32
    %scan3A_757 = arith.constant 0 : i32
    %scan3A_758 = arith.constant 7 : i32
    %scan3A_759 = arith.addi %scan3A_757, %scan3A_758 : i32
    %scan3A_760 = arith.constant 1 : i32
    scf.for %scan3A_880 = %scan3A_757 to %scan3A_759 step %scan3A_760  : i32 {
      %mul3A_881 = arith.constant 7 : i32
      %mul3A_882 = arith.muli %add3A, %mul3A_881 : i32
      %add3A_883 = arith.addi %mul3A_882, %scan3A_880 : i32
      %jit3A_884 = arith.constant 2 : i32
      %eq3A_885 = arith.constant 0 : i32
      %eq3A_886 = arith.cmpi eq, %jit3A_884, %eq3A_885 : i32
      %jit3A_887 = arith.constant 1 : i32
      %select_n3A_888 = arith.select %eq3A_886, %jit3A_887, %jit3A_884 : i32
      %rem3A_889 = arith.remsi %scan3A_880, %select_n3A_888 : i32
      %ne3A_890 = arith.constant 0 : i32
      %ne3A_891 = arith.cmpi ne, %rem3A_889, %ne3A_890 : i32
      %lt3A_892 = arith.constant 0 : i32
      %lt3A_893 = arith.cmpi slt, %rem3A_889, %lt3A_892 : i32
      %lt3A_894 = arith.constant 0 : i32
      %lt3A_895 = arith.cmpi slt, %select_n3A_888, %lt3A_894 : i32
      %ne3A_896 = arith.xori %lt3A_893, %lt3A_895 : i1
      %and3A_897 = arith.andi %ne3A_896, %ne3A_891 : i1
      %add3A_898 = arith.addi %rem3A_889, %select_n3A_888 : i32
      %select_n3A_899 = arith.select %and3A_897, %add3A_898, %rem3A_889 : i32
      %add3A_900 = arith.constant 1 : i32
      %add3A_901 = arith.addi %scan3A_880, %add3A_900 : i32
      %lt3A_902 = arith.constant 7 : i32
      %lt3A_903 = arith.cmpi slt, %add3A_901, %lt3A_902 : i32
      %jit3A_904 = arith.constant 2 : i32
      %eq3A_905 = arith.constant 0 : i32
      %eq3A_906 = arith.cmpi eq, %jit3A_904, %eq3A_905 : i32
      %jit3A_907 = arith.constant 1 : i32
      %select_n3A_908 = arith.select %eq3A_906, %jit3A_907, %jit3A_904 : i32
      %rem3A_909 = arith.remsi %add3A_901, %select_n3A_908 : i32
      %ne3A_910 = arith.constant 0 : i32
      %ne3A_911 = arith.cmpi ne, %rem3A_909, %ne3A_910 : i32
      %lt3A_912 = arith.constant 0 : i32
      %lt3A_913 = arith.cmpi slt, %rem3A_909, %lt3A_912 : i32
      %lt3A_914 = arith.constant 0 : i32
      %lt3A_915 = arith.cmpi slt, %select_n3A_908, %lt3A_914 : i32
      %ne3A_916 = arith.xori %lt3A_913, %lt3A_915 : i1
      %and3A_917 = arith.andi %ne3A_916, %ne3A_911 : i1
      %add3A_918 = arith.addi %rem3A_909, %select_n3A_908 : i32
      %select_n3A_919 = arith.select %and3A_917, %add3A_918, %rem3A_909 : i32
      %eq3A_920 = arith.constant 0 : i32
      %eq3A_921 = arith.cmpi eq, %select_n3A_919, %eq3A_920 : i32
      %and3A_922 = arith.andi %lt3A_903, %eq3A_921 : i1
      %convert_element_type3A = arith.extui %and3A_922 : i1 to i32
      %cond3A = arith.constant 0 : i32
      %cond3A_923 = arith.cmpi ne, %convert_element_type3A, %cond3A : i32
      scf.if %cond3A_923 {
        %add3A_988 = arith.constant 1 : i32
        %add3A_989 = arith.addi %add3A_883, %add3A_988 : i32
        %jit3A_990 = arith.constant 56 : i32
        %div3A_991 = arith.divsi %add3A_989, %jit3A_990 : i32
        %sign3A_992 = arith.constant 0 : i32
        %sign3A_993 = arith.cmpi sgt, %add3A_989, %sign3A_992 : i32
        %sign3A_994 = arith.extui %sign3A_993 : i1 to i32
        %sign3A_995 = arith.constant 0 : i32
        %sign3A_996 = arith.cmpi slt, %add3A_989, %sign3A_995 : i32
        %sign3A_997 = arith.extui %sign3A_996 : i1 to i32
        %sign3A_998 = arith.subi %sign3A_994, %sign3A_997 : i32
        %sign3A_999 = arith.constant 0 : i32
        %sign3A_1000 = arith.cmpi sgt, %jit3A_990, %sign3A_999 : i32
        %sign3A_1001 = arith.extui %sign3A_1000 : i1 to i32
        %sign3A_1002 = arith.constant 0 : i32
        %sign3A_1003 = arith.cmpi slt, %jit3A_990, %sign3A_1002 : i32
        %sign3A_1004 = arith.extui %sign3A_1003 : i1 to i32
        %sign3A_1005 = arith.subi %sign3A_1001, %sign3A_1004 : i32
        %ne3A_1006 = arith.cmpi ne, %sign3A_998, %sign3A_1005 : i32
        %rem3A_1007 = arith.remsi %add3A_989, %jit3A_990 : i32
        %ne3A_1008 = arith.constant 0 : i32
        %ne3A_1009 = arith.cmpi ne, %rem3A_1007, %ne3A_1008 : i32
        %and3A_1010 = arith.andi %ne3A_1006, %ne3A_1009 : i1
        %sub3A_1011 = arith.constant 1 : i32
        %sub3A_1012 = arith.subi %div3A_991, %sub3A_1011 : i32
        %select_n3A_1013 = arith.select %and3A_1010, %sub3A_1012, %div3A_991 : i32
        %mul3A_1014 = arith.constant 56 : i32
        %mul3A_1015 = arith.muli %select_n3A_1013, %mul3A_1014 : i32
        %sub3A_1016 = arith.subi %add3A_989, %mul3A_1015 : i32
        %jit3A_1017 = arith.constant 2 : i32
        %div3A_1018 = arith.divsi %sub3A_1016, %jit3A_1017 : i32
        %sign3A_1019 = arith.constant 0 : i32
        %sign3A_1020 = arith.cmpi sgt, %sub3A_1016, %sign3A_1019 : i32
        %sign3A_1021 = arith.extui %sign3A_1020 : i1 to i32
        %sign3A_1022 = arith.constant 0 : i32
        %sign3A_1023 = arith.cmpi slt, %sub3A_1016, %sign3A_1022 : i32
        %sign3A_1024 = arith.extui %sign3A_1023 : i1 to i32
        %sign3A_1025 = arith.subi %sign3A_1021, %sign3A_1024 : i32
        %sign3A_1026 = arith.constant 0 : i32
        %sign3A_1027 = arith.cmpi sgt, %jit3A_1017, %sign3A_1026 : i32
        %sign3A_1028 = arith.extui %sign3A_1027 : i1 to i32
        %sign3A_1029 = arith.constant 0 : i32
        %sign3A_1030 = arith.cmpi slt, %jit3A_1017, %sign3A_1029 : i32
        %sign3A_1031 = arith.extui %sign3A_1030 : i1 to i32
        %sign3A_1032 = arith.subi %sign3A_1028, %sign3A_1031 : i32
        %ne3A_1033 = arith.cmpi ne, %sign3A_1025, %sign3A_1032 : i32
        %rem3A_1034 = arith.remsi %sub3A_1016, %jit3A_1017 : i32
        %ne3A_1035 = arith.constant 0 : i32
        %ne3A_1036 = arith.cmpi ne, %rem3A_1034, %ne3A_1035 : i32
        %and3A_1037 = arith.andi %ne3A_1033, %ne3A_1036 : i1
        %sub3A_1038 = arith.constant 1 : i32
        %sub3A_1039 = arith.subi %div3A_1018, %sub3A_1038 : i32
        %select_n3A_1040 = arith.select %and3A_1037, %sub3A_1039, %div3A_1018 : i32
        %mul3A_1041 = arith.constant 2 : i32
        %mul3A_1042 = arith.muli %select_n3A_1040, %mul3A_1041 : i32
        %sub3A_1043 = arith.subi %sub3A_1016, %mul3A_1042 : i32
        %jit3A_1044 = arith.constant 2 : i32
        %div3A_1045 = arith.divsi %select_n3A_1013, %jit3A_1044 : i32
        %sign3A_1046 = arith.constant 0 : i32
        %sign3A_1047 = arith.cmpi sgt, %select_n3A_1013, %sign3A_1046 : i32
        %sign3A_1048 = arith.extui %sign3A_1047 : i1 to i32
        %sign3A_1049 = arith.constant 0 : i32
        %sign3A_1050 = arith.cmpi slt, %select_n3A_1013, %sign3A_1049 : i32
        %sign3A_1051 = arith.extui %sign3A_1050 : i1 to i32
        %sign3A_1052 = arith.subi %sign3A_1048, %sign3A_1051 : i32
        %sign3A_1053 = arith.constant 0 : i32
        %sign3A_1054 = arith.cmpi sgt, %jit3A_1044, %sign3A_1053 : i32
        %sign3A_1055 = arith.extui %sign3A_1054 : i1 to i32
        %sign3A_1056 = arith.constant 0 : i32
        %sign3A_1057 = arith.cmpi slt, %jit3A_1044, %sign3A_1056 : i32
        %sign3A_1058 = arith.extui %sign3A_1057 : i1 to i32
        %sign3A_1059 = arith.subi %sign3A_1055, %sign3A_1058 : i32
        %ne3A_1060 = arith.cmpi ne, %sign3A_1052, %sign3A_1059 : i32
        %rem3A_1061 = arith.remsi %select_n3A_1013, %jit3A_1044 : i32
        %ne3A_1062 = arith.constant 0 : i32
        %ne3A_1063 = arith.cmpi ne, %rem3A_1061, %ne3A_1062 : i32
        %and3A_1064 = arith.andi %ne3A_1060, %ne3A_1063 : i1
        %sub3A_1065 = arith.constant 1 : i32
        %sub3A_1066 = arith.subi %div3A_1045, %sub3A_1065 : i32
        %select_n3A_1067 = arith.select %and3A_1064, %sub3A_1066, %div3A_1045 : i32
        %jit3A_1068 = arith.constant 2 : i32
        %eq3A_1069 = arith.constant 0 : i32
        %eq3A_1070 = arith.cmpi eq, %jit3A_1068, %eq3A_1069 : i32
        %jit3A_1071 = arith.constant 1 : i32
        %select_n3A_1072 = arith.select %eq3A_1070, %jit3A_1071, %jit3A_1068 : i32
        %rem3A_1073 = arith.remsi %select_n3A_1013, %select_n3A_1072 : i32
        %ne3A_1074 = arith.constant 0 : i32
        %ne3A_1075 = arith.cmpi ne, %rem3A_1073, %ne3A_1074 : i32
        %lt3A_1076 = arith.constant 0 : i32
        %lt3A_1077 = arith.cmpi slt, %rem3A_1073, %lt3A_1076 : i32
        %lt3A_1078 = arith.constant 0 : i32
        %lt3A_1079 = arith.cmpi slt, %select_n3A_1072, %lt3A_1078 : i32
        %ne3A_1080 = arith.xori %lt3A_1077, %lt3A_1079 : i1
        %and3A_1081 = arith.andi %ne3A_1080, %ne3A_1075 : i1
        %add3A_1082 = arith.addi %rem3A_1073, %select_n3A_1072 : i32
        %select_n3A_1083 = arith.select %and3A_1081, %add3A_1082, %rem3A_1073 : i32
        %mul3A_1084 = arith.constant 8 : i32
        %mul3A_1085 = arith.muli %select_n3A_1040, %mul3A_1084 : i32
        %mul3A_1086 = arith.constant 112 : i32
        %mul3A_1087 = arith.muli %sub3A_1043, %mul3A_1086 : i32
        %dma_start3A_1088 = arith.constant 0 : i32
        %dma_start3A_1089 = arith.constant 0 : i32
        %dma_start3A_1090 = arith.constant 0 : i32
        %dma_start3A_1091 = arith.constant 0 : i32
        %dma_start3A_1092 = tpu.memref_slice %arg4[%dma_start3A_1089, %dma_start3A_1090, %dma_start3A_1091] : memref<2x8x112xf32, #tpu.memory_space<vmem>> -> memref<1x8x112xf32, #tpu.memory_space<vmem>>
        %dma_start3A_1093 = tpu.memref_squeeze %dma_start3A_1092 : memref<1x8x112xf32, #tpu.memory_space<vmem>> -> memref<8x112xf32, #tpu.memory_space<vmem>>
        %dma_start3A_1094 = tpu.memref_slice %arg2[%select_n3A_1067, %select_n3A_1083, %dma_start3A_1088, %mul3A_1085, %mul3A_1087] : memref<2x2x1x224x224xf32, #tpu.memory_space<hbm>> -> memref<1x1x1x8x112xf32, #tpu.memory_space<hbm>>
        %dma_start3A_1095 = tpu.memref_squeeze %dma_start3A_1094 : memref<1x1x1x8x112xf32, #tpu.memory_space<hbm>> -> memref<8x112xf32, #tpu.memory_space<hbm>>
        %dma_start3A_1096 = arith.constant 0 : i32
        %dma_start3A_1097 = arith.constant 0 : i32
        %dma_start3A_1098 = tpu.memref_slice %arg4[%dma_start3A_1089, %dma_start3A_1096, %dma_start3A_1097] : memref<2x8x112xf32, #tpu.memory_space<vmem>> -> memref<1x8x112xf32, #tpu.memory_space<vmem>>
        %dma_start3A_1099 = tpu.memref_squeeze %dma_start3A_1098 : memref<1x8x112xf32, #tpu.memory_space<vmem>> -> memref<8x112xf32, #tpu.memory_space<vmem>>
        %dma_start3A_1100 = tpu.memref_slice %arg2[%select_n3A_1067, %select_n3A_1083, %dma_start3A_1088, %mul3A_1085, %mul3A_1087] : memref<2x2x1x224x224xf32, #tpu.memory_space<hbm>> -> memref<1x1x1x8x112xf32, #tpu.memory_space<hbm>>
        %dma_start3A_1101 = tpu.memref_squeeze %dma_start3A_1100 : memref<1x1x1x8x112xf32, #tpu.memory_space<hbm>> -> memref<8x112xf32, #tpu.memory_space<hbm>>
        tpu.enqueue_dma source(%dma_start3A_1101 : memref<8x112xf32, #tpu.memory_space<hbm>>) target(%dma_start3A_1099 : memref<8x112xf32, #tpu.memory_space<vmem>>) target_semaphore(%arg8 : memref<!tpu.dma_semaphore, #tpu.memory_space<semaphore_mem>>)
      } else {
      }
      %lt3A_924 = arith.constant 7 : i32
      %lt3A_925 = arith.cmpi slt, %add3A_901, %lt3A_924 : i32
      %jit3A_926 = arith.constant 2 : i32
      %eq3A_927 = arith.constant 0 : i32
      %eq3A_928 = arith.cmpi eq, %jit3A_926, %eq3A_927 : i32
      %jit3A_929 = arith.constant 1 : i32
      %select_n3A_930 = arith.select %eq3A_928, %jit3A_929, %jit3A_926 : i32
      %rem3A_931 = arith.remsi %add3A_901, %select_n3A_930 : i32
      %ne3A_932 = arith.constant 0 : i32
      %ne3A_933 = arith.cmpi ne, %rem3A_931, %ne3A_932 : i32
      %lt3A_934 = arith.constant 0 : i32
      %lt3A_935 = arith.cmpi slt, %rem3A_931, %lt3A_934 : i32
      %lt3A_936 = arith.constant 0 : i32
      %lt3A_937 = arith.cmpi slt, %select_n3A_930, %lt3A_936 : i32
      %ne3A_938 = arith.xori %lt3A_935, %lt3A_937 : i1
      %and3A_939 = arith.andi %ne3A_938, %ne3A_933 : i1
      %add3A_940 = arith.addi %rem3A_931, %select_n3A_930 : i32
      %select_n3A_941 = arith.select %and3A_939, %add3A_940, %rem3A_931 : i32
      %eq3A_942 = arith.constant 1 : i32
      %eq3A_943 = arith.cmpi eq, %select_n3A_941, %eq3A_942 : i32
      %and3A_944 = arith.andi %lt3A_925, %eq3A_943 : i1
      %convert_element_type3A_945 = arith.extui %and3A_944 : i1 to i32
      %cond3A_946 = arith.constant 0 : i32
      %cond3A_947 = arith.cmpi ne, %convert_element_type3A_945, %cond3A_946 : i32
      scf.if %cond3A_947 {
        %add3A_988 = arith.constant 1 : i32
        %add3A_989 = arith.addi %add3A_883, %add3A_988 : i32
        %jit3A_990 = arith.constant 56 : i32
        %div3A_991 = arith.divsi %add3A_989, %jit3A_990 : i32
        %sign3A_992 = arith.constant 0 : i32
        %sign3A_993 = arith.cmpi sgt, %add3A_989, %sign3A_992 : i32
        %sign3A_994 = arith.extui %sign3A_993 : i1 to i32
        %sign3A_995 = arith.constant 0 : i32
        %sign3A_996 = arith.cmpi slt, %add3A_989, %sign3A_995 : i32
        %sign3A_997 = arith.extui %sign3A_996 : i1 to i32
        %sign3A_998 = arith.subi %sign3A_994, %sign3A_997 : i32
        %sign3A_999 = arith.constant 0 : i32
        %sign3A_1000 = arith.cmpi sgt, %jit3A_990, %sign3A_999 : i32
        %sign3A_1001 = arith.extui %sign3A_1000 : i1 to i32
        %sign3A_1002 = arith.constant 0 : i32
        %sign3A_1003 = arith.cmpi slt, %jit3A_990, %sign3A_1002 : i32
        %sign3A_1004 = arith.extui %sign3A_1003 : i1 to i32
        %sign3A_1005 = arith.subi %sign3A_1001, %sign3A_1004 : i32
        %ne3A_1006 = arith.cmpi ne, %sign3A_998, %sign3A_1005 : i32
        %rem3A_1007 = arith.remsi %add3A_989, %jit3A_990 : i32
        %ne3A_1008 = arith.constant 0 : i32
        %ne3A_1009 = arith.cmpi ne, %rem3A_1007, %ne3A_1008 : i32
        %and3A_1010 = arith.andi %ne3A_1006, %ne3A_1009 : i1
        %sub3A_1011 = arith.constant 1 : i32
        %sub3A_1012 = arith.subi %div3A_991, %sub3A_1011 : i32
        %select_n3A_1013 = arith.select %and3A_1010, %sub3A_1012, %div3A_991 : i32
        %mul3A_1014 = arith.constant 56 : i32
        %mul3A_1015 = arith.muli %select_n3A_1013, %mul3A_1014 : i32
        %sub3A_1016 = arith.subi %add3A_989, %mul3A_1015 : i32
        %jit3A_1017 = arith.constant 2 : i32
        %div3A_1018 = arith.divsi %sub3A_1016, %jit3A_1017 : i32
        %sign3A_1019 = arith.constant 0 : i32
        %sign3A_1020 = arith.cmpi sgt, %sub3A_1016, %sign3A_1019 : i32
        %sign3A_1021 = arith.extui %sign3A_1020 : i1 to i32
        %sign3A_1022 = arith.constant 0 : i32
        %sign3A_1023 = arith.cmpi slt, %sub3A_1016, %sign3A_1022 : i32
        %sign3A_1024 = arith.extui %sign3A_1023 : i1 to i32
        %sign3A_1025 = arith.subi %sign3A_1021, %sign3A_1024 : i32
        %sign3A_1026 = arith.constant 0 : i32
        %sign3A_1027 = arith.cmpi sgt, %jit3A_1017, %sign3A_1026 : i32
        %sign3A_1028 = arith.extui %sign3A_1027 : i1 to i32
        %sign3A_1029 = arith.constant 0 : i32
        %sign3A_1030 = arith.cmpi slt, %jit3A_1017, %sign3A_1029 : i32
        %sign3A_1031 = arith.extui %sign3A_1030 : i1 to i32
        %sign3A_1032 = arith.subi %sign3A_1028, %sign3A_1031 : i32
        %ne3A_1033 = arith.cmpi ne, %sign3A_1025, %sign3A_1032 : i32
        %rem3A_1034 = arith.remsi %sub3A_1016, %jit3A_1017 : i32
        %ne3A_1035 = arith.constant 0 : i32
        %ne3A_1036 = arith.cmpi ne, %rem3A_1034, %ne3A_1035 : i32
        %and3A_1037 = arith.andi %ne3A_1033, %ne3A_1036 : i1
        %sub3A_1038 = arith.constant 1 : i32
        %sub3A_1039 = arith.subi %div3A_1018, %sub3A_1038 : i32
        %select_n3A_1040 = arith.select %and3A_1037, %sub3A_1039, %div3A_1018 : i32
        %mul3A_1041 = arith.constant 2 : i32
        %mul3A_1042 = arith.muli %select_n3A_1040, %mul3A_1041 : i32
        %sub3A_1043 = arith.subi %sub3A_1016, %mul3A_1042 : i32
        %jit3A_1044 = arith.constant 2 : i32
        %div3A_1045 = arith.divsi %select_n3A_1013, %jit3A_1044 : i32
        %sign3A_1046 = arith.constant 0 : i32
        %sign3A_1047 = arith.cmpi sgt, %select_n3A_1013, %sign3A_1046 : i32
        %sign3A_1048 = arith.extui %sign3A_1047 : i1 to i32
        %sign3A_1049 = arith.constant 0 : i32
        %sign3A_1050 = arith.cmpi slt, %select_n3A_1013, %sign3A_1049 : i32
        %sign3A_1051 = arith.extui %sign3A_1050 : i1 to i32
        %sign3A_1052 = arith.subi %sign3A_1048, %sign3A_1051 : i32
        %sign3A_1053 = arith.constant 0 : i32
        %sign3A_1054 = arith.cmpi sgt, %jit3A_1044, %sign3A_1053 : i32
        %sign3A_1055 = arith.extui %sign3A_1054 : i1 to i32
        %sign3A_1056 = arith.constant 0 : i32
        %sign3A_1057 = arith.cmpi slt, %jit3A_1044, %sign3A_1056 : i32
        %sign3A_1058 = arith.extui %sign3A_1057 : i1 to i32
        %sign3A_1059 = arith.subi %sign3A_1055, %sign3A_1058 : i32
        %ne3A_1060 = arith.cmpi ne, %sign3A_1052, %sign3A_1059 : i32
        %rem3A_1061 = arith.remsi %select_n3A_1013, %jit3A_1044 : i32
        %ne3A_1062 = arith.constant 0 : i32
        %ne3A_1063 = arith.cmpi ne, %rem3A_1061, %ne3A_1062 : i32
        %and3A_1064 = arith.andi %ne3A_1060, %ne3A_1063 : i1
        %sub3A_1065 = arith.constant 1 : i32
        %sub3A_1066 = arith.subi %div3A_1045, %sub3A_1065 : i32
        %select_n3A_1067 = arith.select %and3A_1064, %sub3A_1066, %div3A_1045 : i32
        %jit3A_1068 = arith.constant 2 : i32
        %eq3A_1069 = arith.constant 0 : i32
        %eq3A_1070 = arith.cmpi eq, %jit3A_1068, %eq3A_1069 : i32
        %jit3A_1071 = arith.constant 1 : i32
        %select_n3A_1072 = arith.select %eq3A_1070, %jit3A_1071, %jit3A_1068 : i32
        %rem3A_1073 = arith.remsi %select_n3A_1013, %select_n3A_1072 : i32
        %ne3A_1074 = arith.constant 0 : i32
        %ne3A_1075 = arith.cmpi ne, %rem3A_1073, %ne3A_1074 : i32
        %lt3A_1076 = arith.constant 0 : i32
        %lt3A_1077 = arith.cmpi slt, %rem3A_1073, %lt3A_1076 : i32
        %lt3A_1078 = arith.constant 0 : i32
        %lt3A_1079 = arith.cmpi slt, %select_n3A_1072, %lt3A_1078 : i32
        %ne3A_1080 = arith.xori %lt3A_1077, %lt3A_1079 : i1
        %and3A_1081 = arith.andi %ne3A_1080, %ne3A_1075 : i1
        %add3A_1082 = arith.addi %rem3A_1073, %select_n3A_1072 : i32
        %select_n3A_1083 = arith.select %and3A_1081, %add3A_1082, %rem3A_1073 : i32
        %mul3A_1084 = arith.constant 8 : i32
        %mul3A_1085 = arith.muli %select_n3A_1040, %mul3A_1084 : i32
        %mul3A_1086 = arith.constant 112 : i32
        %mul3A_1087 = arith.muli %sub3A_1043, %mul3A_1086 : i32
        %dma_start3A_1088 = arith.constant 0 : i32
        %dma_start3A_1089 = arith.constant 1 : i32
        %dma_start3A_1090 = arith.constant 0 : i32
        %dma_start3A_1091 = arith.constant 0 : i32
        %dma_start3A_1092 = tpu.memref_slice %arg4[%dma_start3A_1089, %dma_start3A_1090, %dma_start3A_1091] : memref<2x8x112xf32, #tpu.memory_space<vmem>> -> memref<1x8x112xf32, #tpu.memory_space<vmem>>
        %dma_start3A_1093 = tpu.memref_squeeze %dma_start3A_1092 : memref<1x8x112xf32, #tpu.memory_space<vmem>> -> memref<8x112xf32, #tpu.memory_space<vmem>>
        %dma_start3A_1094 = tpu.memref_slice %arg2[%select_n3A_1067, %select_n3A_1083, %dma_start3A_1088, %mul3A_1085, %mul3A_1087] : memref<2x2x1x224x224xf32, #tpu.memory_space<hbm>> -> memref<1x1x1x8x112xf32, #tpu.memory_space<hbm>>
        %dma_start3A_1095 = tpu.memref_squeeze %dma_start3A_1094 : memref<1x1x1x8x112xf32, #tpu.memory_space<hbm>> -> memref<8x112xf32, #tpu.memory_space<hbm>>
        %dma_start3A_1096 = arith.constant 0 : i32
        %dma_start3A_1097 = arith.constant 0 : i32
        %dma_start3A_1098 = tpu.memref_slice %arg4[%dma_start3A_1089, %dma_start3A_1096, %dma_start3A_1097] : memref<2x8x112xf32, #tpu.memory_space<vmem>> -> memref<1x8x112xf32, #tpu.memory_space<vmem>>
        %dma_start3A_1099 = tpu.memref_squeeze %dma_start3A_1098 : memref<1x8x112xf32, #tpu.memory_space<vmem>> -> memref<8x112xf32, #tpu.memory_space<vmem>>
        %dma_start3A_1100 = tpu.memref_slice %arg2[%select_n3A_1067, %select_n3A_1083, %dma_start3A_1088, %mul3A_1085, %mul3A_1087] : memref<2x2x1x224x224xf32, #tpu.memory_space<hbm>> -> memref<1x1x1x8x112xf32, #tpu.memory_space<hbm>>
        %dma_start3A_1101 = tpu.memref_squeeze %dma_start3A_1100 : memref<1x1x1x8x112xf32, #tpu.memory_space<hbm>> -> memref<8x112xf32, #tpu.memory_space<hbm>>
        tpu.enqueue_dma source(%dma_start3A_1101 : memref<8x112xf32, #tpu.memory_space<hbm>>) target(%dma_start3A_1099 : memref<8x112xf32, #tpu.memory_space<vmem>>) target_semaphore(%arg9 : memref<!tpu.dma_semaphore, #tpu.memory_space<semaphore_mem>>)
      } else {
      }
      %eq3A_948 = arith.constant 0 : i32
      %eq3A_949 = arith.cmpi eq, %select_n3A_899, %eq3A_948 : i32
      %convert_element_type3A_950 = arith.extui %eq3A_949 : i1 to i32
      %cond3A_951 = arith.constant 0 : i32
      %cond3A_952 = arith.cmpi ne, %convert_element_type3A_950, %cond3A_951 : i32
      scf.if %cond3A_952 {
        %dma_wait3A_988 = arith.constant 0 : i32
        %dma_wait3A_989 = arith.constant 0 : i32
        %dma_wait3A_990 = arith.constant 0 : i32
        %dma_wait3A_991 = tpu.memref_slice %arg4[%dma_wait3A_988, %dma_wait3A_989, %dma_wait3A_990] : memref<2x8x112xf32, #tpu.memory_space<vmem>> -> memref<1x8x112xf32, #tpu.memory_space<vmem>>
        %dma_wait3A_992 = tpu.memref_squeeze %dma_wait3A_991 : memref<1x8x112xf32, #tpu.memory_space<vmem>> -> memref<8x112xf32, #tpu.memory_space<vmem>>
        %dma_wait3A_993 = arith.constant 0 : i32
        %dma_wait3A_994 = arith.constant 0 : i32
        %dma_wait3A_995 = tpu.memref_slice %arg2[%scan3A_754, %scan3A_755, %scan3A_756, %dma_wait3A_993, %dma_wait3A_994] : memref<2x2x1x224x224xf32, #tpu.memory_space<hbm>> -> memref<1x1x1x8x112xf32, #tpu.memory_space<hbm>>
        %dma_wait3A_996 = tpu.memref_squeeze %dma_wait3A_995 : memref<1x1x1x8x112xf32, #tpu.memory_space<hbm>> -> memref<8x112xf32, #tpu.memory_space<hbm>>
        %dma_wait3A_997 = arith.constant 0 : i32
        %dma_wait3A_998 = arith.constant 0 : i32
        %dma_wait3A_999 = tpu.memref_slice %arg4[%dma_wait3A_988, %dma_wait3A_997, %dma_wait3A_998] : memref<2x8x112xf32, #tpu.memory_space<vmem>> -> memref<1x8x112xf32, #tpu.memory_space<vmem>>
        %dma_wait3A_1000 = tpu.memref_squeeze %dma_wait3A_999 : memref<1x8x112xf32, #tpu.memory_space<vmem>> -> memref<8x112xf32, #tpu.memory_space<vmem>>
        %dma_wait3A_1001 = arith.constant 0 : i32
        %dma_wait3A_1002 = arith.constant 0 : i32
        %dma_wait3A_1003 = tpu.memref_slice %arg2[%scan3A_754, %scan3A_755, %scan3A_756, %dma_wait3A_1001, %dma_wait3A_1002] : memref<2x2x1x224x224xf32, #tpu.memory_space<hbm>> -> memref<1x1x1x8x112xf32, #tpu.memory_space<hbm>>
        %dma_wait3A_1004 = tpu.memref_squeeze %dma_wait3A_1003 : memref<1x1x1x8x112xf32, #tpu.memory_space<hbm>> -> memref<8x112xf32, #tpu.memory_space<hbm>>
        tpu.wait_dma2 semaphore(%arg8 : memref<!tpu.dma_semaphore, #tpu.memory_space<semaphore_mem>>) src(%dma_wait3A_1004 : memref<8x112xf32, #tpu.memory_space<hbm>>) dst(%dma_wait3A_1000 : memref<8x112xf32, #tpu.memory_space<vmem>>)
      } else {
      }
      %eq3A_953 = arith.constant 1 : i32
      %eq3A_954 = arith.cmpi eq, %select_n3A_899, %eq3A_953 : i32
      %convert_element_type3A_955 = arith.extui %eq3A_954 : i1 to i32
      %cond3A_956 = arith.constant 0 : i32
      %cond3A_957 = arith.cmpi ne, %convert_element_type3A_955, %cond3A_956 : i32
      scf.if %cond3A_957 {
        %dma_wait3A_988 = arith.constant 1 : i32
        %dma_wait3A_989 = arith.constant 0 : i32
        %dma_wait3A_990 = arith.constant 0 : i32
        %dma_wait3A_991 = tpu.memref_slice %arg4[%dma_wait3A_988, %dma_wait3A_989, %dma_wait3A_990] : memref<2x8x112xf32, #tpu.memory_space<vmem>> -> memref<1x8x112xf32, #tpu.memory_space<vmem>>
        %dma_wait3A_992 = tpu.memref_squeeze %dma_wait3A_991 : memref<1x8x112xf32, #tpu.memory_space<vmem>> -> memref<8x112xf32, #tpu.memory_space<vmem>>
        %dma_wait3A_993 = arith.constant 0 : i32
        %dma_wait3A_994 = arith.constant 0 : i32
        %dma_wait3A_995 = tpu.memref_slice %arg2[%scan3A_754, %scan3A_755, %scan3A_756, %dma_wait3A_993, %dma_wait3A_994] : memref<2x2x1x224x224xf32, #tpu.memory_space<hbm>> -> memref<1x1x1x8x112xf32, #tpu.memory_space<hbm>>
        %dma_wait3A_996 = tpu.memref_squeeze %dma_wait3A_995 : memref<1x1x1x8x112xf32, #tpu.memory_space<hbm>> -> memref<8x112xf32, #tpu.memory_space<hbm>>
        %dma_wait3A_997 = arith.constant 0 : i32
        %dma_wait3A_998 = arith.constant 0 : i32
        %dma_wait3A_999 = tpu.memref_slice %arg4[%dma_wait3A_988, %dma_wait3A_997, %dma_wait3A_998] : memref<2x8x112xf32, #tpu.memory_space<vmem>> -> memref<1x8x112xf32, #tpu.memory_space<vmem>>
        %dma_wait3A_1000 = tpu.memref_squeeze %dma_wait3A_999 : memref<1x8x112xf32, #tpu.memory_space<vmem>> -> memref<8x112xf32, #tpu.memory_space<vmem>>
        %dma_wait3A_1001 = arith.constant 0 : i32
        %dma_wait3A_1002 = arith.constant 0 : i32
        %dma_wait3A_1003 = tpu.memref_slice %arg2[%scan3A_754, %scan3A_755, %scan3A_756, %dma_wait3A_1001, %dma_wait3A_1002] : memref<2x2x1x224x224xf32, #tpu.memory_space<hbm>> -> memref<1x1x1x8x112xf32, #tpu.memory_space<hbm>>
        %dma_wait3A_1004 = tpu.memref_squeeze %dma_wait3A_1003 : memref<1x1x1x8x112xf32, #tpu.memory_space<hbm>> -> memref<8x112xf32, #tpu.memory_space<hbm>>
        tpu.wait_dma2 semaphore(%arg9 : memref<!tpu.dma_semaphore, #tpu.memory_space<semaphore_mem>>) src(%dma_wait3A_1004 : memref<8x112xf32, #tpu.memory_space<hbm>>) dst(%dma_wait3A_1000 : memref<8x112xf32, #tpu.memory_space<vmem>>)
      } else {
      }
      %broadcast_in_dim3A_958 = vector.broadcast %select_n3A_899 : i32 to vector<16xi32>
      %scan3A_959 = arith.constant 0 : i32
      %scan3A_960 = arith.constant 0 : i32
      %scan3A_961 = arith.constant 8 : i32
      %scan3A_962 = arith.addi %scan3A_960, %scan3A_961 : i32
      %scan3A_963 = arith.constant 1 : i32
      scf.for %scan3A_988 = %scan3A_960 to %scan3A_962 step %scan3A_963  : i32 {
        %broadcast_in_dim3A_989 = vector.broadcast %scan3A_988 : i32 to vector<16xi32>
        %gather3A = tpu.vector_load_idx %arg4[%broadcast_in_dim3A_958, %broadcast_in_dim3A_989, %min3A_12] : memref<2x8x112xf32, #tpu.memory_space<vmem>>[vector<16xi32>, vector<16xi32>, vector<16xi32>], vector<16xf32>,
        %mul3A_990 = arith.constant 2.550000e+02 : f32
        %mul3A_991 = vector.broadcast %mul3A_990 : f32 to vector<16xf32>
        %mul3A_992 = arith.mulf %gather3A, %mul3A_991 : vector<16xf32>
        %convert_element_type3A_993 = arith.fptosi %mul3A_992 : vector<16xf32> to vector<16xi32>
        %convert_element_type3A_994 = arith.sitofp %convert_element_type3A_993 : vector<16xi32> to vector<16xf32>
        %sub3A_995 = arith.subf %mul3A_992, %convert_element_type3A_994 : vector<16xf32>
        %add3A_996 = arith.addi %mul3A_3, %convert_element_type3A_993 : vector<16xi32>
        %mul3A_997 = arith.mulf %sub3A_995, %sub3A_995 : vector<16xf32>
        %mul3A_998 = arith.constant -7.689350e-02 : f32
        %mul3A_999 = vector.broadcast %mul3A_998 : f32 to vector<16xf32>
        %mul3A_1000 = arith.mulf %mul3A_997, %mul3A_999 : vector<16xf32>
        %mul3A_1001 = arith.constant 1.537870e-01 : f32
        %mul3A_1002 = vector.broadcast %mul3A_1001 : f32 to vector<16xf32>
        %mul3A_1003 = arith.mulf %sub3A_995, %mul3A_1002 : vector<16xf32>
        %mul3A_1004 = arith.constant 1.000000e+00 : f32
        %mul3A_1005 = vector.broadcast %mul3A_1004 : f32 to vector<16xf32>
        %mul3A_1006 = arith.mulf %mul3A_1003, %mul3A_1005 : vector<16xf32>
        %mul3A_1007 = arith.constant 2.000000e+00 : f32
        %mul3A_1008 = vector.broadcast %mul3A_1007 : f32 to vector<16xf32>
        %mul3A_1009 = arith.mulf %mul3A_1003, %mul3A_1008 : vector<16xf32>
        %mul3A_1010 = arith.constant 3.000000e+00 : f32
        %mul3A_1011 = vector.broadcast %mul3A_1010 : f32 to vector<16xf32>
        %mul3A_1012 = arith.mulf %mul3A_1003, %mul3A_1011 : vector<16xf32>
        %mul3A_1013 = arith.constant 4.000000e+00 : f32
        %mul3A_1014 = vector.broadcast %mul3A_1013 : f32 to vector<16xf32>
        %mul3A_1015 = arith.mulf %mul3A_1003, %mul3A_1014 : vector<16xf32>
        %mul3A_1016 = arith.constant 5.000000e+00 : f32
        %mul3A_1017 = vector.broadcast %mul3A_1016 : f32 to vector<16xf32>
        %mul3A_1018 = arith.mulf %mul3A_1003, %mul3A_1017 : vector<16xf32>
        %mul3A_1019 = arith.constant 6.000000e+00 : f32
        %mul3A_1020 = vector.broadcast %mul3A_1019 : f32 to vector<16xf32>
        %mul3A_1021 = arith.mulf %mul3A_1003, %mul3A_1020 : vector<16xf32>
        %sub3A_1022 = arith.subf %mul3A_1000, %mul3A_1021 : vector<16xf32>
        %add3A_1023 = arith.constant -2.76816607 : f32
        %add3A_1024 = vector.broadcast %add3A_1023 : f32 to vector<16xf32>
        %add3A_1025 = arith.addf %sub3A_1022, %add3A_1024 : vector<16xf32>
        %exp3A = math.exp %add3A_1025 : vector<16xf32>
        %add3A_1026 = arith.constant 10 : i32
        %add3A_1027 = vector.broadcast %add3A_1026 : i32 to vector<16xi32>
        %add3A_1028 = arith.addi %add3A_996, %add3A_1027 : vector<16xi32>
        tpu.vector_store_idx %arg6[%add3A_1028], %exp3A {add = true} : memref<4608xf32, #tpu.memory_space<vmem>>[vector<16xi32>], vector<16xf32>,
        %sub3A_1029 = arith.subf %mul3A_1000, %mul3A_1018 : vector<16xf32>
        %add3A_1030 = arith.constant -1.92233753 : f32
        %add3A_1031 = vector.broadcast %add3A_1030 : f32 to vector<16xf32>
        %add3A_1032 = arith.addf %sub3A_1029, %add3A_1031 : vector<16xf32>
        %exp3A_1033 = math.exp %add3A_1032 : vector<16xf32>
        %add3A_1034 = arith.constant 11 : i32
        %add3A_1035 = vector.broadcast %add3A_1034 : i32 to vector<16xi32>
        %add3A_1036 = arith.addi %add3A_996, %add3A_1035 : vector<16xi32>
        tpu.vector_store_idx %arg6[%add3A_1036], %exp3A_1033 {add = true} : memref<4608xf32, #tpu.memory_space<vmem>>[vector<16xi32>], vector<16xf32>,
        %sub3A_1037 = arith.subf %mul3A_1000, %mul3A_1015 : vector<16xf32>
        %add3A_1038 = arith.constant -1.23029602 : f32
        %add3A_1039 = vector.broadcast %add3A_1038 : f32 to vector<16xf32>
        %add3A_1040 = arith.addf %sub3A_1037, %add3A_1039 : vector<16xf32>
        %exp3A_1041 = math.exp %add3A_1040 : vector<16xf32>
        %add3A_1042 = arith.constant 12 : i32
        %add3A_1043 = vector.broadcast %add3A_1042 : i32 to vector<16xi32>
        %add3A_1044 = arith.addi %add3A_996, %add3A_1043 : vector<16xi32>
        tpu.vector_store_idx %arg6[%add3A_1044], %exp3A_1041 {add = true} : memref<4608xf32, #tpu.memory_space<vmem>>[vector<16xi32>], vector<16xf32>,
        %sub3A_1045 = arith.subf %mul3A_1000, %mul3A_1012 : vector<16xf32>
        %add3A_1046 = arith.constant -0.692041516 : f32
        %add3A_1047 = vector.broadcast %add3A_1046 : f32 to vector<16xf32>
        %add3A_1048 = arith.addf %sub3A_1045, %add3A_1047 : vector<16xf32>
        %exp3A_1049 = math.exp %add3A_1048 : vector<16xf32>
        %add3A_1050 = arith.constant 13 : i32
        %add3A_1051 = vector.broadcast %add3A_1050 : i32 to vector<16xi32>
        %add3A_1052 = arith.addi %add3A_996, %add3A_1051 : vector<16xi32>
        tpu.vector_store_idx %arg6[%add3A_1052], %exp3A_1049 {add = true} : memref<4608xf32, #tpu.memory_space<vmem>>[vector<16xi32>], vector<16xf32>,
        %sub3A_1053 = arith.subf %mul3A_1000, %mul3A_1009 : vector<16xf32>
        %add3A_1054 = arith.constant -3.075740e-01 : f32
        %add3A_1055 = vector.broadcast %add3A_1054 : f32 to vector<16xf32>
        %add3A_1056 = arith.addf %sub3A_1053, %add3A_1055 : vector<16xf32>
        %exp3A_1057 = math.exp %add3A_1056 : vector<16xf32>
        %add3A_1058 = arith.constant 14 : i32
        %add3A_1059 = vector.broadcast %add3A_1058 : i32 to vector<16xi32>
        %add3A_1060 = arith.addi %add3A_996, %add3A_1059 : vector<16xi32>
        tpu.vector_store_idx %arg6[%add3A_1060], %exp3A_1057 {add = true} : memref<4608xf32, #tpu.memory_space<vmem>>[vector<16xi32>], vector<16xf32>,
        %sub3A_1061 = arith.subf %mul3A_1000, %mul3A_1006 : vector<16xf32>
        %add3A_1062 = arith.constant -7.689350e-02 : f32
        %add3A_1063 = vector.broadcast %add3A_1062 : f32 to vector<16xf32>
        %add3A_1064 = arith.addf %sub3A_1061, %add3A_1063 : vector<16xf32>
        %exp3A_1065 = math.exp %add3A_1064 : vector<16xf32>
        %add3A_1066 = arith.constant 15 : i32
        %add3A_1067 = vector.broadcast %add3A_1066 : i32 to vector<16xi32>
        %add3A_1068 = arith.addi %add3A_996, %add3A_1067 : vector<16xi32>
        tpu.vector_store_idx %arg6[%add3A_1068], %exp3A_1065 {add = true} : memref<4608xf32, #tpu.memory_space<vmem>>[vector<16xi32>], vector<16xf32>,
        %exp3A_1069 = math.exp %mul3A_1000 : vector<16xf32>
        %add3A_1070 = arith.constant 16 : i32
        %add3A_1071 = vector.broadcast %add3A_1070 : i32 to vector<16xi32>
        %add3A_1072 = arith.addi %add3A_996, %add3A_1071 : vector<16xi32>
        tpu.vector_store_idx %arg6[%add3A_1072], %exp3A_1069 {add = true} : memref<4608xf32, #tpu.memory_space<vmem>>[vector<16xi32>], vector<16xf32>,
        %add3A_1073 = arith.addf %mul3A_1000, %mul3A_1006 : vector<16xf32>
        %add3A_1074 = arith.constant -7.689350e-02 : f32
        %add3A_1075 = vector.broadcast %add3A_1074 : f32 to vector<16xf32>
        %add3A_1076 = arith.addf %add3A_1073, %add3A_1075 : vector<16xf32>
        %exp3A_1077 = math.exp %add3A_1076 : vector<16xf32>
        %add3A_1078 = arith.constant 17 : i32
        %add3A_1079 = vector.broadcast %add3A_1078 : i32 to vector<16xi32>
        %add3A_1080 = arith.addi %add3A_996, %add3A_1079 : vector<16xi32>
        tpu.vector_store_idx %arg6[%add3A_1080], %exp3A_1077 {add = true} : memref<4608xf32, #tpu.memory_space<vmem>>[vector<16xi32>], vector<16xf32>,
        %add3A_1081 = arith.addf %mul3A_1000, %mul3A_1009 : vector<16xf32>
        %add3A_1082 = arith.constant -3.075740e-01 : f32
        %add3A_1083 = vector.broadcast %add3A_1082 : f32 to vector<16xf32>
        %add3A_1084 = arith.addf %add3A_1081, %add3A_1083 : vector<16xf32>
        %exp3A_1085 = math.exp %add3A_1084 : vector<16xf32>
        %add3A_1086 = arith.constant 18 : i32
        %add3A_1087 = vector.broadcast %add3A_1086 : i32 to vector<16xi32>
        %add3A_1088 = arith.addi %add3A_996, %add3A_1087 : vector<16xi32>
        tpu.vector_store_idx %arg6[%add3A_1088], %exp3A_1085 {add = true} : memref<4608xf32, #tpu.memory_space<vmem>>[vector<16xi32>], vector<16xf32>,
        %add3A_1089 = arith.addf %mul3A_1000, %mul3A_1012 : vector<16xf32>
        %add3A_1090 = arith.constant -0.692041516 : f32
        %add3A_1091 = vector.broadcast %add3A_1090 : f32 to vector<16xf32>
        %add3A_1092 = arith.addf %add3A_1089, %add3A_1091 : vector<16xf32>
        %exp3A_1093 = math.exp %add3A_1092 : vector<16xf32>
        %add3A_1094 = arith.constant 19 : i32
        %add3A_1095 = vector.broadcast %add3A_1094 : i32 to vector<16xi32>
        %add3A_1096 = arith.addi %add3A_996, %add3A_1095 : vector<16xi32>
        tpu.vector_store_idx %arg6[%add3A_1096], %exp3A_1093 {add = true} : memref<4608xf32, #tpu.memory_space<vmem>>[vector<16xi32>], vector<16xf32>,
        %add3A_1097 = arith.addf %mul3A_1000, %mul3A_1015 : vector<16xf32>
        %add3A_1098 = arith.constant -1.23029602 : f32
        %add3A_1099 = vector.broadcast %add3A_1098 : f32 to vector<16xf32>
        %add3A_1100 = arith.addf %add3A_1097, %add3A_1099 : vector<16xf32>
        %exp3A_1101 = math.exp %add3A_1100 : vector<16xf32>
        %add3A_1102 = arith.constant 20 : i32
        %add3A_1103 = vector.broadcast %add3A_1102 : i32 to vector<16xi32>
        %add3A_1104 = arith.addi %add3A_996, %add3A_1103 : vector<16xi32>
        tpu.vector_store_idx %arg6[%add3A_1104], %exp3A_1101 {add = true} : memref<4608xf32, #tpu.memory_space<vmem>>[vector<16xi32>], vector<16xf32>,
        %add3A_1105 = arith.addf %mul3A_1000, %mul3A_1018 : vector<16xf32>
        %add3A_1106 = arith.constant -1.92233753 : f32
        %add3A_1107 = vector.broadcast %add3A_1106 : f32 to vector<16xf32>
        %add3A_1108 = arith.addf %add3A_1105, %add3A_1107 : vector<16xf32>
        %exp3A_1109 = math.exp %add3A_1108 : vector<16xf32>
        %add3A_1110 = arith.constant 21 : i32
        %add3A_1111 = vector.broadcast %add3A_1110 : i32 to vector<16xi32>
        %add3A_1112 = arith.addi %add3A_996, %add3A_1111 : vector<16xi32>
        tpu.vector_store_idx %arg6[%add3A_1112], %exp3A_1109 {add = true} : memref<4608xf32, #tpu.memory_space<vmem>>[vector<16xi32>], vector<16xf32>,
        %gather3A_1113 = tpu.vector_load_idx %arg4[%broadcast_in_dim3A_958, %broadcast_in_dim3A_989, %min3A_21] : memref<2x8x112xf32, #tpu.memory_space<vmem>>[vector<16xi32>, vector<16xi32>, vector<16xi32>], vector<16xf32>,
        %mul3A_1114 = arith.constant 2.550000e+02 : f32
        %mul3A_1115 = vector.broadcast %mul3A_1114 : f32 to vector<16xf32>
        %mul3A_1116 = arith.mulf %gather3A_1113, %mul3A_1115 : vector<16xf32>
        %convert_element_type3A_1117 = arith.fptosi %mul3A_1116 : vector<16xf32> to vector<16xi32>
        %convert_element_type3A_1118 = arith.sitofp %convert_element_type3A_1117 : vector<16xi32> to vector<16xf32>
        %sub3A_1119 = arith.subf %mul3A_1116, %convert_element_type3A_1118 : vector<16xf32>
        %add3A_1120 = arith.addi %mul3A_3, %convert_element_type3A_1117 : vector<16xi32>
        %mul3A_1121 = arith.mulf %sub3A_1119, %sub3A_1119 : vector<16xf32>
        %mul3A_1122 = arith.constant -7.689350e-02 : f32
        %mul3A_1123 = vector.broadcast %mul3A_1122 : f32 to vector<16xf32>
        %mul3A_1124 = arith.mulf %mul3A_1121, %mul3A_1123 : vector<16xf32>
        %mul3A_1125 = arith.constant 1.537870e-01 : f32
        %mul3A_1126 = vector.broadcast %mul3A_1125 : f32 to vector<16xf32>
        %mul3A_1127 = arith.mulf %sub3A_1119, %mul3A_1126 : vector<16xf32>
        %mul3A_1128 = arith.constant 1.000000e+00 : f32
        %mul3A_1129 = vector.broadcast %mul3A_1128 : f32 to vector<16xf32>
        %mul3A_1130 = arith.mulf %mul3A_1127, %mul3A_1129 : vector<16xf32>
        %mul3A_1131 = arith.constant 2.000000e+00 : f32
        %mul3A_1132 = vector.broadcast %mul3A_1131 : f32 to vector<16xf32>
        %mul3A_1133 = arith.mulf %mul3A_1127, %mul3A_1132 : vector<16xf32>
        %mul3A_1134 = arith.constant 3.000000e+00 : f32
        %mul3A_1135 = vector.broadcast %mul3A_1134 : f32 to vector<16xf32>
        %mul3A_1136 = arith.mulf %mul3A_1127, %mul3A_1135 : vector<16xf32>
        %mul3A_1137 = arith.constant 4.000000e+00 : f32
        %mul3A_1138 = vector.broadcast %mul3A_1137 : f32 to vector<16xf32>
        %mul3A_1139 = arith.mulf %mul3A_1127, %mul3A_1138 : vector<16xf32>
        %mul3A_1140 = arith.constant 5.000000e+00 : f32
        %mul3A_1141 = vector.broadcast %mul3A_1140 : f32 to vector<16xf32>
        %mul3A_1142 = arith.mulf %mul3A_1127, %mul3A_1141 : vector<16xf32>
        %mul3A_1143 = arith.constant 6.000000e+00 : f32
        %mul3A_1144 = vector.broadcast %mul3A_1143 : f32 to vector<16xf32>
        %mul3A_1145 = arith.mulf %mul3A_1127, %mul3A_1144 : vector<16xf32>
        %sub3A_1146 = arith.subf %mul3A_1124, %mul3A_1145 : vector<16xf32>
        %add3A_1147 = arith.constant -2.76816607 : f32
        %add3A_1148 = vector.broadcast %add3A_1147 : f32 to vector<16xf32>
        %add3A_1149 = arith.addf %sub3A_1146, %add3A_1148 : vector<16xf32>
        %exp3A_1150 = math.exp %add3A_1149 : vector<16xf32>
        %add3A_1151 = arith.constant 10 : i32
        %add3A_1152 = vector.broadcast %add3A_1151 : i32 to vector<16xi32>
        %add3A_1153 = arith.addi %add3A_1120, %add3A_1152 : vector<16xi32>
        tpu.vector_store_idx %arg6[%add3A_1153], %exp3A_1150 {add = true} : memref<4608xf32, #tpu.memory_space<vmem>>[vector<16xi32>], vector<16xf32>,
        %sub3A_1154 = arith.subf %mul3A_1124, %mul3A_1142 : vector<16xf32>
        %add3A_1155 = arith.constant -1.92233753 : f32
        %add3A_1156 = vector.broadcast %add3A_1155 : f32 to vector<16xf32>
        %add3A_1157 = arith.addf %sub3A_1154, %add3A_1156 : vector<16xf32>
        %exp3A_1158 = math.exp %add3A_1157 : vector<16xf32>
        %add3A_1159 = arith.constant 11 : i32
        %add3A_1160 = vector.broadcast %add3A_1159 : i32 to vector<16xi32>
        %add3A_1161 = arith.addi %add3A_1120, %add3A_1160 : vector<16xi32>
        tpu.vector_store_idx %arg6[%add3A_1161], %exp3A_1158 {add = true} : memref<4608xf32, #tpu.memory_space<vmem>>[vector<16xi32>], vector<16xf32>,
        %sub3A_1162 = arith.subf %mul3A_1124, %mul3A_1139 : vector<16xf32>
        %add3A_1163 = arith.constant -1.23029602 : f32
        %add3A_1164 = vector.broadcast %add3A_1163 : f32 to vector<16xf32>
        %add3A_1165 = arith.addf %sub3A_1162, %add3A_1164 : vector<16xf32>
        %exp3A_1166 = math.exp %add3A_1165 : vector<16xf32>
        %add3A_1167 = arith.constant 12 : i32
        %add3A_1168 = vector.broadcast %add3A_1167 : i32 to vector<16xi32>
        %add3A_1169 = arith.addi %add3A_1120, %add3A_1168 : vector<16xi32>
        tpu.vector_store_idx %arg6[%add3A_1169], %exp3A_1166 {add = true} : memref<4608xf32, #tpu.memory_space<vmem>>[vector<16xi32>], vector<16xf32>,
        %sub3A_1170 = arith.subf %mul3A_1124, %mul3A_1136 : vector<16xf32>
        %add3A_1171 = arith.constant -0.692041516 : f32
        %add3A_1172 = vector.broadcast %add3A_1171 : f32 to vector<16xf32>
        %add3A_1173 = arith.addf %sub3A_1170, %add3A_1172 : vector<16xf32>
        %exp3A_1174 = math.exp %add3A_1173 : vector<16xf32>
        %add3A_1175 = arith.constant 13 : i32
        %add3A_1176 = vector.broadcast %add3A_1175 : i32 to vector<16xi32>
        %add3A_1177 = arith.addi %add3A_1120, %add3A_1176 : vector<16xi32>
        tpu.vector_store_idx %arg6[%add3A_1177], %exp3A_1174 {add = true} : memref<4608xf32, #tpu.memory_space<vmem>>[vector<16xi32>], vector<16xf32>,
        %sub3A_1178 = arith.subf %mul3A_1124, %mul3A_1133 : vector<16xf32>
        %add3A_1179 = arith.constant -3.075740e-01 : f32
        %add3A_1180 = vector.broadcast %add3A_1179 : f32 to vector<16xf32>
        %add3A_1181 = arith.addf %sub3A_1178, %add3A_1180 : vector<16xf32>
        %exp3A_1182 = math.exp %add3A_1181 : vector<16xf32>
        %add3A_1183 = arith.constant 14 : i32
        %add3A_1184 = vector.broadcast %add3A_1183 : i32 to vector<16xi32>
        %add3A_1185 = arith.addi %add3A_1120, %add3A_1184 : vector<16xi32>
        tpu.vector_store_idx %arg6[%add3A_1185], %exp3A_1182 {add = true} : memref<4608xf32, #tpu.memory_space<vmem>>[vector<16xi32>], vector<16xf32>,
        %sub3A_1186 = arith.subf %mul3A_1124, %mul3A_1130 : vector<16xf32>
        %add3A_1187 = arith.constant -7.689350e-02 : f32
        %add3A_1188 = vector.broadcast %add3A_1187 : f32 to vector<16xf32>
        %add3A_1189 = arith.addf %sub3A_1186, %add3A_1188 : vector<16xf32>
        %exp3A_1190 = math.exp %add3A_1189 : vector<16xf32>
        %add3A_1191 = arith.constant 15 : i32
        %add3A_1192 = vector.broadcast %add3A_1191 : i32 to vector<16xi32>
        %add3A_1193 = arith.addi %add3A_1120, %add3A_1192 : vector<16xi32>
        tpu.vector_store_idx %arg6[%add3A_1193], %exp3A_1190 {add = true} : memref<4608xf32, #tpu.memory_space<vmem>>[vector<16xi32>], vector<16xf32>,
        %exp3A_1194 = math.exp %mul3A_1124 : vector<16xf32>
        %add3A_1195 = arith.constant 16 : i32
        %add3A_1196 = vector.broadcast %add3A_1195 : i32 to vector<16xi32>
        %add3A_1197 = arith.addi %add3A_1120, %add3A_1196 : vector<16xi32>
        tpu.vector_store_idx %arg6[%add3A_1197], %exp3A_1194 {add = true} : memref<4608xf32, #tpu.memory_space<vmem>>[vector<16xi32>], vector<16xf32>,
        %add3A_1198 = arith.addf %mul3A_1124, %mul3A_1130 : vector<16xf32>
        %add3A_1199 = arith.constant -7.689350e-02 : f32
        %add3A_1200 = vector.broadcast %add3A_1199 : f32 to vector<16xf32>
        %add3A_1201 = arith.addf %add3A_1198, %add3A_1200 : vector<16xf32>
        %exp3A_1202 = math.exp %add3A_1201 : vector<16xf32>
        %add3A_1203 = arith.constant 17 : i32
        %add3A_1204 = vector.broadcast %add3A_1203 : i32 to vector<16xi32>
        %add3A_1205 = arith.addi %add3A_1120, %add3A_1204 : vector<16xi32>
        tpu.vector_store_idx %arg6[%add3A_1205], %exp3A_1202 {add = true} : memref<4608xf32, #tpu.memory_space<vmem>>[vector<16xi32>], vector<16xf32>,
        %add3A_1206 = arith.addf %mul3A_1124, %mul3A_1133 : vector<16xf32>
        %add3A_1207 = arith.constant -3.075740e-01 : f32
        %add3A_1208 = vector.broadcast %add3A_1207 : f32 to vector<16xf32>
        %add3A_1209 = arith.addf %add3A_1206, %add3A_1208 : vector<16xf32>
        %exp3A_1210 = math.exp %add3A_1209 : vector<16xf32>
        %add3A_1211 = arith.constant 18 : i32
        %add3A_1212 = vector.broadcast %add3A_1211 : i32 to vector<16xi32>
        %add3A_1213 = arith.addi %add3A_1120, %add3A_1212 : vector<16xi32>
        tpu.vector_store_idx %arg6[%add3A_1213], %exp3A_1210 {add = true} : memref<4608xf32, #tpu.memory_space<vmem>>[vector<16xi32>], vector<16xf32>,
        %add3A_1214 = arith.addf %mul3A_1124, %mul3A_1136 : vector<16xf32>
        %add3A_1215 = arith.constant -0.692041516 : f32
        %add3A_1216 = vector.broadcast %add3A_1215 : f32 to vector<16xf32>
        %add3A_1217 = arith.addf %add3A_1214, %add3A_1216 : vector<16xf32>
        %exp3A_1218 = math.exp %add3A_1217 : vector<16xf32>
        %add3A_1219 = arith.constant 19 : i32
        %add3A_1220 = vector.broadcast %add3A_1219 : i32 to vector<16xi32>
        %add3A_1221 = arith.addi %add3A_1120, %add3A_1220 : vector<16xi32>
        tpu.vector_store_idx %arg6[%add3A_1221], %exp3A_1218 {add = true} : memref<4608xf32, #tpu.memory_space<vmem>>[vector<16xi32>], vector<16xf32>,
        %add3A_1222 = arith.addf %mul3A_1124, %mul3A_1139 : vector<16xf32>
        %add3A_1223 = arith.constant -1.23029602 : f32
        %add3A_1224 = vector.broadcast %add3A_1223 : f32 to vector<16xf32>
        %add3A_1225 = arith.addf %add3A_1222, %add3A_1224 : vector<16xf32>
        %exp3A_1226 = math.exp %add3A_1225 : vector<16xf32>
        %add3A_1227 = arith.constant 20 : i32
        %add3A_1228 = vector.broadcast %add3A_1227 : i32 to vector<16xi32>
        %add3A_1229 = arith.addi %add3A_1120, %add3A_1228 : vector<16xi32>
        tpu.vector_store_idx %arg6[%add3A_1229], %exp3A_1226 {add = true} : memref<4608xf32, #tpu.memory_space<vmem>>[vector<16xi32>], vector<16xf32>,
        %add3A_1230 = arith.addf %mul3A_1124, %mul3A_1142 : vector<16xf32>
        %add3A_1231 = arith.constant -1.92233753 : f32
        %add3A_1232 = vector.broadcast %add3A_1231 : f32 to vector<16xf32>
        %add3A_1233 = arith.addf %add3A_1230, %add3A_1232 : vector<16xf32>
        %exp3A_1234 = math.exp %add3A_1233 : vector<16xf32>
        %add3A_1235 = arith.constant 21 : i32
        %add3A_1236 = vector.broadcast %add3A_1235 : i32 to vector<16xi32>
        %add3A_1237 = arith.addi %add3A_1120, %add3A_1236 : vector<16xi32>
        tpu.vector_store_idx %arg6[%add3A_1237], %exp3A_1234 {add = true} : memref<4608xf32, #tpu.memory_space<vmem>>[vector<16xi32>], vector<16xf32>,
        %gather3A_1238 = tpu.vector_load_idx %arg4[%broadcast_in_dim3A_958, %broadcast_in_dim3A_989, %min3A_30] : memref<2x8x112xf32, #tpu.memory_space<vmem>>[vector<16xi32>, vector<16xi32>, vector<16xi32>], vector<16xf32>,
        %mul3A_1239 = arith.constant 2.550000e+02 : f32
        %mul3A_1240 = vector.broadcast %mul3A_1239 : f32 to vector<16xf32>
        %mul3A_1241 = arith.mulf %gather3A_1238, %mul3A_1240 : vector<16xf32>
        %convert_element_type3A_1242 = arith.fptosi %mul3A_1241 : vector<16xf32> to vector<16xi32>
        %convert_element_type3A_1243 = arith.sitofp %convert_element_type3A_1242 : vector<16xi32> to vector<16xf32>
        %sub3A_1244 = arith.subf %mul3A_1241, %convert_element_type3A_1243 : vector<16xf32>
        %add3A_1245 = arith.addi %mul3A_3, %convert_element_type3A_1242 : vector<16xi32>
        %mul3A_1246 = arith.mulf %sub3A_1244, %sub3A_1244 : vector<16xf32>
        %mul3A_1247 = arith.constant -7.689350e-02 : f32
        %mul3A_1248 = vector.broadcast %mul3A_1247 : f32 to vector<16xf32>
        %mul3A_1249 = arith.mulf %mul3A_1246, %mul3A_1248 : vector<16xf32>
        %mul3A_1250 = arith.constant 1.537870e-01 : f32
        %mul3A_1251 = vector.broadcast %mul3A_1250 : f32 to vector<16xf32>
        %mul3A_1252 = arith.mulf %sub3A_1244, %mul3A_1251 : vector<16xf32>
        %mul3A_1253 = arith.constant 1.000000e+00 : f32
        %mul3A_1254 = vector.broadcast %mul3A_1253 : f32 to vector<16xf32>
        %mul3A_1255 = arith.mulf %mul3A_1252, %mul3A_1254 : vector<16xf32>
        %mul3A_1256 = arith.constant 2.000000e+00 : f32
        %mul3A_1257 = vector.broadcast %mul3A_1256 : f32 to vector<16xf32>
        %mul3A_1258 = arith.mulf %mul3A_1252, %mul3A_1257 : vector<16xf32>
        %mul3A_1259 = arith.constant 3.000000e+00 : f32
        %mul3A_1260 = vector.broadcast %mul3A_1259 : f32 to vector<16xf32>
        %mul3A_1261 = arith.mulf %mul3A_1252, %mul3A_1260 : vector<16xf32>
        %mul3A_1262 = arith.constant 4.000000e+00 : f32
        %mul3A_1263 = vector.broadcast %mul3A_1262 : f32 to vector<16xf32>
        %mul3A_1264 = arith.mulf %mul3A_1252, %mul3A_1263 : vector<16xf32>
        %mul3A_1265 = arith.constant 5.000000e+00 : f32
        %mul3A_1266 = vector.broadcast %mul3A_1265 : f32 to vector<16xf32>
        %mul3A_1267 = arith.mulf %mul3A_1252, %mul3A_1266 : vector<16xf32>
        %mul3A_1268 = arith.constant 6.000000e+00 : f32
        %mul3A_1269 = vector.broadcast %mul3A_1268 : f32 to vector<16xf32>
        %mul3A_1270 = arith.mulf %mul3A_1252, %mul3A_1269 : vector<16xf32>
        %sub3A_1271 = arith.subf %mul3A_1249, %mul3A_1270 : vector<16xf32>
        %add3A_1272 = arith.constant -2.76816607 : f32
        %add3A_1273 = vector.broadcast %add3A_1272 : f32 to vector<16xf32>
        %add3A_1274 = arith.addf %sub3A_1271, %add3A_1273 : vector<16xf32>
        %exp3A_1275 = math.exp %add3A_1274 : vector<16xf32>
        %add3A_1276 = arith.constant 10 : i32
        %add3A_1277 = vector.broadcast %add3A_1276 : i32 to vector<16xi32>
        %add3A_1278 = arith.addi %add3A_1245, %add3A_1277 : vector<16xi32>
        tpu.vector_store_idx %arg6[%add3A_1278], %exp3A_1275 {add = true} : memref<4608xf32, #tpu.memory_space<vmem>>[vector<16xi32>], vector<16xf32>,
        %sub3A_1279 = arith.subf %mul3A_1249, %mul3A_1267 : vector<16xf32>
        %add3A_1280 = arith.constant -1.92233753 : f32
        %add3A_1281 = vector.broadcast %add3A_1280 : f32 to vector<16xf32>
        %add3A_1282 = arith.addf %sub3A_1279, %add3A_1281 : vector<16xf32>
        %exp3A_1283 = math.exp %add3A_1282 : vector<16xf32>
        %add3A_1284 = arith.constant 11 : i32
        %add3A_1285 = vector.broadcast %add3A_1284 : i32 to vector<16xi32>
        %add3A_1286 = arith.addi %add3A_1245, %add3A_1285 : vector<16xi32>
        tpu.vector_store_idx %arg6[%add3A_1286], %exp3A_1283 {add = true} : memref<4608xf32, #tpu.memory_space<vmem>>[vector<16xi32>], vector<16xf32>,
        %sub3A_1287 = arith.subf %mul3A_1249, %mul3A_1264 : vector<16xf32>
        %add3A_1288 = arith.constant -1.23029602 : f32
        %add3A_1289 = vector.broadcast %add3A_1288 : f32 to vector<16xf32>
        %add3A_1290 = arith.addf %sub3A_1287, %add3A_1289 : vector<16xf32>
        %exp3A_1291 = math.exp %add3A_1290 : vector<16xf32>
        %add3A_1292 = arith.constant 12 : i32
        %add3A_1293 = vector.broadcast %add3A_1292 : i32 to vector<16xi32>
        %add3A_1294 = arith.addi %add3A_1245, %add3A_1293 : vector<16xi32>
        tpu.vector_store_idx %arg6[%add3A_1294], %exp3A_1291 {add = true} : memref<4608xf32, #tpu.memory_space<vmem>>[vector<16xi32>], vector<16xf32>,
        %sub3A_1295 = arith.subf %mul3A_1249, %mul3A_1261 : vector<16xf32>
        %add3A_1296 = arith.constant -0.692041516 : f32
        %add3A_1297 = vector.broadcast %add3A_1296 : f32 to vector<16xf32>
        %add3A_1298 = arith.addf %sub3A_1295, %add3A_1297 : vector<16xf32>
        %exp3A_1299 = math.exp %add3A_1298 : vector<16xf32>
        %add3A_1300 = arith.constant 13 : i32
        %add3A_1301 = vector.broadcast %add3A_1300 : i32 to vector<16xi32>
        %add3A_1302 = arith.addi %add3A_1245, %add3A_1301 : vector<16xi32>
        tpu.vector_store_idx %arg6[%add3A_1302], %exp3A_1299 {add = true} : memref<4608xf32, #tpu.memory_space<vmem>>[vector<16xi32>], vector<16xf32>,
        %sub3A_1303 = arith.subf %mul3A_1249, %mul3A_1258 : vector<16xf32>
        %add3A_1304 = arith.constant -3.075740e-01 : f32
        %add3A_1305 = vector.broadcast %add3A_1304 : f32 to vector<16xf32>
        %add3A_1306 = arith.addf %sub3A_1303, %add3A_1305 : vector<16xf32>
        %exp3A_1307 = math.exp %add3A_1306 : vector<16xf32>
        %add3A_1308 = arith.constant 14 : i32
        %add3A_1309 = vector.broadcast %add3A_1308 : i32 to vector<16xi32>
        %add3A_1310 = arith.addi %add3A_1245, %add3A_1309 : vector<16xi32>
        tpu.vector_store_idx %arg6[%add3A_1310], %exp3A_1307 {add = true} : memref<4608xf32, #tpu.memory_space<vmem>>[vector<16xi32>], vector<16xf32>,
        %sub3A_1311 = arith.subf %mul3A_1249, %mul3A_1255 : vector<16xf32>
        %add3A_1312 = arith.constant -7.689350e-02 : f32
        %add3A_1313 = vector.broadcast %add3A_1312 : f32 to vector<16xf32>
        %add3A_1314 = arith.addf %sub3A_1311, %add3A_1313 : vector<16xf32>
        %exp3A_1315 = math.exp %add3A_1314 : vector<16xf32>
        %add3A_1316 = arith.constant 15 : i32
        %add3A_1317 = vector.broadcast %add3A_1316 : i32 to vector<16xi32>
        %add3A_1318 = arith.addi %add3A_1245, %add3A_1317 : vector<16xi32>
        tpu.vector_store_idx %arg6[%add3A_1318], %exp3A_1315 {add = true} : memref<4608xf32, #tpu.memory_space<vmem>>[vector<16xi32>], vector<16xf32>,
        %exp3A_1319 = math.exp %mul3A_1249 : vector<16xf32>
        %add3A_1320 = arith.constant 16 : i32
        %add3A_1321 = vector.broadcast %add3A_1320 : i32 to vector<16xi32>
        %add3A_1322 = arith.addi %add3A_1245, %add3A_1321 : vector<16xi32>
        tpu.vector_store_idx %arg6[%add3A_1322], %exp3A_1319 {add = true} : memref<4608xf32, #tpu.memory_space<vmem>>[vector<16xi32>], vector<16xf32>,
        %add3A_1323 = arith.addf %mul3A_1249, %mul3A_1255 : vector<16xf32>
        %add3A_1324 = arith.constant -7.689350e-02 : f32
        %add3A_1325 = vector.broadcast %add3A_1324 : f32 to vector<16xf32>
        %add3A_1326 = arith.addf %add3A_1323, %add3A_1325 : vector<16xf32>
        %exp3A_1327 = math.exp %add3A_1326 : vector<16xf32>
        %add3A_1328 = arith.constant 17 : i32
        %add3A_1329 = vector.broadcast %add3A_1328 : i32 to vector<16xi32>
        %add3A_1330 = arith.addi %add3A_1245, %add3A_1329 : vector<16xi32>
        tpu.vector_store_idx %arg6[%add3A_1330], %exp3A_1327 {add = true} : memref<4608xf32, #tpu.memory_space<vmem>>[vector<16xi32>], vector<16xf32>,
        %add3A_1331 = arith.addf %mul3A_1249, %mul3A_1258 : vector<16xf32>
        %add3A_1332 = arith.constant -3.075740e-01 : f32
        %add3A_1333 = vector.broadcast %add3A_1332 : f32 to vector<16xf32>
        %add3A_1334 = arith.addf %add3A_1331, %add3A_1333 : vector<16xf32>
        %exp3A_1335 = math.exp %add3A_1334 : vector<16xf32>
        %add3A_1336 = arith.constant 18 : i32
        %add3A_1337 = vector.broadcast %add3A_1336 : i32 to vector<16xi32>
        %add3A_1338 = arith.addi %add3A_1245, %add3A_1337 : vector<16xi32>
        tpu.vector_store_idx %arg6[%add3A_1338], %exp3A_1335 {add = true} : memref<4608xf32, #tpu.memory_space<vmem>>[vector<16xi32>], vector<16xf32>,
        %add3A_1339 = arith.addf %mul3A_1249, %mul3A_1261 : vector<16xf32>
        %add3A_1340 = arith.constant -0.692041516 : f32
        %add3A_1341 = vector.broadcast %add3A_1340 : f32 to vector<16xf32>
        %add3A_1342 = arith.addf %add3A_1339, %add3A_1341 : vector<16xf32>
        %exp3A_1343 = math.exp %add3A_1342 : vector<16xf32>
        %add3A_1344 = arith.constant 19 : i32
        %add3A_1345 = vector.broadcast %add3A_1344 : i32 to vector<16xi32>
        %add3A_1346 = arith.addi %add3A_1245, %add3A_1345 : vector<16xi32>
        tpu.vector_store_idx %arg6[%add3A_1346], %exp3A_1343 {add = true} : memref<4608xf32, #tpu.memory_space<vmem>>[vector<16xi32>], vector<16xf32>,
        %add3A_1347 = arith.addf %mul3A_1249, %mul3A_1264 : vector<16xf32>
        %add3A_1348 = arith.constant -1.23029602 : f32
        %add3A_1349 = vector.broadcast %add3A_1348 : f32 to vector<16xf32>
        %add3A_1350 = arith.addf %add3A_1347, %add3A_1349 : vector<16xf32>
        %exp3A_1351 = math.exp %add3A_1350 : vector<16xf32>
        %add3A_1352 = arith.constant 20 : i32
        %add3A_1353 = vector.broadcast %add3A_1352 : i32 to vector<16xi32>
        %add3A_1354 = arith.addi %add3A_1245, %add3A_1353 : vector<16xi32>
        tpu.vector_store_idx %arg6[%add3A_1354], %exp3A_1351 {add = true} : memref<4608xf32, #tpu.memory_space<vmem>>[vector<16xi32>], vector<16xf32>,
        %add3A_1355 = arith.addf %mul3A_1249, %mul3A_1267 : vector<16xf32>
        %add3A_1356 = arith.constant -1.92233753 : f32
        %add3A_1357 = vector.broadcast %add3A_1356 : f32 to vector<16xf32>
        %add3A_1358 = arith.addf %add3A_1355, %add3A_1357 : vector<16xf32>
        %exp3A_1359 = math.exp %add3A_1358 : vector<16xf32>
        %add3A_1360 = arith.constant 21 : i32
        %add3A_1361 = vector.broadcast %add3A_1360 : i32 to vector<16xi32>
        %add3A_1362 = arith.addi %add3A_1245, %add3A_1361 : vector<16xi32>
        tpu.vector_store_idx %arg6[%add3A_1362], %exp3A_1359 {add = true} : memref<4608xf32, #tpu.memory_space<vmem>>[vector<16xi32>], vector<16xf32>,
        %gather3A_1363 = tpu.vector_load_idx %arg4[%broadcast_in_dim3A_958, %broadcast_in_dim3A_989, %min3A_39] : memref<2x8x112xf32, #tpu.memory_space<vmem>>[vector<16xi32>, vector<16xi32>, vector<16xi32>], vector<16xf32>,
        %mul3A_1364 = arith.constant 2.550000e+02 : f32
        %mul3A_1365 = vector.broadcast %mul3A_1364 : f32 to vector<16xf32>
        %mul3A_1366 = arith.mulf %gather3A_1363, %mul3A_1365 : vector<16xf32>
        %convert_element_type3A_1367 = arith.fptosi %mul3A_1366 : vector<16xf32> to vector<16xi32>
        %convert_element_type3A_1368 = arith.sitofp %convert_element_type3A_1367 : vector<16xi32> to vector<16xf32>
        %sub3A_1369 = arith.subf %mul3A_1366, %convert_element_type3A_1368 : vector<16xf32>
        %add3A_1370 = arith.addi %mul3A_3, %convert_element_type3A_1367 : vector<16xi32>
        %mul3A_1371 = arith.mulf %sub3A_1369, %sub3A_1369 : vector<16xf32>
        %mul3A_1372 = arith.constant -7.689350e-02 : f32
        %mul3A_1373 = vector.broadcast %mul3A_1372 : f32 to vector<16xf32>
        %mul3A_1374 = arith.mulf %mul3A_1371, %mul3A_1373 : vector<16xf32>
        %mul3A_1375 = arith.constant 1.537870e-01 : f32
        %mul3A_1376 = vector.broadcast %mul3A_1375 : f32 to vector<16xf32>
        %mul3A_1377 = arith.mulf %sub3A_1369, %mul3A_1376 : vector<16xf32>
        %mul3A_1378 = arith.constant 1.000000e+00 : f32
        %mul3A_1379 = vector.broadcast %mul3A_1378 : f32 to vector<16xf32>
        %mul3A_1380 = arith.mulf %mul3A_1377, %mul3A_1379 : vector<16xf32>
        %mul3A_1381 = arith.constant 2.000000e+00 : f32
        %mul3A_1382 = vector.broadcast %mul3A_1381 : f32 to vector<16xf32>
        %mul3A_1383 = arith.mulf %mul3A_1377, %mul3A_1382 : vector<16xf32>
        %mul3A_1384 = arith.constant 3.000000e+00 : f32
        %mul3A_1385 = vector.broadcast %mul3A_1384 : f32 to vector<16xf32>
        %mul3A_1386 = arith.mulf %mul3A_1377, %mul3A_1385 : vector<16xf32>
        %mul3A_1387 = arith.constant 4.000000e+00 : f32
        %mul3A_1388 = vector.broadcast %mul3A_1387 : f32 to vector<16xf32>
        %mul3A_1389 = arith.mulf %mul3A_1377, %mul3A_1388 : vector<16xf32>
        %mul3A_1390 = arith.constant 5.000000e+00 : f32
        %mul3A_1391 = vector.broadcast %mul3A_1390 : f32 to vector<16xf32>
        %mul3A_1392 = arith.mulf %mul3A_1377, %mul3A_1391 : vector<16xf32>
        %mul3A_1393 = arith.constant 6.000000e+00 : f32
        %mul3A_1394 = vector.broadcast %mul3A_1393 : f32 to vector<16xf32>
        %mul3A_1395 = arith.mulf %mul3A_1377, %mul3A_1394 : vector<16xf32>
        %sub3A_1396 = arith.subf %mul3A_1374, %mul3A_1395 : vector<16xf32>
        %add3A_1397 = arith.constant -2.76816607 : f32
        %add3A_1398 = vector.broadcast %add3A_1397 : f32 to vector<16xf32>
        %add3A_1399 = arith.addf %sub3A_1396, %add3A_1398 : vector<16xf32>
        %exp3A_1400 = math.exp %add3A_1399 : vector<16xf32>
        %add3A_1401 = arith.constant 10 : i32
        %add3A_1402 = vector.broadcast %add3A_1401 : i32 to vector<16xi32>
        %add3A_1403 = arith.addi %add3A_1370, %add3A_1402 : vector<16xi32>
        tpu.vector_store_idx %arg6[%add3A_1403], %exp3A_1400 {add = true} : memref<4608xf32, #tpu.memory_space<vmem>>[vector<16xi32>], vector<16xf32>,
        %sub3A_1404 = arith.subf %mul3A_1374, %mul3A_1392 : vector<16xf32>
        %add3A_1405 = arith.constant -1.92233753 : f32
        %add3A_1406 = vector.broadcast %add3A_1405 : f32 to vector<16xf32>
        %add3A_1407 = arith.addf %sub3A_1404, %add3A_1406 : vector<16xf32>
        %exp3A_1408 = math.exp %add3A_1407 : vector<16xf32>
        %add3A_1409 = arith.constant 11 : i32
        %add3A_1410 = vector.broadcast %add3A_1409 : i32 to vector<16xi32>
        %add3A_1411 = arith.addi %add3A_1370, %add3A_1410 : vector<16xi32>
        tpu.vector_store_idx %arg6[%add3A_1411], %exp3A_1408 {add = true} : memref<4608xf32, #tpu.memory_space<vmem>>[vector<16xi32>], vector<16xf32>,
        %sub3A_1412 = arith.subf %mul3A_1374, %mul3A_1389 : vector<16xf32>
        %add3A_1413 = arith.constant -1.23029602 : f32
        %add3A_1414 = vector.broadcast %add3A_1413 : f32 to vector<16xf32>
        %add3A_1415 = arith.addf %sub3A_1412, %add3A_1414 : vector<16xf32>
        %exp3A_1416 = math.exp %add3A_1415 : vector<16xf32>
        %add3A_1417 = arith.constant 12 : i32
        %add3A_1418 = vector.broadcast %add3A_1417 : i32 to vector<16xi32>
        %add3A_1419 = arith.addi %add3A_1370, %add3A_1418 : vector<16xi32>
        tpu.vector_store_idx %arg6[%add3A_1419], %exp3A_1416 {add = true} : memref<4608xf32, #tpu.memory_space<vmem>>[vector<16xi32>], vector<16xf32>,
        %sub3A_1420 = arith.subf %mul3A_1374, %mul3A_1386 : vector<16xf32>
        %add3A_1421 = arith.constant -0.692041516 : f32
        %add3A_1422 = vector.broadcast %add3A_1421 : f32 to vector<16xf32>
        %add3A_1423 = arith.addf %sub3A_1420, %add3A_1422 : vector<16xf32>
        %exp3A_1424 = math.exp %add3A_1423 : vector<16xf32>
        %add3A_1425 = arith.constant 13 : i32
        %add3A_1426 = vector.broadcast %add3A_1425 : i32 to vector<16xi32>
        %add3A_1427 = arith.addi %add3A_1370, %add3A_1426 : vector<16xi32>
        tpu.vector_store_idx %arg6[%add3A_1427], %exp3A_1424 {add = true} : memref<4608xf32, #tpu.memory_space<vmem>>[vector<16xi32>], vector<16xf32>,
        %sub3A_1428 = arith.subf %mul3A_1374, %mul3A_1383 : vector<16xf32>
        %add3A_1429 = arith.constant -3.075740e-01 : f32
        %add3A_1430 = vector.broadcast %add3A_1429 : f32 to vector<16xf32>
        %add3A_1431 = arith.addf %sub3A_1428, %add3A_1430 : vector<16xf32>
        %exp3A_1432 = math.exp %add3A_1431 : vector<16xf32>
        %add3A_1433 = arith.constant 14 : i32
        %add3A_1434 = vector.broadcast %add3A_1433 : i32 to vector<16xi32>
        %add3A_1435 = arith.addi %add3A_1370, %add3A_1434 : vector<16xi32>
        tpu.vector_store_idx %arg6[%add3A_1435], %exp3A_1432 {add = true} : memref<4608xf32, #tpu.memory_space<vmem>>[vector<16xi32>], vector<16xf32>,
        %sub3A_1436 = arith.subf %mul3A_1374, %mul3A_1380 : vector<16xf32>
        %add3A_1437 = arith.constant -7.689350e-02 : f32
        %add3A_1438 = vector.broadcast %add3A_1437 : f32 to vector<16xf32>
        %add3A_1439 = arith.addf %sub3A_1436, %add3A_1438 : vector<16xf32>
        %exp3A_1440 = math.exp %add3A_1439 : vector<16xf32>
        %add3A_1441 = arith.constant 15 : i32
        %add3A_1442 = vector.broadcast %add3A_1441 : i32 to vector<16xi32>
        %add3A_1443 = arith.addi %add3A_1370, %add3A_1442 : vector<16xi32>
        tpu.vector_store_idx %arg6[%add3A_1443], %exp3A_1440 {add = true} : memref<4608xf32, #tpu.memory_space<vmem>>[vector<16xi32>], vector<16xf32>,
        %exp3A_1444 = math.exp %mul3A_1374 : vector<16xf32>
        %add3A_1445 = arith.constant 16 : i32
        %add3A_1446 = vector.broadcast %add3A_1445 : i32 to vector<16xi32>
        %add3A_1447 = arith.addi %add3A_1370, %add3A_1446 : vector<16xi32>
        tpu.vector_store_idx %arg6[%add3A_1447], %exp3A_1444 {add = true} : memref<4608xf32, #tpu.memory_space<vmem>>[vector<16xi32>], vector<16xf32>,
        %add3A_1448 = arith.addf %mul3A_1374, %mul3A_1380 : vector<16xf32>
        %add3A_1449 = arith.constant -7.689350e-02 : f32
        %add3A_1450 = vector.broadcast %add3A_1449 : f32 to vector<16xf32>
        %add3A_1451 = arith.addf %add3A_1448, %add3A_1450 : vector<16xf32>
        %exp3A_1452 = math.exp %add3A_1451 : vector<16xf32>
        %add3A_1453 = arith.constant 17 : i32
        %add3A_1454 = vector.broadcast %add3A_1453 : i32 to vector<16xi32>
        %add3A_1455 = arith.addi %add3A_1370, %add3A_1454 : vector<16xi32>
        tpu.vector_store_idx %arg6[%add3A_1455], %exp3A_1452 {add = true} : memref<4608xf32, #tpu.memory_space<vmem>>[vector<16xi32>], vector<16xf32>,
        %add3A_1456 = arith.addf %mul3A_1374, %mul3A_1383 : vector<16xf32>
        %add3A_1457 = arith.constant -3.075740e-01 : f32
        %add3A_1458 = vector.broadcast %add3A_1457 : f32 to vector<16xf32>
        %add3A_1459 = arith.addf %add3A_1456, %add3A_1458 : vector<16xf32>
        %exp3A_1460 = math.exp %add3A_1459 : vector<16xf32>
        %add3A_1461 = arith.constant 18 : i32
        %add3A_1462 = vector.broadcast %add3A_1461 : i32 to vector<16xi32>
        %add3A_1463 = arith.addi %add3A_1370, %add3A_1462 : vector<16xi32>
        tpu.vector_store_idx %arg6[%add3A_1463], %exp3A_1460 {add = true} : memref<4608xf32, #tpu.memory_space<vmem>>[vector<16xi32>], vector<16xf32>,
        %add3A_1464 = arith.addf %mul3A_1374, %mul3A_1386 : vector<16xf32>
        %add3A_1465 = arith.constant -0.692041516 : f32
        %add3A_1466 = vector.broadcast %add3A_1465 : f32 to vector<16xf32>
        %add3A_1467 = arith.addf %add3A_1464, %add3A_1466 : vector<16xf32>
        %exp3A_1468 = math.exp %add3A_1467 : vector<16xf32>
        %add3A_1469 = arith.constant 19 : i32
        %add3A_1470 = vector.broadcast %add3A_1469 : i32 to vector<16xi32>
        %add3A_1471 = arith.addi %add3A_1370, %add3A_1470 : vector<16xi32>
        tpu.vector_store_idx %arg6[%add3A_1471], %exp3A_1468 {add = true} : memref<4608xf32, #tpu.memory_space<vmem>>[vector<16xi32>], vector<16xf32>,
        %add3A_1472 = arith.addf %mul3A_1374, %mul3A_1389 : vector<16xf32>
        %add3A_1473 = arith.constant -1.23029602 : f32
        %add3A_1474 = vector.broadcast %add3A_1473 : f32 to vector<16xf32>
        %add3A_1475 = arith.addf %add3A_1472, %add3A_1474 : vector<16xf32>
        %exp3A_1476 = math.exp %add3A_1475 : vector<16xf32>
        %add3A_1477 = arith.constant 20 : i32
        %add3A_1478 = vector.broadcast %add3A_1477 : i32 to vector<16xi32>
        %add3A_1479 = arith.addi %add3A_1370, %add3A_1478 : vector<16xi32>
        tpu.vector_store_idx %arg6[%add3A_1479], %exp3A_1476 {add = true} : memref<4608xf32, #tpu.memory_space<vmem>>[vector<16xi32>], vector<16xf32>,
        %add3A_1480 = arith.addf %mul3A_1374, %mul3A_1392 : vector<16xf32>
        %add3A_1481 = arith.constant -1.92233753 : f32
        %add3A_1482 = vector.broadcast %add3A_1481 : f32 to vector<16xf32>
        %add3A_1483 = arith.addf %add3A_1480, %add3A_1482 : vector<16xf32>
        %exp3A_1484 = math.exp %add3A_1483 : vector<16xf32>
        %add3A_1485 = arith.constant 21 : i32
        %add3A_1486 = vector.broadcast %add3A_1485 : i32 to vector<16xi32>
        %add3A_1487 = arith.addi %add3A_1370, %add3A_1486 : vector<16xi32>
        tpu.vector_store_idx %arg6[%add3A_1487], %exp3A_1484 {add = true} : memref<4608xf32, #tpu.memory_space<vmem>>[vector<16xi32>], vector<16xf32>,
        %gather3A_1488 = tpu.vector_load_idx %arg4[%broadcast_in_dim3A_958, %broadcast_in_dim3A_989, %min3A_48] : memref<2x8x112xf32, #tpu.memory_space<vmem>>[vector<16xi32>, vector<16xi32>, vector<16xi32>], vector<16xf32>,
        %mul3A_1489 = arith.constant 2.550000e+02 : f32
        %mul3A_1490 = vector.broadcast %mul3A_1489 : f32 to vector<16xf32>
        %mul3A_1491 = arith.mulf %gather3A_1488, %mul3A_1490 : vector<16xf32>
        %convert_element_type3A_1492 = arith.fptosi %mul3A_1491 : vector<16xf32> to vector<16xi32>
        %convert_element_type3A_1493 = arith.sitofp %convert_element_type3A_1492 : vector<16xi32> to vector<16xf32>
        %sub3A_1494 = arith.subf %mul3A_1491, %convert_element_type3A_1493 : vector<16xf32>
        %add3A_1495 = arith.addi %mul3A_3, %convert_element_type3A_1492 : vector<16xi32>
        %mul3A_1496 = arith.mulf %sub3A_1494, %sub3A_1494 : vector<16xf32>
        %mul3A_1497 = arith.constant -7.689350e-02 : f32
        %mul3A_1498 = vector.broadcast %mul3A_1497 : f32 to vector<16xf32>
        %mul3A_1499 = arith.mulf %mul3A_1496, %mul3A_1498 : vector<16xf32>
        %mul3A_1500 = arith.constant 1.537870e-01 : f32
        %mul3A_1501 = vector.broadcast %mul3A_1500 : f32 to vector<16xf32>
        %mul3A_1502 = arith.mulf %sub3A_1494, %mul3A_1501 : vector<16xf32>
        %mul3A_1503 = arith.constant 1.000000e+00 : f32
        %mul3A_1504 = vector.broadcast %mul3A_1503 : f32 to vector<16xf32>
        %mul3A_1505 = arith.mulf %mul3A_1502, %mul3A_1504 : vector<16xf32>
        %mul3A_1506 = arith.constant 2.000000e+00 : f32
        %mul3A_1507 = vector.broadcast %mul3A_1506 : f32 to vector<16xf32>
        %mul3A_1508 = arith.mulf %mul3A_1502, %mul3A_1507 : vector<16xf32>
        %mul3A_1509 = arith.constant 3.000000e+00 : f32
        %mul3A_1510 = vector.broadcast %mul3A_1509 : f32 to vector<16xf32>
        %mul3A_1511 = arith.mulf %mul3A_1502, %mul3A_1510 : vector<16xf32>
        %mul3A_1512 = arith.constant 4.000000e+00 : f32
        %mul3A_1513 = vector.broadcast %mul3A_1512 : f32 to vector<16xf32>
        %mul3A_1514 = arith.mulf %mul3A_1502, %mul3A_1513 : vector<16xf32>
        %mul3A_1515 = arith.constant 5.000000e+00 : f32
        %mul3A_1516 = vector.broadcast %mul3A_1515 : f32 to vector<16xf32>
        %mul3A_1517 = arith.mulf %mul3A_1502, %mul3A_1516 : vector<16xf32>
        %mul3A_1518 = arith.constant 6.000000e+00 : f32
        %mul3A_1519 = vector.broadcast %mul3A_1518 : f32 to vector<16xf32>
        %mul3A_1520 = arith.mulf %mul3A_1502, %mul3A_1519 : vector<16xf32>
        %sub3A_1521 = arith.subf %mul3A_1499, %mul3A_1520 : vector<16xf32>
        %add3A_1522 = arith.constant -2.76816607 : f32
        %add3A_1523 = vector.broadcast %add3A_1522 : f32 to vector<16xf32>
        %add3A_1524 = arith.addf %sub3A_1521, %add3A_1523 : vector<16xf32>
        %exp3A_1525 = math.exp %add3A_1524 : vector<16xf32>
        %add3A_1526 = arith.constant 10 : i32
        %add3A_1527 = vector.broadcast %add3A_1526 : i32 to vector<16xi32>
        %add3A_1528 = arith.addi %add3A_1495, %add3A_1527 : vector<16xi32>
        tpu.vector_store_idx %arg6[%add3A_1528], %exp3A_1525 {add = true} : memref<4608xf32, #tpu.memory_space<vmem>>[vector<16xi32>], vector<16xf32>,
        %sub3A_1529 = arith.subf %mul3A_1499, %mul3A_1517 : vector<16xf32>
        %add3A_1530 = arith.constant -1.92233753 : f32
        %add3A_1531 = vector.broadcast %add3A_1530 : f32 to vector<16xf32>
        %add3A_1532 = arith.addf %sub3A_1529, %add3A_1531 : vector<16xf32>
        %exp3A_1533 = math.exp %add3A_1532 : vector<16xf32>
        %add3A_1534 = arith.constant 11 : i32
        %add3A_1535 = vector.broadcast %add3A_1534 : i32 to vector<16xi32>
        %add3A_1536 = arith.addi %add3A_1495, %add3A_1535 : vector<16xi32>
        tpu.vector_store_idx %arg6[%add3A_1536], %exp3A_1533 {add = true} : memref<4608xf32, #tpu.memory_space<vmem>>[vector<16xi32>], vector<16xf32>,
        %sub3A_1537 = arith.subf %mul3A_1499, %mul3A_1514 : vector<16xf32>
        %add3A_1538 = arith.constant -1.23029602 : f32
        %add3A_1539 = vector.broadcast %add3A_1538 : f32 to vector<16xf32>
        %add3A_1540 = arith.addf %sub3A_1537, %add3A_1539 : vector<16xf32>
        %exp3A_1541 = math.exp %add3A_1540 : vector<16xf32>
        %add3A_1542 = arith.constant 12 : i32
        %add3A_1543 = vector.broadcast %add3A_1542 : i32 to vector<16xi32>
        %add3A_1544 = arith.addi %add3A_1495, %add3A_1543 : vector<16xi32>
        tpu.vector_store_idx %arg6[%add3A_1544], %exp3A_1541 {add = true} : memref<4608xf32, #tpu.memory_space<vmem>>[vector<16xi32>], vector<16xf32>,
        %sub3A_1545 = arith.subf %mul3A_1499, %mul3A_1511 : vector<16xf32>
        %add3A_1546 = arith.constant -0.692041516 : f32
        %add3A_1547 = vector.broadcast %add3A_1546 : f32 to vector<16xf32>
        %add3A_1548 = arith.addf %sub3A_1545, %add3A_1547 : vector<16xf32>
        %exp3A_1549 = math.exp %add3A_1548 : vector<16xf32>
        %add3A_1550 = arith.constant 13 : i32
        %add3A_1551 = vector.broadcast %add3A_1550 : i32 to vector<16xi32>
        %add3A_1552 = arith.addi %add3A_1495, %add3A_1551 : vector<16xi32>
        tpu.vector_store_idx %arg6[%add3A_1552], %exp3A_1549 {add = true} : memref<4608xf32, #tpu.memory_space<vmem>>[vector<16xi32>], vector<16xf32>,
        %sub3A_1553 = arith.subf %mul3A_1499, %mul3A_1508 : vector<16xf32>
        %add3A_1554 = arith.constant -3.075740e-01 : f32
        %add3A_1555 = vector.broadcast %add3A_1554 : f32 to vector<16xf32>
        %add3A_1556 = arith.addf %sub3A_1553, %add3A_1555 : vector<16xf32>
        %exp3A_1557 = math.exp %add3A_1556 : vector<16xf32>
        %add3A_1558 = arith.constant 14 : i32
        %add3A_1559 = vector.broadcast %add3A_1558 : i32 to vector<16xi32>
        %add3A_1560 = arith.addi %add3A_1495, %add3A_1559 : vector<16xi32>
        tpu.vector_store_idx %arg6[%add3A_1560], %exp3A_1557 {add = true} : memref<4608xf32, #tpu.memory_space<vmem>>[vector<16xi32>], vector<16xf32>,
        %sub3A_1561 = arith.subf %mul3A_1499, %mul3A_1505 : vector<16xf32>
        %add3A_1562 = arith.constant -7.689350e-02 : f32
        %add3A_1563 = vector.broadcast %add3A_1562 : f32 to vector<16xf32>
        %add3A_1564 = arith.addf %sub3A_1561, %add3A_1563 : vector<16xf32>
        %exp3A_1565 = math.exp %add3A_1564 : vector<16xf32>
        %add3A_1566 = arith.constant 15 : i32
        %add3A_1567 = vector.broadcast %add3A_1566 : i32 to vector<16xi32>
        %add3A_1568 = arith.addi %add3A_1495, %add3A_1567 : vector<16xi32>
        tpu.vector_store_idx %arg6[%add3A_1568], %exp3A_1565 {add = true} : memref<4608xf32, #tpu.memory_space<vmem>>[vector<16xi32>], vector<16xf32>,
        %exp3A_1569 = math.exp %mul3A_1499 : vector<16xf32>
        %add3A_1570 = arith.constant 16 : i32
        %add3A_1571 = vector.broadcast %add3A_1570 : i32 to vector<16xi32>
        %add3A_1572 = arith.addi %add3A_1495, %add3A_1571 : vector<16xi32>
        tpu.vector_store_idx %arg6[%add3A_1572], %exp3A_1569 {add = true} : memref<4608xf32, #tpu.memory_space<vmem>>[vector<16xi32>], vector<16xf32>,
        %add3A_1573 = arith.addf %mul3A_1499, %mul3A_1505 : vector<16xf32>
        %add3A_1574 = arith.constant -7.689350e-02 : f32
        %add3A_1575 = vector.broadcast %add3A_1574 : f32 to vector<16xf32>
        %add3A_1576 = arith.addf %add3A_1573, %add3A_1575 : vector<16xf32>
        %exp3A_1577 = math.exp %add3A_1576 : vector<16xf32>
        %add3A_1578 = arith.constant 17 : i32
        %add3A_1579 = vector.broadcast %add3A_1578 : i32 to vector<16xi32>
        %add3A_1580 = arith.addi %add3A_1495, %add3A_1579 : vector<16xi32>
        tpu.vector_store_idx %arg6[%add3A_1580], %exp3A_1577 {add = true} : memref<4608xf32, #tpu.memory_space<vmem>>[vector<16xi32>], vector<16xf32>,
        %add3A_1581 = arith.addf %mul3A_1499, %mul3A_1508 : vector<16xf32>
        %add3A_1582 = arith.constant -3.075740e-01 : f32
        %add3A_1583 = vector.broadcast %add3A_1582 : f32 to vector<16xf32>
        %add3A_1584 = arith.addf %add3A_1581, %add3A_1583 : vector<16xf32>
        %exp3A_1585 = math.exp %add3A_1584 : vector<16xf32>
        %add3A_1586 = arith.constant 18 : i32
        %add3A_1587 = vector.broadcast %add3A_1586 : i32 to vector<16xi32>
        %add3A_1588 = arith.addi %add3A_1495, %add3A_1587 : vector<16xi32>
        tpu.vector_store_idx %arg6[%add3A_1588], %exp3A_1585 {add = true} : memref<4608xf32, #tpu.memory_space<vmem>>[vector<16xi32>], vector<16xf32>,
        %add3A_1589 = arith.addf %mul3A_1499, %mul3A_1511 : vector<16xf32>
        %add3A_1590 = arith.constant -0.692041516 : f32
        %add3A_1591 = vector.broadcast %add3A_1590 : f32 to vector<16xf32>
        %add3A_1592 = arith.addf %add3A_1589, %add3A_1591 : vector<16xf32>
        %exp3A_1593 = math.exp %add3A_1592 : vector<16xf32>
        %add3A_1594 = arith.constant 19 : i32
        %add3A_1595 = vector.broadcast %add3A_1594 : i32 to vector<16xi32>
        %add3A_1596 = arith.addi %add3A_1495, %add3A_1595 : vector<16xi32>
        tpu.vector_store_idx %arg6[%add3A_1596], %exp3A_1593 {add = true} : memref<4608xf32, #tpu.memory_space<vmem>>[vector<16xi32>], vector<16xf32>,
        %add3A_1597 = arith.addf %mul3A_1499, %mul3A_1514 : vector<16xf32>
        %add3A_1598 = arith.constant -1.23029602 : f32
        %add3A_1599 = vector.broadcast %add3A_1598 : f32 to vector<16xf32>
        %add3A_1600 = arith.addf %add3A_1597, %add3A_1599 : vector<16xf32>
        %exp3A_1601 = math.exp %add3A_1600 : vector<16xf32>
        %add3A_1602 = arith.constant 20 : i32
        %add3A_1603 = vector.broadcast %add3A_1602 : i32 to vector<16xi32>
        %add3A_1604 = arith.addi %add3A_1495, %add3A_1603 : vector<16xi32>
        tpu.vector_store_idx %arg6[%add3A_1604], %exp3A_1601 {add = true} : memref<4608xf32, #tpu.memory_space<vmem>>[vector<16xi32>], vector<16xf32>,
        %add3A_1605 = arith.addf %mul3A_1499, %mul3A_1517 : vector<16xf32>
        %add3A_1606 = arith.constant -1.92233753 : f32
        %add3A_1607 = vector.broadcast %add3A_1606 : f32 to vector<16xf32>
        %add3A_1608 = arith.addf %add3A_1605, %add3A_1607 : vector<16xf32>
        %exp3A_1609 = math.exp %add3A_1608 : vector<16xf32>
        %add3A_1610 = arith.constant 21 : i32
        %add3A_1611 = vector.broadcast %add3A_1610 : i32 to vector<16xi32>
        %add3A_1612 = arith.addi %add3A_1495, %add3A_1611 : vector<16xi32>
        tpu.vector_store_idx %arg6[%add3A_1612], %exp3A_1609 {add = true} : memref<4608xf32, #tpu.memory_space<vmem>>[vector<16xi32>], vector<16xf32>,
        %gather3A_1613 = tpu.vector_load_idx %arg4[%broadcast_in_dim3A_958, %broadcast_in_dim3A_989, %min3A_57] : memref<2x8x112xf32, #tpu.memory_space<vmem>>[vector<16xi32>, vector<16xi32>, vector<16xi32>], vector<16xf32>,
        %mul3A_1614 = arith.constant 2.550000e+02 : f32
        %mul3A_1615 = vector.broadcast %mul3A_1614 : f32 to vector<16xf32>
        %mul3A_1616 = arith.mulf %gather3A_1613, %mul3A_1615 : vector<16xf32>
        %convert_element_type3A_1617 = arith.fptosi %mul3A_1616 : vector<16xf32> to vector<16xi32>
        %convert_element_type3A_1618 = arith.sitofp %convert_element_type3A_1617 : vector<16xi32> to vector<16xf32>
        %sub3A_1619 = arith.subf %mul3A_1616, %convert_element_type3A_1618 : vector<16xf32>
        %add3A_1620 = arith.addi %mul3A_3, %convert_element_type3A_1617 : vector<16xi32>
        %mul3A_1621 = arith.mulf %sub3A_1619, %sub3A_1619 : vector<16xf32>
        %mul3A_1622 = arith.constant -7.689350e-02 : f32
        %mul3A_1623 = vector.broadcast %mul3A_1622 : f32 to vector<16xf32>
        %mul3A_1624 = arith.mulf %mul3A_1621, %mul3A_1623 : vector<16xf32>
        %mul3A_1625 = arith.constant 1.537870e-01 : f32
        %mul3A_1626 = vector.broadcast %mul3A_1625 : f32 to vector<16xf32>
        %mul3A_1627 = arith.mulf %sub3A_1619, %mul3A_1626 : vector<16xf32>
        %mul3A_1628 = arith.constant 1.000000e+00 : f32
        %mul3A_1629 = vector.broadcast %mul3A_1628 : f32 to vector<16xf32>
        %mul3A_1630 = arith.mulf %mul3A_1627, %mul3A_1629 : vector<16xf32>
        %mul3A_1631 = arith.constant 2.000000e+00 : f32
        %mul3A_1632 = vector.broadcast %mul3A_1631 : f32 to vector<16xf32>
        %mul3A_1633 = arith.mulf %mul3A_1627, %mul3A_1632 : vector<16xf32>
        %mul3A_1634 = arith.constant 3.000000e+00 : f32
        %mul3A_1635 = vector.broadcast %mul3A_1634 : f32 to vector<16xf32>
        %mul3A_1636 = arith.mulf %mul3A_1627, %mul3A_1635 : vector<16xf32>
        %mul3A_1637 = arith.constant 4.000000e+00 : f32
        %mul3A_1638 = vector.broadcast %mul3A_1637 : f32 to vector<16xf32>
        %mul3A_1639 = arith.mulf %mul3A_1627, %mul3A_1638 : vector<16xf32>
        %mul3A_1640 = arith.constant 5.000000e+00 : f32
        %mul3A_1641 = vector.broadcast %mul3A_1640 : f32 to vector<16xf32>
        %mul3A_1642 = arith.mulf %mul3A_1627, %mul3A_1641 : vector<16xf32>
        %mul3A_1643 = arith.constant 6.000000e+00 : f32
        %mul3A_1644 = vector.broadcast %mul3A_1643 : f32 to vector<16xf32>
        %mul3A_1645 = arith.mulf %mul3A_1627, %mul3A_1644 : vector<16xf32>
        %sub3A_1646 = arith.subf %mul3A_1624, %mul3A_1645 : vector<16xf32>
        %add3A_1647 = arith.constant -2.76816607 : f32
        %add3A_1648 = vector.broadcast %add3A_1647 : f32 to vector<16xf32>
        %add3A_1649 = arith.addf %sub3A_1646, %add3A_1648 : vector<16xf32>
        %exp3A_1650 = math.exp %add3A_1649 : vector<16xf32>
        %add3A_1651 = arith.constant 10 : i32
        %add3A_1652 = vector.broadcast %add3A_1651 : i32 to vector<16xi32>
        %add3A_1653 = arith.addi %add3A_1620, %add3A_1652 : vector<16xi32>
        tpu.vector_store_idx %arg6[%add3A_1653], %exp3A_1650 {add = true} : memref<4608xf32, #tpu.memory_space<vmem>>[vector<16xi32>], vector<16xf32>,
        %sub3A_1654 = arith.subf %mul3A_1624, %mul3A_1642 : vector<16xf32>
        %add3A_1655 = arith.constant -1.92233753 : f32
        %add3A_1656 = vector.broadcast %add3A_1655 : f32 to vector<16xf32>
        %add3A_1657 = arith.addf %sub3A_1654, %add3A_1656 : vector<16xf32>
        %exp3A_1658 = math.exp %add3A_1657 : vector<16xf32>
        %add3A_1659 = arith.constant 11 : i32
        %add3A_1660 = vector.broadcast %add3A_1659 : i32 to vector<16xi32>
        %add3A_1661 = arith.addi %add3A_1620, %add3A_1660 : vector<16xi32>
        tpu.vector_store_idx %arg6[%add3A_1661], %exp3A_1658 {add = true} : memref<4608xf32, #tpu.memory_space<vmem>>[vector<16xi32>], vector<16xf32>,
        %sub3A_1662 = arith.subf %mul3A_1624, %mul3A_1639 : vector<16xf32>
        %add3A_1663 = arith.constant -1.23029602 : f32
        %add3A_1664 = vector.broadcast %add3A_1663 : f32 to vector<16xf32>
        %add3A_1665 = arith.addf %sub3A_1662, %add3A_1664 : vector<16xf32>
        %exp3A_1666 = math.exp %add3A_1665 : vector<16xf32>
        %add3A_1667 = arith.constant 12 : i32
        %add3A_1668 = vector.broadcast %add3A_1667 : i32 to vector<16xi32>
        %add3A_1669 = arith.addi %add3A_1620, %add3A_1668 : vector<16xi32>
        tpu.vector_store_idx %arg6[%add3A_1669], %exp3A_1666 {add = true} : memref<4608xf32, #tpu.memory_space<vmem>>[vector<16xi32>], vector<16xf32>,
        %sub3A_1670 = arith.subf %mul3A_1624, %mul3A_1636 : vector<16xf32>
        %add3A_1671 = arith.constant -0.692041516 : f32
        %add3A_1672 = vector.broadcast %add3A_1671 : f32 to vector<16xf32>
        %add3A_1673 = arith.addf %sub3A_1670, %add3A_1672 : vector<16xf32>
        %exp3A_1674 = math.exp %add3A_1673 : vector<16xf32>
        %add3A_1675 = arith.constant 13 : i32
        %add3A_1676 = vector.broadcast %add3A_1675 : i32 to vector<16xi32>
        %add3A_1677 = arith.addi %add3A_1620, %add3A_1676 : vector<16xi32>
        tpu.vector_store_idx %arg6[%add3A_1677], %exp3A_1674 {add = true} : memref<4608xf32, #tpu.memory_space<vmem>>[vector<16xi32>], vector<16xf32>,
        %sub3A_1678 = arith.subf %mul3A_1624, %mul3A_1633 : vector<16xf32>
        %add3A_1679 = arith.constant -3.075740e-01 : f32
        %add3A_1680 = vector.broadcast %add3A_1679 : f32 to vector<16xf32>
        %add3A_1681 = arith.addf %sub3A_1678, %add3A_1680 : vector<16xf32>
        %exp3A_1682 = math.exp %add3A_1681 : vector<16xf32>
        %add3A_1683 = arith.constant 14 : i32
        %add3A_1684 = vector.broadcast %add3A_1683 : i32 to vector<16xi32>
        %add3A_1685 = arith.addi %add3A_1620, %add3A_1684 : vector<16xi32>
        tpu.vector_store_idx %arg6[%add3A_1685], %exp3A_1682 {add = true} : memref<4608xf32, #tpu.memory_space<vmem>>[vector<16xi32>], vector<16xf32>,
        %sub3A_1686 = arith.subf %mul3A_1624, %mul3A_1630 : vector<16xf32>
        %add3A_1687 = arith.constant -7.689350e-02 : f32
        %add3A_1688 = vector.broadcast %add3A_1687 : f32 to vector<16xf32>
        %add3A_1689 = arith.addf %sub3A_1686, %add3A_1688 : vector<16xf32>
        %exp3A_1690 = math.exp %add3A_1689 : vector<16xf32>
        %add3A_1691 = arith.constant 15 : i32
        %add3A_1692 = vector.broadcast %add3A_1691 : i32 to vector<16xi32>
        %add3A_1693 = arith.addi %add3A_1620, %add3A_1692 : vector<16xi32>
        tpu.vector_store_idx %arg6[%add3A_1693], %exp3A_1690 {add = true} : memref<4608xf32, #tpu.memory_space<vmem>>[vector<16xi32>], vector<16xf32>,
        %exp3A_1694 = math.exp %mul3A_1624 : vector<16xf32>
        %add3A_1695 = arith.constant 16 : i32
        %add3A_1696 = vector.broadcast %add3A_1695 : i32 to vector<16xi32>
        %add3A_1697 = arith.addi %add3A_1620, %add3A_1696 : vector<16xi32>
        tpu.vector_store_idx %arg6[%add3A_1697], %exp3A_1694 {add = true} : memref<4608xf32, #tpu.memory_space<vmem>>[vector<16xi32>], vector<16xf32>,
        %add3A_1698 = arith.addf %mul3A_1624, %mul3A_1630 : vector<16xf32>
        %add3A_1699 = arith.constant -7.689350e-02 : f32
        %add3A_1700 = vector.broadcast %add3A_1699 : f32 to vector<16xf32>
        %add3A_1701 = arith.addf %add3A_1698, %add3A_1700 : vector<16xf32>
        %exp3A_1702 = math.exp %add3A_1701 : vector<16xf32>
        %add3A_1703 = arith.constant 17 : i32
        %add3A_1704 = vector.broadcast %add3A_1703 : i32 to vector<16xi32>
        %add3A_1705 = arith.addi %add3A_1620, %add3A_1704 : vector<16xi32>
        tpu.vector_store_idx %arg6[%add3A_1705], %exp3A_1702 {add = true} : memref<4608xf32, #tpu.memory_space<vmem>>[vector<16xi32>], vector<16xf32>,
        %add3A_1706 = arith.addf %mul3A_1624, %mul3A_1633 : vector<16xf32>
        %add3A_1707 = arith.constant -3.075740e-01 : f32
        %add3A_1708 = vector.broadcast %add3A_1707 : f32 to vector<16xf32>
        %add3A_1709 = arith.addf %add3A_1706, %add3A_1708 : vector<16xf32>
        %exp3A_1710 = math.exp %add3A_1709 : vector<16xf32>
        %add3A_1711 = arith.constant 18 : i32
        %add3A_1712 = vector.broadcast %add3A_1711 : i32 to vector<16xi32>
        %add3A_1713 = arith.addi %add3A_1620, %add3A_1712 : vector<16xi32>
        tpu.vector_store_idx %arg6[%add3A_1713], %exp3A_1710 {add = true} : memref<4608xf32, #tpu.memory_space<vmem>>[vector<16xi32>], vector<16xf32>,
        %add3A_1714 = arith.addf %mul3A_1624, %mul3A_1636 : vector<16xf32>
        %add3A_1715 = arith.constant -0.692041516 : f32
        %add3A_1716 = vector.broadcast %add3A_1715 : f32 to vector<16xf32>
        %add3A_1717 = arith.addf %add3A_1714, %add3A_1716 : vector<16xf32>
        %exp3A_1718 = math.exp %add3A_1717 : vector<16xf32>
        %add3A_1719 = arith.constant 19 : i32
        %add3A_1720 = vector.broadcast %add3A_1719 : i32 to vector<16xi32>
        %add3A_1721 = arith.addi %add3A_1620, %add3A_1720 : vector<16xi32>
        tpu.vector_store_idx %arg6[%add3A_1721], %exp3A_1718 {add = true} : memref<4608xf32, #tpu.memory_space<vmem>>[vector<16xi32>], vector<16xf32>,
        %add3A_1722 = arith.addf %mul3A_1624, %mul3A_1639 : vector<16xf32>
        %add3A_1723 = arith.constant -1.23029602 : f32
        %add3A_1724 = vector.broadcast %add3A_1723 : f32 to vector<16xf32>
        %add3A_1725 = arith.addf %add3A_1722, %add3A_1724 : vector<16xf32>
        %exp3A_1726 = math.exp %add3A_1725 : vector<16xf32>
        %add3A_1727 = arith.constant 20 : i32
        %add3A_1728 = vector.broadcast %add3A_1727 : i32 to vector<16xi32>
        %add3A_1729 = arith.addi %add3A_1620, %add3A_1728 : vector<16xi32>
        tpu.vector_store_idx %arg6[%add3A_1729], %exp3A_1726 {add = true} : memref<4608xf32, #tpu.memory_space<vmem>>[vector<16xi32>], vector<16xf32>,
        %add3A_1730 = arith.addf %mul3A_1624, %mul3A_1642 : vector<16xf32>
        %add3A_1731 = arith.constant -1.92233753 : f32
        %add3A_1732 = vector.broadcast %add3A_1731 : f32 to vector<16xf32>
        %add3A_1733 = arith.addf %add3A_1730, %add3A_1732 : vector<16xf32>
        %exp3A_1734 = math.exp %add3A_1733 : vector<16xf32>
        %add3A_1735 = arith.constant 21 : i32
        %add3A_1736 = vector.broadcast %add3A_1735 : i32 to vector<16xi32>
        %add3A_1737 = arith.addi %add3A_1620, %add3A_1736 : vector<16xi32>
        tpu.vector_store_idx %arg6[%add3A_1737], %exp3A_1734 {add = true} : memref<4608xf32, #tpu.memory_space<vmem>>[vector<16xi32>], vector<16xf32>,
        %gather3A_1738 = tpu.vector_load_idx %arg4[%broadcast_in_dim3A_958, %broadcast_in_dim3A_989, %min3A_66] : memref<2x8x112xf32, #tpu.memory_space<vmem>>[vector<16xi32>, vector<16xi32>, vector<16xi32>], vector<16xf32>,
        %mul3A_1739 = arith.constant 2.550000e+02 : f32
        %mul3A_1740 = vector.broadcast %mul3A_1739 : f32 to vector<16xf32>
        %mul3A_1741 = arith.mulf %gather3A_1738, %mul3A_1740 : vector<16xf32>
        %convert_element_type3A_1742 = arith.fptosi %mul3A_1741 : vector<16xf32> to vector<16xi32>
        %convert_element_type3A_1743 = arith.sitofp %convert_element_type3A_1742 : vector<16xi32> to vector<16xf32>
        %sub3A_1744 = arith.subf %mul3A_1741, %convert_element_type3A_1743 : vector<16xf32>
        %add3A_1745 = arith.addi %mul3A_3, %convert_element_type3A_1742 : vector<16xi32>
        %mul3A_1746 = arith.mulf %sub3A_1744, %sub3A_1744 : vector<16xf32>
        %mul3A_1747 = arith.constant -7.689350e-02 : f32
        %mul3A_1748 = vector.broadcast %mul3A_1747 : f32 to vector<16xf32>
        %mul3A_1749 = arith.mulf %mul3A_1746, %mul3A_1748 : vector<16xf32>
        %mul3A_1750 = arith.constant 1.537870e-01 : f32
        %mul3A_1751 = vector.broadcast %mul3A_1750 : f32 to vector<16xf32>
        %mul3A_1752 = arith.mulf %sub3A_1744, %mul3A_1751 : vector<16xf32>
        %mul3A_1753 = arith.constant 1.000000e+00 : f32
        %mul3A_1754 = vector.broadcast %mul3A_1753 : f32 to vector<16xf32>
        %mul3A_1755 = arith.mulf %mul3A_1752, %mul3A_1754 : vector<16xf32>
        %mul3A_1756 = arith.constant 2.000000e+00 : f32
        %mul3A_1757 = vector.broadcast %mul3A_1756 : f32 to vector<16xf32>
        %mul3A_1758 = arith.mulf %mul3A_1752, %mul3A_1757 : vector<16xf32>
        %mul3A_1759 = arith.constant 3.000000e+00 : f32
        %mul3A_1760 = vector.broadcast %mul3A_1759 : f32 to vector<16xf32>
        %mul3A_1761 = arith.mulf %mul3A_1752, %mul3A_1760 : vector<16xf32>
        %mul3A_1762 = arith.constant 4.000000e+00 : f32
        %mul3A_1763 = vector.broadcast %mul3A_1762 : f32 to vector<16xf32>
        %mul3A_1764 = arith.mulf %mul3A_1752, %mul3A_1763 : vector<16xf32>
        %mul3A_1765 = arith.constant 5.000000e+00 : f32
        %mul3A_1766 = vector.broadcast %mul3A_1765 : f32 to vector<16xf32>
        %mul3A_1767 = arith.mulf %mul3A_1752, %mul3A_1766 : vector<16xf32>
        %mul3A_1768 = arith.constant 6.000000e+00 : f32
        %mul3A_1769 = vector.broadcast %mul3A_1768 : f32 to vector<16xf32>
        %mul3A_1770 = arith.mulf %mul3A_1752, %mul3A_1769 : vector<16xf32>
        %sub3A_1771 = arith.subf %mul3A_1749, %mul3A_1770 : vector<16xf32>
        %add3A_1772 = arith.constant -2.76816607 : f32
        %add3A_1773 = vector.broadcast %add3A_1772 : f32 to vector<16xf32>
        %add3A_1774 = arith.addf %sub3A_1771, %add3A_1773 : vector<16xf32>
        %exp3A_1775 = math.exp %add3A_1774 : vector<16xf32>
        %add3A_1776 = arith.constant 10 : i32
        %add3A_1777 = vector.broadcast %add3A_1776 : i32 to vector<16xi32>
        %add3A_1778 = arith.addi %add3A_1745, %add3A_1777 : vector<16xi32>
        tpu.vector_store_idx %arg6[%add3A_1778], %exp3A_1775 {add = true} : memref<4608xf32, #tpu.memory_space<vmem>>[vector<16xi32>], vector<16xf32>,
        %sub3A_1779 = arith.subf %mul3A_1749, %mul3A_1767 : vector<16xf32>
        %add3A_1780 = arith.constant -1.92233753 : f32
        %add3A_1781 = vector.broadcast %add3A_1780 : f32 to vector<16xf32>
        %add3A_1782 = arith.addf %sub3A_1779, %add3A_1781 : vector<16xf32>
        %exp3A_1783 = math.exp %add3A_1782 : vector<16xf32>
        %add3A_1784 = arith.constant 11 : i32
        %add3A_1785 = vector.broadcast %add3A_1784 : i32 to vector<16xi32>
        %add3A_1786 = arith.addi %add3A_1745, %add3A_1785 : vector<16xi32>
        tpu.vector_store_idx %arg6[%add3A_1786], %exp3A_1783 {add = true} : memref<4608xf32, #tpu.memory_space<vmem>>[vector<16xi32>], vector<16xf32>,
        %sub3A_1787 = arith.subf %mul3A_1749, %mul3A_1764 : vector<16xf32>
        %add3A_1788 = arith.constant -1.23029602 : f32
        %add3A_1789 = vector.broadcast %add3A_1788 : f32 to vector<16xf32>
        %add3A_1790 = arith.addf %sub3A_1787, %add3A_1789 : vector<16xf32>
        %exp3A_1791 = math.exp %add3A_1790 : vector<16xf32>
        %add3A_1792 = arith.constant 12 : i32
        %add3A_1793 = vector.broadcast %add3A_1792 : i32 to vector<16xi32>
        %add3A_1794 = arith.addi %add3A_1745, %add3A_1793 : vector<16xi32>
        tpu.vector_store_idx %arg6[%add3A_1794], %exp3A_1791 {add = true} : memref<4608xf32, #tpu.memory_space<vmem>>[vector<16xi32>], vector<16xf32>,
        %sub3A_1795 = arith.subf %mul3A_1749, %mul3A_1761 : vector<16xf32>
        %add3A_1796 = arith.constant -0.692041516 : f32
        %add3A_1797 = vector.broadcast %add3A_1796 : f32 to vector<16xf32>
        %add3A_1798 = arith.addf %sub3A_1795, %add3A_1797 : vector<16xf32>
        %exp3A_1799 = math.exp %add3A_1798 : vector<16xf32>
        %add3A_1800 = arith.constant 13 : i32
        %add3A_1801 = vector.broadcast %add3A_1800 : i32 to vector<16xi32>
        %add3A_1802 = arith.addi %add3A_1745, %add3A_1801 : vector<16xi32>
        tpu.vector_store_idx %arg6[%add3A_1802], %exp3A_1799 {add = true} : memref<4608xf32, #tpu.memory_space<vmem>>[vector<16xi32>], vector<16xf32>,
        %sub3A_1803 = arith.subf %mul3A_1749, %mul3A_1758 : vector<16xf32>
        %add3A_1804 = arith.constant -3.075740e-01 : f32
        %add3A_1805 = vector.broadcast %add3A_1804 : f32 to vector<16xf32>
        %add3A_1806 = arith.addf %sub3A_1803, %add3A_1805 : vector<16xf32>
        %exp3A_1807 = math.exp %add3A_1806 : vector<16xf32>
        %add3A_1808 = arith.constant 14 : i32
        %add3A_1809 = vector.broadcast %add3A_1808 : i32 to vector<16xi32>
        %add3A_1810 = arith.addi %add3A_1745, %add3A_1809 : vector<16xi32>
        tpu.vector_store_idx %arg6[%add3A_1810], %exp3A_1807 {add = true} : memref<4608xf32, #tpu.memory_space<vmem>>[vector<16xi32>], vector<16xf32>,
        %sub3A_1811 = arith.subf %mul3A_1749, %mul3A_1755 : vector<16xf32>
        %add3A_1812 = arith.constant -7.689350e-02 : f32
        %add3A_1813 = vector.broadcast %add3A_1812 : f32 to vector<16xf32>
        %add3A_1814 = arith.addf %sub3A_1811, %add3A_1813 : vector<16xf32>
        %exp3A_1815 = math.exp %add3A_1814 : vector<16xf32>
        %add3A_1816 = arith.constant 15 : i32
        %add3A_1817 = vector.broadcast %add3A_1816 : i32 to vector<16xi32>
        %add3A_1818 = arith.addi %add3A_1745, %add3A_1817 : vector<16xi32>
        tpu.vector_store_idx %arg6[%add3A_1818], %exp3A_1815 {add = true} : memref<4608xf32, #tpu.memory_space<vmem>>[vector<16xi32>], vector<16xf32>,
        %exp3A_1819 = math.exp %mul3A_1749 : vector<16xf32>
        %add3A_1820 = arith.constant 16 : i32
        %add3A_1821 = vector.broadcast %add3A_1820 : i32 to vector<16xi32>
        %add3A_1822 = arith.addi %add3A_1745, %add3A_1821 : vector<16xi32>
        tpu.vector_store_idx %arg6[%add3A_1822], %exp3A_1819 {add = true} : memref<4608xf32, #tpu.memory_space<vmem>>[vector<16xi32>], vector<16xf32>,
        %add3A_1823 = arith.addf %mul3A_1749, %mul3A_1755 : vector<16xf32>
        %add3A_1824 = arith.constant -7.689350e-02 : f32
        %add3A_1825 = vector.broadcast %add3A_1824 : f32 to vector<16xf32>
        %add3A_1826 = arith.addf %add3A_1823, %add3A_1825 : vector<16xf32>
        %exp3A_1827 = math.exp %add3A_1826 : vector<16xf32>
        %add3A_1828 = arith.constant 17 : i32
        %add3A_1829 = vector.broadcast %add3A_1828 : i32 to vector<16xi32>
        %add3A_1830 = arith.addi %add3A_1745, %add3A_1829 : vector<16xi32>
        tpu.vector_store_idx %arg6[%add3A_1830], %exp3A_1827 {add = true} : memref<4608xf32, #tpu.memory_space<vmem>>[vector<16xi32>], vector<16xf32>,
        %add3A_1831 = arith.addf %mul3A_1749, %mul3A_1758 : vector<16xf32>
        %add3A_1832 = arith.constant -3.075740e-01 : f32
        %add3A_1833 = vector.broadcast %add3A_1832 : f32 to vector<16xf32>
        %add3A_1834 = arith.addf %add3A_1831, %add3A_1833 : vector<16xf32>
        %exp3A_1835 = math.exp %add3A_1834 : vector<16xf32>
        %add3A_1836 = arith.constant 18 : i32
        %add3A_1837 = vector.broadcast %add3A_1836 : i32 to vector<16xi32>
        %add3A_1838 = arith.addi %add3A_1745, %add3A_1837 : vector<16xi32>
        tpu.vector_store_idx %arg6[%add3A_1838], %exp3A_1835 {add = true} : memref<4608xf32, #tpu.memory_space<vmem>>[vector<16xi32>], vector<16xf32>,
        %add3A_1839 = arith.addf %mul3A_1749, %mul3A_1761 : vector<16xf32>
        %add3A_1840 = arith.constant -0.692041516 : f32
        %add3A_1841 = vector.broadcast %add3A_1840 : f32 to vector<16xf32>
        %add3A_1842 = arith.addf %add3A_1839, %add3A_1841 : vector<16xf32>
        %exp3A_1843 = math.exp %add3A_1842 : vector<16xf32>
        %add3A_1844 = arith.constant 19 : i32
        %add3A_1845 = vector.broadcast %add3A_1844 : i32 to vector<16xi32>
        %add3A_1846 = arith.addi %add3A_1745, %add3A_1845 : vector<16xi32>
        tpu.vector_store_idx %arg6[%add3A_1846], %exp3A_1843 {add = true} : memref<4608xf32, #tpu.memory_space<vmem>>[vector<16xi32>], vector<16xf32>,
        %add3A_1847 = arith.addf %mul3A_1749, %mul3A_1764 : vector<16xf32>
        %add3A_1848 = arith.constant -1.23029602 : f32
        %add3A_1849 = vector.broadcast %add3A_1848 : f32 to vector<16xf32>
        %add3A_1850 = arith.addf %add3A_1847, %add3A_1849 : vector<16xf32>
        %exp3A_1851 = math.exp %add3A_1850 : vector<16xf32>
        %add3A_1852 = arith.constant 20 : i32
        %add3A_1853 = vector.broadcast %add3A_1852 : i32 to vector<16xi32>
        %add3A_1854 = arith.addi %add3A_1745, %add3A_1853 : vector<16xi32>
        tpu.vector_store_idx %arg6[%add3A_1854], %exp3A_1851 {add = true} : memref<4608xf32, #tpu.memory_space<vmem>>[vector<16xi32>], vector<16xf32>,
        %add3A_1855 = arith.addf %mul3A_1749, %mul3A_1767 : vector<16xf32>
        %add3A_1856 = arith.constant -1.92233753 : f32
        %add3A_1857 = vector.broadcast %add3A_1856 : f32 to vector<16xf32>
        %add3A_1858 = arith.addf %add3A_1855, %add3A_1857 : vector<16xf32>
        %exp3A_1859 = math.exp %add3A_1858 : vector<16xf32>
        %add3A_1860 = arith.constant 21 : i32
        %add3A_1861 = vector.broadcast %add3A_1860 : i32 to vector<16xi32>
        %add3A_1862 = arith.addi %add3A_1745, %add3A_1861 : vector<16xi32>
        tpu.vector_store_idx %arg6[%add3A_1862], %exp3A_1859 {add = true} : memref<4608xf32, #tpu.memory_space<vmem>>[vector<16xi32>], vector<16xf32>,
        %gather3A_1863 = tpu.vector_load_idx %arg4[%broadcast_in_dim3A_958, %broadcast_in_dim3A_989, %min3A_75] : memref<2x8x112xf32, #tpu.memory_space<vmem>>[vector<16xi32>, vector<16xi32>, vector<16xi32>], vector<16xf32>,
        %mul3A_1864 = arith.constant 2.550000e+02 : f32
        %mul3A_1865 = vector.broadcast %mul3A_1864 : f32 to vector<16xf32>
        %mul3A_1866 = arith.mulf %gather3A_1863, %mul3A_1865 : vector<16xf32>
        %convert_element_type3A_1867 = arith.fptosi %mul3A_1866 : vector<16xf32> to vector<16xi32>
        %convert_element_type3A_1868 = arith.sitofp %convert_element_type3A_1867 : vector<16xi32> to vector<16xf32>
        %sub3A_1869 = arith.subf %mul3A_1866, %convert_element_type3A_1868 : vector<16xf32>
        %add3A_1870 = arith.addi %mul3A_3, %convert_element_type3A_1867 : vector<16xi32>
        %mul3A_1871 = arith.mulf %sub3A_1869, %sub3A_1869 : vector<16xf32>
        %mul3A_1872 = arith.constant -7.689350e-02 : f32
        %mul3A_1873 = vector.broadcast %mul3A_1872 : f32 to vector<16xf32>
        %mul3A_1874 = arith.mulf %mul3A_1871, %mul3A_1873 : vector<16xf32>
        %mul3A_1875 = arith.constant 1.537870e-01 : f32
        %mul3A_1876 = vector.broadcast %mul3A_1875 : f32 to vector<16xf32>
        %mul3A_1877 = arith.mulf %sub3A_1869, %mul3A_1876 : vector<16xf32>
        %mul3A_1878 = arith.constant 1.000000e+00 : f32
        %mul3A_1879 = vector.broadcast %mul3A_1878 : f32 to vector<16xf32>
        %mul3A_1880 = arith.mulf %mul3A_1877, %mul3A_1879 : vector<16xf32>
        %mul3A_1881 = arith.constant 2.000000e+00 : f32
        %mul3A_1882 = vector.broadcast %mul3A_1881 : f32 to vector<16xf32>
        %mul3A_1883 = arith.mulf %mul3A_1877, %mul3A_1882 : vector<16xf32>
        %mul3A_1884 = arith.constant 3.000000e+00 : f32
        %mul3A_1885 = vector.broadcast %mul3A_1884 : f32 to vector<16xf32>
        %mul3A_1886 = arith.mulf %mul3A_1877, %mul3A_1885 : vector<16xf32>
        %mul3A_1887 = arith.constant 4.000000e+00 : f32
        %mul3A_1888 = vector.broadcast %mul3A_1887 : f32 to vector<16xf32>
        %mul3A_1889 = arith.mulf %mul3A_1877, %mul3A_1888 : vector<16xf32>
        %mul3A_1890 = arith.constant 5.000000e+00 : f32
        %mul3A_1891 = vector.broadcast %mul3A_1890 : f32 to vector<16xf32>
        %mul3A_1892 = arith.mulf %mul3A_1877, %mul3A_1891 : vector<16xf32>
        %mul3A_1893 = arith.constant 6.000000e+00 : f32
        %mul3A_1894 = vector.broadcast %mul3A_1893 : f32 to vector<16xf32>
        %mul3A_1895 = arith.mulf %mul3A_1877, %mul3A_1894 : vector<16xf32>
        %sub3A_1896 = arith.subf %mul3A_1874, %mul3A_1895 : vector<16xf32>
        %add3A_1897 = arith.constant -2.76816607 : f32
        %add3A_1898 = vector.broadcast %add3A_1897 : f32 to vector<16xf32>
        %add3A_1899 = arith.addf %sub3A_1896, %add3A_1898 : vector<16xf32>
        %exp3A_1900 = math.exp %add3A_1899 : vector<16xf32>
        %add3A_1901 = arith.constant 10 : i32
        %add3A_1902 = vector.broadcast %add3A_1901 : i32 to vector<16xi32>
        %add3A_1903 = arith.addi %add3A_1870, %add3A_1902 : vector<16xi32>
        tpu.vector_store_idx %arg6[%add3A_1903], %exp3A_1900 {add = true} : memref<4608xf32, #tpu.memory_space<vmem>>[vector<16xi32>], vector<16xf32>,
        %sub3A_1904 = arith.subf %mul3A_1874, %mul3A_1892 : vector<16xf32>
        %add3A_1905 = arith.constant -1.92233753 : f32
        %add3A_1906 = vector.broadcast %add3A_1905 : f32 to vector<16xf32>
        %add3A_1907 = arith.addf %sub3A_1904, %add3A_1906 : vector<16xf32>
        %exp3A_1908 = math.exp %add3A_1907 : vector<16xf32>
        %add3A_1909 = arith.constant 11 : i32
        %add3A_1910 = vector.broadcast %add3A_1909 : i32 to vector<16xi32>
        %add3A_1911 = arith.addi %add3A_1870, %add3A_1910 : vector<16xi32>
        tpu.vector_store_idx %arg6[%add3A_1911], %exp3A_1908 {add = true} : memref<4608xf32, #tpu.memory_space<vmem>>[vector<16xi32>], vector<16xf32>,
        %sub3A_1912 = arith.subf %mul3A_1874, %mul3A_1889 : vector<16xf32>
        %add3A_1913 = arith.constant -1.23029602 : f32
        %add3A_1914 = vector.broadcast %add3A_1913 : f32 to vector<16xf32>
        %add3A_1915 = arith.addf %sub3A_1912, %add3A_1914 : vector<16xf32>
        %exp3A_1916 = math.exp %add3A_1915 : vector<16xf32>
        %add3A_1917 = arith.constant 12 : i32
        %add3A_1918 = vector.broadcast %add3A_1917 : i32 to vector<16xi32>
        %add3A_1919 = arith.addi %add3A_1870, %add3A_1918 : vector<16xi32>
        tpu.vector_store_idx %arg6[%add3A_1919], %exp3A_1916 {add = true} : memref<4608xf32, #tpu.memory_space<vmem>>[vector<16xi32>], vector<16xf32>,
        %sub3A_1920 = arith.subf %mul3A_1874, %mul3A_1886 : vector<16xf32>
        %add3A_1921 = arith.constant -0.692041516 : f32
        %add3A_1922 = vector.broadcast %add3A_1921 : f32 to vector<16xf32>
        %add3A_1923 = arith.addf %sub3A_1920, %add3A_1922 : vector<16xf32>
        %exp3A_1924 = math.exp %add3A_1923 : vector<16xf32>
        %add3A_1925 = arith.constant 13 : i32
        %add3A_1926 = vector.broadcast %add3A_1925 : i32 to vector<16xi32>
        %add3A_1927 = arith.addi %add3A_1870, %add3A_1926 : vector<16xi32>
        tpu.vector_store_idx %arg6[%add3A_1927], %exp3A_1924 {add = true} : memref<4608xf32, #tpu.memory_space<vmem>>[vector<16xi32>], vector<16xf32>,
        %sub3A_1928 = arith.subf %mul3A_1874, %mul3A_1883 : vector<16xf32>
        %add3A_1929 = arith.constant -3.075740e-01 : f32
        %add3A_1930 = vector.broadcast %add3A_1929 : f32 to vector<16xf32>
        %add3A_1931 = arith.addf %sub3A_1928, %add3A_1930 : vector<16xf32>
        %exp3A_1932 = math.exp %add3A_1931 : vector<16xf32>
        %add3A_1933 = arith.constant 14 : i32
        %add3A_1934 = vector.broadcast %add3A_1933 : i32 to vector<16xi32>
        %add3A_1935 = arith.addi %add3A_1870, %add3A_1934 : vector<16xi32>
        tpu.vector_store_idx %arg6[%add3A_1935], %exp3A_1932 {add = true} : memref<4608xf32, #tpu.memory_space<vmem>>[vector<16xi32>], vector<16xf32>,
        %sub3A_1936 = arith.subf %mul3A_1874, %mul3A_1880 : vector<16xf32>
        %add3A_1937 = arith.constant -7.689350e-02 : f32
        %add3A_1938 = vector.broadcast %add3A_1937 : f32 to vector<16xf32>
        %add3A_1939 = arith.addf %sub3A_1936, %add3A_1938 : vector<16xf32>
        %exp3A_1940 = math.exp %add3A_1939 : vector<16xf32>
        %add3A_1941 = arith.constant 15 : i32
        %add3A_1942 = vector.broadcast %add3A_1941 : i32 to vector<16xi32>
        %add3A_1943 = arith.addi %add3A_1870, %add3A_1942 : vector<16xi32>
        tpu.vector_store_idx %arg6[%add3A_1943], %exp3A_1940 {add = true} : memref<4608xf32, #tpu.memory_space<vmem>>[vector<16xi32>], vector<16xf32>,
        %exp3A_1944 = math.exp %mul3A_1874 : vector<16xf32>
        %add3A_1945 = arith.constant 16 : i32
        %add3A_1946 = vector.broadcast %add3A_1945 : i32 to vector<16xi32>
        %add3A_1947 = arith.addi %add3A_1870, %add3A_1946 : vector<16xi32>
        tpu.vector_store_idx %arg6[%add3A_1947], %exp3A_1944 {add = true} : memref<4608xf32, #tpu.memory_space<vmem>>[vector<16xi32>], vector<16xf32>,
        %add3A_1948 = arith.addf %mul3A_1874, %mul3A_1880 : vector<16xf32>
        %add3A_1949 = arith.constant -7.689350e-02 : f32
        %add3A_1950 = vector.broadcast %add3A_1949 : f32 to vector<16xf32>
        %add3A_1951 = arith.addf %add3A_1948, %add3A_1950 : vector<16xf32>
        %exp3A_1952 = math.exp %add3A_1951 : vector<16xf32>
        %add3A_1953 = arith.constant 17 : i32
        %add3A_1954 = vector.broadcast %add3A_1953 : i32 to vector<16xi32>
        %add3A_1955 = arith.addi %add3A_1870, %add3A_1954 : vector<16xi32>
        tpu.vector_store_idx %arg6[%add3A_1955], %exp3A_1952 {add = true} : memref<4608xf32, #tpu.memory_space<vmem>>[vector<16xi32>], vector<16xf32>,
        %add3A_1956 = arith.addf %mul3A_1874, %mul3A_1883 : vector<16xf32>
        %add3A_1957 = arith.constant -3.075740e-01 : f32
        %add3A_1958 = vector.broadcast %add3A_1957 : f32 to vector<16xf32>
        %add3A_1959 = arith.addf %add3A_1956, %add3A_1958 : vector<16xf32>
        %exp3A_1960 = math.exp %add3A_1959 : vector<16xf32>
        %add3A_1961 = arith.constant 18 : i32
        %add3A_1962 = vector.broadcast %add3A_1961 : i32 to vector<16xi32>
        %add3A_1963 = arith.addi %add3A_1870, %add3A_1962 : vector<16xi32>
        tpu.vector_store_idx %arg6[%add3A_1963], %exp3A_1960 {add = true} : memref<4608xf32, #tpu.memory_space<vmem>>[vector<16xi32>], vector<16xf32>,
        %add3A_1964 = arith.addf %mul3A_1874, %mul3A_1886 : vector<16xf32>
        %add3A_1965 = arith.constant -0.692041516 : f32
        %add3A_1966 = vector.broadcast %add3A_1965 : f32 to vector<16xf32>
        %add3A_1967 = arith.addf %add3A_1964, %add3A_1966 : vector<16xf32>
        %exp3A_1968 = math.exp %add3A_1967 : vector<16xf32>
        %add3A_1969 = arith.constant 19 : i32
        %add3A_1970 = vector.broadcast %add3A_1969 : i32 to vector<16xi32>
        %add3A_1971 = arith.addi %add3A_1870, %add3A_1970 : vector<16xi32>
        tpu.vector_store_idx %arg6[%add3A_1971], %exp3A_1968 {add = true} : memref<4608xf32, #tpu.memory_space<vmem>>[vector<16xi32>], vector<16xf32>,
        %add3A_1972 = arith.addf %mul3A_1874, %mul3A_1889 : vector<16xf32>
        %add3A_1973 = arith.constant -1.23029602 : f32
        %add3A_1974 = vector.broadcast %add3A_1973 : f32 to vector<16xf32>
        %add3A_1975 = arith.addf %add3A_1972, %add3A_1974 : vector<16xf32>
        %exp3A_1976 = math.exp %add3A_1975 : vector<16xf32>
        %add3A_1977 = arith.constant 20 : i32
        %add3A_1978 = vector.broadcast %add3A_1977 : i32 to vector<16xi32>
        %add3A_1979 = arith.addi %add3A_1870, %add3A_1978 : vector<16xi32>
        tpu.vector_store_idx %arg6[%add3A_1979], %exp3A_1976 {add = true} : memref<4608xf32, #tpu.memory_space<vmem>>[vector<16xi32>], vector<16xf32>,
        %add3A_1980 = arith.addf %mul3A_1874, %mul3A_1892 : vector<16xf32>
        %add3A_1981 = arith.constant -1.92233753 : f32
        %add3A_1982 = vector.broadcast %add3A_1981 : f32 to vector<16xf32>
        %add3A_1983 = arith.addf %add3A_1980, %add3A_1982 : vector<16xf32>
        %exp3A_1984 = math.exp %add3A_1983 : vector<16xf32>
        %add3A_1985 = arith.constant 21 : i32
        %add3A_1986 = vector.broadcast %add3A_1985 : i32 to vector<16xi32>
        %add3A_1987 = arith.addi %add3A_1870, %add3A_1986 : vector<16xi32>
        tpu.vector_store_idx %arg6[%add3A_1987], %exp3A_1984 {add = true} : memref<4608xf32, #tpu.memory_space<vmem>>[vector<16xi32>], vector<16xf32>,
      }
      %scan3A_964 = arith.constant 8 : i32
      %broadcast_in_dim3A_965 = arith.constant 0.000000e+00 : f32
      %broadcast_in_dim3A_966 = vector.broadcast %broadcast_in_dim3A_965 : f32 to vector<16xf32>
      %scan3A_967 = arith.constant 0 : i32
      %scan3A_968 = arith.constant 14 : i32
      %scan3A_969 = arith.addi %scan3A_967, %scan3A_968 : i32
      %scan3A_970 = arith.constant 1 : i32
      %scan3A_971 = scf.for %scan3A_988 = %scan3A_967 to %scan3A_969 step %scan3A_970 iter_args(%scan3A_989 = %broadcast_in_dim3A_966) -> (vector<16xf32>)  : i32 {
        %mul3A_990 = arith.constant 288 : i32
        %mul3A_991 = arith.muli %scan3A_988, %mul3A_990 : i32
        %add3A_992 = arith.constant 16 : i32
        %add3A_993 = arith.addi %mul3A_991, %add3A_992 : i32
        %broadcast_in_dim3A_994 = arith.constant 0.000000e+00 : f32
        %broadcast_in_dim3A_995 = vector.broadcast %broadcast_in_dim3A_994 : f32 to vector<16xf32>
        %broadcast_in_dim3A_996 = arith.constant 0.000000e+00 : f32
        %broadcast_in_dim3A_997 = vector.broadcast %broadcast_in_dim3A_996 : f32 to vector<16xf32>
        %add3A_998 = arith.constant 0 : i32
        %add3A_999 = arith.addi %add3A_993, %add3A_998 : i32
        %get3A = arith.index_cast %add3A_999 : i32 to index
        %get3A_1000 = tpu.vector_load %arg6[%get3A] {strides = array<i32>} : memref<4608xf32, #tpu.memory_space<vmem>>, vector<16xf32>,
        %swap3A_1001 = arith.index_cast %add3A_999 : i32 to index
        %swap3A_1002 = tpu.vector_load %arg6[%swap3A_1001] {strides = array<i32>} : memref<4608xf32, #tpu.memory_space<vmem>>, vector<16xf32>,
        tpu.vector_store %arg6[%swap3A_1001], %broadcast_in_dim3A_4 {strides = array<i32>} : memref<4608xf32, #tpu.memory_space<vmem>>, vector<16xf32>,
        %add3A_1003 = arith.addf %broadcast_in_dim3A_995, %get3A_1000 : vector<16xf32>
        %bitcast3A = vector.bitcast %get3A_1000 : vector<16xf32> to vector<16xi32>
        %shift_right_arithmetic3A = arith.constant 23 : i32
        %shift_right_arithmetic3A_1004 = vector.broadcast %shift_right_arithmetic3A : i32 to vector<16xi32>
        %shift_right_arithmetic3A_1005 = arith.shrsi %bitcast3A, %shift_right_arithmetic3A_1004 : vector<16xi32>
        %convert_element_type3A_1006 = arith.sitofp %shift_right_arithmetic3A_1005 : vector<16xi32> to vector<16xf32>
        %and3A_1007 = arith.constant 8388607 : i32
        %and3A_1008 = vector.broadcast %and3A_1007 : i32 to vector<16xi32>
        %and3A_1009 = arith.andi %bitcast3A, %and3A_1008 : vector<16xi32>
        %or3A = arith.constant 1065353216 : i32
        %or3A_1010 = vector.broadcast %or3A : i32 to vector<16xi32>
        %or3A_1011 = arith.ori %and3A_1009, %or3A_1010 : vector<16xi32>
        %bitcast3A_1012 = vector.bitcast %or3A_1011 : vector<16xi32> to vector<16xf32>
        %mul3A_1013 = arith.constant -0.233519539 : f32
        %mul3A_1014 = vector.broadcast %mul3A_1013 : f32 to vector<16xf32>
        %mul3A_1015 = arith.mulf %mul3A_1014, %bitcast3A_1012 : vector<16xf32>
        %add3A_1016 = arith.constant 1.3828088 : f32
        %add3A_1017 = vector.broadcast %add3A_1016 : f32 to vector<16xf32>
        %add3A_1018 = arith.addf %mul3A_1015, %add3A_1017 : vector<16xf32>
        %mul3A_1019 = arith.mulf %add3A_1018, %bitcast3A_1012 : vector<16xf32>
        %add3A_1020 = arith.constant -89.1727294 : f32
        %add3A_1021 = vector.broadcast %add3A_1020 : f32 to vector<16xf32>
        %add3A_1022 = arith.addf %mul3A_1019, %add3A_1021 : vector<16xf32>
        %mul3A_1023 = arith.constant 0.693147182 : f32
        %mul3A_1024 = vector.broadcast %mul3A_1023 : f32 to vector<16xf32>
        %mul3A_1025 = arith.mulf %convert_element_type3A_1006, %mul3A_1024 : vector<16xf32>
        %add3A_1026 = arith.addf %mul3A_1025, %add3A_1022 : vector<16xf32>
        %mul3A_1027 = arith.mulf %get3A_1000, %add3A_1026 : vector<16xf32>
        %add3A_1028 = arith.addf %broadcast_in_dim3A_997, %mul3A_1027 : vector<16xf32>
        %add3A_1029 = arith.constant 16 : i32
        %add3A_1030 = arith.addi %add3A_993, %add3A_1029 : i32
        %get3A_1031 = arith.index_cast %add3A_1030 : i32 to index
        %get3A_1032 = tpu.vector_load %arg6[%get3A_1031] {strides = array<i32>} : memref<4608xf32, #tpu.memory_space<vmem>>, vector<16xf32>,
        %swap3A_1033 = arith.index_cast %add3A_1030 : i32 to index
        %swap3A_1034 = tpu.vector_load %arg6[%swap3A_1033] {strides = array<i32>} : memref<4608xf32, #tpu.memory_space<vmem>>, vector<16xf32>,
        tpu.vector_store %arg6[%swap3A_1033], %broadcast_in_dim3A_4 {strides = array<i32>} : memref<4608xf32, #tpu.memory_space<vmem>>, vector<16xf32>,
        %add3A_1035 = arith.addf %add3A_1003, %get3A_1032 : vector<16xf32>
        %bitcast3A_1036 = vector.bitcast %get3A_1032 : vector<16xf32> to vector<16xi32>
        %shift_right_arithmetic3A_1037 = arith.constant 23 : i32
        %shift_right_arithmetic3A_1038 = vector.broadcast %shift_right_arithmetic3A_1037 : i32 to vector<16xi32>
        %shift_right_arithmetic3A_1039 = arith.shrsi %bitcast3A_1036, %shift_right_arithmetic3A_1038 : vector<16xi32>
        %convert_element_type3A_1040 = arith.sitofp %shift_right_arithmetic3A_1039 : vector<16xi32> to vector<16xf32>
        %and3A_1041 = arith.constant 8388607 : i32
        %and3A_1042 = vector.broadcast %and3A_1041 : i32 to vector<16xi32>
        %and3A_1043 = arith.andi %bitcast3A_1036, %and3A_1042 : vector<16xi32>
        %or3A_1044 = arith.constant 1065353216 : i32
        %or3A_1045 = vector.broadcast %or3A_1044 : i32 to vector<16xi32>
        %or3A_1046 = arith.ori %and3A_1043, %or3A_1045 : vector<16xi32>
        %bitcast3A_1047 = vector.bitcast %or3A_1046 : vector<16xi32> to vector<16xf32>
        %mul3A_1048 = arith.constant -0.233519539 : f32
        %mul3A_1049 = vector.broadcast %mul3A_1048 : f32 to vector<16xf32>
        %mul3A_1050 = arith.mulf %mul3A_1049, %bitcast3A_1047 : vector<16xf32>
        %add3A_1051 = arith.constant 1.3828088 : f32
        %add3A_1052 = vector.broadcast %add3A_1051 : f32 to vector<16xf32>
        %add3A_1053 = arith.addf %mul3A_1050, %add3A_1052 : vector<16xf32>
        %mul3A_1054 = arith.mulf %add3A_1053, %bitcast3A_1047 : vector<16xf32>
        %add3A_1055 = arith.constant -89.1727294 : f32
        %add3A_1056 = vector.broadcast %add3A_1055 : f32 to vector<16xf32>
        %add3A_1057 = arith.addf %mul3A_1054, %add3A_1056 : vector<16xf32>
        %mul3A_1058 = arith.constant 0.693147182 : f32
        %mul3A_1059 = vector.broadcast %mul3A_1058 : f32 to vector<16xf32>
        %mul3A_1060 = arith.mulf %convert_element_type3A_1040, %mul3A_1059 : vector<16xf32>
        %add3A_1061 = arith.addf %mul3A_1060, %add3A_1057 : vector<16xf32>
        %mul3A_1062 = arith.mulf %get3A_1032, %add3A_1061 : vector<16xf32>
        %add3A_1063 = arith.addf %add3A_1028, %mul3A_1062 : vector<16xf32>
        %add3A_1064 = arith.constant 32 : i32
        %add3A_1065 = arith.addi %add3A_993, %add3A_1064 : i32
        %get3A_1066 = arith.index_cast %add3A_1065 : i32 to index
        %get3A_1067 = tpu.vector_load %arg6[%get3A_1066] {strides = array<i32>} : memref<4608xf32, #tpu.memory_space<vmem>>, vector<16xf32>,
        %swap3A_1068 = arith.index_cast %add3A_1065 : i32 to index
        %swap3A_1069 = tpu.vector_load %arg6[%swap3A_1068] {strides = array<i32>} : memref<4608xf32, #tpu.memory_space<vmem>>, vector<16xf32>,
        tpu.vector_store %arg6[%swap3A_1068], %broadcast_in_dim3A_4 {strides = array<i32>} : memref<4608xf32, #tpu.memory_space<vmem>>, vector<16xf32>,
        %add3A_1070 = arith.addf %add3A_1035, %get3A_1067 : vector<16xf32>
        %bitcast3A_1071 = vector.bitcast %get3A_1067 : vector<16xf32> to vector<16xi32>
        %shift_right_arithmetic3A_1072 = arith.constant 23 : i32
        %shift_right_arithmetic3A_1073 = vector.broadcast %shift_right_arithmetic3A_1072 : i32 to vector<16xi32>
        %shift_right_arithmetic3A_1074 = arith.shrsi %bitcast3A_1071, %shift_right_arithmetic3A_1073 : vector<16xi32>
        %convert_element_type3A_1075 = arith.sitofp %shift_right_arithmetic3A_1074 : vector<16xi32> to vector<16xf32>
        %and3A_1076 = arith.constant 8388607 : i32
        %and3A_1077 = vector.broadcast %and3A_1076 : i32 to vector<16xi32>
        %and3A_1078 = arith.andi %bitcast3A_1071, %and3A_1077 : vector<16xi32>
        %or3A_1079 = arith.constant 1065353216 : i32
        %or3A_1080 = vector.broadcast %or3A_1079 : i32 to vector<16xi32>
        %or3A_1081 = arith.ori %and3A_1078, %or3A_1080 : vector<16xi32>
        %bitcast3A_1082 = vector.bitcast %or3A_1081 : vector<16xi32> to vector<16xf32>
        %mul3A_1083 = arith.constant -0.233519539 : f32
        %mul3A_1084 = vector.broadcast %mul3A_1083 : f32 to vector<16xf32>
        %mul3A_1085 = arith.mulf %mul3A_1084, %bitcast3A_1082 : vector<16xf32>
        %add3A_1086 = arith.constant 1.3828088 : f32
        %add3A_1087 = vector.broadcast %add3A_1086 : f32 to vector<16xf32>
        %add3A_1088 = arith.addf %mul3A_1085, %add3A_1087 : vector<16xf32>
        %mul3A_1089 = arith.mulf %add3A_1088, %bitcast3A_1082 : vector<16xf32>
        %add3A_1090 = arith.constant -89.1727294 : f32
        %add3A_1091 = vector.broadcast %add3A_1090 : f32 to vector<16xf32>
        %add3A_1092 = arith.addf %mul3A_1089, %add3A_1091 : vector<16xf32>
        %mul3A_1093 = arith.constant 0.693147182 : f32
        %mul3A_1094 = vector.broadcast %mul3A_1093 : f32 to vector<16xf32>
        %mul3A_1095 = arith.mulf %convert_element_type3A_1075, %mul3A_1094 : vector<16xf32>
        %add3A_1096 = arith.addf %mul3A_1095, %add3A_1092 : vector<16xf32>
        %mul3A_1097 = arith.mulf %get3A_1067, %add3A_1096 : vector<16xf32>
        %add3A_1098 = arith.addf %add3A_1063, %mul3A_1097 : vector<16xf32>
        %add3A_1099 = arith.constant 48 : i32
        %add3A_1100 = arith.addi %add3A_993, %add3A_1099 : i32
        %get3A_1101 = arith.index_cast %add3A_1100 : i32 to index
        %get3A_1102 = tpu.vector_load %arg6[%get3A_1101] {strides = array<i32>} : memref<4608xf32, #tpu.memory_space<vmem>>, vector<16xf32>,
        %swap3A_1103 = arith.index_cast %add3A_1100 : i32 to index
        %swap3A_1104 = tpu.vector_load %arg6[%swap3A_1103] {strides = array<i32>} : memref<4608xf32, #tpu.memory_space<vmem>>, vector<16xf32>,
        tpu.vector_store %arg6[%swap3A_1103], %broadcast_in_dim3A_4 {strides = array<i32>} : memref<4608xf32, #tpu.memory_space<vmem>>, vector<16xf32>,
        %add3A_1105 = arith.addf %add3A_1070, %get3A_1102 : vector<16xf32>
        %bitcast3A_1106 = vector.bitcast %get3A_1102 : vector<16xf32> to vector<16xi32>
        %shift_right_arithmetic3A_1107 = arith.constant 23 : i32
        %shift_right_arithmetic3A_1108 = vector.broadcast %shift_right_arithmetic3A_1107 : i32 to vector<16xi32>
        %shift_right_arithmetic3A_1109 = arith.shrsi %bitcast3A_1106, %shift_right_arithmetic3A_1108 : vector<16xi32>
        %convert_element_type3A_1110 = arith.sitofp %shift_right_arithmetic3A_1109 : vector<16xi32> to vector<16xf32>
        %and3A_1111 = arith.constant 8388607 : i32
        %and3A_1112 = vector.broadcast %and3A_1111 : i32 to vector<16xi32>
        %and3A_1113 = arith.andi %bitcast3A_1106, %and3A_1112 : vector<16xi32>
        %or3A_1114 = arith.constant 1065353216 : i32
        %or3A_1115 = vector.broadcast %or3A_1114 : i32 to vector<16xi32>
        %or3A_1116 = arith.ori %and3A_1113, %or3A_1115 : vector<16xi32>
        %bitcast3A_1117 = vector.bitcast %or3A_1116 : vector<16xi32> to vector<16xf32>
        %mul3A_1118 = arith.constant -0.233519539 : f32
        %mul3A_1119 = vector.broadcast %mul3A_1118 : f32 to vector<16xf32>
        %mul3A_1120 = arith.mulf %mul3A_1119, %bitcast3A_1117 : vector<16xf32>
        %add3A_1121 = arith.constant 1.3828088 : f32
        %add3A_1122 = vector.broadcast %add3A_1121 : f32 to vector<16xf32>
        %add3A_1123 = arith.addf %mul3A_1120, %add3A_1122 : vector<16xf32>
        %mul3A_1124 = arith.mulf %add3A_1123, %bitcast3A_1117 : vector<16xf32>
        %add3A_1125 = arith.constant -89.1727294 : f32
        %add3A_1126 = vector.broadcast %add3A_1125 : f32 to vector<16xf32>
        %add3A_1127 = arith.addf %mul3A_1124, %add3A_1126 : vector<16xf32>
        %mul3A_1128 = arith.constant 0.693147182 : f32
        %mul3A_1129 = vector.broadcast %mul3A_1128 : f32 to vector<16xf32>
        %mul3A_1130 = arith.mulf %convert_element_type3A_1110, %mul3A_1129 : vector<16xf32>
        %add3A_1131 = arith.addf %mul3A_1130, %add3A_1127 : vector<16xf32>
        %mul3A_1132 = arith.mulf %get3A_1102, %add3A_1131 : vector<16xf32>
        %add3A_1133 = arith.addf %add3A_1098, %mul3A_1132 : vector<16xf32>
        %add3A_1134 = arith.constant 64 : i32
        %add3A_1135 = arith.addi %add3A_993, %add3A_1134 : i32
        %get3A_1136 = arith.index_cast %add3A_1135 : i32 to index
        %get3A_1137 = tpu.vector_load %arg6[%get3A_1136] {strides = array<i32>} : memref<4608xf32, #tpu.memory_space<vmem>>, vector<16xf32>,
        %swap3A_1138 = arith.index_cast %add3A_1135 : i32 to index
        %swap3A_1139 = tpu.vector_load %arg6[%swap3A_1138] {strides = array<i32>} : memref<4608xf32, #tpu.memory_space<vmem>>, vector<16xf32>,
        tpu.vector_store %arg6[%swap3A_1138], %broadcast_in_dim3A_4 {strides = array<i32>} : memref<4608xf32, #tpu.memory_space<vmem>>, vector<16xf32>,
        %add3A_1140 = arith.addf %add3A_1105, %get3A_1137 : vector<16xf32>
        %bitcast3A_1141 = vector.bitcast %get3A_1137 : vector<16xf32> to vector<16xi32>
        %shift_right_arithmetic3A_1142 = arith.constant 23 : i32
        %shift_right_arithmetic3A_1143 = vector.broadcast %shift_right_arithmetic3A_1142 : i32 to vector<16xi32>
        %shift_right_arithmetic3A_1144 = arith.shrsi %bitcast3A_1141, %shift_right_arithmetic3A_1143 : vector<16xi32>
        %convert_element_type3A_1145 = arith.sitofp %shift_right_arithmetic3A_1144 : vector<16xi32> to vector<16xf32>
        %and3A_1146 = arith.constant 8388607 : i32
        %and3A_1147 = vector.broadcast %and3A_1146 : i32 to vector<16xi32>
        %and3A_1148 = arith.andi %bitcast3A_1141, %and3A_1147 : vector<16xi32>
        %or3A_1149 = arith.constant 1065353216 : i32
        %or3A_1150 = vector.broadcast %or3A_1149 : i32 to vector<16xi32>
        %or3A_1151 = arith.ori %and3A_1148, %or3A_1150 : vector<16xi32>
        %bitcast3A_1152 = vector.bitcast %or3A_1151 : vector<16xi32> to vector<16xf32>
        %mul3A_1153 = arith.constant -0.233519539 : f32
        %mul3A_1154 = vector.broadcast %mul3A_1153 : f32 to vector<16xf32>
        %mul3A_1155 = arith.mulf %mul3A_1154, %bitcast3A_1152 : vector<16xf32>
        %add3A_1156 = arith.constant 1.3828088 : f32
        %add3A_1157 = vector.broadcast %add3A_1156 : f32 to vector<16xf32>
        %add3A_1158 = arith.addf %mul3A_1155, %add3A_1157 : vector<16xf32>
        %mul3A_1159 = arith.mulf %add3A_1158, %bitcast3A_1152 : vector<16xf32>
        %add3A_1160 = arith.constant -89.1727294 : f32
        %add3A_1161 = vector.broadcast %add3A_1160 : f32 to vector<16xf32>
        %add3A_1162 = arith.addf %mul3A_1159, %add3A_1161 : vector<16xf32>
        %mul3A_1163 = arith.constant 0.693147182 : f32
        %mul3A_1164 = vector.broadcast %mul3A_1163 : f32 to vector<16xf32>
        %mul3A_1165 = arith.mulf %convert_element_type3A_1145, %mul3A_1164 : vector<16xf32>
        %add3A_1166 = arith.addf %mul3A_1165, %add3A_1162 : vector<16xf32>
        %mul3A_1167 = arith.mulf %get3A_1137, %add3A_1166 : vector<16xf32>
        %add3A_1168 = arith.addf %add3A_1133, %mul3A_1167 : vector<16xf32>
        %add3A_1169 = arith.constant 80 : i32
        %add3A_1170 = arith.addi %add3A_993, %add3A_1169 : i32
        %get3A_1171 = arith.index_cast %add3A_1170 : i32 to index
        %get3A_1172 = tpu.vector_load %arg6[%get3A_1171] {strides = array<i32>} : memref<4608xf32, #tpu.memory_space<vmem>>, vector<16xf32>,
        %swap3A_1173 = arith.index_cast %add3A_1170 : i32 to index
        %swap3A_1174 = tpu.vector_load %arg6[%swap3A_1173] {strides = array<i32>} : memref<4608xf32, #tpu.memory_space<vmem>>, vector<16xf32>,
        tpu.vector_store %arg6[%swap3A_1173], %broadcast_in_dim3A_4 {strides = array<i32>} : memref<4608xf32, #tpu.memory_space<vmem>>, vector<16xf32>,
        %add3A_1175 = arith.addf %add3A_1140, %get3A_1172 : vector<16xf32>
        %bitcast3A_1176 = vector.bitcast %get3A_1172 : vector<16xf32> to vector<16xi32>
        %shift_right_arithmetic3A_1177 = arith.constant 23 : i32
        %shift_right_arithmetic3A_1178 = vector.broadcast %shift_right_arithmetic3A_1177 : i32 to vector<16xi32>
        %shift_right_arithmetic3A_1179 = arith.shrsi %bitcast3A_1176, %shift_right_arithmetic3A_1178 : vector<16xi32>
        %convert_element_type3A_1180 = arith.sitofp %shift_right_arithmetic3A_1179 : vector<16xi32> to vector<16xf32>
        %and3A_1181 = arith.constant 8388607 : i32
        %and3A_1182 = vector.broadcast %and3A_1181 : i32 to vector<16xi32>
        %and3A_1183 = arith.andi %bitcast3A_1176, %and3A_1182 : vector<16xi32>
        %or3A_1184 = arith.constant 1065353216 : i32
        %or3A_1185 = vector.broadcast %or3A_1184 : i32 to vector<16xi32>
        %or3A_1186 = arith.ori %and3A_1183, %or3A_1185 : vector<16xi32>
        %bitcast3A_1187 = vector.bitcast %or3A_1186 : vector<16xi32> to vector<16xf32>
        %mul3A_1188 = arith.constant -0.233519539 : f32
        %mul3A_1189 = vector.broadcast %mul3A_1188 : f32 to vector<16xf32>
        %mul3A_1190 = arith.mulf %mul3A_1189, %bitcast3A_1187 : vector<16xf32>
        %add3A_1191 = arith.constant 1.3828088 : f32
        %add3A_1192 = vector.broadcast %add3A_1191 : f32 to vector<16xf32>
        %add3A_1193 = arith.addf %mul3A_1190, %add3A_1192 : vector<16xf32>
        %mul3A_1194 = arith.mulf %add3A_1193, %bitcast3A_1187 : vector<16xf32>
        %add3A_1195 = arith.constant -89.1727294 : f32
        %add3A_1196 = vector.broadcast %add3A_1195 : f32 to vector<16xf32>
        %add3A_1197 = arith.addf %mul3A_1194, %add3A_1196 : vector<16xf32>
        %mul3A_1198 = arith.constant 0.693147182 : f32
        %mul3A_1199 = vector.broadcast %mul3A_1198 : f32 to vector<16xf32>
        %mul3A_1200 = arith.mulf %convert_element_type3A_1180, %mul3A_1199 : vector<16xf32>
        %add3A_1201 = arith.addf %mul3A_1200, %add3A_1197 : vector<16xf32>
        %mul3A_1202 = arith.mulf %get3A_1172, %add3A_1201 : vector<16xf32>
        %add3A_1203 = arith.addf %add3A_1168, %mul3A_1202 : vector<16xf32>
        %add3A_1204 = arith.constant 96 : i32
        %add3A_1205 = arith.addi %add3A_993, %add3A_1204 : i32
        %get3A_1206 = arith.index_cast %add3A_1205 : i32 to index
        %get3A_1207 = tpu.vector_load %arg6[%get3A_1206] {strides = array<i32>} : memref<4608xf32, #tpu.memory_space<vmem>>, vector<16xf32>,
        %swap3A_1208 = arith.index_cast %add3A_1205 : i32 to index
        %swap3A_1209 = tpu.vector_load %arg6[%swap3A_1208] {strides = array<i32>} : memref<4608xf32, #tpu.memory_space<vmem>>, vector<16xf32>,
        tpu.vector_store %arg6[%swap3A_1208], %broadcast_in_dim3A_4 {strides = array<i32>} : memref<4608xf32, #tpu.memory_space<vmem>>, vector<16xf32>,
        %add3A_1210 = arith.addf %add3A_1175, %get3A_1207 : vector<16xf32>
        %bitcast3A_1211 = vector.bitcast %get3A_1207 : vector<16xf32> to vector<16xi32>
        %shift_right_arithmetic3A_1212 = arith.constant 23 : i32
        %shift_right_arithmetic3A_1213 = vector.broadcast %shift_right_arithmetic3A_1212 : i32 to vector<16xi32>
        %shift_right_arithmetic3A_1214 = arith.shrsi %bitcast3A_1211, %shift_right_arithmetic3A_1213 : vector<16xi32>
        %convert_element_type3A_1215 = arith.sitofp %shift_right_arithmetic3A_1214 : vector<16xi32> to vector<16xf32>
        %and3A_1216 = arith.constant 8388607 : i32
        %and3A_1217 = vector.broadcast %and3A_1216 : i32 to vector<16xi32>
        %and3A_1218 = arith.andi %bitcast3A_1211, %and3A_1217 : vector<16xi32>
        %or3A_1219 = arith.constant 1065353216 : i32
        %or3A_1220 = vector.broadcast %or3A_1219 : i32 to vector<16xi32>
        %or3A_1221 = arith.ori %and3A_1218, %or3A_1220 : vector<16xi32>
        %bitcast3A_1222 = vector.bitcast %or3A_1221 : vector<16xi32> to vector<16xf32>
        %mul3A_1223 = arith.constant -0.233519539 : f32
        %mul3A_1224 = vector.broadcast %mul3A_1223 : f32 to vector<16xf32>
        %mul3A_1225 = arith.mulf %mul3A_1224, %bitcast3A_1222 : vector<16xf32>
        %add3A_1226 = arith.constant 1.3828088 : f32
        %add3A_1227 = vector.broadcast %add3A_1226 : f32 to vector<16xf32>
        %add3A_1228 = arith.addf %mul3A_1225, %add3A_1227 : vector<16xf32>
        %mul3A_1229 = arith.mulf %add3A_1228, %bitcast3A_1222 : vector<16xf32>
        %add3A_1230 = arith.constant -89.1727294 : f32
        %add3A_1231 = vector.broadcast %add3A_1230 : f32 to vector<16xf32>
        %add3A_1232 = arith.addf %mul3A_1229, %add3A_1231 : vector<16xf32>
        %mul3A_1233 = arith.constant 0.693147182 : f32
        %mul3A_1234 = vector.broadcast %mul3A_1233 : f32 to vector<16xf32>
        %mul3A_1235 = arith.mulf %convert_element_type3A_1215, %mul3A_1234 : vector<16xf32>
        %add3A_1236 = arith.addf %mul3A_1235, %add3A_1232 : vector<16xf32>
        %mul3A_1237 = arith.mulf %get3A_1207, %add3A_1236 : vector<16xf32>
        %add3A_1238 = arith.addf %add3A_1203, %mul3A_1237 : vector<16xf32>
        %add3A_1239 = arith.constant 112 : i32
        %add3A_1240 = arith.addi %add3A_993, %add3A_1239 : i32
        %get3A_1241 = arith.index_cast %add3A_1240 : i32 to index
        %get3A_1242 = tpu.vector_load %arg6[%get3A_1241] {strides = array<i32>} : memref<4608xf32, #tpu.memory_space<vmem>>, vector<16xf32>,
        %swap3A_1243 = arith.index_cast %add3A_1240 : i32 to index
        %swap3A_1244 = tpu.vector_load %arg6[%swap3A_1243] {strides = array<i32>} : memref<4608xf32, #tpu.memory_space<vmem>>, vector<16xf32>,
        tpu.vector_store %arg6[%swap3A_1243], %broadcast_in_dim3A_4 {strides = array<i32>} : memref<4608xf32, #tpu.memory_space<vmem>>, vector<16xf32>,
        %add3A_1245 = arith.addf %add3A_1210, %get3A_1242 : vector<16xf32>
        %bitcast3A_1246 = vector.bitcast %get3A_1242 : vector<16xf32> to vector<16xi32>
        %shift_right_arithmetic3A_1247 = arith.constant 23 : i32
        %shift_right_arithmetic3A_1248 = vector.broadcast %shift_right_arithmetic3A_1247 : i32 to vector<16xi32>
        %shift_right_arithmetic3A_1249 = arith.shrsi %bitcast3A_1246, %shift_right_arithmetic3A_1248 : vector<16xi32>
        %convert_element_type3A_1250 = arith.sitofp %shift_right_arithmetic3A_1249 : vector<16xi32> to vector<16xf32>
        %and3A_1251 = arith.constant 8388607 : i32
        %and3A_1252 = vector.broadcast %and3A_1251 : i32 to vector<16xi32>
        %and3A_1253 = arith.andi %bitcast3A_1246, %and3A_1252 : vector<16xi32>
        %or3A_1254 = arith.constant 1065353216 : i32
        %or3A_1255 = vector.broadcast %or3A_1254 : i32 to vector<16xi32>
        %or3A_1256 = arith.ori %and3A_1253, %or3A_1255 : vector<16xi32>
        %bitcast3A_1257 = vector.bitcast %or3A_1256 : vector<16xi32> to vector<16xf32>
        %mul3A_1258 = arith.constant -0.233519539 : f32
        %mul3A_1259 = vector.broadcast %mul3A_1258 : f32 to vector<16xf32>
        %mul3A_1260 = arith.mulf %mul3A_1259, %bitcast3A_1257 : vector<16xf32>
        %add3A_1261 = arith.constant 1.3828088 : f32
        %add3A_1262 = vector.broadcast %add3A_1261 : f32 to vector<16xf32>
        %add3A_1263 = arith.addf %mul3A_1260, %add3A_1262 : vector<16xf32>
        %mul3A_1264 = arith.mulf %add3A_1263, %bitcast3A_1257 : vector<16xf32>
        %add3A_1265 = arith.constant -89.1727294 : f32
        %add3A_1266 = vector.broadcast %add3A_1265 : f32 to vector<16xf32>
        %add3A_1267 = arith.addf %mul3A_1264, %add3A_1266 : vector<16xf32>
        %mul3A_1268 = arith.constant 0.693147182 : f32
        %mul3A_1269 = vector.broadcast %mul3A_1268 : f32 to vector<16xf32>
        %mul3A_1270 = arith.mulf %convert_element_type3A_1250, %mul3A_1269 : vector<16xf32>
        %add3A_1271 = arith.addf %mul3A_1270, %add3A_1267 : vector<16xf32>
        %mul3A_1272 = arith.mulf %get3A_1242, %add3A_1271 : vector<16xf32>
        %add3A_1273 = arith.addf %add3A_1238, %mul3A_1272 : vector<16xf32>
        %add3A_1274 = arith.constant 128 : i32
        %add3A_1275 = arith.addi %add3A_993, %add3A_1274 : i32
        %get3A_1276 = arith.index_cast %add3A_1275 : i32 to index
        %get3A_1277 = tpu.vector_load %arg6[%get3A_1276] {strides = array<i32>} : memref<4608xf32, #tpu.memory_space<vmem>>, vector<16xf32>,
        %swap3A_1278 = arith.index_cast %add3A_1275 : i32 to index
        %swap3A_1279 = tpu.vector_load %arg6[%swap3A_1278] {strides = array<i32>} : memref<4608xf32, #tpu.memory_space<vmem>>, vector<16xf32>,
        tpu.vector_store %arg6[%swap3A_1278], %broadcast_in_dim3A_4 {strides = array<i32>} : memref<4608xf32, #tpu.memory_space<vmem>>, vector<16xf32>,
        %add3A_1280 = arith.addf %add3A_1245, %get3A_1277 : vector<16xf32>
        %bitcast3A_1281 = vector.bitcast %get3A_1277 : vector<16xf32> to vector<16xi32>
        %shift_right_arithmetic3A_1282 = arith.constant 23 : i32
        %shift_right_arithmetic3A_1283 = vector.broadcast %shift_right_arithmetic3A_1282 : i32 to vector<16xi32>
        %shift_right_arithmetic3A_1284 = arith.shrsi %bitcast3A_1281, %shift_right_arithmetic3A_1283 : vector<16xi32>
        %convert_element_type3A_1285 = arith.sitofp %shift_right_arithmetic3A_1284 : vector<16xi32> to vector<16xf32>
        %and3A_1286 = arith.constant 8388607 : i32
        %and3A_1287 = vector.broadcast %and3A_1286 : i32 to vector<16xi32>
        %and3A_1288 = arith.andi %bitcast3A_1281, %and3A_1287 : vector<16xi32>
        %or3A_1289 = arith.constant 1065353216 : i32
        %or3A_1290 = vector.broadcast %or3A_1289 : i32 to vector<16xi32>
        %or3A_1291 = arith.ori %and3A_1288, %or3A_1290 : vector<16xi32>
        %bitcast3A_1292 = vector.bitcast %or3A_1291 : vector<16xi32> to vector<16xf32>
        %mul3A_1293 = arith.constant -0.233519539 : f32
        %mul3A_1294 = vector.broadcast %mul3A_1293 : f32 to vector<16xf32>
        %mul3A_1295 = arith.mulf %mul3A_1294, %bitcast3A_1292 : vector<16xf32>
        %add3A_1296 = arith.constant 1.3828088 : f32
        %add3A_1297 = vector.broadcast %add3A_1296 : f32 to vector<16xf32>
        %add3A_1298 = arith.addf %mul3A_1295, %add3A_1297 : vector<16xf32>
        %mul3A_1299 = arith.mulf %add3A_1298, %bitcast3A_1292 : vector<16xf32>
        %add3A_1300 = arith.constant -89.1727294 : f32
        %add3A_1301 = vector.broadcast %add3A_1300 : f32 to vector<16xf32>
        %add3A_1302 = arith.addf %mul3A_1299, %add3A_1301 : vector<16xf32>
        %mul3A_1303 = arith.constant 0.693147182 : f32
        %mul3A_1304 = vector.broadcast %mul3A_1303 : f32 to vector<16xf32>
        %mul3A_1305 = arith.mulf %convert_element_type3A_1285, %mul3A_1304 : vector<16xf32>
        %add3A_1306 = arith.addf %mul3A_1305, %add3A_1302 : vector<16xf32>
        %mul3A_1307 = arith.mulf %get3A_1277, %add3A_1306 : vector<16xf32>
        %add3A_1308 = arith.addf %add3A_1273, %mul3A_1307 : vector<16xf32>
        %add3A_1309 = arith.constant 144 : i32
        %add3A_1310 = arith.addi %add3A_993, %add3A_1309 : i32
        %get3A_1311 = arith.index_cast %add3A_1310 : i32 to index
        %get3A_1312 = tpu.vector_load %arg6[%get3A_1311] {strides = array<i32>} : memref<4608xf32, #tpu.memory_space<vmem>>, vector<16xf32>,
        %swap3A_1313 = arith.index_cast %add3A_1310 : i32 to index
        %swap3A_1314 = tpu.vector_load %arg6[%swap3A_1313] {strides = array<i32>} : memref<4608xf32, #tpu.memory_space<vmem>>, vector<16xf32>,
        tpu.vector_store %arg6[%swap3A_1313], %broadcast_in_dim3A_4 {strides = array<i32>} : memref<4608xf32, #tpu.memory_space<vmem>>, vector<16xf32>,
        %add3A_1315 = arith.addf %add3A_1280, %get3A_1312 : vector<16xf32>
        %bitcast3A_1316 = vector.bitcast %get3A_1312 : vector<16xf32> to vector<16xi32>
        %shift_right_arithmetic3A_1317 = arith.constant 23 : i32
        %shift_right_arithmetic3A_1318 = vector.broadcast %shift_right_arithmetic3A_1317 : i32 to vector<16xi32>
        %shift_right_arithmetic3A_1319 = arith.shrsi %bitcast3A_1316, %shift_right_arithmetic3A_1318 : vector<16xi32>
        %convert_element_type3A_1320 = arith.sitofp %shift_right_arithmetic3A_1319 : vector<16xi32> to vector<16xf32>
        %and3A_1321 = arith.constant 8388607 : i32
        %and3A_1322 = vector.broadcast %and3A_1321 : i32 to vector<16xi32>
        %and3A_1323 = arith.andi %bitcast3A_1316, %and3A_1322 : vector<16xi32>
        %or3A_1324 = arith.constant 1065353216 : i32
        %or3A_1325 = vector.broadcast %or3A_1324 : i32 to vector<16xi32>
        %or3A_1326 = arith.ori %and3A_1323, %or3A_1325 : vector<16xi32>
        %bitcast3A_1327 = vector.bitcast %or3A_1326 : vector<16xi32> to vector<16xf32>
        %mul3A_1328 = arith.constant -0.233519539 : f32
        %mul3A_1329 = vector.broadcast %mul3A_1328 : f32 to vector<16xf32>
        %mul3A_1330 = arith.mulf %mul3A_1329, %bitcast3A_1327 : vector<16xf32>
        %add3A_1331 = arith.constant 1.3828088 : f32
        %add3A_1332 = vector.broadcast %add3A_1331 : f32 to vector<16xf32>
        %add3A_1333 = arith.addf %mul3A_1330, %add3A_1332 : vector<16xf32>
        %mul3A_1334 = arith.mulf %add3A_1333, %bitcast3A_1327 : vector<16xf32>
        %add3A_1335 = arith.constant -89.1727294 : f32
        %add3A_1336 = vector.broadcast %add3A_1335 : f32 to vector<16xf32>
        %add3A_1337 = arith.addf %mul3A_1334, %add3A_1336 : vector<16xf32>
        %mul3A_1338 = arith.constant 0.693147182 : f32
        %mul3A_1339 = vector.broadcast %mul3A_1338 : f32 to vector<16xf32>
        %mul3A_1340 = arith.mulf %convert_element_type3A_1320, %mul3A_1339 : vector<16xf32>
        %add3A_1341 = arith.addf %mul3A_1340, %add3A_1337 : vector<16xf32>
        %mul3A_1342 = arith.mulf %get3A_1312, %add3A_1341 : vector<16xf32>
        %add3A_1343 = arith.addf %add3A_1308, %mul3A_1342 : vector<16xf32>
        %add3A_1344 = arith.constant 160 : i32
        %add3A_1345 = arith.addi %add3A_993, %add3A_1344 : i32
        %get3A_1346 = arith.index_cast %add3A_1345 : i32 to index
        %get3A_1347 = tpu.vector_load %arg6[%get3A_1346] {strides = array<i32>} : memref<4608xf32, #tpu.memory_space<vmem>>, vector<16xf32>,
        %swap3A_1348 = arith.index_cast %add3A_1345 : i32 to index
        %swap3A_1349 = tpu.vector_load %arg6[%swap3A_1348] {strides = array<i32>} : memref<4608xf32, #tpu.memory_space<vmem>>, vector<16xf32>,
        tpu.vector_store %arg6[%swap3A_1348], %broadcast_in_dim3A_4 {strides = array<i32>} : memref<4608xf32, #tpu.memory_space<vmem>>, vector<16xf32>,
        %add3A_1350 = arith.addf %add3A_1315, %get3A_1347 : vector<16xf32>
        %bitcast3A_1351 = vector.bitcast %get3A_1347 : vector<16xf32> to vector<16xi32>
        %shift_right_arithmetic3A_1352 = arith.constant 23 : i32
        %shift_right_arithmetic3A_1353 = vector.broadcast %shift_right_arithmetic3A_1352 : i32 to vector<16xi32>
        %shift_right_arithmetic3A_1354 = arith.shrsi %bitcast3A_1351, %shift_right_arithmetic3A_1353 : vector<16xi32>
        %convert_element_type3A_1355 = arith.sitofp %shift_right_arithmetic3A_1354 : vector<16xi32> to vector<16xf32>
        %and3A_1356 = arith.constant 8388607 : i32
        %and3A_1357 = vector.broadcast %and3A_1356 : i32 to vector<16xi32>
        %and3A_1358 = arith.andi %bitcast3A_1351, %and3A_1357 : vector<16xi32>
        %or3A_1359 = arith.constant 1065353216 : i32
        %or3A_1360 = vector.broadcast %or3A_1359 : i32 to vector<16xi32>
        %or3A_1361 = arith.ori %and3A_1358, %or3A_1360 : vector<16xi32>
        %bitcast3A_1362 = vector.bitcast %or3A_1361 : vector<16xi32> to vector<16xf32>
        %mul3A_1363 = arith.constant -0.233519539 : f32
        %mul3A_1364 = vector.broadcast %mul3A_1363 : f32 to vector<16xf32>
        %mul3A_1365 = arith.mulf %mul3A_1364, %bitcast3A_1362 : vector<16xf32>
        %add3A_1366 = arith.constant 1.3828088 : f32
        %add3A_1367 = vector.broadcast %add3A_1366 : f32 to vector<16xf32>
        %add3A_1368 = arith.addf %mul3A_1365, %add3A_1367 : vector<16xf32>
        %mul3A_1369 = arith.mulf %add3A_1368, %bitcast3A_1362 : vector<16xf32>
        %add3A_1370 = arith.constant -89.1727294 : f32
        %add3A_1371 = vector.broadcast %add3A_1370 : f32 to vector<16xf32>
        %add3A_1372 = arith.addf %mul3A_1369, %add3A_1371 : vector<16xf32>
        %mul3A_1373 = arith.constant 0.693147182 : f32
        %mul3A_1374 = vector.broadcast %mul3A_1373 : f32 to vector<16xf32>
        %mul3A_1375 = arith.mulf %convert_element_type3A_1355, %mul3A_1374 : vector<16xf32>
        %add3A_1376 = arith.addf %mul3A_1375, %add3A_1372 : vector<16xf32>
        %mul3A_1377 = arith.mulf %get3A_1347, %add3A_1376 : vector<16xf32>
        %add3A_1378 = arith.addf %add3A_1343, %mul3A_1377 : vector<16xf32>
        %add3A_1379 = arith.constant 176 : i32
        %add3A_1380 = arith.addi %add3A_993, %add3A_1379 : i32
        %get3A_1381 = arith.index_cast %add3A_1380 : i32 to index
        %get3A_1382 = tpu.vector_load %arg6[%get3A_1381] {strides = array<i32>} : memref<4608xf32, #tpu.memory_space<vmem>>, vector<16xf32>,
        %swap3A_1383 = arith.index_cast %add3A_1380 : i32 to index
        %swap3A_1384 = tpu.vector_load %arg6[%swap3A_1383] {strides = array<i32>} : memref<4608xf32, #tpu.memory_space<vmem>>, vector<16xf32>,
        tpu.vector_store %arg6[%swap3A_1383], %broadcast_in_dim3A_4 {strides = array<i32>} : memref<4608xf32, #tpu.memory_space<vmem>>, vector<16xf32>,
        %add3A_1385 = arith.addf %add3A_1350, %get3A_1382 : vector<16xf32>
        %bitcast3A_1386 = vector.bitcast %get3A_1382 : vector<16xf32> to vector<16xi32>
        %shift_right_arithmetic3A_1387 = arith.constant 23 : i32
        %shift_right_arithmetic3A_1388 = vector.broadcast %shift_right_arithmetic3A_1387 : i32 to vector<16xi32>
        %shift_right_arithmetic3A_1389 = arith.shrsi %bitcast3A_1386, %shift_right_arithmetic3A_1388 : vector<16xi32>
        %convert_element_type3A_1390 = arith.sitofp %shift_right_arithmetic3A_1389 : vector<16xi32> to vector<16xf32>
        %and3A_1391 = arith.constant 8388607 : i32
        %and3A_1392 = vector.broadcast %and3A_1391 : i32 to vector<16xi32>
        %and3A_1393 = arith.andi %bitcast3A_1386, %and3A_1392 : vector<16xi32>
        %or3A_1394 = arith.constant 1065353216 : i32
        %or3A_1395 = vector.broadcast %or3A_1394 : i32 to vector<16xi32>
        %or3A_1396 = arith.ori %and3A_1393, %or3A_1395 : vector<16xi32>
        %bitcast3A_1397 = vector.bitcast %or3A_1396 : vector<16xi32> to vector<16xf32>
        %mul3A_1398 = arith.constant -0.233519539 : f32
        %mul3A_1399 = vector.broadcast %mul3A_1398 : f32 to vector<16xf32>
        %mul3A_1400 = arith.mulf %mul3A_1399, %bitcast3A_1397 : vector<16xf32>
        %add3A_1401 = arith.constant 1.3828088 : f32
        %add3A_1402 = vector.broadcast %add3A_1401 : f32 to vector<16xf32>
        %add3A_1403 = arith.addf %mul3A_1400, %add3A_1402 : vector<16xf32>
        %mul3A_1404 = arith.mulf %add3A_1403, %bitcast3A_1397 : vector<16xf32>
        %add3A_1405 = arith.constant -89.1727294 : f32
        %add3A_1406 = vector.broadcast %add3A_1405 : f32 to vector<16xf32>
        %add3A_1407 = arith.addf %mul3A_1404, %add3A_1406 : vector<16xf32>
        %mul3A_1408 = arith.constant 0.693147182 : f32
        %mul3A_1409 = vector.broadcast %mul3A_1408 : f32 to vector<16xf32>
        %mul3A_1410 = arith.mulf %convert_element_type3A_1390, %mul3A_1409 : vector<16xf32>
        %add3A_1411 = arith.addf %mul3A_1410, %add3A_1407 : vector<16xf32>
        %mul3A_1412 = arith.mulf %get3A_1382, %add3A_1411 : vector<16xf32>
        %add3A_1413 = arith.addf %add3A_1378, %mul3A_1412 : vector<16xf32>
        %add3A_1414 = arith.constant 192 : i32
        %add3A_1415 = arith.addi %add3A_993, %add3A_1414 : i32
        %get3A_1416 = arith.index_cast %add3A_1415 : i32 to index
        %get3A_1417 = tpu.vector_load %arg6[%get3A_1416] {strides = array<i32>} : memref<4608xf32, #tpu.memory_space<vmem>>, vector<16xf32>,
        %swap3A_1418 = arith.index_cast %add3A_1415 : i32 to index
        %swap3A_1419 = tpu.vector_load %arg6[%swap3A_1418] {strides = array<i32>} : memref<4608xf32, #tpu.memory_space<vmem>>, vector<16xf32>,
        tpu.vector_store %arg6[%swap3A_1418], %broadcast_in_dim3A_4 {strides = array<i32>} : memref<4608xf32, #tpu.memory_space<vmem>>, vector<16xf32>,
        %add3A_1420 = arith.addf %add3A_1385, %get3A_1417 : vector<16xf32>
        %bitcast3A_1421 = vector.bitcast %get3A_1417 : vector<16xf32> to vector<16xi32>
        %shift_right_arithmetic3A_1422 = arith.constant 23 : i32
        %shift_right_arithmetic3A_1423 = vector.broadcast %shift_right_arithmetic3A_1422 : i32 to vector<16xi32>
        %shift_right_arithmetic3A_1424 = arith.shrsi %bitcast3A_1421, %shift_right_arithmetic3A_1423 : vector<16xi32>
        %convert_element_type3A_1425 = arith.sitofp %shift_right_arithmetic3A_1424 : vector<16xi32> to vector<16xf32>
        %and3A_1426 = arith.constant 8388607 : i32
        %and3A_1427 = vector.broadcast %and3A_1426 : i32 to vector<16xi32>
        %and3A_1428 = arith.andi %bitcast3A_1421, %and3A_1427 : vector<16xi32>
        %or3A_1429 = arith.constant 1065353216 : i32
        %or3A_1430 = vector.broadcast %or3A_1429 : i32 to vector<16xi32>
        %or3A_1431 = arith.ori %and3A_1428, %or3A_1430 : vector<16xi32>
        %bitcast3A_1432 = vector.bitcast %or3A_1431 : vector<16xi32> to vector<16xf32>
        %mul3A_1433 = arith.constant -0.233519539 : f32
        %mul3A_1434 = vector.broadcast %mul3A_1433 : f32 to vector<16xf32>
        %mul3A_1435 = arith.mulf %mul3A_1434, %bitcast3A_1432 : vector<16xf32>
        %add3A_1436 = arith.constant 1.3828088 : f32
        %add3A_1437 = vector.broadcast %add3A_1436 : f32 to vector<16xf32>
        %add3A_1438 = arith.addf %mul3A_1435, %add3A_1437 : vector<16xf32>
        %mul3A_1439 = arith.mulf %add3A_1438, %bitcast3A_1432 : vector<16xf32>
        %add3A_1440 = arith.constant -89.1727294 : f32
        %add3A_1441 = vector.broadcast %add3A_1440 : f32 to vector<16xf32>
        %add3A_1442 = arith.addf %mul3A_1439, %add3A_1441 : vector<16xf32>
        %mul3A_1443 = arith.constant 0.693147182 : f32
        %mul3A_1444 = vector.broadcast %mul3A_1443 : f32 to vector<16xf32>
        %mul3A_1445 = arith.mulf %convert_element_type3A_1425, %mul3A_1444 : vector<16xf32>
        %add3A_1446 = arith.addf %mul3A_1445, %add3A_1442 : vector<16xf32>
        %mul3A_1447 = arith.mulf %get3A_1417, %add3A_1446 : vector<16xf32>
        %add3A_1448 = arith.addf %add3A_1413, %mul3A_1447 : vector<16xf32>
        %add3A_1449 = arith.constant 208 : i32
        %add3A_1450 = arith.addi %add3A_993, %add3A_1449 : i32
        %get3A_1451 = arith.index_cast %add3A_1450 : i32 to index
        %get3A_1452 = tpu.vector_load %arg6[%get3A_1451] {strides = array<i32>} : memref<4608xf32, #tpu.memory_space<vmem>>, vector<16xf32>,
        %swap3A_1453 = arith.index_cast %add3A_1450 : i32 to index
        %swap3A_1454 = tpu.vector_load %arg6[%swap3A_1453] {strides = array<i32>} : memref<4608xf32, #tpu.memory_space<vmem>>, vector<16xf32>,
        tpu.vector_store %arg6[%swap3A_1453], %broadcast_in_dim3A_4 {strides = array<i32>} : memref<4608xf32, #tpu.memory_space<vmem>>, vector<16xf32>,
        %add3A_1455 = arith.addf %add3A_1420, %get3A_1452 : vector<16xf32>
        %bitcast3A_1456 = vector.bitcast %get3A_1452 : vector<16xf32> to vector<16xi32>
        %shift_right_arithmetic3A_1457 = arith.constant 23 : i32
        %shift_right_arithmetic3A_1458 = vector.broadcast %shift_right_arithmetic3A_1457 : i32 to vector<16xi32>
        %shift_right_arithmetic3A_1459 = arith.shrsi %bitcast3A_1456, %shift_right_arithmetic3A_1458 : vector<16xi32>
        %convert_element_type3A_1460 = arith.sitofp %shift_right_arithmetic3A_1459 : vector<16xi32> to vector<16xf32>
        %and3A_1461 = arith.constant 8388607 : i32
        %and3A_1462 = vector.broadcast %and3A_1461 : i32 to vector<16xi32>
        %and3A_1463 = arith.andi %bitcast3A_1456, %and3A_1462 : vector<16xi32>
        %or3A_1464 = arith.constant 1065353216 : i32
        %or3A_1465 = vector.broadcast %or3A_1464 : i32 to vector<16xi32>
        %or3A_1466 = arith.ori %and3A_1463, %or3A_1465 : vector<16xi32>
        %bitcast3A_1467 = vector.bitcast %or3A_1466 : vector<16xi32> to vector<16xf32>
        %mul3A_1468 = arith.constant -0.233519539 : f32
        %mul3A_1469 = vector.broadcast %mul3A_1468 : f32 to vector<16xf32>
        %mul3A_1470 = arith.mulf %mul3A_1469, %bitcast3A_1467 : vector<16xf32>
        %add3A_1471 = arith.constant 1.3828088 : f32
        %add3A_1472 = vector.broadcast %add3A_1471 : f32 to vector<16xf32>
        %add3A_1473 = arith.addf %mul3A_1470, %add3A_1472 : vector<16xf32>
        %mul3A_1474 = arith.mulf %add3A_1473, %bitcast3A_1467 : vector<16xf32>
        %add3A_1475 = arith.constant -89.1727294 : f32
        %add3A_1476 = vector.broadcast %add3A_1475 : f32 to vector<16xf32>
        %add3A_1477 = arith.addf %mul3A_1474, %add3A_1476 : vector<16xf32>
        %mul3A_1478 = arith.constant 0.693147182 : f32
        %mul3A_1479 = vector.broadcast %mul3A_1478 : f32 to vector<16xf32>
        %mul3A_1480 = arith.mulf %convert_element_type3A_1460, %mul3A_1479 : vector<16xf32>
        %add3A_1481 = arith.addf %mul3A_1480, %add3A_1477 : vector<16xf32>
        %mul3A_1482 = arith.mulf %get3A_1452, %add3A_1481 : vector<16xf32>
        %add3A_1483 = arith.addf %add3A_1448, %mul3A_1482 : vector<16xf32>
        %add3A_1484 = arith.constant 224 : i32
        %add3A_1485 = arith.addi %add3A_993, %add3A_1484 : i32
        %get3A_1486 = arith.index_cast %add3A_1485 : i32 to index
        %get3A_1487 = tpu.vector_load %arg6[%get3A_1486] {strides = array<i32>} : memref<4608xf32, #tpu.memory_space<vmem>>, vector<16xf32>,
        %swap3A_1488 = arith.index_cast %add3A_1485 : i32 to index
        %swap3A_1489 = tpu.vector_load %arg6[%swap3A_1488] {strides = array<i32>} : memref<4608xf32, #tpu.memory_space<vmem>>, vector<16xf32>,
        tpu.vector_store %arg6[%swap3A_1488], %broadcast_in_dim3A_4 {strides = array<i32>} : memref<4608xf32, #tpu.memory_space<vmem>>, vector<16xf32>,
        %add3A_1490 = arith.addf %add3A_1455, %get3A_1487 : vector<16xf32>
        %bitcast3A_1491 = vector.bitcast %get3A_1487 : vector<16xf32> to vector<16xi32>
        %shift_right_arithmetic3A_1492 = arith.constant 23 : i32
        %shift_right_arithmetic3A_1493 = vector.broadcast %shift_right_arithmetic3A_1492 : i32 to vector<16xi32>
        %shift_right_arithmetic3A_1494 = arith.shrsi %bitcast3A_1491, %shift_right_arithmetic3A_1493 : vector<16xi32>
        %convert_element_type3A_1495 = arith.sitofp %shift_right_arithmetic3A_1494 : vector<16xi32> to vector<16xf32>
        %and3A_1496 = arith.constant 8388607 : i32
        %and3A_1497 = vector.broadcast %and3A_1496 : i32 to vector<16xi32>
        %and3A_1498 = arith.andi %bitcast3A_1491, %and3A_1497 : vector<16xi32>
        %or3A_1499 = arith.constant 1065353216 : i32
        %or3A_1500 = vector.broadcast %or3A_1499 : i32 to vector<16xi32>
        %or3A_1501 = arith.ori %and3A_1498, %or3A_1500 : vector<16xi32>
        %bitcast3A_1502 = vector.bitcast %or3A_1501 : vector<16xi32> to vector<16xf32>
        %mul3A_1503 = arith.constant -0.233519539 : f32
        %mul3A_1504 = vector.broadcast %mul3A_1503 : f32 to vector<16xf32>
        %mul3A_1505 = arith.mulf %mul3A_1504, %bitcast3A_1502 : vector<16xf32>
        %add3A_1506 = arith.constant 1.3828088 : f32
        %add3A_1507 = vector.broadcast %add3A_1506 : f32 to vector<16xf32>
        %add3A_1508 = arith.addf %mul3A_1505, %add3A_1507 : vector<16xf32>
        %mul3A_1509 = arith.mulf %add3A_1508, %bitcast3A_1502 : vector<16xf32>
        %add3A_1510 = arith.constant -89.1727294 : f32
        %add3A_1511 = vector.broadcast %add3A_1510 : f32 to vector<16xf32>
        %add3A_1512 = arith.addf %mul3A_1509, %add3A_1511 : vector<16xf32>
        %mul3A_1513 = arith.constant 0.693147182 : f32
        %mul3A_1514 = vector.broadcast %mul3A_1513 : f32 to vector<16xf32>
        %mul3A_1515 = arith.mulf %convert_element_type3A_1495, %mul3A_1514 : vector<16xf32>
        %add3A_1516 = arith.addf %mul3A_1515, %add3A_1512 : vector<16xf32>
        %mul3A_1517 = arith.mulf %get3A_1487, %add3A_1516 : vector<16xf32>
        %add3A_1518 = arith.addf %add3A_1483, %mul3A_1517 : vector<16xf32>
        %add3A_1519 = arith.constant 240 : i32
        %add3A_1520 = arith.addi %add3A_993, %add3A_1519 : i32
        %get3A_1521 = arith.index_cast %add3A_1520 : i32 to index
        %get3A_1522 = tpu.vector_load %arg6[%get3A_1521] {strides = array<i32>} : memref<4608xf32, #tpu.memory_space<vmem>>, vector<16xf32>,
        %swap3A_1523 = arith.index_cast %add3A_1520 : i32 to index
        %swap3A_1524 = tpu.vector_load %arg6[%swap3A_1523] {strides = array<i32>} : memref<4608xf32, #tpu.memory_space<vmem>>, vector<16xf32>,
        tpu.vector_store %arg6[%swap3A_1523], %broadcast_in_dim3A_4 {strides = array<i32>} : memref<4608xf32, #tpu.memory_space<vmem>>, vector<16xf32>,
        %add3A_1525 = arith.addf %add3A_1490, %get3A_1522 : vector<16xf32>
        %bitcast3A_1526 = vector.bitcast %get3A_1522 : vector<16xf32> to vector<16xi32>
        %shift_right_arithmetic3A_1527 = arith.constant 23 : i32
        %shift_right_arithmetic3A_1528 = vector.broadcast %shift_right_arithmetic3A_1527 : i32 to vector<16xi32>
        %shift_right_arithmetic3A_1529 = arith.shrsi %bitcast3A_1526, %shift_right_arithmetic3A_1528 : vector<16xi32>
        %convert_element_type3A_1530 = arith.sitofp %shift_right_arithmetic3A_1529 : vector<16xi32> to vector<16xf32>
        %and3A_1531 = arith.constant 8388607 : i32
        %and3A_1532 = vector.broadcast %and3A_1531 : i32 to vector<16xi32>
        %and3A_1533 = arith.andi %bitcast3A_1526, %and3A_1532 : vector<16xi32>
        %or3A_1534 = arith.constant 1065353216 : i32
        %or3A_1535 = vector.broadcast %or3A_1534 : i32 to vector<16xi32>
        %or3A_1536 = arith.ori %and3A_1533, %or3A_1535 : vector<16xi32>
        %bitcast3A_1537 = vector.bitcast %or3A_1536 : vector<16xi32> to vector<16xf32>
        %mul3A_1538 = arith.constant -0.233519539 : f32
        %mul3A_1539 = vector.broadcast %mul3A_1538 : f32 to vector<16xf32>
        %mul3A_1540 = arith.mulf %mul3A_1539, %bitcast3A_1537 : vector<16xf32>
        %add3A_1541 = arith.constant 1.3828088 : f32
        %add3A_1542 = vector.broadcast %add3A_1541 : f32 to vector<16xf32>
        %add3A_1543 = arith.addf %mul3A_1540, %add3A_1542 : vector<16xf32>
        %mul3A_1544 = arith.mulf %add3A_1543, %bitcast3A_1537 : vector<16xf32>
        %add3A_1545 = arith.constant -89.1727294 : f32
        %add3A_1546 = vector.broadcast %add3A_1545 : f32 to vector<16xf32>
        %add3A_1547 = arith.addf %mul3A_1544, %add3A_1546 : vector<16xf32>
        %mul3A_1548 = arith.constant 0.693147182 : f32
        %mul3A_1549 = vector.broadcast %mul3A_1548 : f32 to vector<16xf32>
        %mul3A_1550 = arith.mulf %convert_element_type3A_1530, %mul3A_1549 : vector<16xf32>
        %add3A_1551 = arith.addf %mul3A_1550, %add3A_1547 : vector<16xf32>
        %mul3A_1552 = arith.mulf %get3A_1522, %add3A_1551 : vector<16xf32>
        %add3A_1553 = arith.addf %add3A_1518, %mul3A_1552 : vector<16xf32>
        %reduce_sum3A = arith.constant true
        %reduce_sum3A_1554 = vector.broadcast %reduce_sum3A : i1 to vector<16xi1>
        %reduce_sum3A_1555 = tpu.scan <sum>, %add3A_1525 masked %reduce_sum3A_1554 : vector<16xf32>, vector<16xi1> -> vector<16xf32>
        %reduce_sum3A_1556 = vector.extract %reduce_sum3A_1555[15] : f32 from vector<16xf32>
        %broadcast_in_dim3A_1557 = vector.broadcast %reduce_sum3A_1556 : f32 to vector<16xf32>
        %add3A_1558 = arith.constant 6.400000e-09 : f32
        %add3A_1559 = vector.broadcast %add3A_1558 : f32 to vector<16xf32>
        %add3A_1560 = arith.addf %broadcast_in_dim3A_1557, %add3A_1559 : vector<16xf32>
        %reduce_sum3A_1561 = arith.constant true
        %reduce_sum3A_1562 = vector.broadcast %reduce_sum3A_1561 : i1 to vector<16xi1>
        %reduce_sum3A_1563 = tpu.scan <sum>, %add3A_1553 masked %reduce_sum3A_1562 : vector<16xf32>, vector<16xi1> -> vector<16xf32>
        %reduce_sum3A_1564 = vector.extract %reduce_sum3A_1563[15] : f32 from vector<16xf32>
        %broadcast_in_dim3A_1565 = vector.broadcast %reduce_sum3A_1564 : f32 to vector<16xf32>
        %bitcast3A_1566 = vector.bitcast %add3A_1560 : vector<16xf32> to vector<16xi32>
        %shift_right_arithmetic3A_1567 = arith.constant 23 : i32
        %shift_right_arithmetic3A_1568 = vector.broadcast %shift_right_arithmetic3A_1567 : i32 to vector<16xi32>
        %shift_right_arithmetic3A_1569 = arith.shrsi %bitcast3A_1566, %shift_right_arithmetic3A_1568 : vector<16xi32>
        %convert_element_type3A_1570 = arith.sitofp %shift_right_arithmetic3A_1569 : vector<16xi32> to vector<16xf32>
        %and3A_1571 = arith.constant 8388607 : i32
        %and3A_1572 = vector.broadcast %and3A_1571 : i32 to vector<16xi32>
        %and3A_1573 = arith.andi %bitcast3A_1566, %and3A_1572 : vector<16xi32>
        %or3A_1574 = arith.constant 1065353216 : i32
        %or3A_1575 = vector.broadcast %or3A_1574 : i32 to vector<16xi32>
        %or3A_1576 = arith.ori %and3A_1573, %or3A_1575 : vector<16xi32>
        %bitcast3A_1577 = vector.bitcast %or3A_1576 : vector<16xi32> to vector<16xf32>
        %mul3A_1578 = arith.constant -0.233519539 : f32
        %mul3A_1579 = vector.broadcast %mul3A_1578 : f32 to vector<16xf32>
        %mul3A_1580 = arith.mulf %mul3A_1579, %bitcast3A_1577 : vector<16xf32>
        %add3A_1581 = arith.constant 1.3828088 : f32
        %add3A_1582 = vector.broadcast %add3A_1581 : f32 to vector<16xf32>
        %add3A_1583 = arith.addf %mul3A_1580, %add3A_1582 : vector<16xf32>
        %mul3A_1584 = arith.mulf %add3A_1583, %bitcast3A_1577 : vector<16xf32>
        %add3A_1585 = arith.constant -89.1727294 : f32
        %add3A_1586 = vector.broadcast %add3A_1585 : f32 to vector<16xf32>
        %add3A_1587 = arith.addf %mul3A_1584, %add3A_1586 : vector<16xf32>
        %mul3A_1588 = arith.constant 0.693147182 : f32
        %mul3A_1589 = vector.broadcast %mul3A_1588 : f32 to vector<16xf32>
        %mul3A_1590 = arith.mulf %convert_element_type3A_1570, %mul3A_1589 : vector<16xf32>
        %add3A_1591 = arith.addf %mul3A_1590, %add3A_1587 : vector<16xf32>
        %div3A_1592 = arith.divf %broadcast_in_dim3A_1565, %add3A_1560 : vector<16xf32>
        %sub3A_1593 = arith.subf %add3A_1591, %div3A_1592 : vector<16xf32>
        %eq3A_1594 = vector.broadcast %scan3A_988 : i32 to vector<16xi32>
        %eq3A_1595 = arith.cmpi eq, %iota3A, %eq3A_1594 : vector<16xi32>
        %select_n3A_1596 = arith.select %eq3A_1595, %sub3A_1593, %scan3A_989 : vector<16xi1>, vector<16xf32>
        scf.yield %select_n3A_1596 : vector<16xf32>
      }
      %scan3A_972 = arith.constant 14 : i32
      %swap3A_973 = arith.index_cast %scan3A_880 : i32 to index
      %swap3A_974 = arith.constant 0 : index
      %swap3A_975 = tpu.vector_load %arg5[%swap3A_973, %swap3A_974] {strides = array<i32>} : memref<7x16xf32, #tpu.memory_space<vmem>>, vector<16xf32>,
      tpu.vector_store %arg5[%swap3A_973, %swap3A_974], %scan3A_971 {strides = array<i32>} : memref<7x16xf32, #tpu.memory_space<vmem>>, vector<16xf32>,
      %dma_start3A_976 = arith.constant 0 : i32
      %dma_start3A_977 = tpu.memref_slice %arg5[%scan3A_880, %dma_start3A_976] : memref<7x16xf32, #tpu.memory_space<vmem>> -> memref<1x16xf32, #tpu.memory_space<vmem>>
      %dma_start3A_978 = tpu.memref_squeeze %dma_start3A_977 : memref<1x16xf32, #tpu.memory_space<vmem>> -> memref<16xf32, #tpu.memory_space<vmem>>
      %dma_start3A_979 = arith.constant 0 : i32
      %dma_start3A_980 = tpu.memref_slice %arg3[%add3A_883, %dma_start3A_979] : memref<224x16xf32, #tpu.memory_space<hbm>> -> memref<1x16xf32, #tpu.memory_space<hbm>>
      %dma_start3A_981 = tpu.memref_squeeze %dma_start3A_980 : memref<1x16xf32, #tpu.memory_space<hbm>> -> memref<16xf32, #tpu.memory_space<hbm>>
      %dma_start3A_982 = arith.constant 0 : i32
      %dma_start3A_983 = tpu.memref_slice %arg3[%add3A_883, %dma_start3A_982] : memref<224x16xf32, #tpu.memory_space<hbm>> -> memref<1x16xf32, #tpu.memory_space<hbm>>
      %dma_start3A_984 = tpu.memref_squeeze %dma_start3A_983 : memref<1x16xf32, #tpu.memory_space<hbm>> -> memref<16xf32, #tpu.memory_space<hbm>>
      %dma_start3A_985 = arith.constant 0 : i32
      %dma_start3A_986 = tpu.memref_slice %arg5[%scan3A_880, %dma_start3A_985] : memref<7x16xf32, #tpu.memory_space<vmem>> -> memref<1x16xf32, #tpu.memory_space<vmem>>
      %dma_start3A_987 = tpu.memref_squeeze %dma_start3A_986 : memref<1x16xf32, #tpu.memory_space<vmem>> -> memref<16xf32, #tpu.memory_space<vmem>>
      tpu.enqueue_dma source(%dma_start3A_987 : memref<16xf32, #tpu.memory_space<vmem>>) target(%dma_start3A_984 : memref<16xf32, #tpu.memory_space<hbm>>) target_semaphore(%arg7 : memref<!tpu.dma_semaphore, #tpu.memory_space<semaphore_mem>>)
    }
    %scan3A_761 = arith.constant 7 : i32
    %mul3A_762 = arith.constant 7 : i32
    %mul3A_763 = arith.muli %add3A, %mul3A_762 : i32
    %add3A_764 = arith.constant 0 : i32
    %add3A_765 = arith.addi %mul3A_763, %add3A_764 : i32
    %dma_wait3A = arith.constant 0 : i32
    %dma_wait3A_766 = arith.constant 0 : i32
    %dma_wait3A_767 = tpu.memref_slice %arg5[%dma_wait3A, %dma_wait3A_766] : memref<7x16xf32, #tpu.memory_space<vmem>> -> memref<1x16xf32, #tpu.memory_space<vmem>>
    %dma_wait3A_768 = tpu.memref_squeeze %dma_wait3A_767 : memref<1x16xf32, #tpu.memory_space<vmem>> -> memref<16xf32, #tpu.memory_space<vmem>>
    %dma_wait3A_769 = arith.constant 0 : i32
    %dma_wait3A_770 = tpu.memref_slice %arg3[%add3A_765, %dma_wait3A_769] : memref<224x16xf32, #tpu.memory_space<hbm>> -> memref<1x16xf32, #tpu.memory_space<hbm>>
    %dma_wait3A_771 = tpu.memref_squeeze %dma_wait3A_770 : memref<1x16xf32, #tpu.memory_space<hbm>> -> memref<16xf32, #tpu.memory_space<hbm>>
    %dma_wait3A_772 = arith.constant 0 : i32
    %dma_wait3A_773 = tpu.memref_slice %arg3[%add3A_765, %dma_wait3A_772] : memref<224x16xf32, #tpu.memory_space<hbm>> -> memref<1x16xf32, #tpu.memory_space<hbm>>
    %dma_wait3A_774 = tpu.memref_squeeze %dma_wait3A_773 : memref<1x16xf32, #tpu.memory_space<hbm>> -> memref<16xf32, #tpu.memory_space<hbm>>
    %dma_wait3A_775 = arith.constant 0 : i32
    %dma_wait3A_776 = tpu.memref_slice %arg5[%dma_wait3A, %dma_wait3A_775] : memref<7x16xf32, #tpu.memory_space<vmem>> -> memref<1x16xf32, #tpu.memory_space<vmem>>
    %dma_wait3A_777 = tpu.memref_squeeze %dma_wait3A_776 : memref<1x16xf32, #tpu.memory_space<vmem>> -> memref<16xf32, #tpu.memory_space<vmem>>
    tpu.wait_dma2 semaphore(%arg7 : memref<!tpu.dma_semaphore, #tpu.memory_space<semaphore_mem>>) src(%dma_wait3A_777 : memref<16xf32, #tpu.memory_space<vmem>>) dst(%dma_wait3A_774 : memref<16xf32, #tpu.memory_space<hbm>>)
    %mul3A_778 = arith.constant 7 : i32
    %mul3A_779 = arith.muli %add3A, %mul3A_778 : i32
    %add3A_780 = arith.constant 1 : i32
    %add3A_781 = arith.addi %mul3A_779, %add3A_780 : i32
    %dma_wait3A_782 = arith.constant 1 : i32
    %dma_wait3A_783 = arith.constant 0 : i32
    %dma_wait3A_784 = tpu.memref_slice %arg5[%dma_wait3A_782, %dma_wait3A_783] : memref<7x16xf32, #tpu.memory_space<vmem>> -> memref<1x16xf32, #tpu.memory_space<vmem>>
    %dma_wait3A_785 = tpu.memref_squeeze %dma_wait3A_784 : memref<1x16xf32, #tpu.memory_space<vmem>> -> memref<16xf32, #tpu.memory_space<vmem>>
    %dma_wait3A_786 = arith.constant 0 : i32
    %dma_wait3A_787 = tpu.memref_slice %arg3[%add3A_781, %dma_wait3A_786] : memref<224x16xf32, #tpu.memory_space<hbm>> -> memref<1x16xf32, #tpu.memory_space<hbm>>
    %dma_wait3A_788 = tpu.memref_squeeze %dma_wait3A_787 : memref<1x16xf32, #tpu.memory_space<hbm>> -> memref<16xf32, #tpu.memory_space<hbm>>
    %dma_wait3A_789 = arith.constant 0 : i32
    %dma_wait3A_790 = tpu.memref_slice %arg3[%add3A_781, %dma_wait3A_789] : memref<224x16xf32, #tpu.memory_space<hbm>> -> memref<1x16xf32, #tpu.memory_space<hbm>>
    %dma_wait3A_791 = tpu.memref_squeeze %dma_wait3A_790 : memref<1x16xf32, #tpu.memory_space<hbm>> -> memref<16xf32, #tpu.memory_space<hbm>>
    %dma_wait3A_792 = arith.constant 0 : i32
    %dma_wait3A_793 = tpu.memref_slice %arg5[%dma_wait3A_782, %dma_wait3A_792] : memref<7x16xf32, #tpu.memory_space<vmem>> -> memref<1x16xf32, #tpu.memory_space<vmem>>
    %dma_wait3A_794 = tpu.memref_squeeze %dma_wait3A_793 : memref<1x16xf32, #tpu.memory_space<vmem>> -> memref<16xf32, #tpu.memory_space<vmem>>
    tpu.wait_dma2 semaphore(%arg7 : memref<!tpu.dma_semaphore, #tpu.memory_space<semaphore_mem>>) src(%dma_wait3A_794 : memref<16xf32, #tpu.memory_space<vmem>>) dst(%dma_wait3A_791 : memref<16xf32, #tpu.memory_space<hbm>>)
    %mul3A_795 = arith.constant 7 : i32
    %mul3A_796 = arith.muli %add3A, %mul3A_795 : i32
    %add3A_797 = arith.constant 2 : i32
    %add3A_798 = arith.addi %mul3A_796, %add3A_797 : i32
    %dma_wait3A_799 = arith.constant 2 : i32
    %dma_wait3A_800 = arith.constant 0 : i32
    %dma_wait3A_801 = tpu.memref_slice %arg5[%dma_wait3A_799, %dma_wait3A_800] : memref<7x16xf32, #tpu.memory_space<vmem>> -> memref<1x16xf32, #tpu.memory_space<vmem>>
    %dma_wait3A_802 = tpu.memref_squeeze %dma_wait3A_801 : memref<1x16xf32, #tpu.memory_space<vmem>> -> memref<16xf32, #tpu.memory_space<vmem>>
    %dma_wait3A_803 = arith.constant 0 : i32
    %dma_wait3A_804 = tpu.memref_slice %arg3[%add3A_798, %dma_wait3A_803] : memref<224x16xf32, #tpu.memory_space<hbm>> -> memref<1x16xf32, #tpu.memory_space<hbm>>
    %dma_wait3A_805 = tpu.memref_squeeze %dma_wait3A_804 : memref<1x16xf32, #tpu.memory_space<hbm>> -> memref<16xf32, #tpu.memory_space<hbm>>
    %dma_wait3A_806 = arith.constant 0 : i32
    %dma_wait3A_807 = tpu.memref_slice %arg3[%add3A_798, %dma_wait3A_806] : memref<224x16xf32, #tpu.memory_space<hbm>> -> memref<1x16xf32, #tpu.memory_space<hbm>>
    %dma_wait3A_808 = tpu.memref_squeeze %dma_wait3A_807 : memref<1x16xf32, #tpu.memory_space<hbm>> -> memref<16xf32, #tpu.memory_space<hbm>>
    %dma_wait3A_809 = arith.constant 0 : i32
    %dma_wait3A_810 = tpu.memref_slice %arg5[%dma_wait3A_799, %dma_wait3A_809] : memref<7x16xf32, #tpu.memory_space<vmem>> -> memref<1x16xf32, #tpu.memory_space<vmem>>
    %dma_wait3A_811 = tpu.memref_squeeze %dma_wait3A_810 : memref<1x16xf32, #tpu.memory_space<vmem>> -> memref<16xf32, #tpu.memory_space<vmem>>
    tpu.wait_dma2 semaphore(%arg7 : memref<!tpu.dma_semaphore, #tpu.memory_space<semaphore_mem>>) src(%dma_wait3A_811 : memref<16xf32, #tpu.memory_space<vmem>>) dst(%dma_wait3A_808 : memref<16xf32, #tpu.memory_space<hbm>>)
    %mul3A_812 = arith.constant 7 : i32
    %mul3A_813 = arith.muli %add3A, %mul3A_812 : i32
    %add3A_814 = arith.constant 3 : i32
    %add3A_815 = arith.addi %mul3A_813, %add3A_814 : i32
    %dma_wait3A_816 = arith.constant 3 : i32
    %dma_wait3A_817 = arith.constant 0 : i32
    %dma_wait3A_818 = tpu.memref_slice %arg5[%dma_wait3A_816, %dma_wait3A_817] : memref<7x16xf32, #tpu.memory_space<vmem>> -> memref<1x16xf32, #tpu.memory_space<vmem>>
    %dma_wait3A_819 = tpu.memref_squeeze %dma_wait3A_818 : memref<1x16xf32, #tpu.memory_space<vmem>> -> memref<16xf32, #tpu.memory_space<vmem>>
    %dma_wait3A_820 = arith.constant 0 : i32
    %dma_wait3A_821 = tpu.memref_slice %arg3[%add3A_815, %dma_wait3A_820] : memref<224x16xf32, #tpu.memory_space<hbm>> -> memref<1x16xf32, #tpu.memory_space<hbm>>
    %dma_wait3A_822 = tpu.memref_squeeze %dma_wait3A_821 : memref<1x16xf32, #tpu.memory_space<hbm>> -> memref<16xf32, #tpu.memory_space<hbm>>
    %dma_wait3A_823 = arith.constant 0 : i32
    %dma_wait3A_824 = tpu.memref_slice %arg3[%add3A_815, %dma_wait3A_823] : memref<224x16xf32, #tpu.memory_space<hbm>> -> memref<1x16xf32, #tpu.memory_space<hbm>>
    %dma_wait3A_825 = tpu.memref_squeeze %dma_wait3A_824 : memref<1x16xf32, #tpu.memory_space<hbm>> -> memref<16xf32, #tpu.memory_space<hbm>>
    %dma_wait3A_826 = arith.constant 0 : i32
    %dma_wait3A_827 = tpu.memref_slice %arg5[%dma_wait3A_816, %dma_wait3A_826] : memref<7x16xf32, #tpu.memory_space<vmem>> -> memref<1x16xf32, #tpu.memory_space<vmem>>
    %dma_wait3A_828 = tpu.memref_squeeze %dma_wait3A_827 : memref<1x16xf32, #tpu.memory_space<vmem>> -> memref<16xf32, #tpu.memory_space<vmem>>
    tpu.wait_dma2 semaphore(%arg7 : memref<!tpu.dma_semaphore, #tpu.memory_space<semaphore_mem>>) src(%dma_wait3A_828 : memref<16xf32, #tpu.memory_space<vmem>>) dst(%dma_wait3A_825 : memref<16xf32, #tpu.memory_space<hbm>>)
    %mul3A_829 = arith.constant 7 : i32
    %mul3A_830 = arith.muli %add3A, %mul3A_829 : i32
    %add3A_831 = arith.constant 4 : i32
    %add3A_832 = arith.addi %mul3A_830, %add3A_831 : i32
    %dma_wait3A_833 = arith.constant 4 : i32
    %dma_wait3A_834 = arith.constant 0 : i32
    %dma_wait3A_835 = tpu.memref_slice %arg5[%dma_wait3A_833, %dma_wait3A_834] : memref<7x16xf32, #tpu.memory_space<vmem>> -> memref<1x16xf32, #tpu.memory_space<vmem>>
    %dma_wait3A_836 = tpu.memref_squeeze %dma_wait3A_835 : memref<1x16xf32, #tpu.memory_space<vmem>> -> memref<16xf32, #tpu.memory_space<vmem>>
    %dma_wait3A_837 = arith.constant 0 : i32
    %dma_wait3A_838 = tpu.memref_slice %arg3[%add3A_832, %dma_wait3A_837] : memref<224x16xf32, #tpu.memory_space<hbm>> -> memref<1x16xf32, #tpu.memory_space<hbm>>
    %dma_wait3A_839 = tpu.memref_squeeze %dma_wait3A_838 : memref<1x16xf32, #tpu.memory_space<hbm>> -> memref<16xf32, #tpu.memory_space<hbm>>
    %dma_wait3A_840 = arith.constant 0 : i32
    %dma_wait3A_841 = tpu.memref_slice %arg3[%add3A_832, %dma_wait3A_840] : memref<224x16xf32, #tpu.memory_space<hbm>> -> memref<1x16xf32, #tpu.memory_space<hbm>>
    %dma_wait3A_842 = tpu.memref_squeeze %dma_wait3A_841 : memref<1x16xf32, #tpu.memory_space<hbm>> -> memref<16xf32, #tpu.memory_space<hbm>>
    %dma_wait3A_843 = arith.constant 0 : i32
    %dma_wait3A_844 = tpu.memref_slice %arg5[%dma_wait3A_833, %dma_wait3A_843] : memref<7x16xf32, #tpu.memory_space<vmem>> -> memref<1x16xf32, #tpu.memory_space<vmem>>
    %dma_wait3A_845 = tpu.memref_squeeze %dma_wait3A_844 : memref<1x16xf32, #tpu.memory_space<vmem>> -> memref<16xf32, #tpu.memory_space<vmem>>
    tpu.wait_dma2 semaphore(%arg7 : memref<!tpu.dma_semaphore, #tpu.memory_space<semaphore_mem>>) src(%dma_wait3A_845 : memref<16xf32, #tpu.memory_space<vmem>>) dst(%dma_wait3A_842 : memref<16xf32, #tpu.memory_space<hbm>>)
    %mul3A_846 = arith.constant 7 : i32
    %mul3A_847 = arith.muli %add3A, %mul3A_846 : i32
    %add3A_848 = arith.constant 5 : i32
    %add3A_849 = arith.addi %mul3A_847, %add3A_848 : i32
    %dma_wait3A_850 = arith.constant 5 : i32
    %dma_wait3A_851 = arith.constant 0 : i32
    %dma_wait3A_852 = tpu.memref_slice %arg5[%dma_wait3A_850, %dma_wait3A_851] : memref<7x16xf32, #tpu.memory_space<vmem>> -> memref<1x16xf32, #tpu.memory_space<vmem>>
    %dma_wait3A_853 = tpu.memref_squeeze %dma_wait3A_852 : memref<1x16xf32, #tpu.memory_space<vmem>> -> memref<16xf32, #tpu.memory_space<vmem>>
    %dma_wait3A_854 = arith.constant 0 : i32
    %dma_wait3A_855 = tpu.memref_slice %arg3[%add3A_849, %dma_wait3A_854] : memref<224x16xf32, #tpu.memory_space<hbm>> -> memref<1x16xf32, #tpu.memory_space<hbm>>
    %dma_wait3A_856 = tpu.memref_squeeze %dma_wait3A_855 : memref<1x16xf32, #tpu.memory_space<hbm>> -> memref<16xf32, #tpu.memory_space<hbm>>
    %dma_wait3A_857 = arith.constant 0 : i32
    %dma_wait3A_858 = tpu.memref_slice %arg3[%add3A_849, %dma_wait3A_857] : memref<224x16xf32, #tpu.memory_space<hbm>> -> memref<1x16xf32, #tpu.memory_space<hbm>>
    %dma_wait3A_859 = tpu.memref_squeeze %dma_wait3A_858 : memref<1x16xf32, #tpu.memory_space<hbm>> -> memref<16xf32, #tpu.memory_space<hbm>>
    %dma_wait3A_860 = arith.constant 0 : i32
    %dma_wait3A_861 = tpu.memref_slice %arg5[%dma_wait3A_850, %dma_wait3A_860] : memref<7x16xf32, #tpu.memory_space<vmem>> -> memref<1x16xf32, #tpu.memory_space<vmem>>
    %dma_wait3A_862 = tpu.memref_squeeze %dma_wait3A_861 : memref<1x16xf32, #tpu.memory_space<vmem>> -> memref<16xf32, #tpu.memory_space<vmem>>
    tpu.wait_dma2 semaphore(%arg7 : memref<!tpu.dma_semaphore, #tpu.memory_space<semaphore_mem>>) src(%dma_wait3A_862 : memref<16xf32, #tpu.memory_space<vmem>>) dst(%dma_wait3A_859 : memref<16xf32, #tpu.memory_space<hbm>>)
    %mul3A_863 = arith.constant 7 : i32
    %mul3A_864 = arith.muli %add3A, %mul3A_863 : i32
    %add3A_865 = arith.constant 6 : i32
    %add3A_866 = arith.addi %mul3A_864, %add3A_865 : i32
    %dma_wait3A_867 = arith.constant 6 : i32
    %dma_wait3A_868 = arith.constant 0 : i32
    %dma_wait3A_869 = tpu.memref_slice %arg5[%dma_wait3A_867, %dma_wait3A_868] : memref<7x16xf32, #tpu.memory_space<vmem>> -> memref<1x16xf32, #tpu.memory_space<vmem>>
    %dma_wait3A_870 = tpu.memref_squeeze %dma_wait3A_869 : memref<1x16xf32, #tpu.memory_space<vmem>> -> memref<16xf32, #tpu.memory_space<vmem>>
    %dma_wait3A_871 = arith.constant 0 : i32
    %dma_wait3A_872 = tpu.memref_slice %arg3[%add3A_866, %dma_wait3A_871] : memref<224x16xf32, #tpu.memory_space<hbm>> -> memref<1x16xf32, #tpu.memory_space<hbm>>
    %dma_wait3A_873 = tpu.memref_squeeze %dma_wait3A_872 : memref<1x16xf32, #tpu.memory_space<hbm>> -> memref<16xf32, #tpu.memory_space<hbm>>
    %dma_wait3A_874 = arith.constant 0 : i32
    %dma_wait3A_875 = tpu.memref_slice %arg3[%add3A_866, %dma_wait3A_874] : memref<224x16xf32, #tpu.memory_space<hbm>> -> memref<1x16xf32, #tpu.memory_space<hbm>>
    %dma_wait3A_876 = tpu.memref_squeeze %dma_wait3A_875 : memref<1x16xf32, #tpu.memory_space<hbm>> -> memref<16xf32, #tpu.memory_space<hbm>>
    %dma_wait3A_877 = arith.constant 0 : i32
    %dma_wait3A_878 = tpu.memref_slice %arg5[%dma_wait3A_867, %dma_wait3A_877] : memref<7x16xf32, #tpu.memory_space<vmem>> -> memref<1x16xf32, #tpu.memory_space<vmem>>
    %dma_wait3A_879 = tpu.memref_squeeze %dma_wait3A_878 : memref<1x16xf32, #tpu.memory_space<vmem>> -> memref<16xf32, #tpu.memory_space<vmem>>
    tpu.wait_dma2 semaphore(%arg7 : memref<!tpu.dma_semaphore, #tpu.memory_space<semaphore_mem>>) src(%dma_wait3A_879 : memref<16xf32, #tpu.memory_space<vmem>>) dst(%dma_wait3A_876 : memref<16xf32, #tpu.memory_space<hbm>>)
    return
  }
}

</mosaic_0001>

<sc_bundles>
// kernel: kernel.3.cloned.1.call-start
scs
__scs_entry_jumppad:
0x0: {  	(pc) =	sbr.rel $0x88, $3  }
0x1: {  	(tag) =	ssettag $0x0;
	lr =	simm.s32 $0x1  }
0x2: {  	[smem:$0x3FA0] =	sst lr;
	_ =	strace $0xD0000000  }
0x3: {  	_ = 	snop  }
0x4: {  	_ = 	snop  }
0x5: {  	_ = 	snop  }
0x6: {  	_ = 	snop  }
0x7: {  	_ = 	snop  }
__scs_overlays_trampoline_lowered:
0x8: {  	[smem:$0x3FAF] =	sst s0  }
0x9: {  	[smem:$0x3FB0] =	sst s1  }
0xa: {  	[smem:$0x3FB1] =	sst s2  }
0xb: {  	[smem:$0x3FB2] =	sst s3  }
0xc: {  	[smem:$0x3FB3] =	sst s4  }
0xd: {  	[smem:$0x3FB4] =	sst s5  }
0xe: {  	[smem:$0x3FB5] =	sst s6  }
0xf: {  	[smem:$0x3FB6] =	sst s7  }
0x10: {  	[smem:$0x3FB7] =	sst s8  }
0x11: {  	[smem:$0x3FB8] =	sst s9;
	s0 =	simm.s32 @!p0 $0x0  }
0x12: {  	s1 =	sld [smem:$0x3F9E];
	s0 =	simm.s32 @p0 $0x1  }
0x13: {  	[smem:$0x3FB9] =	sst s0;
	s0 =	simm.s32 @!p1 $0x0  }
0x14: {  	s2 =	sld [smem:$0x3F9D];
	s0 =	simm.s32 @p1 $0x1  }
0x15: {  	[smem:$0x3FBA] =	sst s0;
	s0 =	simm.s32 @!p2 $0x0  }
0x16: {  	s3 =	sld [smem:$0x3FDB];
	s0 =	simm.s32 @p2 $0x1  }
0x17: {  	s4 =	simm.s32 $0x1BF5;
	[smem:$0x3FBC] =	sst s0  }
0x18: {  	s0 =	sld [smem:$0x3F9F];
	_ =	swait.ge [sflag:s4], $0x0  }
0x19: {  	s7 =	sld [smem:$0x3FA0]  }
0x1a: {  	s8 =	sadd.s32 $0xFFFFE003, lr  }
0x1b: {  	s9 =	sadd.s32 $0xFFFFFEF7, lr;
	s5 =	simm.s32 $0xFFFFFFFF;
	p2 =	slt.u32 s8, $0xFFFFF086  }
0x1c: {  	p1 =	slt.u32 s9, $0xF7A;
	s5 =	simm.s32 @!p2 $0x0  }
0x1d: {  	s5 =	simm.s32 @p1 $0x1;
	p0 =	seq.s32 s7, s2  }
0x1e: {  	s7 =	smul.u32 @!p0 $0xF7A, s2;
	p2 =	seq.s32 @!p0 s5, $0x0  }
0x1f: {  	s9 =	smul.u32 $0xF7A, s1;
	s8 =	simm.s32 @!p0 $0x1BF5;
	p2 =	por !p2, p0  }
0x20: {  	[sflag:s8] =	ssyncset.s32 @!p0 $0xFFFFF086;
	s6 =	sadd.s32 @!p0 s3, s7;
	s7 =	simm.s32 @!p0 $0x108  }
0x21: {  	s3 =	sadd.s32 s3, s9;
	s6 =	sadd.s32 @!p0 $0x88, s6;
	s7 =	simm.s32 @p2 $0x1082  }
0x22: {  	[simem:s7], [sflag:s8] =	dma.local @!p0 [hbm:s6], $0xF7A  }
0x23: {  	s9 =	sor.u32 $0xD0000000, s2;
	s6 =	simm.s32 $0x108;
	_ =	swait.ge @!p0 [sflag:s8], $0x0  }
0x24: {  	s3 =	sadd.s32 $0x88, s3;
	s6 =	simm.s32 @!p1 $0x1082;
	[sflag:s4] =	ssyncset.s32 $0xFFFFF086  }
0x25: {  	[simem:s6], [sflag:s4] =	dma.local [hbm:s3], $0xF7A  }
0x26: {  	[smem:$0x3FA0] =	sst s1;
	(tag) =	ssettag s2;
	_ =	strace s9  }
0x27: {  	s1 =	sld [smem:$0x3FB0]  }
0x28: {  	s2 =	sld [smem:$0x3FB1]  }
0x29: {  	s4 =	sld [smem:$0x3FB3]  }
0x2a: {  	p0 =	seq.s32 s5, $0x0;
	s5 =	sld [smem:$0x3FB4]  }
0x2b: {  	s6 =	sld [smem:$0x3FB5]  }
0x2c: {  	s7 =	sld [smem:$0x3FB6]  }
0x2d: {  	s3 =	simm.s32 $0x108;
	s8 =	sld [smem:$0x3FB7]  }
0x2e: {  	s3 =	simm.s32 @!p0 $0x1082;
	s9 =	sld [smem:$0x3FB8]  }
0x2f: {  	lr =	sadd.s32 s0, s3;
	s0 =	sld [smem:$0x3FAF]  }
0x30: {  	s3 =	sld [smem:$0x3FB2]  }
0x31: {  	[smem:$0x3FBB] =	sst s10  }
0x32: {  	s10 =	sld [smem:$0x3FB9];
	_ =	sdelay $0x3  }
0x33: {  	p0 =	seq.s32 s10, $0x1;
	s10 =	sld [smem:$0x3FBB];
	_ =	sdelay $0x3  }
0x34: {  	[smem:$0x3FBB] =	sst s10  }
0x35: {  	s10 =	sld [smem:$0x3FBA];
	_ =	sdelay $0x3  }
0x36: {  	p1 =	seq.s32 s10, $0x1;
	s10 =	sld [smem:$0x3FBB];
	_ =	sdelay $0x3  }
0x37: {  	[smem:$0x3FBB] =	sst s10  }
0x38: {  	s10 =	sld [smem:$0x3FBC]  }
0x39: {  	_ = 	snop;
	(pc) =	sbr.ind lr, $3  }
0x3a: {  	_ = 	snop  }
0x3b: {  	_ = 	snop  }
0x3c: {  	p2 =	seq.s32 s10, $0x1;
	s10 =	sld [smem:$0x3FBB]  }
0x3d: {  	_ =	shalt  }
0x3e: {  	_ =	shalt  }
0x3f: {  	_ =	shalt  }
0x40: {  	_ =	shalt  }
0x41: {  	_ =	shalt  }
0x42: {  	_ =	shalt  }
0x43: {  	_ =	shalt  }
0x44: {  	_ =	shalt  }
0x45: {  	_ =	shalt  }
0x46: {  	_ =	shalt  }
0x47: {  	_ =	shalt  }
0x48: {  	_ =	shalt  }
0x49: {  	_ =	shalt  }
0x4a: {  	_ =	shalt  }
0x4b: {  	_ =	shalt  }
0x4c: {  	_ =	shalt  }
0x4d: {  	_ =	shalt  }
0x4e: {  	_ =	shalt  }
0x4f: {  	_ =	shalt  }
0x50: {  	_ =	shalt  }
0x51: {  	_ =	shalt  }
0x52: {  	_ =	shalt  }
0x53: {  	_ =	shalt  }
0x54: {  	_ =	shalt  }
0x55: {  	_ =	shalt  }
0x56: {  	_ =	shalt  }
0x57: {  	_ =	shalt  }
0x58: {  	_ =	shalt  }
0x59: {  	_ =	shalt  }
0x5a: {  	_ =	shalt  }
0x5b: {  	_ =	shalt  }
0x5c: {  	_ =	shalt  }
0x5d: {  	_ =	shalt  }
0x5e: {  	_ =	shalt  }
0x5f: {  	_ =	shalt  }
0x60: {  	_ =	shalt  }
0x61: {  	_ =	shalt  }
0x62: {  	_ =	shalt  }
0x63: {  	_ =	shalt  }
0x64: {  	_ =	shalt  }
0x65: {  	_ =	shalt  }
0x66: {  	_ =	shalt  }
0x67: {  	_ =	shalt  }
0x68: {  	_ =	shalt  }
0x69: {  	_ =	shalt  }
0x6a: {  	_ =	shalt  }
0x6b: {  	_ =	shalt  }
0x6c: {  	_ =	shalt  }
0x6d: {  	_ =	shalt  }
0x6e: {  	_ =	shalt  }
0x6f: {  	_ =	shalt  }
0x70: {  	_ =	shalt  }
0x71: {  	_ =	shalt  }
0x72: {  	_ =	shalt  }
0x73: {  	_ =	shalt  }
0x74: {  	_ =	shalt  }
0x75: {  	_ =	shalt  }
0x76: {  	_ =	shalt  }
0x77: {  	_ =	shalt  }
0x78: {  	_ =	shalt  }
0x79: {  	_ =	shalt  }
0x7a: {  	_ =	shalt  }
0x7b: {  	_ =	shalt  }
0x7c: {  	_ =	shalt  }
0x7d: {  	_ =	shalt  }
0x7e: {  	_ =	shalt  }
0x7f: {  	_ =	shalt  }
0x80: {  	_ =	shalt  }
0x81: {  	_ =	shalt  }
0x82: {  	_ =	shalt  }
0x83: {  	_ =	shalt  }
0x84: {  	_ =	shalt  }
0x85: {  	_ =	shalt  }
0x86: {  	_ =	shalt  }
0x87: {  	_ =	shalt  }
.Lfunc_end0:
.L_simem_size_0:
called_computation_lowered:
.L_overlay_start_0:
0x88: {  	s2 =	sld [smem:$0x3FD9]  }
0x89: {  	s3 =	sld [smem:$0x3FFE];
	_ =	sdelay $0x1  }
0x8a: {  	s1 =	srdreg.scid  }
0x8b: {  	s0 =	sand.u32 $0x1, s1  }
0x8c: {  	s17 =	sshll.u32 s0, $0xA;
	s2 =	sadd.s32 s3, s2  }
0x8d: {  	s2 =	sadd.s32 s2, s17  }
0x8e: {  	[smem:$0x3FC7] =	sst s2  }
0x8f: {  	_ = 	snop  }
0x90: {  	s2 =	sld [smem:$0x3FD0];
	(tm) =	ssettm $0x1  }
0x91: {  	s18 =	sld [smem:$0x3FFB];
	_ =	sdelay $0x3  }
0x92: {  	_ =	strace s18  }
0x93: {  	s3 =	sld [smem:$0x3FFC];
	_ =	sdelay $0x3  }
0x94: {  	_ =	strace s3  }
0x95: {  	s3 =	sld [smem:$0x3FFD];
	_ =	sdelay $0x3  }
0x96: {  	_ =	strace s3  }
0x97: {  	_ =	strace $0x8FFFFFFF  }
0x98: {  	s19 =	sld [smem:$0x3FDB];
	_ =	sdelay $0x1  }
0x99: {  	s4 =	simm.s32 $_scs_section_size  }
0x9a: {  	s5 =	simm.s32 $_size__tile_overlayer_lowered;
	s6 =	simm.s32 $_tile_overlayer_lowered  }
0x9b: {  	s22 =	simm.s32 $0x1BFF;
	s21 =	sshll.u32 s6, $0x1;
	s3 =	sadd.s32 s4, s19  }
0x9c: {  	s7 =	simm.s32 $0x0;
	s20 =	sshll.u32 s5, $0x1;
	s5 =	sadd.s32 s21, s3  }
0x9d: {  	[timem:s7], [sflag:s22] =	dma.local [hbm:s5], s20  }
0x9e: {  	_ =	swait.ge [sflag:s22], s20  }
0x9f: {  	s4 =	ssub.s32 $0x0, s20;
	[sflag:s22] =	ssyncset.done $0x0  }
0xa0: {  	[sflag:s22] =	ssyncadd.s32 s4;
	_ =	sdelay $0x1  }
0xa1: {  	s23 =	simm.s32 $0x1B8B  }
0xa2: {  	_ =	swait.ge [sflag:s23], $0x1  }
0xa3: {  	[sflag:s23] =	ssyncset.done $0x0  }
0xa4: {  	s25 =	simm.s32 $0x1B8E;
	s24 =	sld [smem:$0x3FFE];
	[sflag:s23] =	ssyncadd.s32 $0xFFFFFFFF  }
0xa5: {  	s26 =	simm.s32 $execute0_lowered;
	[smem:$0x3FD2] =	sst s25  }
0xa6: {  	s5 =	sshll.u32 s26, $0x1;
	_ =	strace $0x80000046;
	[dreg:$0x1] =	wrdreg $0xFFFFFFFF  }
0xa7: {  	s28 =	simm.s32 $_size_execute0_lowered;
	s3 =	sadd.s32 s3, s5;
	[dreg:$0x0] =	wrdreg $0x0  }
0xa8: {  	s5 =	sshll.u32 s28, $0x1;
	[dreg:$0x2] =	wrdreg s3  }
0xa9: {  	[dreg:$0x3] =	wrdreg s5  }
0xaa: {  	[dreg:$0x4] =	wrdreg $0xC0  }
0xab: {  	_ =	task [dreg:s7], $0x5FFFF  }
0xac: {  	[dreg:$0x1] =	wrdreg $0xFFFFFFFF  }
0xad: {  	[dreg:$0x0] =	wrdreg $0x60  }
0xae: {  	[dreg:$0x2] =	wrdreg s24  }
0xaf: {  	[dreg:$0x3] =	wrdreg s2  }
0xb0: {  	[dreg:$0x4] =	wrdreg $0x9  }
0xb1: {  	_ =	task.clear_ibuf [dreg:s7], $0x5FFFF;
	_ =	strace $0x90000046  }
0xb2: {  	s29 =	simm.s32 $0x9;
	_ =	strace $0x80000048  }
0xb3: {  	_ =	swait.ge [sflag:s29], $0x1  }
0xb4: {  	[sflag:s29] =	ssyncadd.s32 $0xFFFFFFFF  }
0xb5: {  	_ =	strace $0x90000048  }
0xb6: {  	_ =	sfence  }
0xb7: {  	s30 =	sld [smem:$0x0];
	_ =	sdelay $0x2  }
0xb8: {  	s31 =	sshll.u32 s1, $0xD;
	s1 =	sshrl.u32 s1, $0x2  }
0xb9: {  	s3 =	sand.u32 $0x4000, s31;
	s1 =	sadd.s32 s1, s30  }
0xba: {  	s0 =	sor.u32 s3, s0;
	s1 =	sshll.u32 s1, $0x11  }
0xbb: {  	s0 =	sor.u32 s1, s0  }
0xbc: {  	s0 =	sadd.s32 $0x8F2B, s0  }
0xbd: {  	[sflag:s0] =	ssyncadd.remote.s32 $0x1  }
0xbe: {  	_ =	sfence.sel $0xFFFF  }
0xbf: {  	[dreg:$0x0] =	wrdreg $0xFFFFFFFF;
	(pc) =	sbr.abs _section_cstart, $3  }
0xc0: {  	[dreg:$0x1] =	wrdreg $0xFFFFFFFF  }
0xc1: {  	_ =	task.clear_ibuf [dreg:s7], $0x2FFFF;
	_ =	strace $0x9FFFFFFF  }
0xc2: {  	(tm) =	ssettm $0x7FFFFFFF  }
0xc3: {  	_ =	shalt  }
tec
execute0_lowered:
.L_overlay_start_1:
0x0: {  	(tag) =	ssettag $0x1  }
0x1: {  	v0 =	vimm.s32 $0x58504840  }
0x2: {  	v3 =	vimm.s32 $0x38302820;
	vm0 =	vcmask $0x1F10;
	v6 =	vimm.s32 $0x59514941  }
0x3: {  	v7 =	vimm.s32 $0x6F6F6961;
	v12 =	vimm.s32 $0x39312921;
	v13 =	vimm.s32 $0x5A524A42  }
0x4: {  	v14 =	vimm.s32 $0x6F6F6A62;
	v15 =	vimm.s32 $0x1A120A02;
	v16 =	vimm.s32 $0x3A322A22  }
0x5: {  	v17 =	vimm.s32 $0x6F6F6C64;
	v18 =	vimm.s32 $0x1C140C04;
	v20 =	vimm.s32 $0x3C342C24  }
0x6: {  	v21 =	vimm.s32 $0x5D554D45;
	v22 =	vimm.s32 $0x6F6F6D65;
	vm1 =	vcmask $0xF00  }
0x7: {  	vm14 =	vcmask $0x2F20;
	vm15 =	vcmask $0x3330;
	v1 =	vunpack.c.0.s8.s32 v0  }
0x8: {  	v0 =	vimm.s32 $0x6F6F6860;
	v3 =	vunpack.c.0.s8.s32 v3;
	v10 =	vunpack.c.0.s8.s32 v6  }
0x9: {  	v11 =	vunpack.c.0.s8.s32 v7;
	v12 =	vunpack.c.0.s8.s32 v12;
	v13 =	vunpack.c.0.s8.s32 v13  }
0xa: {  	v14 =	vunpack.c.0.s8.s32 v14;
	v17 =	vunpack.c.0.s8.s32 v17;
	v18 =	vunpack.c.0.s8.s32 v18  }
0xb: {  	v20 =	vunpack.c.0.s8.s32 v20;
	v2 =	vunpack.c.0.s8.s32 v0;
	v0 =	vimm.s32 $0x18100800  }
0xc: {  	v4 =	vunpack.c.0.s8.s32 v0;
	v0 =	vlaneseq.u32;
	v11 =	vsel vm0, v11, v10  }
0xd: {  	v10 =	vimm.s32 $0x19110901;
	v13 =	vsel vm0, v14, v13;
	v14 =	vimm.s32 $0x5B534B43  }
0xe: {  	v19 =	vmul.u32 $0x120, v0;
	v2 =	vsel vm0, v2, v1;
	v10 =	vunpack.c.0.s8.s32 v10  }
0xf: {  	v1 =	vimm.f32 $9.999999960e-13;
	v14 =	vunpack.c.0.s8.s32 v14;
	v3 =	vsel vm0, v3, v4  }
0x10: {  	v12 =	vsel vm0, v12, v10;
	v10 =	vunpack.c.0.s8.s32 v15;
	v15 =	vunpack.c.0.s8.s32 v16  }
0x11: {  	v2 =	vcombine.low v3, v2;
	v3 =	vor.u32 $0xA, v19;
	v16 =	vimm.s32 $0x6F6F6B63  }
0x12: {  	v4 =	vor.u32 $0xB, v19;
	v16 =	vunpack.c.0.s8.s32 v16;
	v15 =	vsel vm0, v15, v10  }
0x13: {  	s1 =	srdreg.scid;
	s0 =	stileid.u32;
	v5 =	vor.u32 $0xC, v19;
	v11 =	vcombine.low v12, v11;
	v12 =	vcombine.low v15, v13  }
0x14: {  	s5 =	sand.u32 $0x1, s1;
	s26 =	sshll.u32 s0, $0x1;
	s7 =	sshrl.u32 s0, $0x2;
	v13 =	vsel vm0, v16, v14;
	v14 =	vimm.s32 $0x1B130B03;
	v15 =	vimm.s32 $0x3B332B23  }
0x15: {  	s6 =	rddreg [dreg:$0x0];
	s1 =	sor.u32 s5, s26;
	s4 =	smul.u32 $0xFFFFFFC8, s7;
	v6 =	vor.u32 $0xD, v19;
	v14 =	vunpack.c.0.s8.s32 v14;
	v15 =	vunpack.c.0.s8.s32 v15  }
0x16: {  	s3 =	rddreg [dreg:$0x1];
	s1 =	smul.u32 $0x7, s1;
	v7 =	vor.u32 $0xE, v19;
	v8 =	vor.u32 $0xF, v19;
	v16 =	vimm.s32 $0x5C544C44  }
0x17: {  	s2 =	rddreg [dreg:$0x2];
	s10 =	simm.s32 $0x1;
	s12 =	simm.s32 $0x0;
	v16 =	vunpack.c.0.s8.s32 v16;
	v14 =	vsel vm0, v15, v14;
	v15 =	vunpack.c.0.s8.s32 v21  }
0x18: {  	s11 =	sshrl.u32 s0, $0x3;
	s8 =	sadd.s32 s4, s1;
	s28 =	sand.u32 $0x1, s1;
	v21 =	vunpack.c.0.s8.s32 v22;
	v22 =	vimm.s32 $0x3E362E26;
	v13 =	vcombine.low v14, v13  }
0x19: {  	s9 =	sand.u32 $0x8000, s8;
	p0 =	slt.s32 s8, $0x1;
	p1 =	seq.s32 s28, $0x1;
	v14 =	vsel vm0, v17, v16;
	v16 =	vsel vm0, v20, v18;
	v17 =	vimm.s32 $0x3D352D25  }
0x1a: {  	s11 =	smul.u32 $0x18800, s11;
	s9 =	sshrl.u32 s9, $0xF;
	p0 =	por !p0, !p1;
	v18 =	vimm.s32 $0x5E564E46;
	v14 =	vcombine.low v16, v14;
	v16 =	vimm.s32 $0x1D150D05  }
0x1b: {  	s7 =	sand.u32 $0x1, s7;
	s9 =	sadd.s32 s9, s8;
	p0 =	por !p0, !p0;
	v20 =	vimm.s32 $0x6F6F6E66;
	v17 =	vunpack.c.0.s8.s32 v17;
	v16 =	vunpack.c.0.s8.s32 v16  }
0x1c: {  	s29 =	ssub.s32 $0x2, s5;
	s9 =	sshra.s32 s9, $0x1;
	s10 =	simm.s32 @!p0 $0x0;
	v15 =	vsel vm0, v21, v15;
	v18 =	vunpack.c.0.s8.s32 v18;
	v21 =	vimm.s32 $0x1E160E06  }
0x1d: {  	s5 =	sadd.s32 $0x400, s6;
	s6 =	simm.s32 $0x1;
	s9 =	ssub.s32 s9, s10;
	v16 =	vsel vm0, v17, v16;
	v17 =	vunpack.c.0.s8.s32 v21;
	v21 =	vunpack.c.0.s8.s32 v22  }
0x1e: {  	p0 =	seq.s32 s7, $0x1;
	s7 =	simm.s32 $0xC400;
	s10 =	sshll.u32 s9, $0x1;
	v20 =	vunpack.c.0.s8.s32 v20;
	v15 =	vcombine.low v16, v15;
	v16 =	vimm.s32 $0x1F170F07  }
0x1f: {  	s7 =	simm.s32 @!p0 $0x0;
	s9 =	smul.u32 $0x700, s9;
	s8 =	ssub.s32 s8, s10;
	v21 =	vsel vm0, v21, v17;
	v16 =	vunpack.c.0.s8.s32 v16;
	v17 =	vimm.s32 $0x3F372F27  }
0x20: {  	s4 =	simm.s32 $0x0;
	s7 =	sadd.s32 s11, s7;
	s8 =	smul.u32 $0x70, s8;
	v20 =	vsel vm0, v20, v18;
	v18 =	vimm.s32 $0x5F574F47;
	v17 =	vunpack.c.0.s8.s32 v17  }
0x21: {  	s30 =	sshrl.u32 s29, $0x1;
	v9 =	vor.u32 $0x10, v19;
	[smem:$0x7FF] =	sst s4;
	s7 =	sadd.s32 s9, s7;
	v18 =	vunpack.c.0.s8.s32 v18;
	v22 =	vnsel vm1, $0x6F, v16  }
0x22: {  	s31 =	ssub.s32 s29, s30;
	_ =	strace $0x80000047;
	v10 =	vor.u32 $0x11, v19;
	s7 =	sadd.s32 s8, s7;
	v20 =	vcombine.low v21, v20;
	v22 =	vsel vm0, v17, v22  }
0x23: {  	s11 =	simm.s32 $0x770;
	s10 =	simm.s32 $0xE0;
	s7 =	sshrl.u32 s7, $0x3;
	v16 =	vor.u32 $0x12, v19;
	v17 =	vor.u32 $0x13, v19;
	v22 =	vsel vm14, v18, v22  }
0x24: {  	s9 =	simm.s32 $0x70;
	s8 =	smax.u32 s31, $0x1;
	s7 =	sadd.s32 s5, s7;
	v18 =	vor.u32 $0x14, v19;
	v19 =	vor.u32 $0x15, v19;
	v21 =	vsel vm15, $0x67, v22  }
.LBB2_1:
0x25: {  	[tilespmem:$0x770] =	vst v1  }
0x26: {  	[tilespmem:$0x780] =	vst v1  }
0x27: {  	[tilespmem:$0x790] =	vst v1  }
0x28: {  	[tilespmem:$0x7A0] =	vst v1  }
0x29: {  	[tilespmem:$0x7B0] =	vst v1  }
0x2a: {  	[tilespmem:$0x7C0] =	vst v1  }
0x2b: {  	[tilespmem:$0x7D0] =	vst v1  }
0x2c: {  	[tilespmem:$0x7E0] =	vst v1  }
0x2d: {  	[tilespmem:$0x7F0] =	vst v1  }
0x2e: {  	[tilespmem:$0x800] =	vst v1  }
0x2f: {  	[tilespmem:$0x810] =	vst v1  }
0x30: {  	[tilespmem:$0x820] =	vst v1  }
0x31: {  	[tilespmem:$0x830] =	vst v1  }
0x32: {  	[tilespmem:$0x840] =	vst v1  }
0x33: {  	[tilespmem:$0x850] =	vst v1  }
0x34: {  	[tilespmem:$0x860] =	vst v1  }
0x35: {  	[tilespmem:$0x870] =	vst v1  }
0x36: {  	[tilespmem:$0x880] =	vst v1  }
0x37: {  	[tilespmem:$0x890] =	vst v1  }
0x38: {  	[tilespmem:$0x8A0] =	vst v1  }
0x39: {  	[tilespmem:$0x8B0] =	vst v1  }
0x3a: {  	[tilespmem:$0x8C0] =	vst v1  }
0x3b: {  	[tilespmem:$0x8D0] =	vst v1  }
0x3c: {  	[tilespmem:$0x8E0] =	vst v1  }
0x3d: {  	[tilespmem:$0x8F0] =	vst v1  }
0x3e: {  	[tilespmem:$0x900] =	vst v1  }
0x3f: {  	[tilespmem:$0x910] =	vst v1  }
0x40: {  	[tilespmem:$0x920] =	vst v1  }
0x41: {  	[tilespmem:$0x930] =	vst v1  }
0x42: {  	[tilespmem:$0x940] =	vst v1  }
0x43: {  	[tilespmem:$0x950] =	vst v1  }
0x44: {  	[tilespmem:$0x960] =	vst v1  }
0x45: {  	[tilespmem:$0x970] =	vst v1  }
0x46: {  	[tilespmem:$0x980] =	vst v1  }
0x47: {  	[tilespmem:$0x990] =	vst v1  }
0x48: {  	[tilespmem:$0x9A0] =	vst v1  }
0x49: {  	[tilespmem:$0x9B0] =	vst v1  }
0x4a: {  	[tilespmem:$0x9C0] =	vst v1  }
0x4b: {  	[tilespmem:$0x9D0] =	vst v1  }
0x4c: {  	[tilespmem:$0x9E0] =	vst v1  }
0x4d: {  	[tilespmem:$0x9F0] =	vst v1  }
0x4e: {  	[tilespmem:$0xA00] =	vst v1  }
0x4f: {  	[tilespmem:$0xA10] =	vst v1  }
0x50: {  	[tilespmem:$0xA20] =	vst v1  }
0x51: {  	[tilespmem:$0xA30] =	vst v1  }
0x52: {  	[tilespmem:$0xA40] =	vst v1  }
0x53: {  	[tilespmem:$0xA50] =	vst v1  }
0x54: {  	[tilespmem:$0xA60] =	vst v1  }
0x55: {  	[tilespmem:$0xA70] =	vst v1  }
0x56: {  	[tilespmem:$0xA80] =	vst v1  }
0x57: {  	[tilespmem:$0xA90] =	vst v1  }
0x58: {  	[tilespmem:$0xAA0] =	vst v1  }
0x59: {  	[tilespmem:$0xAB0] =	vst v1  }
0x5a: {  	[tilespmem:$0xAC0] =	vst v1  }
0x5b: {  	[tilespmem:$0xAD0] =	vst v1  }
0x5c: {  	[tilespmem:$0xAE0] =	vst v1  }
0x5d: {  	[tilespmem:$0xAF0] =	vst v1  }
0x5e: {  	[tilespmem:$0xB00] =	vst v1  }
0x5f: {  	[tilespmem:$0xB10] =	vst v1  }
0x60: {  	[tilespmem:$0xB20] =	vst v1  }
0x61: {  	[tilespmem:$0xB30] =	vst v1  }
0x62: {  	[tilespmem:$0xB40] =	vst v1  }
0x63: {  	[tilespmem:$0xB50] =	vst v1  }
0x64: {  	[tilespmem:$0xB60] =	vst v1  }
0x65: {  	[tilespmem:$0xB70] =	vst v1  }
0x66: {  	[tilespmem:$0xB80] =	vst v1  }
0x67: {  	[tilespmem:$0xB90] =	vst v1  }
0x68: {  	[tilespmem:$0xBA0] =	vst v1  }
0x69: {  	[tilespmem:$0xBB0] =	vst v1  }
0x6a: {  	[tilespmem:$0xBC0] =	vst v1  }
0x6b: {  	[tilespmem:$0xBD0] =	vst v1  }
0x6c: {  	[tilespmem:$0xBE0] =	vst v1  }
0x6d: {  	[tilespmem:$0xBF0] =	vst v1  }
0x6e: {  	[tilespmem:$0xC00] =	vst v1  }
0x6f: {  	[tilespmem:$0xC10] =	vst v1  }
0x70: {  	[tilespmem:$0xC20] =	vst v1  }
0x71: {  	[tilespmem:$0xC30] =	vst v1  }
0x72: {  	[tilespmem:$0xC40] =	vst v1  }
0x73: {  	[tilespmem:$0xC50] =	vst v1  }
0x74: {  	[tilespmem:$0xC60] =	vst v1  }
0x75: {  	[tilespmem:$0xC70] =	vst v1  }
0x76: {  	[tilespmem:$0xC80] =	vst v1  }
0x77: {  	[tilespmem:$0xC90] =	vst v1  }
0x78: {  	[tilespmem:$0xCA0] =	vst v1  }
0x79: {  	[tilespmem:$0xCB0] =	vst v1  }
0x7a: {  	[tilespmem:$0xCC0] =	vst v1  }
0x7b: {  	[tilespmem:$0xCD0] =	vst v1  }
0x7c: {  	[tilespmem:$0xCE0] =	vst v1  }
0x7d: {  	[tilespmem:$0xCF0] =	vst v1  }
0x7e: {  	[tilespmem:$0xD00] =	vst v1  }
0x7f: {  	[tilespmem:$0xD10] =	vst v1  }
0x80: {  	[tilespmem:$0xD20] =	vst v1  }
0x81: {  	[tilespmem:$0xD30] =	vst v1  }
0x82: {  	[tilespmem:$0xD40] =	vst v1  }
0x83: {  	[tilespmem:$0xD50] =	vst v1  }
0x84: {  	[tilespmem:$0xD60] =	vst v1  }
0x85: {  	[tilespmem:$0xD70] =	vst v1  }
0x86: {  	[tilespmem:$0xD80] =	vst v1  }
0x87: {  	[tilespmem:$0xD90] =	vst v1  }
0x88: {  	[tilespmem:$0xDA0] =	vst v1  }
0x89: {  	[tilespmem:$0xDB0] =	vst v1  }
0x8a: {  	[tilespmem:$0xDC0] =	vst v1  }
0x8b: {  	[tilespmem:$0xDD0] =	vst v1  }
0x8c: {  	[tilespmem:$0xDE0] =	vst v1  }
0x8d: {  	[tilespmem:$0xDF0] =	vst v1  }
0x8e: {  	[tilespmem:$0xE00] =	vst v1  }
0x8f: {  	[tilespmem:$0xE10] =	vst v1  }
0x90: {  	[tilespmem:$0xE20] =	vst v1  }
0x91: {  	[tilespmem:$0xE30] =	vst v1  }
0x92: {  	[tilespmem:$0xE40] =	vst v1  }
0x93: {  	[tilespmem:$0xE50] =	vst v1  }
0x94: {  	[tilespmem:$0xE60] =	vst v1  }
0x95: {  	[tilespmem:$0xE70] =	vst v1  }
0x96: {  	[tilespmem:$0xE80] =	vst v1  }
0x97: {  	[tilespmem:$0xE90] =	vst v1  }
0x98: {  	[tilespmem:$0xEA0] =	vst v1  }
0x99: {  	[tilespmem:$0xEB0] =	vst v1  }
0x9a: {  	[tilespmem:$0xEC0] =	vst v1  }
0x9b: {  	[tilespmem:$0xED0] =	vst v1  }
0x9c: {  	[tilespmem:$0xEE0] =	vst v1  }
0x9d: {  	[tilespmem:$0xEF0] =	vst v1  }
0x9e: {  	[tilespmem:$0xF00] =	vst v1  }
0x9f: {  	[tilespmem:$0xF10] =	vst v1  }
0xa0: {  	[tilespmem:$0xF20] =	vst v1  }
0xa1: {  	[tilespmem:$0xF30] =	vst v1  }
0xa2: {  	[tilespmem:$0xF40] =	vst v1  }
0xa3: {  	[tilespmem:$0xF50] =	vst v1  }
0xa4: {  	[tilespmem:$0xF60] =	vst v1  }
0xa5: {  	[tilespmem:$0xF70] =	vst v1  }
0xa6: {  	[tilespmem:$0xF80] =	vst v1  }
0xa7: {  	[tilespmem:$0xF90] =	vst v1  }
0xa8: {  	[tilespmem:$0xFA0] =	vst v1  }
0xa9: {  	[tilespmem:$0xFB0] =	vst v1  }
0xaa: {  	[tilespmem:$0xFC0] =	vst v1  }
0xab: {  	[tilespmem:$0xFD0] =	vst v1  }
0xac: {  	[tilespmem:$0xFE0] =	vst v1  }
0xad: {  	[tilespmem:$0xFF0] =	vst v1  }
0xae: {  	[tilespmem:$0x1000] =	vst v1  }
0xaf: {  	[tilespmem:$0x1010] =	vst v1  }
0xb0: {  	[tilespmem:$0x1020] =	vst v1  }
0xb1: {  	[tilespmem:$0x1030] =	vst v1  }
0xb2: {  	[tilespmem:$0x1040] =	vst v1  }
0xb3: {  	[tilespmem:$0x1050] =	vst v1  }
0xb4: {  	[tilespmem:$0x1060] =	vst v1  }
0xb5: {  	[tilespmem:$0x1070] =	vst v1  }
0xb6: {  	[tilespmem:$0x1080] =	vst v1  }
0xb7: {  	[tilespmem:$0x1090] =	vst v1  }
0xb8: {  	[tilespmem:$0x10A0] =	vst v1  }
0xb9: {  	[tilespmem:$0x10B0] =	vst v1  }
0xba: {  	[tilespmem:$0x10C0] =	vst v1  }
0xbb: {  	[tilespmem:$0x10D0] =	vst v1  }
0xbc: {  	[tilespmem:$0x10E0] =	vst v1  }
0xbd: {  	[tilespmem:$0x10F0] =	vst v1  }
0xbe: {  	[tilespmem:$0x1100] =	vst v1  }
0xbf: {  	[tilespmem:$0x1110] =	vst v1  }
0xc0: {  	[tilespmem:$0x1120] =	vst v1  }
0xc1: {  	[tilespmem:$0x1130] =	vst v1  }
0xc2: {  	[tilespmem:$0x1140] =	vst v1  }
0xc3: {  	[tilespmem:$0x1150] =	vst v1  }
0xc4: {  	[tilespmem:$0x1160] =	vst v1  }
0xc5: {  	[tilespmem:$0x1170] =	vst v1  }
0xc6: {  	[tilespmem:$0x1180] =	vst v1  }
0xc7: {  	[tilespmem:$0x1190] =	vst v1  }
0xc8: {  	[tilespmem:$0x11A0] =	vst v1  }
0xc9: {  	[tilespmem:$0x11B0] =	vst v1  }
0xca: {  	[tilespmem:$0x11C0] =	vst v1  }
0xcb: {  	[tilespmem:$0x11D0] =	vst v1  }
0xcc: {  	[tilespmem:$0x11E0] =	vst v1  }
0xcd: {  	[tilespmem:$0x11F0] =	vst v1  }
0xce: {  	[tilespmem:$0x1200] =	vst v1  }
0xcf: {  	[tilespmem:$0x1210] =	vst v1  }
0xd0: {  	[tilespmem:$0x1220] =	vst v1  }
0xd1: {  	[tilespmem:$0x1230] =	vst v1  }
0xd2: {  	[tilespmem:$0x1240] =	vst v1  }
0xd3: {  	[tilespmem:$0x1250] =	vst v1  }
0xd4: {  	[tilespmem:$0x1260] =	vst v1  }
0xd5: {  	[tilespmem:$0x1270] =	vst v1  }
0xd6: {  	[tilespmem:$0x1280] =	vst v1  }
0xd7: {  	[tilespmem:$0x1290] =	vst v1  }
0xd8: {  	[tilespmem:$0x12A0] =	vst v1  }
0xd9: {  	[tilespmem:$0x12B0] =	vst v1  }
0xda: {  	[tilespmem:$0x12C0] =	vst v1  }
0xdb: {  	[tilespmem:$0x12D0] =	vst v1  }
0xdc: {  	[tilespmem:$0x12E0] =	vst v1  }
0xdd: {  	[tilespmem:$0x12F0] =	vst v1  }
0xde: {  	[tilespmem:$0x1300] =	vst v1  }
0xdf: {  	[tilespmem:$0x1310] =	vst v1  }
0xe0: {  	[tilespmem:$0x1320] =	vst v1  }
0xe1: {  	[tilespmem:$0x1330] =	vst v1  }
0xe2: {  	[tilespmem:$0x1340] =	vst v1  }
0xe3: {  	[tilespmem:$0x1350] =	vst v1  }
0xe4: {  	[tilespmem:$0x1360] =	vst v1  }
0xe5: {  	[tilespmem:$0x1370] =	vst v1  }
0xe6: {  	[tilespmem:$0x1380] =	vst v1  }
0xe7: {  	[tilespmem:$0x1390] =	vst v1  }
0xe8: {  	[tilespmem:$0x13A0] =	vst v1  }
0xe9: {  	[tilespmem:$0x13B0] =	vst v1  }
0xea: {  	[tilespmem:$0x13C0] =	vst v1  }
0xeb: {  	[tilespmem:$0x13D0] =	vst v1  }
0xec: {  	[tilespmem:$0x13E0] =	vst v1  }
0xed: {  	[tilespmem:$0x13F0] =	vst v1  }
0xee: {  	[tilespmem:$0x1400] =	vst v1  }
0xef: {  	[tilespmem:$0x1410] =	vst v1  }
0xf0: {  	[tilespmem:$0x1420] =	vst v1  }
0xf1: {  	[tilespmem:$0x1430] =	vst v1  }
0xf2: {  	[tilespmem:$0x1440] =	vst v1  }
0xf3: {  	[tilespmem:$0x1450] =	vst v1  }
0xf4: {  	[tilespmem:$0x1460] =	vst v1  }
0xf5: {  	[tilespmem:$0x1470] =	vst v1  }
0xf6: {  	[tilespmem:$0x1480] =	vst v1  }
0xf7: {  	[tilespmem:$0x1490] =	vst v1  }
0xf8: {  	[tilespmem:$0x14A0] =	vst v1  }
0xf9: {  	[tilespmem:$0x14B0] =	vst v1  }
0xfa: {  	[tilespmem:$0x14C0] =	vst v1  }
0xfb: {  	[tilespmem:$0x14D0] =	vst v1  }
0xfc: {  	[tilespmem:$0x14E0] =	vst v1  }
0xfd: {  	[tilespmem:$0x14F0] =	vst v1  }
0xfe: {  	[tilespmem:$0x1500] =	vst v1  }
0xff: {  	[tilespmem:$0x1510] =	vst v1  }
0x100: {  	[tilespmem:$0x1520] =	vst v1  }
0x101: {  	[tilespmem:$0x1530] =	vst v1  }
0x102: {  	[tilespmem:$0x1540] =	vst v1  }
0x103: {  	[tilespmem:$0x1550] =	vst v1  }
0x104: {  	[tilespmem:$0x1560] =	vst v1  }
0x105: {  	[tilespmem:$0x1570] =	vst v1  }
0x106: {  	[tilespmem:$0x1580] =	vst v1  }
0x107: {  	[tilespmem:$0x1590] =	vst v1  }
0x108: {  	[tilespmem:$0x15A0] =	vst v1  }
0x109: {  	[tilespmem:$0x15B0] =	vst v1  }
0x10a: {  	[tilespmem:$0x15C0] =	vst v1  }
0x10b: {  	[tilespmem:$0x15D0] =	vst v1  }
0x10c: {  	[tilespmem:$0x15E0] =	vst v1  }
0x10d: {  	[tilespmem:$0x15F0] =	vst v1  }
0x10e: {  	[tilespmem:$0x1600] =	vst v1  }
0x10f: {  	[tilespmem:$0x1610] =	vst v1  }
0x110: {  	[tilespmem:$0x1620] =	vst v1  }
0x111: {  	[tilespmem:$0x1630] =	vst v1  }
0x112: {  	[tilespmem:$0x1640] =	vst v1  }
0x113: {  	[tilespmem:$0x1650] =	vst v1  }
0x114: {  	[tilespmem:$0x1660] =	vst v1  }
0x115: {  	[tilespmem:$0x1670] =	vst v1  }
0x116: {  	[tilespmem:$0x1680] =	vst v1  }
0x117: {  	[tilespmem:$0x1690] =	vst v1  }
0x118: {  	[tilespmem:$0x16A0] =	vst v1  }
0x119: {  	[tilespmem:$0x16B0] =	vst v1  }
0x11a: {  	[tilespmem:$0x16C0] =	vst v1  }
0x11b: {  	[tilespmem:$0x16D0] =	vst v1  }
0x11c: {  	[tilespmem:$0x16E0] =	vst v1  }
0x11d: {  	[tilespmem:$0x16F0] =	vst v1  }
0x11e: {  	[tilespmem:$0x1700] =	vst v1  }
0x11f: {  	[tilespmem:$0x1710] =	vst v1  }
0x120: {  	[tilespmem:$0x1720] =	vst v1  }
0x121: {  	[tilespmem:$0x1730] =	vst v1  }
0x122: {  	[tilespmem:$0x1740] =	vst v1  }
0x123: {  	[tilespmem:$0x1750] =	vst v1  }
0x124: {  	[tilespmem:$0x1760] =	vst v1  }
0x125: {  	[tilespmem:$0x1770] =	vst v1  }
0x126: {  	[tilespmem:$0x1780] =	vst v1  }
0x127: {  	[tilespmem:$0x1790] =	vst v1  }
0x128: {  	[tilespmem:$0x17A0] =	vst v1  }
0x129: {  	[tilespmem:$0x17B0] =	vst v1  }
0x12a: {  	[tilespmem:$0x17C0] =	vst v1  }
0x12b: {  	[tilespmem:$0x17D0] =	vst v1  }
0x12c: {  	[tilespmem:$0x17E0] =	vst v1  }
0x12d: {  	[tilespmem:$0x17F0] =	vst v1  }
0x12e: {  	[tilespmem:$0x1800] =	vst v1  }
0x12f: {  	[tilespmem:$0x1810] =	vst v1  }
0x130: {  	[tilespmem:$0x1820] =	vst v1  }
0x131: {  	[tilespmem:$0x1830] =	vst v1  }
0x132: {  	[tilespmem:$0x1840] =	vst v1  }
0x133: {  	[tilespmem:$0x1850] =	vst v1  }
0x134: {  	[tilespmem:$0x1860] =	vst v1  }
0x135: {  	[tilespmem:$0x1870] =	vst v1  }
0x136: {  	[tilespmem:$0x1880] =	vst v1  }
0x137: {  	[tilespmem:$0x1890] =	vst v1  }
0x138: {  	[tilespmem:$0x18A0] =	vst v1  }
0x139: {  	[tilespmem:$0x18B0] =	vst v1  }
0x13a: {  	[tilespmem:$0x18C0] =	vst v1  }
0x13b: {  	[tilespmem:$0x18D0] =	vst v1  }
0x13c: {  	[tilespmem:$0x18E0] =	vst v1  }
0x13d: {  	[tilespmem:$0x18F0] =	vst v1  }
0x13e: {  	[tilespmem:$0x1900] =	vst v1  }
0x13f: {  	[tilespmem:$0x1910] =	vst v1  }
0x140: {  	[tilespmem:$0x1920] =	vst v1  }
0x141: {  	[tilespmem:$0x1930] =	vst v1  }
0x142: {  	[tilespmem:$0x1940] =	vst v1  }
0x143: {  	[tilespmem:$0x1950] =	vst v1  }
0x144: {  	[tilespmem:$0x1960] =	vst v1;
	s13 =	simm.s32 $0x0  }
0x145: {  	[tilespmem:s4], [sflag:$0x2] =	stream.strided.gather [hbm4b:s7+s9], $0x380, s10, s9, $0x38;
	[tilespmem:$0x1970] =	vst v63  }
.LBB2_2:
0x146: {  	s16 =	sand.u32 $0x1, s13  }
0x147: {  	s14 =	sadd.s32 s1, s13;
	p1 =	seq.s32 s16, $0x0  }
0x148: {  	s15 =	sadd.s32 @!p1 $0x1, s14  }
0x149: {  	s17 =	sshrl.u32 @!p1 s15, $0x3  }
0x14a: {  	s17 =	smulhi.u32 @!p1 $0x24924925, s17;
	_ =	sdelay $0x1  }
0x14b: {  	p2 =	slt.u32 @!p1 s14, $0x37;
	s19 =	sand.u32 @!p1 $0x1, s17  }
0x14c: {  	s18 =	sshrl.u32 @!p1 s15, $0x4;
	s17 =	smul.u32 @!p1 $0xFFFFFFC8, s17;
	p0 =	seq.s32 @!p1 s19, $0x1  }
0x14d: {  	s18 =	smulhi.u32 @!p1 $0x24924925, s18;
	s19 =	simm.s32 @!p1 $0x1;
	p2 =	por @!p1 !p2, !p0  }
0x14e: {  	s17 =	sadd.s32 @!p1 s15, s17;
	s15 =	sand.u32 @!p1 $0x1, s15;
	p0 =	por !p0, p1  }
0x14f: {  	p2 =	por @!p1 !p2, !p2;
	p3 =	slt.s32 @!p1 s17, $0x1;
	p4 =	seq.s32 @!p1 s15, $0x1  }
0x150: {  	s15 =	simm.s32 @!p1 $0x1;
	s20 =	sshrl.u32 @!p1 s17, $0x1F;
	p3 =	por @!p1 !p3, !p4  }
0x151: {  	p2 =	por !p2, p1;
	s20 =	sadd.s32 @!p1 s20, s17;
	p3 =	por @!p1 !p3, !p3  }
0x152: {  	s15 =	simm.s32 @p2 $0x0;
	s20 =	sshra.s32 @!p1 s20, $0x1;
	p2 =	por !p3, p1  }
0x153: {  	s18 =	ssub.s32 @!p1 s18, s15;
	s15 =	sadd.s32 $0x1, s13;
	s19 =	simm.s32 @p2 $0x0  }
0x154: {  	s18 =	smul.u32 @!p1 $0x18800, s18;
	s31 =	sand.u32 $0x1, s15;
	s19 =	ssub.s32 @!p1 s20, s19  }
0x155: {  	p2 =	seq.s32 s13, $0x6;
	s20 =	simm.s32 @!p1 $0xC400;
	s21 =	sshll.u32 @!p1 s19, $0x1  }
0x156: {  	s20 =	simm.s32 @p0 $0x0;
	s19 =	smul.u32 @!p1 $0x700, s19;
	s17 =	ssub.s32 @!p1 s17, s21  }
0x157: {  	p3 =	seq.s32 s31, $0x1;
	s18 =	sadd.s32 @!p1 s20, s18;
	s17 =	smul.u32 @!p1 $0x70, s17  }
0x158: {  	p0 =	por !p3, p2;
	s18 =	sadd.s32 @!p1 s19, s18  }
0x159: {  	s22 =	simm.s32 @!p1 $0x0;
	s17 =	sadd.s32 @!p1 s17, s18;
	s18 =	sadd.s32 @!p0 $0x1, s14  }
0x15a: {  	s21 =	simm.s32 @!p1 $0xE0;
	s17 =	sshrl.u32 @!p1 s17, $0x3;
	s20 =	sshrl.u32 @!p0 s18, $0x3  }
0x15b: {  	s19 =	simm.s32 @!p1 $0x70;
	s17 =	sadd.s32 @!p1 s5, s17;
	s20 =	smulhi.u32 @!p0 $0x24924925, s20  }
0x15c: {  	[tilespmem:s22], [sflag:$0x2] =	stream.strided.gather @!p1 [hbm4b:s17+s19], $0x380, s21, s19, $0x38;
	[tilespmem:$0x1970] =	vst v63  }
0x15d: {  	s17 =	sand.u32 @!p0 $0x1, s20  }
0x15e: {  	p4 =	slt.u32 @!p0 s14, $0x37;
	s19 =	smul.u32 @!p0 $0xFFFFFFC8, s20;
	p1 =	seq.s32 @!p0 s17, $0x1  }
0x15f: {  	s20 =	sshrl.u32 @!p0 s18, $0x4;
	p4 =	por @!p0 !p4, !p1  }
0x160: {  	s17 =	sadd.s32 @!p0 s18, s19;
	s18 =	sand.u32 @!p0 $0x1, s18;
	s19 =	simm.s32 @!p0 $0x1  }
0x161: {  	p1 =	por @!p2 !p1, !p3;
	p5 =	slt.s32 @!p0 s17, $0x1;
	p6 =	seq.s32 @!p0 s18, $0x1  }
0x162: {  	p4 =	por @!p0 !p4, !p4;
	s18 =	smulhi.u32 @!p0 $0x24924925, s20;
	p5 =	por @!p0 !p5, !p6  }
0x163: {  	s20 =	simm.s32 @!p0 $0x1;
	p4 =	por @!p2 !p4, !p3;
	p5 =	por @!p0 !p5, !p5  }
0x164: {  	s21 =	sshrl.u32 @!p0 s17, $0x1F;
	p4 =	por !p4, p2;
	p5 =	por @!p2 !p5, !p3  }
0x165: {  	s21 =	sadd.s32 @!p0 s21, s17;
	s20 =	simm.s32 @!p4 $0x0;
	p4 =	por !p5, p2  }
0x166: {  	s18 =	ssub.s32 @!p0 s18, s20;
	s20 =	sshra.s32 @!p0 s21, $0x1;
	s19 =	simm.s32 @!p4 $0x0  }
0x167: {  	p1 =	por !p1, p2;
	s19 =	ssub.s32 @!p0 s20, s19  }
0x168: {  	s18 =	smul.u32 @!p0 $0x18800, s18;
	s20 =	simm.s32 @!p0 $0xC400;
	s21 =	sshll.u32 @!p0 s19, $0x1  }
0x169: {  	s20 =	simm.s32 @!p1 $0x0;
	s19 =	smul.u32 @!p0 $0x700, s19;
	s17 =	ssub.s32 @!p0 s17, s21  }
0x16a: {  	s18 =	sadd.s32 @!p0 s20, s18;
	s17 =	smul.u32 @!p0 $0x70, s17  }
0x16b: {  	s18 =	sadd.s32 @!p0 s19, s18  }
0x16c: {  	s17 =	sadd.s32 @!p0 s17, s18  }
0x16d: {  	s20 =	simm.s32 @!p0 $0x380;
	s17 =	sshrl.u32 @!p0 s17, $0x3  }
0x16e: {  	s19 =	simm.s32 @!p0 $0xE0;
	s18 =	simm.s32 @!p0 $0x70;
	s17 =	sadd.s32 @!p0 s5, s17  }
0x16f: {  	[tilespmem:s20], [sflag:$0x3] =	stream.strided.gather @!p0 [hbm4b:s17+s18], $0x380, s19, s18, $0x38;
	[tilespmem:$0x1970] =	vst v63  }
0x170: {  	p0 =	seq.s32 s16, $0x1;
	s17 =	simm.s32 $0x3  }
0x171: {  	s17 =	simm.s32 @!p0 $0x2  }
0x172: {  	_ =	swait.ge [sflag:s17], $0x380  }
0x173: {  	v22 =	vmov s16;
	[sflag:s17] =	ssyncset.done $0x0  }
0x174: {  	v22 =	vmul.u32 $0x380, v22;
	s16 =	simm.s32 $0x0;
	[sflag:s17] =	ssyncadd.s32 $0xFFFFFC80;
	s17 =	simm.s32 $0x0  }
.LBB2_3:
0x175: {  	v23 =	vmov s17  }
0x176: {  	v23 =	vmul.u32 $0x70, v23;
	_ =	sdelay $0x1  }
0x177: {  	v23 =	vadd.s32 v22, v23  }
0x178: {  	v23 =	vbroadcast v23, $0x0;
	_ =	sdelay $0x1  }
0x179: {  	v24 =	vadd.s32 v2, v23;
	_ =	sdelay $0x4  }
0x17a: {  	v24 =	vld.idx.msk [tilespmem:v24+s16+$0x0], $0xffff;
	_ =	sdelay $0x4  }
0x17b: {  	v24 =	vmul.f32 $2.550000000e+02, v24;
	_ =	sdelay $0x1  }
0x17c: {  	v25 =	vtrunc.f32 v24  }
0x17d: {  	v25 =	vcvt.f32.s32 v25;
	_ =	sdelay $0x1  }
0x17e: {  	v26 =	vcvt.s32.f32 v25;
	_ =	sdelay $0x1  }
0x17f: {  	v24 =	vsub.f32 v24, v26;
	_ =	sdelay $0x1  }
0x180: {  	v26 =	vmul.f32 v24, v24  }
0x181: {  	v24 =	vmul.f32 $1.537870020e-01, v24  }
0x182: {  	v26 =	vmul.f32 $-7.689350100e-02, v26  }
0x183: {  	v27 =	vmul.f32 $6.000000000e+00, v24;
	v28 =	vmul.f32 $5.000000000e+00, v24  }
0x184: {  	v29 =	vmul.f32 $4.000000000e+00, v24;
	v31 =	vadd.f32 v24, v24;
	v32 =	vmul.f32 $3.000000000e+00, v24  }
0x185: {  	v27 =	vsub.f32 v26, v27;
	v30 =	vsub.f32 v26, v28  }
0x186: {  	v33 =	vsub.f32 v26, v29;
	v34 =	vsub.f32 v26, v32  }
0x187: {  	v52 =	vadd.s32 v3, v25;
	v35 =	vsub.f32 v26, v31;
	v49 =	vsub.f32 v26, v24  }
0x188: {  	v53 =	vadd.s32 v4, v25;
	v24 =	vadd.f32 v26, v24;
	v27 =	vadd.f32 $-2.768166070e+00, v27  }
0x189: {  	v55 =	vadd.s32 v5, v25;
	v31 =	vadd.f32 v31, v26;
	v30 =	vadd.f32 $-1.922337530e+00, v30  }
0x18a: {  	v56 =	vadd.f32 v32, v26;
	v33 =	vadd.f32 $-1.230296020e+00, v33;
	v27 =	vmul.f32 $1.442695020e+00, v27  }
0x18b: {  	v57 =	vmul.f32 $1.442695020e+00, v26;
	v48 =	vadd.f32 $-6.920415160e-01, v34;
	v30 =	vmul.f32 $1.442695020e+00, v30  }
0x18c: {  	v51 =	vadd.f32 $-3.075740040e-01, v35;
	v50 =	vmul.f32 $1.442695020e+00, v33;
	(erf) = vpow2.f32 v27  }
0x18d: {  	v34 =	vadd.f32 $-7.689350100e-02, v49;
	v27 =	vmul.f32 $1.442695020e+00, v48;
	(erf) = vpow2.f32 v30  }
0x18e: {  	v29 =	vadd.f32 v29, v26;
	v33 =	vmul.f32 $1.442695020e+00, v51;
	(erf) = vpow2.f32 v50  }
0x18f: {  	v24 =	vadd.f32 $-7.689350100e-02, v24;
	v54 =	vmul.f32 $1.442695020e+00, v34;
	(erf) = vpow2.f32 v27  }
0x190: {  	v26 =	vadd.f32 v28, v26;
	v31 =	vadd.f32 $-3.075740040e-01, v31;
	(erf) = vpow2.f32 v33  }
0x191: {  	v24 =	vmul.f32 $1.442695020e+00, v24;
	v27 =	vadd.f32 $-6.920415160e-01, v56;
	(erf) = vpow2.f32 v54  }
0x192: {  	v29 =	vadd.f32 $-1.230296020e+00, v29;
	v58 =	vmul.f32 $1.442695020e+00, v31;
	(erf) = vpow2.f32 v57  }
0x193: {  	v26 =	vadd.f32 $-1.922337530e+00, v26;
	v59 =	vmul.f32 $1.442695020e+00, v27;
	(erf) = vpow2.f32 v24  }
0x194: {  	v60 =	vadd.s32 v6, v25;
	v61 =	vmul.f32 $1.442695020e+00, v29;
	(erf) = vpow2.f32 v58  }
0x195: {  	v63 =	vadd.s32 v7, v25;
	v32 =	vmul.f32 $1.442695020e+00, v26;
	v62 =	vpop (erf);
	(erf) = vpow2.f32 v59  }
0x196: {  	v35 =	vadd.s32 v8, v25;
	[tilespmem:v52+s11+$0x0] =	vst.idx.add.f32.msk $0xffff, v62;
	v33 =	vpop (erf);
	(erf) = vpow2.f32 v61  }
0x197: {  	v37 =	vadd.s32 v9, v25;
	[tilespmem:v53+s11+$0x0] =	vst.idx.add.f32.msk $0xffff, v33;
	v36 =	vpop (erf);
	(erf) = vpow2.f32 v32  }
0x198: {  	v39 =	vadd.s32 v10, v25;
	[tilespmem:v55+s11+$0x0] =	vst.idx.add.f32.msk $0xffff, v36;
	v38 =	vpop (erf)  }
0x199: {  	v41 =	vadd.s32 v16, v25;
	[tilespmem:v60+s11+$0x0] =	vst.idx.add.f32.msk $0xffff, v38;
	v40 =	vpop (erf)  }
0x19a: {  	v43 =	vadd.s32 v17, v25;
	[tilespmem:v63+s11+$0x0] =	vst.idx.add.f32.msk $0xffff, v40;
	v42 =	vpop (erf)  }
0x19b: {  	v45 =	vadd.s32 v18, v25;
	[tilespmem:v35+s11+$0x0] =	vst.idx.add.f32.msk $0xffff, v42;
	v44 =	vpop (erf)  }
0x19c: {  	v25 =	vadd.s32 v19, v25;
	[tilespmem:v37+s11+$0x0] =	vst.idx.add.f32.msk $0xffff, v44;
	v46 =	vpop (erf)  }
0x19d: {  	v48 =	vadd.s32 v11, v23;
	[tilespmem:v39+s11+$0x0] =	vst.idx.add.f32.msk $0xffff, v46;
	v47 =	vpop (erf)  }
0x19e: {  	[tilespmem:v41+s11+$0x0] =	vst.idx.add.f32.msk $0xffff, v47;
	v49 =	vpop (erf)  }
0x19f: {  	[tilespmem:v43+s11+$0x0] =	vst.idx.add.f32.msk $0xffff, v49;
	v50 =	vpop (erf)  }
0x1a0: {  	[tilespmem:v45+s11+$0x0] =	vst.idx.add.f32.msk $0xffff, v50;
	v51 =	vpop (erf)  }
0x1a1: {  	[tilespmem:v25+s11+$0x0] =	vst.idx.add.f32.msk $0xffff, v51  }
0x1a2: {  	v24 =	vld.idx.msk [tilespmem:v48+s16+$0x0], $0xffff;
	_ =	sdelay $0x4  }
0x1a3: {  	v24 =	vmul.f32 $2.550000000e+02, v24;
	_ =	sdelay $0x1  }
0x1a4: {  	v52 =	vtrunc.f32 v24  }
0x1a5: {  	v25 =	vcvt.f32.s32 v52;
	_ =	sdelay $0x1  }
0x1a6: {  	v53 =	vcvt.s32.f32 v25;
	_ =	sdelay $0x1  }
0x1a7: {  	v24 =	vsub.f32 v24, v53;
	_ =	sdelay $0x1  }
0x1a8: {  	v26 =	vmul.f32 v24, v24  }
0x1a9: {  	v24 =	vmul.f32 $1.537870020e-01, v24  }
0x1aa: {  	v26 =	vmul.f32 $-7.689350100e-02, v26  }
0x1ab: {  	v54 =	vmul.f32 $6.000000000e+00, v24;
	v55 =	vmul.f32 $5.000000000e+00, v24  }
0x1ac: {  	v56 =	vmul.f32 $4.000000000e+00, v24;
	v58 =	vadd.f32 v24, v24;
	v59 =	vmul.f32 $3.000000000e+00, v24  }
0x1ad: {  	v27 =	vsub.f32 v26, v54;
	v57 =	vsub.f32 v26, v55  }
0x1ae: {  	v60 =	vsub.f32 v26, v56;
	v61 =	vsub.f32 v26, v59  }
0x1af: {  	v39 =	vadd.s32 v3, v25;
	v62 =	vsub.f32 v26, v58;
	v36 =	vsub.f32 v26, v24  }
0x1b0: {  	v40 =	vadd.s32 v4, v25;
	v24 =	vadd.f32 v26, v24;
	v27 =	vadd.f32 $-2.768166070e+00, v27  }
0x1b1: {  	v42 =	vadd.s32 v5, v25;
	v31 =	vadd.f32 v58, v26;
	v30 =	vadd.f32 $-1.922337530e+00, v57  }
0x1b2: {  	v43 =	vadd.f32 v59, v26;
	v33 =	vadd.f32 $-1.230296020e+00, v60;
	v27 =	vmul.f32 $1.442695020e+00, v27  }
0x1b3: {  	v44 =	vmul.f32 $1.442695020e+00, v26;
	v63 =	vadd.f32 $-6.920415160e-01, v61;
	v30 =	vmul.f32 $1.442695020e+00, v30  }
0x1b4: {  	v38 =	vadd.f32 $-3.075740040e-01, v62;
	v37 =	vmul.f32 $1.442695020e+00, v33;
	(erf) = vpow2.f32 v27  }
0x1b5: {  	v34 =	vadd.f32 $-7.689350100e-02, v36;
	v27 =	vmul.f32 $1.442695020e+00, v63;
	(erf) = vpow2.f32 v30  }
0x1b6: {  	v29 =	vadd.f32 v56, v26;
	v33 =	vmul.f32 $1.442695020e+00, v38;
	(erf) = vpow2.f32 v37  }
0x1b7: {  	v24 =	vadd.f32 $-7.689350100e-02, v24;
	v41 =	vmul.f32 $1.442695020e+00, v34;
	(erf) = vpow2.f32 v27  }
0x1b8: {  	v26 =	vadd.f32 v55, v26;
	v31 =	vadd.f32 $-3.075740040e-01, v31;
	(erf) = vpow2.f32 v33  }
0x1b9: {  	v24 =	vmul.f32 $1.442695020e+00, v24;
	v27 =	vadd.f32 $-6.920415160e-01, v43;
	(erf) = vpow2.f32 v41  }
0x1ba: {  	v29 =	vadd.f32 $-1.230296020e+00, v29;
	v45 =	vmul.f32 $1.442695020e+00, v31;
	(erf) = vpow2.f32 v44  }
0x1bb: {  	v26 =	vadd.f32 $-1.922337530e+00, v26;
	v46 =	vmul.f32 $1.442695020e+00, v27;
	(erf) = vpow2.f32 v24  }
0x1bc: {  	v47 =	vadd.s32 v6, v25;
	v48 =	vmul.f32 $1.442695020e+00, v29;
	(erf) = vpow2.f32 v45  }
0x1bd: {  	v50 =	vadd.s32 v7, v25;
	v51 =	vmul.f32 $1.442695020e+00, v26;
	v49 =	vpop (erf);
	(erf) = vpow2.f32 v46  }
0x1be: {  	v53 =	vadd.s32 v8, v25;
	[tilespmem:v39+s11+$0x0] =	vst.idx.add.f32.msk $0xffff, v49;
	v52 =	vpop (erf);
	(erf) = vpow2.f32 v48  }
0x1bf: {  	v55 =	vadd.s32 v9, v25;
	[tilespmem:v40+s11+$0x0] =	vst.idx.add.f32.msk $0xffff, v52;
	v54 =	vpop (erf);
	(erf) = vpow2.f32 v51  }
0x1c0: {  	v57 =	vadd.s32 v10, v25;
	[tilespmem:v42+s11+$0x0] =	vst.idx.add.f32.msk $0xffff, v54;
	v56 =	vpop (erf)  }
0x1c1: {  	v59 =	vadd.s32 v16, v25;
	[tilespmem:v47+s11+$0x0] =	vst.idx.add.f32.msk $0xffff, v56;
	v58 =	vpop (erf)  }
0x1c2: {  	v61 =	vadd.s32 v17, v25;
	[tilespmem:v50+s11+$0x0] =	vst.idx.add.f32.msk $0xffff, v58;
	v60 =	vpop (erf)  }
0x1c3: {  	v63 =	vadd.s32 v18, v25;
	[tilespmem:v53+s11+$0x0] =	vst.idx.add.f32.msk $0xffff, v60;
	v62 =	vpop (erf)  }
0x1c4: {  	v25 =	vadd.s32 v19, v25;
	[tilespmem:v55+s11+$0x0] =	vst.idx.add.f32.msk $0xffff, v62;
	v31 =	vpop (erf)  }
0x1c5: {  	v33 =	vadd.s32 v12, v23;
	[tilespmem:v57+s11+$0x0] =	vst.idx.add.f32.msk $0xffff, v31;
	v32 =	vpop (erf)  }
0x1c6: {  	[tilespmem:v59+s11+$0x0] =	vst.idx.add.f32.msk $0xffff, v32;
	v34 =	vpop (erf)  }
0x1c7: {  	[tilespmem:v61+s11+$0x0] =	vst.idx.add.f32.msk $0xffff, v34;
	v35 =	vpop (erf)  }
0x1c8: {  	[tilespmem:v63+s11+$0x0] =	vst.idx.add.f32.msk $0xffff, v35;
	v36 =	vpop (erf)  }
0x1c9: {  	[tilespmem:v25+s11+$0x0] =	vst.idx.add.f32.msk $0xffff, v36  }
0x1ca: {  	v24 =	vld.idx.msk [tilespmem:v33+s16+$0x0], $0xffff;
	_ =	sdelay $0x4  }
0x1cb: {  	v24 =	vmul.f32 $2.550000000e+02, v24;
	_ =	sdelay $0x1  }
0x1cc: {  	v37 =	vtrunc.f32 v24  }
0x1cd: {  	v25 =	vcvt.f32.s32 v37;
	_ =	sdelay $0x1  }
0x1ce: {  	v38 =	vcvt.s32.f32 v25;
	_ =	sdelay $0x1  }
0x1cf: {  	v24 =	vsub.f32 v24, v38;
	_ =	sdelay $0x1  }
0x1d0: {  	v26 =	vmul.f32 v24, v24  }
0x1d1: {  	v24 =	vmul.f32 $1.537870020e-01, v24  }
0x1d2: {  	v26 =	vmul.f32 $-7.689350100e-02, v26  }
0x1d3: {  	v39 =	vmul.f32 $6.000000000e+00, v24;
	v40 =	vmul.f32 $5.000000000e+00, v24  }
0x1d4: {  	v41 =	vmul.f32 $4.000000000e+00, v24;
	v43 =	vadd.f32 v24, v24;
	v44 =	vmul.f32 $3.000000000e+00, v24  }
0x1d5: {  	v27 =	vsub.f32 v26, v39;
	v42 =	vsub.f32 v26, v40  }
0x1d6: {  	v45 =	vsub.f32 v26, v41;
	v46 =	vsub.f32 v26, v44  }
0x1d7: {  	v52 =	vadd.s32 v3, v25;
	v47 =	vsub.f32 v26, v43;
	v49 =	vsub.f32 v26, v24  }
0x1d8: {  	v53 =	vadd.s32 v4, v25;
	v24 =	vadd.f32 v26, v24;
	v27 =	vadd.f32 $-2.768166070e+00, v27  }
0x1d9: {  	v55 =	vadd.s32 v5, v25;
	v31 =	vadd.f32 v43, v26;
	v30 =	vadd.f32 $-1.922337530e+00, v42  }
0x1da: {  	v56 =	vadd.f32 v44, v26;
	v33 =	vadd.f32 $-1.230296020e+00, v45;
	v27 =	vmul.f32 $1.442695020e+00, v27  }
0x1db: {  	v57 =	vmul.f32 $1.442695020e+00, v26;
	v48 =	vadd.f32 $-6.920415160e-01, v46;
	v30 =	vmul.f32 $1.442695020e+00, v30  }
0x1dc: {  	v51 =	vadd.f32 $-3.075740040e-01, v47;
	v50 =	vmul.f32 $1.442695020e+00, v33;
	(erf) = vpow2.f32 v27  }
0x1dd: {  	v34 =	vadd.f32 $-7.689350100e-02, v49;
	v27 =	vmul.f32 $1.442695020e+00, v48;
	(erf) = vpow2.f32 v30  }
0x1de: {  	v29 =	vadd.f32 v41, v26;
	v33 =	vmul.f32 $1.442695020e+00, v51;
	(erf) = vpow2.f32 v50  }
0x1df: {  	v24 =	vadd.f32 $-7.689350100e-02, v24;
	v54 =	vmul.f32 $1.442695020e+00, v34;
	(erf) = vpow2.f32 v27  }
0x1e0: {  	v26 =	vadd.f32 v40, v26;
	v31 =	vadd.f32 $-3.075740040e-01, v31;
	(erf) = vpow2.f32 v33  }
0x1e1: {  	v24 =	vmul.f32 $1.442695020e+00, v24;
	v27 =	vadd.f32 $-6.920415160e-01, v56;
	(erf) = vpow2.f32 v54  }
0x1e2: {  	v29 =	vadd.f32 $-1.230296020e+00, v29;
	v58 =	vmul.f32 $1.442695020e+00, v31;
	(erf) = vpow2.f32 v57  }
0x1e3: {  	v26 =	vadd.f32 $-1.922337530e+00, v26;
	v59 =	vmul.f32 $1.442695020e+00, v27;
	(erf) = vpow2.f32 v24  }
0x1e4: {  	v60 =	vadd.s32 v6, v25;
	v61 =	vmul.f32 $1.442695020e+00, v29;
	(erf) = vpow2.f32 v58  }
0x1e5: {  	v63 =	vadd.s32 v7, v25;
	v32 =	vmul.f32 $1.442695020e+00, v26;
	v62 =	vpop (erf);
	(erf) = vpow2.f32 v59  }
0x1e6: {  	v35 =	vadd.s32 v8, v25;
	[tilespmem:v52+s11+$0x0] =	vst.idx.add.f32.msk $0xffff, v62;
	v33 =	vpop (erf);
	(erf) = vpow2.f32 v61  }
0x1e7: {  	v37 =	vadd.s32 v9, v25;
	[tilespmem:v53+s11+$0x0] =	vst.idx.add.f32.msk $0xffff, v33;
	v36 =	vpop (erf);
	(erf) = vpow2.f32 v32  }
0x1e8: {  	v39 =	vadd.s32 v10, v25;
	[tilespmem:v55+s11+$0x0] =	vst.idx.add.f32.msk $0xffff, v36;
	v38 =	vpop (erf)  }
0x1e9: {  	v41 =	vadd.s32 v16, v25;
	[tilespmem:v60+s11+$0x0] =	vst.idx.add.f32.msk $0xffff, v38;
	v40 =	vpop (erf)  }
0x1ea: {  	v43 =	vadd.s32 v17, v25;
	[tilespmem:v63+s11+$0x0] =	vst.idx.add.f32.msk $0xffff, v40;
	v42 =	vpop (erf)  }
0x1eb: {  	v45 =	vadd.s32 v18, v25;
	[tilespmem:v35+s11+$0x0] =	vst.idx.add.f32.msk $0xffff, v42;
	v44 =	vpop (erf)  }
0x1ec: {  	v25 =	vadd.s32 v19, v25;
	[tilespmem:v37+s11+$0x0] =	vst.idx.add.f32.msk $0xffff, v44;
	v46 =	vpop (erf)  }
0x1ed: {  	v48 =	vadd.s32 v13, v23;
	[tilespmem:v39+s11+$0x0] =	vst.idx.add.f32.msk $0xffff, v46;
	v47 =	vpop (erf)  }
0x1ee: {  	[tilespmem:v41+s11+$0x0] =	vst.idx.add.f32.msk $0xffff, v47;
	v49 =	vpop (erf)  }
0x1ef: {  	[tilespmem:v43+s11+$0x0] =	vst.idx.add.f32.msk $0xffff, v49;
	v50 =	vpop (erf)  }
0x1f0: {  	[tilespmem:v45+s11+$0x0] =	vst.idx.add.f32.msk $0xffff, v50;
	v51 =	vpop (erf)  }
0x1f1: {  	[tilespmem:v25+s11+$0x0] =	vst.idx.add.f32.msk $0xffff, v51  }
0x1f2: {  	v24 =	vld.idx.msk [tilespmem:v48+s16+$0x0], $0xffff;
	_ =	sdelay $0x4  }
0x1f3: {  	v24 =	vmul.f32 $2.550000000e+02, v24;
	_ =	sdelay $0x1  }
0x1f4: {  	v52 =	vtrunc.f32 v24  }
0x1f5: {  	v25 =	vcvt.f32.s32 v52;
	_ =	sdelay $0x1  }
0x1f6: {  	v53 =	vcvt.s32.f32 v25;
	_ =	sdelay $0x1  }
0x1f7: {  	v24 =	vsub.f32 v24, v53;
	_ =	sdelay $0x1  }
0x1f8: {  	v26 =	vmul.f32 v24, v24  }
0x1f9: {  	v24 =	vmul.f32 $1.537870020e-01, v24  }
0x1fa: {  	v26 =	vmul.f32 $-7.689350100e-02, v26  }
0x1fb: {  	v54 =	vmul.f32 $6.000000000e+00, v24;
	v55 =	vmul.f32 $5.000000000e+00, v24  }
0x1fc: {  	v56 =	vmul.f32 $4.000000000e+00, v24;
	v58 =	vadd.f32 v24, v24;
	v59 =	vmul.f32 $3.000000000e+00, v24  }
0x1fd: {  	v27 =	vsub.f32 v26, v54;
	v57 =	vsub.f32 v26, v55  }
0x1fe: {  	v60 =	vsub.f32 v26, v56;
	v61 =	vsub.f32 v26, v59  }
0x1ff: {  	v39 =	vadd.s32 v3, v25;
	v62 =	vsub.f32 v26, v58;
	v36 =	vsub.f32 v26, v24  }
0x200: {  	v40 =	vadd.s32 v4, v25;
	v24 =	vadd.f32 v26, v24;
	v27 =	vadd.f32 $-2.768166070e+00, v27  }
0x201: {  	v42 =	vadd.s32 v5, v25;
	v31 =	vadd.f32 v58, v26;
	v30 =	vadd.f32 $-1.922337530e+00, v57  }
0x202: {  	v43 =	vadd.f32 v59, v26;
	v33 =	vadd.f32 $-1.230296020e+00, v60;
	v27 =	vmul.f32 $1.442695020e+00, v27  }
0x203: {  	v44 =	vmul.f32 $1.442695020e+00, v26;
	v63 =	vadd.f32 $-6.920415160e-01, v61;
	v30 =	vmul.f32 $1.442695020e+00, v30  }
0x204: {  	v38 =	vadd.f32 $-3.075740040e-01, v62;
	v37 =	vmul.f32 $1.442695020e+00, v33;
	(erf) = vpow2.f32 v27  }
0x205: {  	v34 =	vadd.f32 $-7.689350100e-02, v36;
	v27 =	vmul.f32 $1.442695020e+00, v63;
	(erf) = vpow2.f32 v30  }
0x206: {  	v29 =	vadd.f32 v56, v26;
	v33 =	vmul.f32 $1.442695020e+00, v38;
	(erf) = vpow2.f32 v37  }
0x207: {  	v24 =	vadd.f32 $-7.689350100e-02, v24;
	v41 =	vmul.f32 $1.442695020e+00, v34;
	(erf) = vpow2.f32 v27  }
0x208: {  	v26 =	vadd.f32 v55, v26;
	v31 =	vadd.f32 $-3.075740040e-01, v31;
	(erf) = vpow2.f32 v33  }
0x209: {  	v24 =	vmul.f32 $1.442695020e+00, v24;
	v27 =	vadd.f32 $-6.920415160e-01, v43;
	(erf) = vpow2.f32 v41  }
0x20a: {  	v29 =	vadd.f32 $-1.230296020e+00, v29;
	v45 =	vmul.f32 $1.442695020e+00, v31;
	(erf) = vpow2.f32 v44  }
0x20b: {  	v26 =	vadd.f32 $-1.922337530e+00, v26;
	v46 =	vmul.f32 $1.442695020e+00, v27;
	(erf) = vpow2.f32 v24  }
0x20c: {  	v47 =	vadd.s32 v6, v25;
	v48 =	vmul.f32 $1.442695020e+00, v29;
	(erf) = vpow2.f32 v45  }
0x20d: {  	v50 =	vadd.s32 v7, v25;
	v51 =	vmul.f32 $1.442695020e+00, v26;
	v49 =	vpop (erf);
	(erf) = vpow2.f32 v46  }
0x20e: {  	v53 =	vadd.s32 v8, v25;
	[tilespmem:v39+s11+$0x0] =	vst.idx.add.f32.msk $0xffff, v49;
	v52 =	vpop (erf);
	(erf) = vpow2.f32 v48  }
0x20f: {  	v55 =	vadd.s32 v9, v25;
	[tilespmem:v40+s11+$0x0] =	vst.idx.add.f32.msk $0xffff, v52;
	v54 =	vpop (erf);
	(erf) = vpow2.f32 v51  }
0x210: {  	v57 =	vadd.s32 v10, v25;
	[tilespmem:v42+s11+$0x0] =	vst.idx.add.f32.msk $0xffff, v54;
	v56 =	vpop (erf)  }
0x211: {  	v59 =	vadd.s32 v16, v25;
	[tilespmem:v47+s11+$0x0] =	vst.idx.add.f32.msk $0xffff, v56;
	v58 =	vpop (erf)  }
0x212: {  	v61 =	vadd.s32 v17, v25;
	[tilespmem:v50+s11+$0x0] =	vst.idx.add.f32.msk $0xffff, v58;
	v60 =	vpop (erf)  }
0x213: {  	v63 =	vadd.s32 v18, v25;
	[tilespmem:v53+s11+$0x0] =	vst.idx.add.f32.msk $0xffff, v60;
	v62 =	vpop (erf)  }
0x214: {  	v25 =	vadd.s32 v19, v25;
	[tilespmem:v55+s11+$0x0] =	vst.idx.add.f32.msk $0xffff, v62;
	v28 =	vpop (erf)  }
0x215: {  	v32 =	vadd.s32 v14, v23;
	[tilespmem:v57+s11+$0x0] =	vst.idx.add.f32.msk $0xffff, v28;
	v31 =	vpop (erf)  }
0x216: {  	[tilespmem:v59+s11+$0x0] =	vst.idx.add.f32.msk $0xffff, v31;
	v33 =	vpop (erf)  }
0x217: {  	[tilespmem:v61+s11+$0x0] =	vst.idx.add.f32.msk $0xffff, v33;
	v34 =	vpop (erf)  }
0x218: {  	[tilespmem:v63+s11+$0x0] =	vst.idx.add.f32.msk $0xffff, v34;
	v35 =	vpop (erf)  }
0x219: {  	[tilespmem:v25+s11+$0x0] =	vst.idx.add.f32.msk $0xffff, v35  }
0x21a: {  	v24 =	vld.idx.msk [tilespmem:v32+s16+$0x0], $0xffff;
	_ =	sdelay $0x4  }
0x21b: {  	v24 =	vmul.f32 $2.550000000e+02, v24;
	_ =	sdelay $0x1  }
0x21c: {  	v36 =	vtrunc.f32 v24  }
0x21d: {  	v25 =	vcvt.f32.s32 v36;
	_ =	sdelay $0x1  }
0x21e: {  	v37 =	vcvt.s32.f32 v25;
	_ =	sdelay $0x1  }
0x21f: {  	v24 =	vsub.f32 v24, v37;
	_ =	sdelay $0x1  }
0x220: {  	v26 =	vmul.f32 v24, v24  }
0x221: {  	v24 =	vmul.f32 $1.537870020e-01, v24  }
0x222: {  	v26 =	vmul.f32 $-7.689350100e-02, v26  }
0x223: {  	v38 =	vmul.f32 $6.000000000e+00, v24;
	v39 =	vmul.f32 $5.000000000e+00, v24  }
0x224: {  	v40 =	vmul.f32 $4.000000000e+00, v24;
	v42 =	vadd.f32 v24, v24;
	v43 =	vmul.f32 $3.000000000e+00, v24  }
0x225: {  	v27 =	vsub.f32 v26, v38;
	v41 =	vsub.f32 v26, v39  }
0x226: {  	v44 =	vsub.f32 v26, v40;
	v45 =	vsub.f32 v26, v43  }
0x227: {  	v51 =	vadd.s32 v3, v25;
	v46 =	vsub.f32 v26, v42;
	v48 =	vsub.f32 v26, v24  }
0x228: {  	v52 =	vadd.s32 v4, v25;
	v24 =	vadd.f32 v26, v24;
	v27 =	vadd.f32 $-2.768166070e+00, v27  }
0x229: {  	v54 =	vadd.s32 v5, v25;
	v31 =	vadd.f32 v42, v26;
	v30 =	vadd.f32 $-1.922337530e+00, v41  }
0x22a: {  	v55 =	vadd.f32 v43, v26;
	v33 =	vadd.f32 $-1.230296020e+00, v44;
	v27 =	vmul.f32 $1.442695020e+00, v27  }
0x22b: {  	v56 =	vmul.f32 $1.442695020e+00, v26;
	v47 =	vadd.f32 $-6.920415160e-01, v45;
	v30 =	vmul.f32 $1.442695020e+00, v30  }
0x22c: {  	v50 =	vadd.f32 $-3.075740040e-01, v46;
	v49 =	vmul.f32 $1.442695020e+00, v33;
	(erf) = vpow2.f32 v27  }
0x22d: {  	v34 =	vadd.f32 $-7.689350100e-02, v48;
	v27 =	vmul.f32 $1.442695020e+00, v47;
	(erf) = vpow2.f32 v30  }
0x22e: {  	v29 =	vadd.f32 v40, v26;
	v33 =	vmul.f32 $1.442695020e+00, v50;
	(erf) = vpow2.f32 v49  }
0x22f: {  	v24 =	vadd.f32 $-7.689350100e-02, v24;
	v53 =	vmul.f32 $1.442695020e+00, v34;
	(erf) = vpow2.f32 v27  }
0x230: {  	v26 =	vadd.f32 v39, v26;
	v31 =	vadd.f32 $-3.075740040e-01, v31;
	(erf) = vpow2.f32 v33  }
0x231: {  	v24 =	vmul.f32 $1.442695020e+00, v24;
	v27 =	vadd.f32 $-6.920415160e-01, v55;
	(erf) = vpow2.f32 v53  }
0x232: {  	v29 =	vadd.f32 $-1.230296020e+00, v29;
	v57 =	vmul.f32 $1.442695020e+00, v31;
	(erf) = vpow2.f32 v56  }
0x233: {  	v26 =	vadd.f32 $-1.922337530e+00, v26;
	v58 =	vmul.f32 $1.442695020e+00, v27;
	(erf) = vpow2.f32 v24  }
0x234: {  	v59 =	vadd.s32 v6, v25;
	v60 =	vmul.f32 $1.442695020e+00, v29;
	(erf) = vpow2.f32 v57  }
0x235: {  	v62 =	vadd.s32 v7, v25;
	v63 =	vmul.f32 $1.442695020e+00, v26;
	v61 =	vpop (erf);
	(erf) = vpow2.f32 v58  }
0x236: {  	v33 =	vadd.s32 v8, v25;
	[tilespmem:v51+s11+$0x0] =	vst.idx.add.f32.msk $0xffff, v61;
	v32 =	vpop (erf);
	(erf) = vpow2.f32 v60  }
0x237: {  	v36 =	vadd.s32 v9, v25;
	[tilespmem:v52+s11+$0x0] =	vst.idx.add.f32.msk $0xffff, v32;
	v35 =	vpop (erf);
	(erf) = vpow2.f32 v63  }
0x238: {  	v38 =	vadd.s32 v10, v25;
	[tilespmem:v54+s11+$0x0] =	vst.idx.add.f32.msk $0xffff, v35;
	v37 =	vpop (erf)  }
0x239: {  	v40 =	vadd.s32 v16, v25;
	[tilespmem:v59+s11+$0x0] =	vst.idx.add.f32.msk $0xffff, v37;
	v39 =	vpop (erf)  }
0x23a: {  	v42 =	vadd.s32 v17, v25;
	[tilespmem:v62+s11+$0x0] =	vst.idx.add.f32.msk $0xffff, v39;
	v41 =	vpop (erf)  }
0x23b: {  	v44 =	vadd.s32 v18, v25;
	[tilespmem:v33+s11+$0x0] =	vst.idx.add.f32.msk $0xffff, v41;
	v43 =	vpop (erf)  }
0x23c: {  	v25 =	vadd.s32 v19, v25;
	[tilespmem:v36+s11+$0x0] =	vst.idx.add.f32.msk $0xffff, v43;
	v45 =	vpop (erf)  }
0x23d: {  	v47 =	vadd.s32 v15, v23;
	[tilespmem:v38+s11+$0x0] =	vst.idx.add.f32.msk $0xffff, v45;
	v46 =	vpop (erf)  }
0x23e: {  	[tilespmem:v40+s11+$0x0] =	vst.idx.add.f32.msk $0xffff, v46;
	v48 =	vpop (erf)  }
0x23f: {  	[tilespmem:v42+s11+$0x0] =	vst.idx.add.f32.msk $0xffff, v48;
	v49 =	vpop (erf)  }
0x240: {  	[tilespmem:v44+s11+$0x0] =	vst.idx.add.f32.msk $0xffff, v49;
	v50 =	vpop (erf)  }
0x241: {  	[tilespmem:v25+s11+$0x0] =	vst.idx.add.f32.msk $0xffff, v50  }
0x242: {  	v24 =	vld.idx.msk [tilespmem:v47+s16+$0x0], $0xffff;
	_ =	sdelay $0x4  }
0x243: {  	v24 =	vmul.f32 $2.550000000e+02, v24;
	_ =	sdelay $0x1  }
0x244: {  	v51 =	vtrunc.f32 v24  }
0x245: {  	v25 =	vcvt.f32.s32 v51;
	_ =	sdelay $0x1  }
0x246: {  	v52 =	vcvt.s32.f32 v25;
	_ =	sdelay $0x1  }
0x247: {  	v24 =	vsub.f32 v24, v52;
	_ =	sdelay $0x1  }
0x248: {  	v26 =	vmul.f32 v24, v24  }
0x249: {  	v24 =	vmul.f32 $1.537870020e-01, v24  }
0x24a: {  	v26 =	vmul.f32 $-7.689350100e-02, v26  }
0x24b: {  	v53 =	vmul.f32 $6.000000000e+00, v24;
	v54 =	vmul.f32 $5.000000000e+00, v24  }
0x24c: {  	v55 =	vmul.f32 $4.000000000e+00, v24;
	v57 =	vadd.f32 v24, v24;
	v58 =	vmul.f32 $3.000000000e+00, v24  }
0x24d: {  	v27 =	vsub.f32 v26, v53;
	v56 =	vsub.f32 v26, v54  }
0x24e: {  	v59 =	vsub.f32 v26, v55;
	v60 =	vsub.f32 v26, v58  }
0x24f: {  	v38 =	vadd.s32 v3, v25;
	v61 =	vsub.f32 v26, v57;
	v63 =	vsub.f32 v26, v24  }
0x250: {  	v39 =	vadd.s32 v4, v25;
	v24 =	vadd.f32 v26, v24;
	v27 =	vadd.f32 $-2.768166070e+00, v27  }
0x251: {  	v41 =	vadd.s32 v5, v25;
	v31 =	vadd.f32 v57, v26;
	v30 =	vadd.f32 $-1.922337530e+00, v56  }
0x252: {  	v42 =	vadd.f32 v58, v26;
	v33 =	vadd.f32 $-1.230296020e+00, v59;
	v27 =	vmul.f32 $1.442695020e+00, v27  }
0x253: {  	v43 =	vmul.f32 $1.442695020e+00, v26;
	v62 =	vadd.f32 $-6.920415160e-01, v60;
	v30 =	vmul.f32 $1.442695020e+00, v30  }
0x254: {  	v37 =	vadd.f32 $-3.075740040e-01, v61;
	v36 =	vmul.f32 $1.442695020e+00, v33;
	(erf) = vpow2.f32 v27  }
0x255: {  	v34 =	vadd.f32 $-7.689350100e-02, v63;
	v27 =	vmul.f32 $1.442695020e+00, v62;
	(erf) = vpow2.f32 v30  }
0x256: {  	v29 =	vadd.f32 v55, v26;
	v33 =	vmul.f32 $1.442695020e+00, v37;
	(erf) = vpow2.f32 v36  }
0x257: {  	v24 =	vadd.f32 $-7.689350100e-02, v24;
	v40 =	vmul.f32 $1.442695020e+00, v34;
	(erf) = vpow2.f32 v27  }
0x258: {  	v26 =	vadd.f32 v54, v26;
	v31 =	vadd.f32 $-3.075740040e-01, v31;
	(erf) = vpow2.f32 v33  }
0x259: {  	v24 =	vmul.f32 $1.442695020e+00, v24;
	v27 =	vadd.f32 $-6.920415160e-01, v42;
	(erf) = vpow2.f32 v40  }
0x25a: {  	v29 =	vadd.f32 $-1.230296020e+00, v29;
	v44 =	vmul.f32 $1.442695020e+00, v31;
	(erf) = vpow2.f32 v43  }
0x25b: {  	v26 =	vadd.f32 $-1.922337530e+00, v26;
	v45 =	vmul.f32 $1.442695020e+00, v27;
	(erf) = vpow2.f32 v24  }
0x25c: {  	v46 =	vadd.s32 v6, v25;
	v47 =	vmul.f32 $1.442695020e+00, v29;
	(erf) = vpow2.f32 v44  }
0x25d: {  	v49 =	vadd.s32 v7, v25;
	v50 =	vmul.f32 $1.442695020e+00, v26;
	v48 =	vpop (erf);
	(erf) = vpow2.f32 v45  }
0x25e: {  	v52 =	vadd.s32 v8, v25;
	[tilespmem:v38+s11+$0x0] =	vst.idx.add.f32.msk $0xffff, v48;
	v51 =	vpop (erf);
	(erf) = vpow2.f32 v47  }
0x25f: {  	v54 =	vadd.s32 v9, v25;
	[tilespmem:v39+s11+$0x0] =	vst.idx.add.f32.msk $0xffff, v51;
	v53 =	vpop (erf);
	(erf) = vpow2.f32 v50  }
0x260: {  	v56 =	vadd.s32 v10, v25;
	[tilespmem:v41+s11+$0x0] =	vst.idx.add.f32.msk $0xffff, v53;
	v55 =	vpop (erf)  }
0x261: {  	v58 =	vadd.s32 v16, v25;
	[tilespmem:v46+s11+$0x0] =	vst.idx.add.f32.msk $0xffff, v55;
	v57 =	vpop (erf)  }
0x262: {  	v60 =	vadd.s32 v17, v25;
	[tilespmem:v49+s11+$0x0] =	vst.idx.add.f32.msk $0xffff, v57;
	v59 =	vpop (erf)  }
0x263: {  	v62 =	vadd.s32 v18, v25;
	[tilespmem:v52+s11+$0x0] =	vst.idx.add.f32.msk $0xffff, v59;
	v61 =	vpop (erf)  }
0x264: {  	v25 =	vadd.s32 v19, v25;
	[tilespmem:v54+s11+$0x0] =	vst.idx.add.f32.msk $0xffff, v61;
	v63 =	vpop (erf)  }
0x265: {  	v31 =	vadd.s32 v20, v23;
	[tilespmem:v56+s11+$0x0] =	vst.idx.add.f32.msk $0xffff, v63;
	v28 =	vpop (erf)  }
0x266: {  	[tilespmem:v58+s11+$0x0] =	vst.idx.add.f32.msk $0xffff, v28;
	v32 =	vpop (erf)  }
0x267: {  	[tilespmem:v60+s11+$0x0] =	vst.idx.add.f32.msk $0xffff, v32;
	v33 =	vpop (erf)  }
0x268: {  	[tilespmem:v62+s11+$0x0] =	vst.idx.add.f32.msk $0xffff, v33;
	v34 =	vpop (erf)  }
0x269: {  	[tilespmem:v25+s11+$0x0] =	vst.idx.add.f32.msk $0xffff, v34  }
0x26a: {  	v24 =	vld.idx.msk [tilespmem:v31+s16+$0x0], $0xffff;
	_ =	sdelay $0x4  }
0x26b: {  	v24 =	vmul.f32 $2.550000000e+02, v24;
	_ =	sdelay $0x1  }
0x26c: {  	v35 =	vtrunc.f32 v24  }
0x26d: {  	v25 =	vcvt.f32.s32 v35;
	_ =	sdelay $0x1  }
0x26e: {  	v36 =	vcvt.s32.f32 v25;
	_ =	sdelay $0x1  }
0x26f: {  	v24 =	vsub.f32 v24, v36;
	_ =	sdelay $0x1  }
0x270: {  	v26 =	vmul.f32 v24, v24  }
0x271: {  	v24 =	vmul.f32 $1.537870020e-01, v24  }
0x272: {  	v26 =	vmul.f32 $-7.689350100e-02, v26  }
0x273: {  	v37 =	vmul.f32 $6.000000000e+00, v24;
	v38 =	vmul.f32 $5.000000000e+00, v24  }
0x274: {  	v39 =	vmul.f32 $4.000000000e+00, v24;
	v40 =	vadd.f32 v24, v24;
	v41 =	vmul.f32 $3.000000000e+00, v24  }
0x275: {  	v27 =	vsub.f32 v26, v37;
	v42 =	vsub.f32 v26, v38  }
0x276: {  	v43 =	vsub.f32 v26, v39;
	v44 =	vsub.f32 v26, v41  }
0x277: {  	v51 =	vadd.s32 v3, v25;
	v45 =	vsub.f32 v26, v40;
	v47 =	vsub.f32 v26, v24  }
0x278: {  	v53 =	vadd.s32 v4, v25;
	v24 =	vadd.f32 v26, v24;
	v27 =	vadd.f32 $-2.768166070e+00, v27  }
0x279: {  	v54 =	vadd.s32 v5, v25;
	v30 =	vadd.f32 v40, v26;
	v32 =	vadd.f32 $-1.922337530e+00, v42  }
0x27a: {  	v55 =	vadd.f32 v41, v26;
	v33 =	vadd.f32 $-1.230296020e+00, v43;
	v27 =	vmul.f32 $1.442695020e+00, v27  }
0x27b: {  	v56 =	vmul.f32 $1.442695020e+00, v26;
	v34 =	vadd.f32 $-6.920415160e-01, v44;
	v32 =	vmul.f32 $1.442695020e+00, v32  }
0x27c: {  	v49 =	vadd.f32 $-3.075740040e-01, v45;
	v46 =	vmul.f32 $1.442695020e+00, v33;
	(erf) = vpow2.f32 v27  }
0x27d: {  	v50 =	vadd.f32 $-7.689350100e-02, v47;
	v48 =	vmul.f32 $1.442695020e+00, v34;
	(erf) = vpow2.f32 v32  }
0x27e: {  	v29 =	vadd.f32 v39, v26;
	v52 =	vmul.f32 $1.442695020e+00, v49;
	(erf) = vpow2.f32 v46  }
0x27f: {  	v24 =	vadd.f32 $-7.689350100e-02, v24;
	v27 =	vmul.f32 $1.442695020e+00, v50;
	(erf) = vpow2.f32 v48  }
0x280: {  	v26 =	vadd.f32 v38, v26;
	v30 =	vadd.f32 $-3.075740040e-01, v30;
	(erf) = vpow2.f32 v52  }
0x281: {  	v24 =	vmul.f32 $1.442695020e+00, v24;
	(erf) = vpow2.f32 v27;
	v27 =	vadd.f32 $-6.920415160e-01, v55  }
0x282: {  	v29 =	vadd.f32 $-1.230296020e+00, v29;
	v57 =	vmul.f32 $1.442695020e+00, v30;
	(erf) = vpow2.f32 v56  }
0x283: {  	v26 =	vadd.f32 $-1.922337530e+00, v26;
	(erf) = vpow2.f32 v24;
	v58 =	vmul.f32 $1.442695020e+00, v27  }
0x284: {  	v59 =	vadd.s32 v6, v25;
	v60 =	vmul.f32 $1.442695020e+00, v29;
	(erf) = vpow2.f32 v57  }
0x285: {  	v62 =	vadd.s32 v7, v25;
	v63 =	vmul.f32 $1.442695020e+00, v26;
	v61 =	vpop (erf);
	(erf) = vpow2.f32 v58  }
0x286: {  	v36 =	vadd.s32 v8, v25;
	[tilespmem:v51+s11+$0x0] =	vst.idx.add.f32.msk $0xffff, v61;
	v35 =	vpop (erf);
	(erf) = vpow2.f32 v60  }
0x287: {  	v38 =	vadd.s32 v9, v25;
	[tilespmem:v53+s11+$0x0] =	vst.idx.add.f32.msk $0xffff, v35;
	v37 =	vpop (erf);
	(erf) = vpow2.f32 v63  }
0x288: {  	v40 =	vadd.s32 v10, v25;
	[tilespmem:v54+s11+$0x0] =	vst.idx.add.f32.msk $0xffff, v37;
	v39 =	vpop (erf)  }
0x289: {  	v42 =	vadd.s32 v16, v25;
	[tilespmem:v59+s11+$0x0] =	vst.idx.add.f32.msk $0xffff, v39;
	v41 =	vpop (erf)  }
0x28a: {  	v44 =	vadd.s32 v17, v25;
	[tilespmem:v62+s11+$0x0] =	vst.idx.add.f32.msk $0xffff, v41;
	v43 =	vpop (erf)  }
0x28b: {  	v46 =	vadd.s32 v18, v25;
	[tilespmem:v36+s11+$0x0] =	vst.idx.add.f32.msk $0xffff, v43;
	v45 =	vpop (erf)  }
0x28c: {  	v25 =	vadd.s32 v19, v25;
	[tilespmem:v38+s11+$0x0] =	vst.idx.add.f32.msk $0xffff, v45;
	v47 =	vpop (erf)  }
0x28d: {  	v23 =	vadd.s32 v21, v23;
	[tilespmem:v40+s11+$0x0] =	vst.idx.add.f32.msk $0xffff, v47;
	v48 =	vpop (erf)  }
0x28e: {  	[tilespmem:v42+s11+$0x0] =	vst.idx.add.f32.msk $0xffff, v48;
	v49 =	vpop (erf)  }
0x28f: {  	[tilespmem:v44+s11+$0x0] =	vst.idx.add.f32.msk $0xffff, v49;
	v50 =	vpop (erf)  }
0x290: {  	[tilespmem:v46+s11+$0x0] =	vst.idx.add.f32.msk $0xffff, v50;
	v51 =	vpop (erf)  }
0x291: {  	[tilespmem:v25+s11+$0x0] =	vst.idx.add.f32.msk $0xffff, v51  }
0x292: {  	v23 =	vld.idx.msk [tilespmem:v23+s16+$0x0], $0xffff;
	_ =	sdelay $0x4  }
0x293: {  	v23 =	vmul.f32 $2.550000000e+02, v23;
	_ =	sdelay $0x1  }
0x294: {  	v52 =	vtrunc.f32 v23  }
0x295: {  	v24 =	vcvt.f32.s32 v52;
	_ =	sdelay $0x1  }
0x296: {  	v53 =	vcvt.s32.f32 v24;
	_ =	sdelay $0x1  }
0x297: {  	v23 =	vsub.f32 v23, v53;
	_ =	sdelay $0x1  }
0x298: {  	v25 =	vmul.f32 v23, v23  }
0x299: {  	v23 =	vmul.f32 $1.537870020e-01, v23  }
0x29a: {  	v25 =	vmul.f32 $-7.689350100e-02, v25  }
0x29b: {  	v54 =	vmul.f32 $6.000000000e+00, v23;
	v55 =	vmul.f32 $5.000000000e+00, v23  }
0x29c: {  	v56 =	vmul.f32 $4.000000000e+00, v23;
	v57 =	vadd.f32 v23, v23;
	v58 =	vmul.f32 $3.000000000e+00, v23  }
0x29d: {  	v26 =	vsub.f32 v25, v54;
	v59 =	vsub.f32 v25, v55  }
0x29e: {  	v60 =	vsub.f32 v25, v56;
	v61 =	vsub.f32 v25, v58  }
0x29f: {  	v62 =	vsub.f32 v25, v57;
	v36 =	vsub.f32 v25, v23  }
0x2a0: {  	v41 =	vadd.s32 v3, v24;
	v23 =	vadd.f32 v25, v23;
	v26 =	vadd.f32 $-2.768166070e+00, v26  }
0x2a1: {  	v42 =	vadd.s32 v4, v24;
	v29 =	vadd.f32 v57, v25;
	v31 =	vadd.f32 $-1.922337530e+00, v59  }
0x2a2: {  	v44 =	vadd.f32 v58, v25;
	v32 =	vadd.f32 $-1.230296020e+00, v60;
	v26 =	vmul.f32 $1.442695020e+00, v26  }
0x2a3: {  	v45 =	vmul.f32 $1.442695020e+00, v25;
	v33 =	vadd.f32 $-6.920415160e-01, v61;
	v31 =	vmul.f32 $1.442695020e+00, v31  }
0x2a4: {  	v38 =	vadd.f32 $-3.075740040e-01, v62;
	v63 =	vmul.f32 $1.442695020e+00, v32;
	(erf) = vpow2.f32 v26  }
0x2a5: {  	v39 =	vadd.f32 $-7.689350100e-02, v36;
	v37 =	vmul.f32 $1.442695020e+00, v33;
	(erf) = vpow2.f32 v31  }
0x2a6: {  	v28 =	vadd.f32 v56, v25;
	v40 =	vmul.f32 $1.442695020e+00, v38;
	(erf) = vpow2.f32 v63  }
0x2a7: {  	v23 =	vadd.f32 $-7.689350100e-02, v23;
	v26 =	vmul.f32 $1.442695020e+00, v39;
	(erf) = vpow2.f32 v37  }
0x2a8: {  	v25 =	vadd.f32 v55, v25;
	v43 =	vadd.f32 $-3.075740040e-01, v29;
	(erf) = vpow2.f32 v40  }
0x2a9: {  	v29 =	vadd.f32 $-6.920415160e-01, v44;
	v23 =	vmul.f32 $1.442695020e+00, v23;
	(erf) = vpow2.f32 v26  }
0x2aa: {  	v28 =	vadd.f32 $-1.230296020e+00, v28;
	v26 =	vmul.f32 $1.442695020e+00, v43;
	(erf) = vpow2.f32 v45  }
0x2ab: {  	v25 =	vadd.f32 $-1.922337530e+00, v25;
	(erf) = vpow2.f32 v23;
	v23 =	vmul.f32 $1.442695020e+00, v29  }
0x2ac: {  	v46 =	vadd.s32 v5, v24;
	v48 =	vmul.f32 $1.442695020e+00, v28;
	(erf) = vpow2.f32 v26  }
0x2ad: {  	v47 =	vadd.s32 v6, v24;
	v49 =	vpop (erf);
	(erf) = vpow2.f32 v23;
	v23 =	vmul.f32 $1.442695020e+00, v25  }
0x2ae: {  	v50 =	vadd.s32 v7, v24  }
0x2af: {  	v52 =	vadd.s32 v8, v24;
	[tilespmem:v41+s11+$0x0] =	vst.idx.add.f32.msk $0xffff, v49;
	v51 =	vpop (erf);
	(erf) = vpow2.f32 v48  }
0x2b0: {  	v54 =	vadd.s32 v9, v24;
	[tilespmem:v42+s11+$0x0] =	vst.idx.add.f32.msk $0xffff, v51;
	v53 =	vpop (erf);
	(erf) = vpow2.f32 v23  }
0x2b1: {  	v55 =	vadd.s32 v10, v24;
	[tilespmem:v46+s11+$0x0] =	vst.idx.add.f32.msk $0xffff, v53;
	v23 =	vpop (erf)  }
0x2b2: {  	v56 =	vpop (erf);
	[tilespmem:v47+s11+$0x0] =	vst.idx.add.f32.msk $0xffff, v23;
	v23 =	vadd.s32 v16, v24  }
0x2b3: {  	v58 =	vadd.s32 v17, v24;
	v57 =	vpop (erf);
	[tilespmem:v50+s11+$0x0] =	vst.idx.add.f32.msk $0xffff, v56  }
0x2b4: {  	v60 =	vadd.s32 v18, v24;
	v59 =	vpop (erf);
	[tilespmem:v52+s11+$0x0] =	vst.idx.add.f32.msk $0xffff, v57  }
0x2b5: {  	p0 =	sne.s32 s17, $0x7;
	v24 =	vadd.s32 v19, v24;
	v61 =	vpop (erf);
	[tilespmem:v54+s11+$0x0] =	vst.idx.add.f32.msk $0xffff, v59  }
.Ltmp0:
0x2b6: {  	v62 =	vpop (erf);
	[tilespmem:v55+s11+$0x0] =	vst.idx.add.f32.msk $0xffff, v61;
	(pc) =	sbr.rel @p0 .LBB2_3-.Ltmp0, $4  }
0x2b7: {  	v63 =	vpop (erf);
	[tilespmem:v23+s11+$0x0] =	vst.idx.add.f32.msk $0xffff, v62  }
0x2b8: {  	v23 =	vpop (erf);
	[tilespmem:v58+s11+$0x0] =	vst.idx.add.f32.msk $0xffff, v63  }
0x2b9: {  	[tilespmem:v60+s11+$0x0] =	vst.idx.add.f32.msk $0xffff, v23;
	v23 =	vpop (erf)  }
0x2ba: {  	s17 =	sadd.s32 $0x1, s17;
	[tilespmem:v24+s11+$0x0] =	vst.idx.add.f32.msk $0xffff, v23  }
0x2bb: {  	s17 =	simm.s32 $0x7F0  }
0x2bc: {  	v22 =	vld [tilespmem:s17+$0xFFFFFF90]  }
0x2bd: {  	v23 =	vld [tilespmem:s17+$0xFFFFFFA0]  }
0x2be: {  	v24 =	vld [tilespmem:s17+$0xFFFFFFB0]  }
0x2bf: {  	v25 =	vld [tilespmem:s17+$0xFFFFFFC0]  }
0x2c0: {  	v33 =	vld [tilespmem:s17+$0xFFFFFFD0];
	_ =	sdelay $0x1  }
0x2c1: {  	v26 =	vadd.f32 $0.0e+00, v22  }
0x2c2: {  	v27 =	vand.u32 $0x7FFFFF, v22;
	v28 =	vshra.s32 v22, $0x17;
	v29 =	vand.u32 $0x7FFFFF, v23  }
0x2c3: {  	v32 =	vand.u32 $0x7FFFFF, v24;
	v34 =	vand.u32 $0x7FFFFF, v25;
	v37 =	vshra.s32 v24, $0x17  }
0x2c4: {  	v40 =	vshra.s32 v25, $0x17;
	v41 =	vshra.s32 v33, $0x17;
	v27 =	vor.u32 $0x3F800000, v27  }
0x2c5: {  	v28 =	vcvt.s32.f32 v28;
	v29 =	vor.u32 $0x3F800000, v29;
	v37 =	vcvt.s32.f32 v37  }
0x2c6: {  	v32 =	vor.u32 $0x3F800000, v32;
	v47 =	vcvt.s32.f32 v40;
	v31 =	vmul.f32 $2.335195390e-01, v29  }
0x2c7: {  	v34 =	vor.u32 $0x3F800000, v34;
	v30 =	vmul.f32 $2.335195390e-01, v27;
	v35 =	vmul.f32 $2.335195390e-01, v32  }
0x2c8: {  	v26 =	vadd.f32 v23, v26;
	v36 =	vmul.f32 $2.335195390e-01, v34;
	v31 =	vsub.f32 $1.382808800e+00, v31  }
0x2c9: {  	v41 =	vcvt.s32.f32 v41;
	v30 =	vsub.f32 $1.382808800e+00, v30;
	v35 =	vsub.f32 $1.382808800e+00, v35  }
0x2ca: {  	v26 =	vadd.f32 v24, v26;
	v36 =	vsub.f32 $1.382808800e+00, v36;
	v29 =	vmul.f32 v29, v31;
	v31 =	vld [tilespmem:s17+$0xFFFFFFE0]  }
0x2cb: {  	v38 =	vand.u32 $0x7FFFFF, v33;
	v27 =	vmul.f32 v27, v30;
	v32 =	vmul.f32 v32, v35;
	v35 =	vld [tilespmem:s17+$0xFFFFFFF0]  }
0x2cc: {  	v28 =	vmul.f32 $6.931471820e-01, v28;
	v26 =	vadd.f32 v25, v26;
	v45 =	vmul.f32 v34, v36;
	v34 =	vld [tilespmem:s17+$0x0]  }
0x2cd: {  	v51 =	vmul.f32 $6.931471820e-01, v47;
	v30 =	vshra.s32 v23, $0x17;
	v27 =	vadd.f32 $-8.917272940e+01, v27  }
0x2ce: {  	v54 =	vmul.f32 $6.931471820e-01, v41;
	v30 =	vcvt.s32.f32 v30;
	v26 =	vadd.f32 v33, v26  }
0x2cf: {  	v27 =	vadd.f32 v27, v28;
	v28 =	vadd.f32 $-8.917272940e+01, v29;
	v29 =	vor.u32 $0x3F800000, v38  }
0x2d0: {  	v30 =	vmul.f32 $6.931471820e-01, v30;
	v38 =	vmul.f32 $2.335195390e-01, v29;
	v39 =	vand.u32 $0x7FFFFF, v31  }
0x2d1: {  	v26 =	vadd.f32 v31, v26;
	v49 =	vand.u32 $0x7FFFFF, v35;
	v53 =	vand.u32 $0x7FFFFF, v34  }
0x2d2: {  	v42 =	vshra.s32 v34, $0x17;
	v39 =	vor.u32 $0x3F800000, v39;
	v22 =	vmul.f32 v27, v22  }
0x2d3: {  	v27 =	vadd.f32 v28, v30;
	v28 =	vadd.f32 $-8.917272940e+01, v32;
	v30 =	vmul.f32 $6.931471820e-01, v37  }
0x2d4: {  	v40 =	vor.u32 $0x3F800000, v49;
	v43 =	vcvt.s32.f32 v42;
	v46 =	vsub.f32 $1.382808800e+00, v38  }
0x2d5: {  	v36 =	vld [tilespmem:s17+$0x50];
	v48 =	vmul.f32 $2.335195390e-01, v39;
	v26 =	vadd.f32 v35, v26;
	v52 =	vmul.f32 $2.335195390e-01, v40  }
0x2d6: {  	v37 =	vld [tilespmem:s17+$0x20];
	v38 =	vor.u32 $0x3F800000, v53;
	v22 =	vadd.f32 $0.0e+00, v22;
	v23 =	vmul.f32 v27, v23  }
0x2d7: {  	v32 =	vld [tilespmem:s17+$0x30];
	v28 =	vadd.f32 v28, v30;
	v30 =	vadd.f32 $-8.917272940e+01, v45;
	v56 =	vmul.f32 $2.335195390e-01, v38  }
0x2d8: {  	v29 =	vmul.f32 v29, v46;
	v50 =	vsub.f32 $1.382808800e+00, v48;
	v26 =	vadd.f32 v34, v26  }
0x2d9: {  	v27 =	vld [tilespmem:s17+$0x10];
	v55 =	vsub.f32 $1.382808800e+00, v52;
	v22 =	vadd.f32 v23, v22;
	v23 =	vmul.f32 v28, v24  }
0x2da: {  	v24 =	vshra.s32 v31, $0x17;
	v28 =	vadd.f32 v30, v51;
	v58 =	vsub.f32 $1.382808800e+00, v56  }
0x2db: {  	v29 =	vadd.f32 $-8.917272940e+01, v29;
	v30 =	vmul.f32 v39, v50;
	v24 =	vcvt.s32.f32 v24  }
0x2dc: {  	v47 =	vld [tilespmem:s17+$0x60];
	v60 =	vand.u32 $0x7FFFFF, v37;
	v63 =	vand.u32 $0x7FFFFF, v32;
	v50 =	vand.u32 $0x7FFFFF, v36  }
0x2dd: {  	v51 =	vshra.s32 v32, $0x17;
	v22 =	vadd.f32 v23, v22;
	v23 =	vshra.s32 v35, $0x17  }
0x2de: {  	v25 =	vmul.f32 v28, v25;
	v26 =	vadd.f32 v27, v26;
	v57 =	vand.u32 $0x7FFFFF, v27  }
0x2df: {  	v28 =	vadd.f32 v29, v54;
	v29 =	vadd.f32 $-8.917272940e+01, v30;
	v24 =	vmul.f32 $6.931471820e-01, v24  }
0x2e0: {  	v30 =	vmul.f32 v40, v55;
	v23 =	vcvt.s32.f32 v23;
	v40 =	vor.u32 $0x3F800000, v60  }
0x2e1: {  	v54 =	vand.u32 $0x7FFFFF, v47;
	v55 =	vcvt.s32.f32 v51;
	v41 =	vor.u32 $0x3F800000, v57  }
0x2e2: {  	v22 =	vadd.f32 v25, v22;
	v62 =	vmul.f32 $2.335195390e-01, v40;
	v59 =	vmul.f32 $2.335195390e-01, v41  }
0x2e3: {  	v26 =	vadd.f32 v37, v26;
	v25 =	vmul.f32 v28, v33;
	v24 =	vadd.f32 v29, v24  }
0x2e4: {  	v29 =	vadd.f32 $-8.917272940e+01, v30;
	v30 =	vmul.f32 v38, v58;
	v23 =	vmul.f32 $6.931471820e-01, v23  }
0x2e5: {  	v38 =	vor.u32 $0x3F800000, v63;
	v63 =	vshra.s32 v47, $0x17;
	v44 =	vsub.f32 $1.382808800e+00, v62  }
0x2e6: {  	v57 =	vld [tilespmem:s17+$0x80];
	v45 =	vmul.f32 $2.335195390e-01, v38;
	v61 =	vsub.f32 $1.382808800e+00, v59;
	v26 =	vadd.f32 v32, v26  }
0x2e7: {  	v28 =	vld [tilespmem:s17+$0x40];
	v22 =	vadd.f32 v25, v22;
	v24 =	vmul.f32 v24, v31;
	v25 =	vshra.s32 v27, $0x17  }
0x2e8: {  	v23 =	vadd.f32 v29, v23;
	v29 =	vadd.f32 $-8.917272940e+01, v30;
	v31 =	vmul.f32 $6.931471820e-01, v43  }
0x2e9: {  	v25 =	vcvt.s32.f32 v25;
	v48 =	vsub.f32 $1.382808800e+00, v45;
	v30 =	vmul.f32 v41, v61  }
0x2ea: {  	v22 =	vadd.f32 v24, v22;
	v24 =	vshra.s32 v37, $0x17;
	v23 =	vmul.f32 v23, v35  }
0x2eb: {  	v29 =	vadd.f32 v29, v31;
	v31 =	vmul.f32 v40, v44;
	v40 =	vor.u32 $0x3F800000, v50  }
0x2ec: {  	v62 =	vand.u32 $0x7FFFFF, v57;
	v26 =	vadd.f32 v28, v26;
	v25 =	vmul.f32 $6.931471820e-01, v25  }
0x2ed: {  	v46 =	vand.u32 $0x7FFFFF, v28;
	v24 =	vcvt.s32.f32 v24;
	v53 =	vmul.f32 $2.335195390e-01, v40  }
0x2ee: {  	v39 =	vor.u32 $0x3F800000, v62;
	v41 =	vor.u32 $0x3F800000, v46;
	v30 =	vadd.f32 $-8.917272940e+01, v30  }
0x2ef: {  	v22 =	vadd.f32 v23, v22;
	v23 =	vmul.f32 v29, v34;
	v49 =	vmul.f32 $2.335195390e-01, v41  }
0x2f0: {  	v26 =	vadd.f32 v36, v26;
	v24 =	vmul.f32 $6.931471820e-01, v24;
	v56 =	vsub.f32 $1.382808800e+00, v53  }
0x2f1: {  	v29 =	vld [tilespmem:s17+$0x70];
	v25 =	vadd.f32 v30, v25;
	v30 =	vadd.f32 $-8.917272940e+01, v31;
	v31 =	vmul.f32 v38, v48  }
0x2f2: {  	v38 =	vor.u32 $0x3F800000, v54;
	v22 =	vadd.f32 v23, v22;
	v52 =	vsub.f32 $1.382808800e+00, v49  }
0x2f3: {  	v26 =	vadd.f32 v47, v26;
	v58 =	vmul.f32 $2.335195390e-01, v38;
	v23 =	vmul.f32 v25, v27  }
0x2f4: {  	v25 =	vshra.s32 v28, $0x17;
	v27 =	vadd.f32 $-8.917272940e+01, v31;
	v31 =	vmul.f32 $6.931471820e-01, v55  }
0x2f5: {  	v24 =	vadd.f32 v30, v24;
	v30 =	vmul.f32 v41, v52;
	v25 =	vcvt.s32.f32 v25  }
0x2f6: {  	v26 =	vadd.f32 v29, v26;
	v59 =	vand.u32 $0x7FFFFF, v29;
	v60 =	vsub.f32 $1.382808800e+00, v58  }
0x2f7: {  	v22 =	vadd.f32 v23, v22;
	v23 =	vshra.s32 v36, $0x17;
	v41 =	vor.u32 $0x3F800000, v59  }
0x2f8: {  	v24 =	vmul.f32 v24, v37;
	v27 =	vadd.f32 v27, v31;
	v31 =	vmul.f32 v40, v56  }
0x2f9: {  	[tilespmem:s17+$0xFFFFFF90] =	vst v1;
	v30 =	vadd.f32 $-8.917272940e+01, v30;
	v25 =	vmul.f32 $6.931471820e-01, v25;
	v23 =	vcvt.s32.f32 v23  }
0x2fa: {  	[tilespmem:s17+$0xFFFFFFA0] =	vst v1;
	v61 =	vmul.f32 $2.335195390e-01, v41;
	v26 =	vadd.f32 v57, v26;
	v22 =	vadd.f32 v24, v22  }
0x2fb: {  	[tilespmem:s17+$0xFFFFFFB0] =	vst v1;
	v24 =	vmul.f32 v27, v32;
	v27 =	vadd.f32 $-8.917272940e+01, v31;
	v31 =	vshra.s32 v29, $0x17  }
0x2fc: {  	[tilespmem:s17+$0xFFFFFFC0] =	vst v1;
	v25 =	vadd.f32 v30, v25;
	v30 =	vmul.f32 v38, v60;
	v23 =	vmul.f32 $6.931471820e-01, v23  }
0x2fd: {  	(xrf2) =	vadd.scan.msk.f32 $0xffff, v26;
	v26 =	vsub.f32 $1.382808800e+00, v61;
	v38 =	vmul.f32 $2.335195390e-01, v39;
	v22 =	vadd.f32 v24, v22  }
0x2fe: {  	[tilespmem:s17+$0xFFFFFFD0] =	vst v1;
	v24 =	vcvt.s32.f32 v63;
	v25 =	vmul.f32 v25, v28;
	v23 =	vadd.f32 v27, v23  }
0x2ff: {  	[tilespmem:s17+$0xFFFFFFF0] =	vst v1;
	v27 =	vadd.f32 $-8.917272940e+01, v30;
	v26 =	vmul.f32 v41, v26;
	v28 =	vsub.f32 $1.382808800e+00, v38  }
0x300: {  	s19 =	simm.s32 $0x910;
	[tilespmem:s17+$0xFFFFFFE0] =	vst v1;
	v30 =	vcvt.s32.f32 v31;
	v24 =	vmul.f32 $6.931471820e-01, v24;
	v22 =	vadd.f32 v25, v22  }
0x301: {  	v31 =	vld [tilespmem:s19+$0xFFFFFFC0];
	v23 =	vmul.f32 v23, v36;
	v25 =	vshra.s32 v57, $0x17;
	v26 =	vadd.f32 $-8.917272940e+01, v26  }
0x302: {  	v24 =	vadd.f32 v27, v24;
	v27 =	vmul.f32 v39, v28;
	v28 =	vmul.f32 $6.931471820e-01, v30  }
0x303: {  	v25 =	vcvt.s32.f32 v25;
	v30 =	vld [tilespmem:s19+$0xFFFFFFB0]  }
0x304: {  	v22 =	vadd.f32 v23, v22;
	v23 =	vmul.f32 v24, v47;
	v26 =	vadd.f32 v26, v28  }
0x305: {  	v24 =	vadd.f32 $-8.917272940e+01, v27;
	v25 =	vmul.f32 $6.931471820e-01, v25;
	v28 =	vld [tilespmem:s19+$0xFFFFFF90]  }
0x306: {  	v49 =	vand.u32 $0x7FFFFF, v31;
	v22 =	vadd.f32 v23, v22;
	v26 =	vmul.f32 v26, v29  }
0x307: {  	[tilespmem:s17+$0x0] =	vst v1;
	v40 =	vor.u32 $0x3F800000, v49;
	v24 =	vadd.f32 v24, v25  }
0x308: {  	v39 =	vld [tilespmem:s19+$0xFFFFFFD0];
	v52 =	vmul.f32 $2.335195390e-01, v40;
	v48 =	vand.u32 $0x7FFFFF, v30;
	v25 =	vadd.f32 v26, v22  }
0x309: {  	v29 =	vld [tilespmem:s19+$0xFFFFFFA0];
	v23, _, _ =	vpop (xrf2);
	v26 =	vmul.f32 v24, v57;
	v22 =	vimm.f32 $0.0e+00;
	v24 =	vmov s16  }
0x30a: {  	v38 =	vor.u32 $0x3F800000, v48;
	v23 =	vadd.f32 $6.400000080e-09, v23;
	v42 =	vadd.f32 $0.0e+00, v28  }
0x30b: {  	v43 =	vand.u32 $0x7FFFFF, v28;
	v44 =	vshra.s32 v28, $0x17;
	v50 =	vmul.f32 $2.335195390e-01, v38  }
0x30c: {  	vm0 =	veq.s32 v24, v0;
	v27 =	vadd.f32 v26, v25;
	v33 =	vor.u32 $0x3F800000, v43  }
0x30d: {  	v34 =	vcvt.s32.f32 v44;
	v43 =	vshra.s32 v30, $0x17;
	v44 =	vand.u32 $0x7FFFFF, v39  }
0x30e: {  	v23 =	vbroadcast v23, $0xF;
	v45 =	vand.u32 $0x7FFFFF, v29;
	v46 =	vmul.f32 $2.335195390e-01, v33  }
0x30f: {  	v32 =	vadd.f32 v29, v42;
	v51 =	vshra.s32 v29, $0x17;
	v41 =	vsub.f32 $1.382808800e+00, v50  }
0x310: {  	v54 =	vor.u32 $0x3F800000, v44;
	v42 =	vsub.f32 $1.382808800e+00, v52;
	v43 =	vcvt.s32.f32 v43  }
0x311: {  	v35 =	vor.u32 $0x3F800000, v45;
	v34 =	vmul.f32 $6.931471820e-01, v34;
	v44 =	vmul.f32 $2.335195390e-01, v54  }
0x312: {  	v26 =	vand.u32 $0x7FFFFF, v23;
	(erf) = vrcp.f32 v23;
	v25 =	vshra.s32 v23, $0x17  }
0x313: {  	[tilespmem:s17+$0x50] =	vst v1;
	v47 =	vmul.f32 $2.335195390e-01, v35;
	v36 =	vsub.f32 $1.382808800e+00, v46;
	v32 =	vadd.f32 v30, v32  }
0x314: {  	[tilespmem:s17+$0x20] =	vst v1;
	v38 =	vmul.f32 v38, v41;
	v46 =	vshra.s32 v31, $0x17;
	v57 =	vmul.f32 $6.931471820e-01, v43  }
0x315: {  	[tilespmem:s17+$0x10] =	vst v1;
	v58 =	vmul.f32 v40, v42;
	v23 =	vor.u32 $0x3F800000, v26;
	v60 =	vcvt.s32.f32 v46  }
0x316: {  	[tilespmem:s17+$0x30] =	vst v1;
	v41 =	vld [tilespmem:s19+$0xFFFFFFF0];
	v59 =	vsub.f32 $1.382808800e+00, v44;
	v25 =	vcvt.s32.f32 v25;
	v26 =	vmul.f32 $2.335195390e-01, v23  }
0x317: {  	[tilespmem:s17+$0x40] =	vst v1;
	v40 =	vld [tilespmem:s19+$0x0];
	v37 =	vsub.f32 $1.382808800e+00, v47;
	v33 =	vmul.f32 v33, v36;
	v32 =	vadd.f32 v31, v32  }
0x318: {  	v43 =	vld [tilespmem:s19+$0x20];
	v36 =	vcvt.s32.f32 v51;
	v56 =	vadd.f32 $-8.917272940e+01, v38;
	v47 =	vshra.s32 v39, $0x17  }
0x319: {  	v63 =	vadd.f32 $-8.917272940e+01, v58;
	v49 =	vmul.f32 $6.931471820e-01, v60;
	v47 =	vcvt.s32.f32 v47  }
0x31a: {  	v25 =	vmul.f32 $6.931471820e-01, v25;
	v35 =	vmul.f32 v35, v37;
	v33 =	vadd.f32 $-8.917272940e+01, v33  }
0x31b: {  	v32 =	vadd.f32 v39, v32;
	v36 =	vmul.f32 $6.931471820e-01, v36;
	v26 =	vsub.f32 $1.382808800e+00, v26  }
0x31c: {  	v37 =	vld [tilespmem:s19+$0xFFFFFFE0];
	v62 =	vand.u32 $0x7FFFFF, v41;
	v51 =	vand.u32 $0x7FFFFF, v40;
	v52 =	vadd.f32 v63, v49  }
0x31d: {  	v63 =	vand.u32 $0x7FFFFF, v43;
	v33 =	vadd.f32 v33, v34;
	v53 =	vadd.f32 $-8.917272940e+01, v35  }
0x31e: {  	v46 =	vor.u32 $0x3F800000, v62;
	v35 =	vmul.f32 v54, v59;
	v54 =	vmul.f32 $6.931471820e-01, v47  }
0x31f: {  	v44 =	vor.u32 $0x3F800000, v51;
	v23 =	vmul.f32 v23, v26;
	v50 =	vmul.f32 $2.335195390e-01, v46  }
0x320: {  	v34 =	vadd.f32 v56, v57;
	v56 =	vmul.f32 $2.335195390e-01, v44;
	v31 =	vmul.f32 v52, v31  }
0x321: {  	v28 =	vmul.f32 v33, v28;
	v55 =	vadd.f32 v53, v36;
	v45 =	vand.u32 $0x7FFFFF, v37  }
0x322: {  	v33 =	vld [tilespmem:s19+$0x10];
	v35 =	vadd.f32 $-8.917272940e+01, v35;
	v32 =	vadd.f32 v37, v32;
	v45 =	vor.u32 $0x3F800000, v45  }
0x323: {  	v28 =	vadd.f32 $0.0e+00, v28;
	v29 =	vmul.f32 v55, v29;
	v55 =	vsub.f32 $1.382808800e+00, v50  }
0x324: {  	v58 =	vadd.f32 v35, v54;
	v61 =	vmul.f32 $2.335195390e-01, v45;
	v32 =	vadd.f32 v41, v32  }
0x325: {  	v28 =	vadd.f32 v29, v28;
	v29 =	vmul.f32 v34, v30;
	v30 =	vshra.s32 v37, $0x17  }
0x326: {  	[tilespmem:s17+$0x60] =	vst v1;
	v60 =	vmul.f32 v46, v55;
	v46 =	vor.u32 $0x3F800000, v63;
	v48 =	vsub.f32 $1.382808800e+00, v61  }
0x327: {  	[tilespmem:s17+$0x80] =	vst v1;
	v32 =	vadd.f32 v40, v32;
	v30 =	vcvt.s32.f32 v30;
	v57 =	vand.u32 $0x7FFFFF, v33  }
0x328: {  	[tilespmem:s17+$0x70] =	vst v1;
	v61 =	vsub.f32 $1.382808800e+00, v56;
	v52 =	vmul.f32 $2.335195390e-01, v46;
	v28 =	vadd.f32 v29, v28  }
0x329: {  	v42 =	vld [tilespmem:s19+$0x50];
	v29 =	vshra.s32 v41, $0x17;
	v47 =	vor.u32 $0x3F800000, v57;
	v49 =	vadd.f32 $-8.917272940e+01, v60  }
0x32a: {  	v38 =	vld [tilespmem:s19+$0x30];
	v53 =	vmul.f32 v45, v48;
	v32 =	vadd.f32 v33, v32;
	v30 =	vmul.f32 $6.931471820e-01, v30  }
0x32b: {  	v34 =	vld [tilespmem:s19+$0x40];
	v29 =	vcvt.s32.f32 v29;
	v62 =	vmul.f32 $2.335195390e-01, v47;
	v48 =	vshra.s32 v40, $0x17  }
0x32c: {  	v50 =	vmul.f32 v44, v61;
	v28 =	vadd.f32 v31, v28;
	v31 =	vmul.f32 v58, v39  }
0x32d: {  	v54 =	vcvt.s32.f32 v48;
	v58 =	vsub.f32 $1.382808800e+00, v52;
	v59 =	vadd.f32 $-8.917272940e+01, v53  }
0x32e: {  	v52 =	vand.u32 $0x7FFFFF, v42;
	v32 =	vadd.f32 v43, v32;
	v51 =	vsub.f32 $1.382808800e+00, v62  }
0x32f: {  	v29 =	vmul.f32 $6.931471820e-01, v29;
	v53 =	vand.u32 $0x7FFFFF, v38;
	v55 =	vadd.f32 $-8.917272940e+01, v50  }
0x330: {  	v60 =	vand.u32 $0x7FFFFF, v34;
	v44 =	vor.u32 $0x3F800000, v53;
	v28 =	vadd.f32 v31, v28  }
0x331: {  	v31 =	vshra.s32 v33, $0x17;
	v57 =	vmul.f32 $6.931471820e-01, v54;
	v61 =	vmul.f32 v46, v58  }
0x332: {  	v53 =	vshra.s32 v38, $0x17;
	v46 =	vor.u32 $0x3F800000, v52;
	v30 =	vadd.f32 v59, v30  }
0x333: {  	v39 =	vld [tilespmem:s19+$0x60];
	v32 =	vadd.f32 v38, v32;
	v29 =	vadd.f32 v49, v29;
	v56 =	vmul.f32 v47, v51  }
0x334: {  	v59 =	vmul.f32 $2.335195390e-01, v44;
	v31 =	vcvt.s32.f32 v31;
	v47 =	vor.u32 $0x3F800000, v60  }
0x335: {  	v35 =	vadd.f32 v55, v57;
	v63 =	vmul.f32 $2.335195390e-01, v47;
	v54 =	vadd.f32 $-8.917272940e+01, v61  }
0x336: {  	v57 =	vmul.f32 $2.335195390e-01, v46;
	v30 =	vmul.f32 v30, v37;
	v32 =	vadd.f32 v34, v32  }
0x337: {  	v29 =	vmul.f32 v29, v41;
	v36 =	vadd.f32 $-8.917272940e+01, v56;
	v31 =	vmul.f32 $6.931471820e-01, v31  }
0x338: {  	v62 =	vsub.f32 $1.382808800e+00, v59;
	v58 =	vand.u32 $0x7FFFFF, v39;
	v56 =	vsub.f32 $1.382808800e+00, v63  }
0x339: {  	v59 =	vcvt.s32.f32 v53;
	v63 =	vsub.f32 $1.382808800e+00, v57;
	v28 =	vadd.f32 v30, v28  }
0x33a: {  	v30 =	vshra.s32 v43, $0x17;
	v32 =	vadd.f32 v42, v32;
	v55 =	vmul.f32 v44, v62  }
0x33b: {  	v44 =	vor.u32 $0x3F800000, v58;
	v62 =	vmul.f32 $6.931471820e-01, v59;
	v30 =	vcvt.s32.f32 v30  }
0x33c: {  	v31 =	vadd.f32 v36, v31;
	v61 =	vmul.f32 v47, v56;
	v49 =	vmul.f32 $2.335195390e-01, v44  }
0x33d: {  	v48 =	vld [tilespmem:s19+$0x80];
	v51 =	vmul.f32 v46, v63;
	v28 =	vadd.f32 v29, v28;
	v29 =	vmul.f32 v35, v40  }
0x33e: {  	v35 =	vld [tilespmem:s19+$0x70];
	v32 =	vadd.f32 v39, v32;
	v60 =	vadd.f32 $-8.917272940e+01, v55;
	v55 =	vshra.s32 v39, $0x17  }
0x33f: {  	v30 =	vmul.f32 $6.931471820e-01, v30;
	v36 =	vadd.f32 $-8.917272940e+01, v61;
	v52 =	vsub.f32 $1.382808800e+00, v49  }
0x340: {  	[tilespmem:s19+$0xFFFFFFF0] =	vst v1;
	v56 =	vadd.f32 $-8.917272940e+01, v51;
	v28 =	vadd.f32 v29, v28;
	v29 =	vmul.f32 v31, v33  }
0x341: {  	[tilespmem:s19+$0xFFFFFFC0] =	vst v1;
	v31 =	vshra.s32 v34, $0x17;
	v33 =	vadd.f32 v60, v62;
	v30 =	vadd.f32 v54, v30  }
0x342: {  	[tilespmem:s19+$0xFFFFFFB0] =	vst v1;
	v31 =	vcvt.s32.f32 v31;
	v54 =	vand.u32 $0x7FFFFF, v48;
	v57 =	vmul.f32 v44, v52  }
0x343: {  	(xrf2) =	vadd.scan.msk.f32 $0xffff, v27;
	v28 =	vadd.f32 v29, v28;
	v29 =	vshra.s32 v42, $0x17;
	v27 =	vor.u32 $0x3F800000, v54  }
0x344: {  	[tilespmem:s19+$0xFFFFFFD0] =	vst v1;
	v32 =	vadd.f32 v35, v32;
	v50 =	vand.u32 $0x7FFFFF, v35;
	v30 =	vmul.f32 v30, v43  }
0x345: {  	[tilespmem:s19+$0xFFFFFF90] =	vst v1;
	v31 =	vmul.f32 $6.931471820e-01, v31;
	v29 =	vcvt.s32.f32 v29;
	v59 =	vshra.s32 v35, $0x17  }
0x346: {  	[tilespmem:s19+$0xFFFFFFA0] =	vst v1;
	v60 =	vmul.f32 $2.335195390e-01, v27;
	v61 =	vadd.f32 $-8.917272940e+01, v57;
	v47 =	vor.u32 $0x3F800000, v50  }
0x347: {  	s18 =	simm.s32 $0xA30;
	[tilespmem:s19+$0xFFFFFFE0] =	vst v1;
	v32 =	vadd.f32 v48, v32;
	v28 =	vadd.f32 v30, v28;
	v30 =	vmul.f32 v33, v38  }
0x348: {  	v41 =	vld [tilespmem:s18+$0xFFFFFFC0];
	v50 =	vcvt.s32.f32 v59;
	v53 =	vmul.f32 $2.335195390e-01, v47;
	v31 =	vadd.f32 v36, v31  }
0x349: {  	v43 =	vld [tilespmem:s18+$0xFFFFFFA0];
	v29 =	vmul.f32 $6.931471820e-01, v29;
	(xrf2) =	vadd.scan.msk.f32 $0xffff, v32;
	v28 =	vadd.f32 v30, v28;
	v30 =	vcvt.s32.f32 v55  }
0x34a: {  	[tilespmem:s19+$0x0] =	vst v1;
	v62 =	vsub.f32 $1.382808800e+00, v60;
	v58 =	vsub.f32 $1.382808800e+00, v53;
	v31 =	vmul.f32 v31, v34  }
0x34b: {  	v40 =	vld [tilespmem:s18+$0xFFFFFFD0];
	v51 =	vmul.f32 $6.931471820e-01, v50;
	v29 =	vadd.f32 v56, v29;
	v30 =	vmul.f32 $6.931471820e-01, v30  }
0x34c: {  	v27 =	vmul.f32 v27, v62;
	v32 =	vmul.f32 v47, v58;
	v28 =	vadd.f32 v31, v28  }
0x34d: {  	v29 =	vmul.f32 v29, v42;
	v31 =	vshra.s32 v48, $0x17;
	v30 =	vadd.f32 v61, v30  }
0x34e: {  	v56 =	vand.u32 $0x7FFFFF, v41;
	v52 =	vand.u32 $0x7FFFFF, v43;
	v42 =	vld [tilespmem:s18+$0xFFFFFFB0];
	v31 =	vcvt.s32.f32 v31  }
0x34f: {  	[tilespmem:s19+$0x20] =	vst v1;
	v32 =	vadd.f32 $-8.917272940e+01, v32;
	v28 =	vadd.f32 v29, v28;
	v29 =	vmul.f32 v30, v39  }
0x350: {  	v27 =	vadd.f32 $-8.917272940e+01, v27;
	v61 =	vand.u32 $0x7FFFFF, v40;
	v31 =	vmul.f32 $6.931471820e-01, v31  }
0x351: {  	[tilespmem:s19+$0x50] =	vst v1;
	v46 =	vor.u32 $0x3F800000, v61;
	v32 =	vadd.f32 v32, v51;
	v51 =	vor.u32 $0x3F800000, v56  }
0x352: {  	[tilespmem:s19+$0x30] =	vst v1;
	v56 =	vmul.f32 $2.335195390e-01, v46;
	v27 =	vadd.f32 v27, v31;
	v31 =	vadd.f32 $-8.917272940e+01, v23;
	v30, _, _ =	vpop (xrf2)  }
0x353: {  	[tilespmem:s19+$0x10] =	vst v1;
	v55 =	vand.u32 $0x7FFFFF, v42;
	v49 =	vmul.f32 $2.335195390e-01, v51;
	v28 =	vadd.f32 v29, v28;
	v29, _, _ =	vpop (xrf2)  }
0x354: {  	[tilespmem:s18+$0xFFFFFFF0] =	vst v1;
	v63 =	vld [tilespmem:s18+$0xFFFFFF90];
	v26 =	vmul.f32 v32, v35;
	v32 =	vor.u32 $0x3F800000, v52;
	v29 =	vadd.f32 $6.400000080e-09, v29  }
0x355: {  	[tilespmem:s19+$0x40] =	vst v1;
	v57 =	vor.u32 $0x3F800000, v55;
	v30 =	vbroadcast v30, $0xF;
	v27 =	vmul.f32 v27, v48  }
0x356: {  	[tilespmem:s19+$0x60] =	vst v1;
	v23 =	vpop (erf);
	v54 =	vmul.f32 $2.335195390e-01, v32;
	v26 =	vadd.f32 v26, v28;
	v28 =	vbroadcast v29, $0xF  }
0x357: {  	[tilespmem:s19+$0x80] =	vst v1;
	v50 =	vshra.s32 v42, $0x17;
	v59 =	vmul.f32 $2.335195390e-01, v57;
	v29 =	vmul.f32 v30, v23  }
0x358: {  	[tilespmem:s18+$0xFFFFFFC0] =	vst v1;
	v39 =	vld [tilespmem:s18+$0xFFFFFFE0];
	v30 =	vadd.f32 v31, v25;
	v31 =	vadd.f32 v27, v26;
	v24 =	vand.u32 $0x7FFFFF, v28  }
0x359: {  	v37 =	vld [tilespmem:s18+$0x10];
	[tilespmem:s18+$0x10] =	vst v1;
	(erf) = vrcp.f32 v28;
	v26 =	vshra.s32 v28, $0x17;
	v28 =	vadd.f32 $0.0e+00, v63  }
0x35a: {  	[tilespmem:s18+$0xFFFFFF90] =	vst v1;
	v25 =	vor.u32 $0x3F800000, v24;
	v24 =	vsub.f32 v30, v29;
	v30 =	vand.u32 $0x7FFFFF, v63  }
0x35b: {  	[tilespmem:s18+$0xFFFFFFD0] =	vst v1;
	v55 =	vsub.f32 $1.382808800e+00, v49;
	v58 =	vsub.f32 $1.382808800e+00, v54;
	v30 =	vor.u32 $0x3F800000, v30  }
0x35c: {  	[tilespmem:s19+$0x70] =	vst v1;
	v48 =	vsub.f32 $1.382808800e+00, v59;
	v28 =	vadd.f32 v43, v28;
	v53 =	vmul.f32 $2.335195390e-01, v30  }
0x35d: {  	[tilespmem:s18+$0xFFFFFFA0] =	vst v1;
	v54 =	vcvt.s32.f32 v50;
	v62 =	vand.u32 $0x7FFFFF, v39;
	v51 =	vmul.f32 v51, v55  }
0x35e: {  	v44 =	vld [tilespmem:s18+$0xFFFFFFF0];
	v45 =	vor.u32 $0x3F800000, v62;
	(xrf2) =	vadd.scan.msk.f32 $0xffff, v31;
	v28 =	vadd.f32 v42, v28;
	v33 =	vsub.f32 $1.382808800e+00, v53  }
0x35f: {  	v38 =	vld [tilespmem:s18+$0x0];
	[tilespmem:s18+$0x0] =	vst v1;
	v60 =	vmul.f32 v32, v58;
	v54 =	vmul.f32 $6.931471820e-01, v54;
	v29 =	vshra.s32 v63, $0x17  }
0x360: {  	v36 =	vld [tilespmem:s18+$0x20];
	[tilespmem:s18+$0x20] =	vst v1;
	v29 =	vcvt.s32.f32 v29;
	v28 =	vadd.f32 v41, v28;
	v30 =	vmul.f32 v30, v33  }
0x361: {  	v34 =	vld [tilespmem:s18+$0x40];
	[tilespmem:s18+$0x40] =	vst v1;
	v55 =	vmul.f32 $2.335195390e-01, v45;
	v31 =	vshra.s32 v43, $0x17;
	v26 =	vcvt.s32.f32 v26  }
0x362: {  	s31 =	simm.s32 $0x1;
	[tilespmem:s18+$0xFFFFFFB0] =	vst v1;
	v29 =	vmul.f32 $6.931471820e-01, v29;
	v28 =	vadd.f32 v40, v28;
	v30 =	vadd.f32 $-8.917272940e+01, v30  }
0x363: {  	[tilespmem:s18+$0xFFFFFFE0] =	vst v1;
	v23 =	vmov s31;
	v31 =	vcvt.s32.f32 v31;
	v27 =	vmul.f32 $2.335195390e-01, v25  }
0x364: {  	v35 =	vld [tilespmem:s18+$0x30];
	[tilespmem:s18+$0x30] =	vst v1;
	v53 =	vmul.f32 v57, v48;
	v58 =	vadd.f32 v39, v28;
	v29 =	vadd.f32 v30, v29  }
0x365: {  	v32 =	vld [tilespmem:s18+$0x60];
	[tilespmem:s18+$0x60] =	vst v1;
	v52 =	vmul.f32 $6.931471820e-01, v31;
	v57 =	vshra.s32 v41, $0x17;
	v30 =	vadd.f32 $-8.917272940e+01, v60  }
0x366: {  	v31 =	vld [tilespmem:s18+$0x70];
	[tilespmem:s18+$0x70] =	vst v1;
	v50 =	vadd.f32 $-8.917272940e+01, v53;
	v53 =	vcvt.s32.f32 v57;
	v57 =	vadd.f32 v44, v58  }
0x367: {  	v33 =	vld [tilespmem:s18+$0x50];
	[tilespmem:s18+$0x50] =	vst v1;
	v28 =	vpop (erf);
	v48 =	vmul.f32 v29, v63;
	v49 =	vadd.f32 v30, v52;
	v63 =	vand.u32 $0x7FFFFF, v44  }
0x368: {  	s17 =	simm.s32 $0x2;
	s16 =	simm.s32 $0x3;
	s19 =	simm.s32 $0x4;
	v30 =	vld [tilespmem:s18+$0x80];
	v52 =	vsub.f32 $1.382808800e+00, v56;
	[tilespmem:s18+$0x80] =	vst v1;
	v56 =	vshra.s32 v40, $0x17;
	v47 =	vor.u32 $0x3F800000, v63;
	v29, _, _ =	vpop (xrf2)  }
.LBB2_5:
0x369: {  	p0 =	sne.s32 s19, $0xD;
	v48 =	vadd.f32 $0.0e+00, v48;
	v43 =	vmul.f32 v49, v43;
	v49 =	vadd.f32 v50, v54  }
0x36a: {  	v50 =	vadd.f32 $-8.917272940e+01, v51;
	v46 =	vmul.f32 v46, v52;
	v51 =	vsub.f32 $1.382808800e+00, v55  }
0x36b: {  	v52 =	vmul.f32 $6.931471820e-01, v53;
	v53 =	vmul.f32 $2.335195390e-01, v47;
	v54 =	vand.u32 $0x7FFFFF, v38  }
0x36c: {  	v55 =	vcvt.s32.f32 v56;
	v56 =	vadd.f32 v38, v57;
	v54 =	vor.u32 $0x3F800000, v54  }
0x36d: {  	v43 =	vadd.f32 v43, v48;
	v42 =	vmul.f32 v49, v42;
	v48 =	vshra.s32 v39, $0x17  }
0x36e: {  	v49 =	vadd.f32 v50, v52;
	v46 =	vadd.f32 $-8.917272940e+01, v46;
	v45 =	vmul.f32 v45, v51  }
0x36f: {  	v50 =	vmul.f32 $6.931471820e-01, v55;
	v51 =	vsub.f32 $1.382808800e+00, v53;
	v52 =	vmul.f32 $2.335195390e-01, v54  }
0x370: {  	v55 =	vand.u32 $0x7FFFFF, v37;
	v48 =	vcvt.s32.f32 v48;
	v53 =	vadd.f32 v37, v56  }
0x371: {  	v55 =	vor.u32 $0x3F800000, v55;
	v42 =	vadd.f32 v42, v43;
	v43 =	vshra.s32 v44, $0x17  }
0x372: {  	v41 =	vmul.f32 v49, v41;
	v46 =	vadd.f32 v46, v50;
	v45 =	vadd.f32 $-8.917272940e+01, v45  }
0x373: {  	v47 =	vmul.f32 v47, v51;
	v49 =	vsub.f32 $1.382808800e+00, v52;
	v48 =	vmul.f32 $6.931471820e-01, v48  }
0x374: {  	v50 =	vmul.f32 $2.335195390e-01, v55;
	v51 =	vand.u32 $0x7FFFFF, v36;
	v43 =	vcvt.s32.f32 v43  }
0x375: {  	v52 =	vshra.s32 v38, $0x17;
	v53 =	vadd.f32 v36, v53;
	v51 =	vor.u32 $0x3F800000, v51  }
0x376: {  	v41 =	vadd.f32 v41, v42;
	v40 =	vmul.f32 v46, v40;
	v42 =	vadd.f32 v45, v48  }
0x377: {  	v46 =	vmul.f32 v54, v49;
	v45 =	vadd.f32 $-8.917272940e+01, v47;
	v47 =	vsub.f32 $1.382808800e+00, v50  }
0x378: {  	v49 =	vand.u32 $0x7FFFFF, v35;
	v43 =	vmul.f32 $6.931471820e-01, v43;
	v48 =	vmul.f32 $2.335195390e-01, v51  }
0x379: {  	v50 =	vcvt.s32.f32 v52;
	v52 =	vadd.f32 v35, v53;
	v49 =	vor.u32 $0x3F800000, v49  }
0x37a: {  	v40 =	vadd.f32 v40, v41;
	v41 =	vshra.s32 v37, $0x17;
	v39 =	vmul.f32 v42, v39  }
0x37b: {  	v42 =	vadd.f32 v45, v43;
	v43 =	vadd.f32 $-8.917272940e+01, v46;
	v45 =	vmul.f32 v55, v47  }
0x37c: {  	v46 =	vmul.f32 $6.931471820e-01, v50;
	v47 =	vsub.f32 $1.382808800e+00, v48;
	v48 =	vmul.f32 $2.335195390e-01, v49  }
0x37d: {  	v41 =	vcvt.s32.f32 v41;
	v50 =	vadd.f32 v34, v52;
	v52 =	vand.u32 $0x7FFFFF, v34  }
0x37e: {  	v52 =	vor.u32 $0x3F800000, v52;
	v39 =	vadd.f32 v39, v40;
	v40 =	vshra.s32 v36, $0x17  }
0x37f: {  	v42 =	vmul.f32 v42, v44;
	v43 =	vadd.f32 v43, v46;
	v44 =	vadd.f32 $-8.917272940e+01, v45  }
0x380: {  	v41 =	vmul.f32 $6.931471820e-01, v41;
	v45 =	vmul.f32 v51, v47;
	v46 =	vsub.f32 $1.382808800e+00, v48  }
0x381: {  	v47 =	vmul.f32 $2.335195390e-01, v52;
	v48 =	vand.u32 $0x7FFFFF, v33;
	v40 =	vcvt.s32.f32 v40  }
0x382: {  	v51 =	vshra.s32 v35, $0x17;
	v50 =	vadd.f32 v33, v50;
	v48 =	vor.u32 $0x3F800000, v48  }
0x383: {  	v39 =	vadd.f32 v42, v39;
	v38 =	vmul.f32 v43, v38;
	v41 =	vadd.f32 v44, v41  }
0x384: {  	v42 =	vadd.f32 $-8.917272940e+01, v45;
	v43 =	vmul.f32 v49, v46;
	v44 =	vsub.f32 $1.382808800e+00, v47  }
0x385: {  	v45 =	vmul.f32 $2.335195390e-01, v48;
	v46 =	vand.u32 $0x7FFFFF, v32;
	v40 =	vmul.f32 $6.931471820e-01, v40  }
0x386: {  	v47 =	vcvt.s32.f32 v51;
	v49 =	vadd.f32 v32, v50;
	v46 =	vor.u32 $0x3F800000, v46  }
0x387: {  	v38 =	vadd.f32 v38, v39;
	v37 =	vmul.f32 v41, v37;
	v39 =	vshra.s32 v34, $0x17  }
0x388: {  	v41 =	vadd.f32 $-8.917272940e+01, v43;
	v40 =	vadd.f32 v42, v40;
	v42 =	vmul.f32 v52, v44  }
0x389: {  	v43 =	vmul.f32 $6.931471820e-01, v47;
	v44 =	vsub.f32 $1.382808800e+00, v45;
	v45 =	vmul.f32 $2.335195390e-01, v46  }
0x38a: {  	v47 =	vadd.f32 v31, v49;
	v49 =	vand.u32 $0x7FFFFF, v31;
	v39 =	vcvt.s32.f32 v39  }
0x38b: {  	v49 =	vor.u32 $0x3F800000, v49;
	v37 =	vadd.f32 v37, v38;
	v38 =	vshra.s32 v33, $0x17  }
0x38c: {  	v36 =	vmul.f32 v40, v36;
	v40 =	vadd.f32 v41, v43;
	v41 =	vadd.f32 $-8.917272940e+01, v42  }
0x38d: {  	v39 =	vmul.f32 $6.931471820e-01, v39;
	v42 =	vmul.f32 v48, v44;
	v43 =	vsub.f32 $1.382808800e+00, v45  }
0x38e: {  	v38 =	vcvt.s32.f32 v38;
	v44 =	vmul.f32 $2.335195390e-01, v49;
	v45 =	vand.u32 $0x7FFFFF, v30  }
0x38f: {  	v47 =	vadd.f32 v30, v47;
	v48 =	vshra.s32 v32, $0x17;
	v45 =	vor.u32 $0x3F800000, v45  }
0x390: {  	v36 =	vadd.f32 v36, v37;
	v35 =	vmul.f32 v40, v35;
	v37 =	vadd.f32 v41, v39  }
0x391: {  	v39 =	vadd.f32 $-8.917272940e+01, v42;
	v40 =	vmul.f32 v46, v43;
	v41 =	vsub.f32 $1.382808800e+00, v44;
	(xrf2) =	vadd.scan.msk.f32 $0xffff, v47  }
0x392: {  	v38 =	vmul.f32 $6.931471820e-01, v38;
	v42 =	vshra.s32 v31, $0x17;
	v43 =	vmul.f32 $2.335195390e-01, v45  }
0x393: {  	v35 =	vadd.f32 v35, v36;
	v34 =	vmul.f32 v37, v34;
	v36 =	vcvt.s32.f32 v48  }
0x394: {  	v37 =	vadd.f32 v39, v38;
	v38 =	vadd.f32 $-8.917272940e+01, v40;
	v39 =	vmul.f32 v49, v41  }
0x395: {  	v40 =	vcvt.s32.f32 v42;
	v41 =	vsub.f32 $1.382808800e+00, v43;
	v36 =	vmul.f32 $6.931471820e-01, v36  }
0x396: {  	v34 =	vadd.f32 v34, v35;
	v33 =	vmul.f32 v37, v33;
	v35 =	vshra.s32 v30, $0x17  }
0x397: {  	v37 =	vadd.f32 $-8.917272940e+01, v39;
	v36 =	vadd.f32 v38, v36;
	v38 =	vmul.f32 v45, v41  }
0x398: {  	v35 =	vcvt.s32.f32 v35;
	v39 =	vadd.f32 v33, v34;
	v34 =	vmul.f32 $6.931471820e-01, v40  }
0x399: {  	v27 =	vsub.f32 $1.382808800e+00, v27;
	v32 =	vmul.f32 v36, v32;
	v36 =	vadd.f32 $-8.917272940e+01, v38  }
0x39a: {  	v29 =	vbroadcast v29, $0xF;
	v35 =	vmul.f32 $6.931471820e-01, v35;
	v34 =	vadd.f32 v37, v34  }
0x39b: {  	v26 =	vmul.f32 $6.931471820e-01, v26;
	v25 =	vmul.f32 v25, v27;
	v32 =	vadd.f32 v32, v39;
	v33, _, _ =	vpop (xrf2)  }
0x39c: {  	v27 =	vmul.f32 v34, v31;
	v31 =	vadd.f32 v36, v35;
	v33 =	vadd.f32 $6.400000080e-09, v33  }
0x39d: {  	s18 =	sadd.s32 $0x120, s18;
	v22 =	vsel vm0, v24, v22;
	v28 =	vmul.f32 v29, v28;
	v25 =	vadd.f32 $-8.917272940e+01, v25  }
0x39e: {  	v24 =	vadd.f32 v27, v32;
	v27 =	vmul.f32 v31, v30;
	v47 =	vld [tilespmem:s18+$0xFFFFFF90];
	[tilespmem:s18+$0xFFFFFF90] =	vst v1;
	v29 =	vbroadcast v33, $0xF  }
0x39f: {  	vm0 =	veq.s32 v23, v0;
	v23 =	vmov s17;
	s17 =	smov.u32 s16;
	s16 =	smov.u32 s19;
	v26 =	vadd.f32 v25, v26;
	v43 =	vld [tilespmem:s18+$0xFFFFFFA0];
	[tilespmem:s18+$0xFFFFFFA0] =	vst v1  }
0x3a0: {  	v30 =	vadd.f32 v27, v24;
	v42 =	vld [tilespmem:s18+$0xFFFFFFB0];
	[tilespmem:s18+$0xFFFFFFB0] =	vst v1;
	v24 =	vand.u32 $0x7FFFFF, v29;
	(erf) = vrcp.f32 v29  }
0x3a1: {  	v27 =	vshra.s32 v29, $0x17;
	v41 =	vld [tilespmem:s18+$0xFFFFFFC0];
	[tilespmem:s18+$0xFFFFFFC0] =	vst v1;
	v25 =	vor.u32 $0x3F800000, v24;
	v24 =	vsub.f32 v26, v28  }
0x3a2: {  	v26 =	vcvt.s32.f32 v27;
	v40 =	vld [tilespmem:s18+$0xFFFFFFD0];
	[tilespmem:s18+$0xFFFFFFD0] =	vst v1;
	v27 =	vmul.f32 $2.335195390e-01, v25;
	(xrf2) =	vadd.scan.msk.f32 $0xffff, v30  }
0x3a3: {  	v28 =	vadd.f32 $0.0e+00, v47;
	v29 =	vshra.s32 v47, $0x17;
	v30 =	vand.u32 $0x7FFFFF, v47;
	v39 =	vld [tilespmem:s18+$0xFFFFFFE0];
	[tilespmem:s18+$0xFFFFFFE0] =	vst v1  }
0x3a4: {  	v29 =	vcvt.s32.f32 v29;
	v30 =	vor.u32 $0x3F800000, v30;
	v31 =	vand.u32 $0x7FFFFF, v43;
	v38 =	vld [tilespmem:s18+$0x0];
	[tilespmem:s18+$0x0] =	vst v1  }
0x3a5: {  	v32 =	vmul.f32 $2.335195390e-01, v30;
	v28 =	vadd.f32 v43, v28;
	v31 =	vor.u32 $0x3F800000, v31;
	v37 =	vld [tilespmem:s18+$0x10];
	[tilespmem:s18+$0x10] =	vst v1  }
0x3a6: {  	v34 =	vand.u32 $0x7FFFFF, v42;
	v33 =	vmul.f32 $2.335195390e-01, v31;
	v44 =	vand.u32 $0x7FFFFF, v41;
	v36 =	vld [tilespmem:s18+$0x20];
	[tilespmem:s18+$0x20] =	vst v1  }
0x3a7: {  	v45 =	vor.u32 $0x3F800000, v34;
	v32 =	vsub.f32 $1.382808800e+00, v32;
	v50 =	vadd.f32 v42, v28;
	v35 =	vld [tilespmem:s18+$0x30];
	[tilespmem:s18+$0x30] =	vst v1  }
0x3a8: {  	v48 =	vmul.f32 $2.335195390e-01, v45;
	v51 =	vor.u32 $0x3F800000, v44;
	v46 =	vsub.f32 $1.382808800e+00, v33;
	v34 =	vld [tilespmem:s18+$0x40];
	[tilespmem:s18+$0x40] =	vst v1  }
0x3a9: {  	v44 =	vshra.s32 v43, $0x17;
	v30 =	vmul.f32 v30, v32;
	v49 =	vadd.f32 v41, v50;
	v33 =	vld [tilespmem:s18+$0x50];
	[tilespmem:s18+$0x50] =	vst v1;
	v28 =	vpop (erf)  }
0x3aa: {  	v50 =	vmul.f32 $6.931471820e-01, v29;
	v48 =	vsub.f32 $1.382808800e+00, v48;
	v46 =	vmul.f32 v31, v46;
	v32 =	vld [tilespmem:s18+$0x60];
	[tilespmem:s18+$0x60] =	vst v1  }
0x3ab: {  	v53 =	vcvt.s32.f32 v44;
	v54 =	vmul.f32 $2.335195390e-01, v51;
	v52 =	vadd.f32 $-8.917272940e+01, v30;
	v31 =	vld [tilespmem:s18+$0x70];
	[tilespmem:s18+$0x70] =	vst v1  }
0x3ac: {  	v55 =	vshra.s32 v42, $0x17;
	v44 =	vand.u32 $0x7FFFFF, v40;
	v49 =	vadd.f32 v40, v49;
	v30 =	vld [tilespmem:s18+$0x80];
	[tilespmem:s18+$0x80] =	vst v1;
	v29, _, _ =	vpop (xrf2)  }
0x3ad: {  	v50 =	vadd.f32 v52, v50;
	v52 =	vadd.f32 $-8.917272940e+01, v46;
	v46 =	vor.u32 $0x3F800000, v44;
	v44 =	vld [tilespmem:s18+$0xFFFFFFF0];
	[tilespmem:s18+$0xFFFFFFF0] =	vst v1  }
0x3ae: {  	v53 =	vmul.f32 $6.931471820e-01, v53;
	v57 =	vsub.f32 $1.382808800e+00, v54;
	v56 =	vmul.f32 v45, v48  }
0x3af: {  	v54 =	vcvt.s32.f32 v55;
	v45 =	vand.u32 $0x7FFFFF, v39;
	v55 =	vmul.f32 $2.335195390e-01, v46  }
.Ltmp1:
0x3b0: {  	v58 =	vshra.s32 v41, $0x17;
	v45 =	vor.u32 $0x3F800000, v45;
	v59 =	vadd.f32 v39, v49;
	(pc) =	sbr.rel @p0 .LBB2_5-.Ltmp1, $4  }
0x3b1: {  	v48 =	vmul.f32 v50, v47;
	v49 =	vadd.f32 v52, v53;
	v50 =	vadd.f32 $-8.917272940e+01, v56  }
0x3b2: {  	v54 =	vmul.f32 $6.931471820e-01, v54;
	v51 =	vmul.f32 v51, v57;
	v52 =	vsub.f32 $1.382808800e+00, v55  }
0x3b3: {  	v53 =	vcvt.s32.f32 v58;
	v55 =	vmul.f32 $2.335195390e-01, v45;
	v47 =	vand.u32 $0x7FFFFF, v44  }
0x3b4: {  	s19 =	sadd.s32 $0x1, s19;
	v56 =	vshra.s32 v40, $0x17;
	v57 =	vadd.f32 v44, v59;
	v47 =	vor.u32 $0x3F800000, v47  }
0x3b5: {  	v48 =	vadd.f32 $0.0e+00, v48  }
0x3b6: {  	v43 =	vmul.f32 v49, v43;
	v49 =	vadd.f32 v50, v54;
	v50 =	vadd.f32 $-8.917272940e+01, v51  }
0x3b7: {  	v46 =	vmul.f32 v46, v52;
	v51 =	vsub.f32 $1.382808800e+00, v55;
	v52 =	vmul.f32 $6.931471820e-01, v53  }
0x3b8: {  	v60 =	vmul.f32 $2.335195390e-01, v47;
	v61 =	vand.u32 $0x7FFFFF, v38;
	v62 =	vcvt.s32.f32 v56  }
0x3b9: {  	v63 =	vadd.f32 v38, v57;
	v54 =	vor.u32 $0x3F800000, v61;
	v57 =	vshra.s32 v39, $0x17  }
0x3ba: {  	v43 =	vadd.f32 v43, v48;
	v42 =	vmul.f32 v49, v42;
	v58 =	vadd.f32 v50, v52  }
0x3bb: {  	v46 =	vadd.f32 $-8.917272940e+01, v46;
	v45 =	vmul.f32 v45, v51;
	v59 =	vmul.f32 $6.931471820e-01, v62  }
0x3bc: {  	v60 =	vsub.f32 $1.382808800e+00, v60;
	v61 =	vmul.f32 $2.335195390e-01, v54;
	v48 =	vcvt.s32.f32 v57  }
0x3bd: {  	v62 =	vand.u32 $0x7FFFFF, v37;
	v53 =	vadd.f32 v37, v63;
	v63 =	vshra.s32 v44, $0x17  }
0x3be: {  	v55 =	vor.u32 $0x3F800000, v62;
	v42 =	vadd.f32 v42, v43;
	v41 =	vmul.f32 v58, v41  }
0x3bf: {  	v46 =	vadd.f32 v46, v59;
	v45 =	vadd.f32 $-8.917272940e+01, v45;
	v48 =	vmul.f32 $6.931471820e-01, v48  }
0x3c0: {  	v57 =	vmul.f32 v47, v60;
	v58 =	vsub.f32 $1.382808800e+00, v61;
	v43 =	vcvt.s32.f32 v63  }
0x3c1: {  	v59 =	vmul.f32 $2.335195390e-01, v55;
	v60 =	vand.u32 $0x7FFFFF, v36;
	v61 =	vshra.s32 v38, $0x17  }
0x3c2: {  	v53 =	vadd.f32 v36, v53;
	v51 =	vor.u32 $0x3F800000, v60;
	v41 =	vadd.f32 v41, v42  }
0x3c3: {  	v40 =	vmul.f32 v46, v40;
	v62 =	vadd.f32 v45, v48;
	v63 =	vadd.f32 $-8.917272940e+01, v57  }
0x3c4: {  	v56 =	vmul.f32 v54, v58;
	v57 =	vsub.f32 $1.382808800e+00, v59;
	v43 =	vmul.f32 $6.931471820e-01, v43  }
0x3c5: {  	v48 =	vmul.f32 $2.335195390e-01, v51;
	v58 =	vand.u32 $0x7FFFFF, v35;
	v59 =	vcvt.s32.f32 v61  }
0x3c6: {  	v61 =	vshra.s32 v37, $0x17;
	v60 =	vadd.f32 v35, v53;
	v49 =	vor.u32 $0x3F800000, v58  }
0x3c7: {  	v53 =	vshra.s32 v34, $0x17;
	v40 =	vadd.f32 v40, v41;
	v39 =	vmul.f32 v62, v39  }
0x3c8: {  	v62 =	vadd.f32 v63, v43;
	v63 =	vadd.f32 $-8.917272940e+01, v56;
	v56 =	vmul.f32 v55, v57  }
0x3c9: {  	v57 =	vmul.f32 $6.931471820e-01, v59;
	v58 =	vsub.f32 $1.382808800e+00, v48;
	v59 =	vmul.f32 $2.335195390e-01, v49  }
0x3ca: {  	v41 =	vcvt.s32.f32 v61;
	v50 =	vadd.f32 v34, v60;
	v60 =	vand.u32 $0x7FFFFF, v34  }
0x3cb: {  	v61 =	vshra.s32 v36, $0x17;
	v39 =	vadd.f32 v39, v40;
	v52 =	vor.u32 $0x3F800000, v60  }
0x3cc: {  	v42 =	vmul.f32 v62, v44;
	v43 =	vadd.f32 v63, v57;
	v62 =	vadd.f32 $-8.917272940e+01, v56  }
0x3cd: {  	v41 =	vmul.f32 $6.931471820e-01, v41;
	v63 =	vmul.f32 v51, v58;
	v54 =	vsub.f32 $1.382808800e+00, v59  }
0x3ce: {  	v40 =	vcvt.s32.f32 v61;
	v56 =	vand.u32 $0x7FFFFF, v33;
	v57 =	vshra.s32 v35, $0x17  }
0x3cf: {  	v55 =	vmul.f32 $2.335195390e-01, v52;
	v48 =	vor.u32 $0x3F800000, v56;
	v39 =	vadd.f32 v42, v39  }
0x3d0: {  	v58 =	vmul.f32 v43, v38;
	v41 =	vadd.f32 v62, v41;
	v59 =	vadd.f32 $-8.917272940e+01, v63  }
0x3d1: {  	v60 =	vmul.f32 v49, v54;
	v40 =	vmul.f32 $6.931471820e-01, v40;
	v62 =	vand.u32 $0x7FFFFF, v32  }
0x3d2: {  	v63 =	vmul.f32 $2.335195390e-01, v48;
	v49 =	vcvt.s32.f32 v57;
	v61 =	vsub.f32 $1.382808800e+00, v55  }
0x3d3: {  	v45 =	vor.u32 $0x3F800000, v62;
	v38 =	vadd.f32 v58, v39;
	v51 =	vmul.f32 v41, v37  }
0x3d4: {  	v40 =	vadd.f32 v59, v40;
	v54 =	vadd.f32 $-8.917272940e+01, v60;
	v56 =	vmul.f32 $6.931471820e-01, v49  }
0x3d5: {  	v57 =	vsub.f32 $1.382808800e+00, v63;
	v58 =	vmul.f32 $2.335195390e-01, v45;
	v39 =	vcvt.s32.f32 v53  }
0x3d6: {  	v59 =	vand.u32 $0x7FFFFF, v31;
	v60 =	vshra.s32 v33, $0x17;
	v55 =	vmul.f32 v52, v61  }
0x3d7: {  	v47 =	vor.u32 $0x3F800000, v59;
	v37 =	vadd.f32 v51, v38;
	v61 =	vmul.f32 v40, v36  }
0x3d8: {  	v62 =	vadd.f32 v54, v56;
	v39 =	vmul.f32 $6.931471820e-01, v39;
	v52 =	vmul.f32 v48, v57  }
0x3d9: {  	v53 =	vsub.f32 $1.382808800e+00, v58;
	v38 =	vcvt.s32.f32 v60;
	v54 =	vmul.f32 $2.335195390e-01, v47  }
0x3da: {  	v56 =	vshra.s32 v32, $0x17;
	v63 =	vadd.f32 $-8.917272940e+01, v55;
	v55 =	vand.u32 $0x7FFFFF, v30  }
0x3db: {  	v44 =	vcvt.s32.f32 v56;
	v46 =	vor.u32 $0x3F800000, v55;
	v36 =	vadd.f32 v61, v37  }
0x3dc: {  	v57 =	vmul.f32 v62, v35;
	v59 =	vadd.f32 $-8.917272940e+01, v52;
	v60 =	vmul.f32 v45, v53  }
0x3dd: {  	v61 =	vsub.f32 $1.382808800e+00, v54;
	v38 =	vmul.f32 $6.931471820e-01, v38;
	v62 =	vshra.s32 v31, $0x17  }
0x3de: {  	v55 =	vshra.s32 v30, $0x17;
	v58 =	vadd.f32 v63, v39;
	v63 =	vmul.f32 $2.335195390e-01, v46  }
0x3df: {  	v53 =	vcvt.s32.f32 v62;
	v37 =	vcvt.s32.f32 v55  }
0x3e0: {  	v35 =	vadd.f32 v57, v36;
	v48 =	vadd.f32 v59, v38;
	v51 =	vmul.f32 v47, v61  }
0x3e1: {  	s18 =	sadd.s32 $0x120, s18;
	v49 =	vadd.f32 $-8.917272940e+01, v60;
	v36 =	vmul.f32 $6.931471820e-01, v44;
	v45 =	vmul.f32 v58, v34  }
0x3e2: {  	v52 =	vsub.f32 $1.382808800e+00, v63;
	v57 =	vmul.f32 $6.931471820e-01, v53;
	v58 =	vadd.f32 v33, v50;
	v63 =	vld [tilespmem:s18+$0xFFFFFF90]  }
0x3e3: {  	v54 =	vmul.f32 v48, v33;
	v39 =	vadd.f32 $-8.917272940e+01, v51;
	v34 =	vadd.f32 v45, v35  }
0x3e4: {  	v36 =	vadd.f32 v49, v36;
	v56 =	vmul.f32 v46, v52;
	v62 =	vadd.f32 v32, v58;
	v35 =	vld [tilespmem:s18+$0xFFFFFFB0]  }
0x3e5: {  	v37 =	vmul.f32 $6.931471820e-01, v37;
	v61 =	vadd.f32 v39, v57;
	v34 =	vadd.f32 v54, v34  }
0x3e6: {  	v59 =	vmul.f32 v36, v32;
	v60 =	vadd.f32 $-8.917272940e+01, v56;
	v44 =	vadd.f32 v31, v62  }
0x3e7: {  	v43 =	vmul.f32 v61, v31;
	v47 =	vadd.f32 $0.0e+00, v63;
	v48 =	vand.u32 $0x7FFFFF, v63  }
0x3e8: {  	v49 =	vshra.s32 v63, $0x17;
	v34 =	vadd.f32 v59, v34;
	v36 =	vadd.f32 v60, v37;
	v37 =	vld [tilespmem:s18+$0xFFFFFFA0]  }
0x3e9: {  	v31 =	vadd.f32 v30, v44;
	v38 =	vcvt.s32.f32 v49;
	v53 =	vand.u32 $0x7FFFFF, v35  }
0x3ea: {  	v45 =	vadd.f32 v43, v34;
	v46 =	vmul.f32 v36, v30;
	v36 =	vld [tilespmem:s18+$0xFFFFFFC0];
	v34 =	vor.u32 $0x3F800000, v48  }
0x3eb: {  	v58 =	vshra.s32 v35, $0x17;
	v42 =	vor.u32 $0x3F800000, v53;
	v51 =	vmul.f32 $2.335195390e-01, v34  }
0x3ec: {  	v43 =	vld [tilespmem:s18+$0xFFFFFFD0];
	v38 =	vmul.f32 $6.931471820e-01, v38;
	v55 =	vmul.f32 $2.335195390e-01, v42;
	v30 =	vadd.f32 v46, v45  }
0x3ed: {  	v50 =	vand.u32 $0x7FFFFF, v37;
	v32 =	vadd.f32 v37, v47;
	v40 =	vsub.f32 $1.382808800e+00, v51  }
0x3ee: {  	v56 =	vshra.s32 v37, $0x17;
	v45 =	vsub.f32 $1.382808800e+00, v55;
	v39 =	vor.u32 $0x3F800000, v50  }
0x3ef: {  	v47 =	vcvt.s32.f32 v58;
	v52 =	vmul.f32 $2.335195390e-01, v39;
	v54 =	vand.u32 $0x7FFFFF, v36  }
0x3f0: {  	v32 =	vadd.f32 v35, v32;
	v34 =	vmul.f32 v34, v40;
	v40 =	vcvt.s32.f32 v56  }
0x3f1: {  	v59 =	vand.u32 $0x7FFFFF, v43;
	v42 =	vmul.f32 v42, v45;
	v62 =	vshra.s32 v36, $0x17  }
0x3f2: {  	v44 =	vor.u32 $0x3F800000, v54;
	v41 =	vsub.f32 $1.382808800e+00, v52;
	v32 =	vadd.f32 v36, v32  }
0x3f3: {  	v55 =	vmul.f32 $6.931471820e-01, v47;
	v34 =	vadd.f32 $-8.917272940e+01, v34;
	v57 =	vmul.f32 $2.335195390e-01, v44  }
0x3f4: {  	v45 =	vld [tilespmem:s18+$0xFFFFFFF0];
	v54 =	vadd.f32 $-8.917272940e+01, v42;
	v39 =	vmul.f32 v39, v41;
	v32 =	vadd.f32 v43, v32  }
0x3f5: {  	v58 =	vcvt.s32.f32 v62;
	v41 =	vld [tilespmem:s18+$0xFFFFFFE0];
	v34 =	vadd.f32 v34, v38;
	v46 =	vsub.f32 $1.382808800e+00, v57  }
0x3f6: {  	v40 =	vmul.f32 $6.931471820e-01, v40;
	v38 =	vadd.f32 v54, v55;
	v60 =	vadd.f32 $-8.917272940e+01, v39  }
0x3f7: {  	v39 =	vor.u32 $0x3F800000, v59;
	v33 =	vmul.f32 v34, v63;
	v56 =	vmul.f32 v44, v46  }
0x3f8: {  	v54 =	vmul.f32 $6.931471820e-01, v58;
	v48 =	vmul.f32 $2.335195390e-01, v39;
	v63 =	vadd.f32 v60, v40  }
0x3f9: {  	v44 =	vld [tilespmem:s18+$0x0];
	v60 =	vand.u32 $0x7FFFFF, v45;
	v33 =	vadd.f32 $0.0e+00, v33;
	v62 =	vadd.f32 $-8.917272940e+01, v56  }
0x3fa: {  	v61 =	vand.u32 $0x7FFFFF, v41;
	v32 =	vadd.f32 v41, v32;
	v57 =	vsub.f32 $1.382808800e+00, v48  }
0x3fb: {  	v50 =	vor.u32 $0x3F800000, v60;
	v58 =	vshra.s32 v41, $0x17;
	v49 =	vor.u32 $0x3F800000, v61  }
0x3fc: {  	v61 =	vshra.s32 v43, $0x17;
	v34 =	vmul.f32 v63, v37;
	v55 =	vmul.f32 $2.335195390e-01, v50  }
0x3fd: {  	v59 =	vmul.f32 $2.335195390e-01, v49;
	v32 =	vadd.f32 v45, v32;
	v39 =	vmul.f32 v39, v57  }
0x3fe: {  	v56 =	vand.u32 $0x7FFFFF, v44;
	v51 =	vcvt.s32.f32 v61;
	v57 =	vmul.f32 v38, v35  }
0x3ff: {  	v37 =	vld [tilespmem:s18+$0x10];
	v35 =	vcvt.s32.f32 v58;
	v33 =	vadd.f32 v34, v33;
	v63 =	vsub.f32 $1.382808800e+00, v59  }
0x400: {  	v47 =	vld [tilespmem:s18+$0x20];
	v48 =	vor.u32 $0x3F800000, v56;
	v32 =	vadd.f32 v44, v32;
	v59 =	vadd.f32 v62, v54  }
0x401: {  	v61 =	vmul.f32 $6.931471820e-01, v51;
	v62 =	vsub.f32 $1.382808800e+00, v55;
	v55 =	vshra.s32 v45, $0x17  }
0x402: {  	v39 =	vadd.f32 $-8.917272940e+01, v39;
	v35 =	vmul.f32 $6.931471820e-01, v35;
	v34 =	vcvt.s32.f32 v55  }
0x403: {  	v33 =	vadd.f32 v57, v33;
	v60 =	vmul.f32 v49, v63;
	v63 =	vmul.f32 $2.335195390e-01, v48  }
0x404: {  	v32 =	vadd.f32 v37, v32;
	v54 =	vand.u32 $0x7FFFFF, v37;
	v36 =	vmul.f32 v59, v36  }
0x405: {  	v56 =	vadd.f32 v39, v61;
	v58 =	vmul.f32 v50, v62;
	v61 =	vand.u32 $0x7FFFFF, v47  }
0x406: {  	v42 =	vld [tilespmem:s18+$0x30];
	v62 =	vshra.s32 v44, $0x17;
	v51 =	vor.u32 $0x3F800000, v54;
	v50 =	vor.u32 $0x3F800000, v61  }
0x407: {  	v34 =	vmul.f32 $6.931471820e-01, v34;
	v57 =	vadd.f32 $-8.917272940e+01, v60;
	v59 =	vsub.f32 $1.382808800e+00, v63  }
0x408: {  	v60 =	vmul.f32 $2.335195390e-01, v51;
	v32 =	vadd.f32 v47, v32;
	v33 =	vadd.f32 v36, v33  }
0x409: {  	v63 =	vmul.f32 v56, v43;
	v53 =	vadd.f32 $-8.917272940e+01, v58;
	v56 =	vmul.f32 $2.335195390e-01, v50  }
0x40a: {  	v58 =	vcvt.s32.f32 v62;
	v35 =	vadd.f32 v57, v35;
	v54 =	vmul.f32 v48, v59  }
0x40b: {  	v38 =	vld [tilespmem:s18+$0x40];
	v55 =	vsub.f32 $1.382808800e+00, v60;
	v57 =	vand.u32 $0x7FFFFF, v42;
	v32 =	vadd.f32 v42, v32  }
0x40c: {  	v33 =	vadd.f32 v63, v33;
	v59 =	vshra.s32 v37, $0x17;
	v34 =	vadd.f32 v53, v34  }
0x40d: {  	v62 =	vmul.f32 $6.931471820e-01, v58;
	v63 =	vsub.f32 $1.382808800e+00, v56;
	v56 =	vshra.s32 v47, $0x17  }
0x40e: {  	v48 =	vor.u32 $0x3F800000, v57;
	v36 =	vcvt.s32.f32 v59;
	v35 =	vmul.f32 v35, v41  }
0x40f: {  	v46 =	vld [tilespmem:s18+$0x50];
	v60 =	vadd.f32 $-8.917272940e+01, v54;
	v61 =	vmul.f32 v51, v55;
	v54 =	vmul.f32 $2.335195390e-01, v48  }
0x410: {  	v43 =	vld [tilespmem:s18+$0x60];
	v32 =	vadd.f32 v38, v32;
	v55 =	vand.u32 $0x7FFFFF, v38;
	v34 =	vmul.f32 v34, v45  }
0x411: {  	v57 =	vmul.f32 v50, v63;
	v51 =	vor.u32 $0x3F800000, v55;
	v33 =	vadd.f32 v35, v33  }
0x412: {  	v36 =	vmul.f32 $6.931471820e-01, v36;
	v39 =	vadd.f32 v60, v62;
	v40 =	vadd.f32 $-8.917272940e+01, v61  }
0x413: {  	v58 =	vsub.f32 $1.382808800e+00, v54;
	v35 =	vcvt.s32.f32 v56;
	v59 =	vmul.f32 $2.335195390e-01, v51  }
0x414: {  	v60 =	vand.u32 $0x7FFFFF, v46;
	v61 =	vshra.s32 v42, $0x17;
	v32 =	vadd.f32 v46, v32  }
0x415: {  	v63 =	vadd.f32 $-8.917272940e+01, v57;
	v56 =	vand.u32 $0x7FFFFF, v43;
	v50 =	vor.u32 $0x3F800000, v60  }
0x416: {  	v57 =	vcvt.s32.f32 v61;
	v33 =	vadd.f32 v34, v33;
	v62 =	vmul.f32 v39, v44  }
0x417: {  	v36 =	vadd.f32 v40, v36;
	v53 =	vmul.f32 v48, v58;
	v54 =	vsub.f32 $1.382808800e+00, v59  }
0x418: {  	v35 =	vmul.f32 $6.931471820e-01, v35;
	v55 =	vmul.f32 $2.335195390e-01, v50;
	v32 =	vadd.f32 v43, v32  }
0x419: {  	v48 =	vor.u32 $0x3F800000, v56;
	v59 =	vshra.s32 v38, $0x17;
	v56 =	vshra.s32 v46, $0x17  }
0x41a: {  	v45 =	vld [tilespmem:s18+$0x80];
	v34 =	vcvt.s32.f32 v56;
	v33 =	vadd.f32 v62, v33;
	v58 =	vmul.f32 v36, v37  }
0x41b: {  	v39 =	vld [tilespmem:s18+$0x70];
	v35 =	vadd.f32 v63, v35;
	v60 =	vadd.f32 $-8.917272940e+01, v53;
	v61 =	vmul.f32 v51, v54  }
0x41c: {  	v62 =	vmul.f32 $6.931471820e-01, v57;
	v63 =	vsub.f32 $1.382808800e+00, v55;
	v54 =	vmul.f32 $2.335195390e-01, v48  }
0x41d: {  	v36 =	vcvt.s32.f32 v59;
	v34 =	vmul.f32 $6.931471820e-01, v34;
	v33 =	vadd.f32 v58, v33  }
0x41e: {  	v35 =	vmul.f32 v35, v47;
	v37 =	vadd.f32 v60, v62;
	v40 =	vadd.f32 $-8.917272940e+01, v61  }
0x41f: {  	v36 =	vmul.f32 $6.931471820e-01, v36;
	v57 =	vmul.f32 v50, v63;
	v58 =	vsub.f32 $1.382808800e+00, v54  }
0x420: {  	v60 =	vand.u32 $0x7FFFFF, v45;
	v61 =	vshra.s32 v43, $0x17;
	v32 =	vadd.f32 v39, v32  }
0x421: {  	v55 =	vand.u32 $0x7FFFFF, v39;
	v49 =	vor.u32 $0x3F800000, v60;
	v54 =	vshra.s32 v39, $0x17  }
0x422: {  	v56 =	vcvt.s32.f32 v61;
	v51 =	vor.u32 $0x3F800000, v55;
	v33 =	vadd.f32 v35, v33  }
0x423: {  	v62 =	vmul.f32 v37, v42;
	v36 =	vadd.f32 v40, v36;
	v52 =	vmul.f32 v48, v58  }
0x424: {  	v63 =	vadd.f32 $-8.917272940e+01, v57;
	v55 =	vmul.f32 $2.335195390e-01, v49;
	v59 =	vmul.f32 $2.335195390e-01, v51  }
0x425: {  	v61 =	vcvt.s32.f32 v54;
	v32 =	vadd.f32 v45, v32;
	v33 =	vadd.f32 v62, v33  }
0x426: {  	(xrf2) =	vadd.scan.msk.f32 $0xffff, v31;
	v35 =	vmul.f32 $6.931471820e-01, v56;
	v34 =	vadd.f32 v63, v34;
	v53 =	vsub.f32 $1.382808800e+00, v59  }
0x427: {  	(xrf2) =	vadd.scan.msk.f32 $0xffff, v30;
	v57 =	vmul.f32 v36, v38;
	v58 =	vadd.f32 $-8.917272940e+01, v52;
	v60 =	vsub.f32 $1.382808800e+00, v55  }
0x428: {  	v63 =	vshra.s32 v45, $0x17;
	(xrf2) =	vadd.scan.msk.f32 $0xffff, v32;
	v32 =	vmul.f32 $6.931471820e-01, v61;
	v59 =	vmul.f32 v51, v53  }
0x429: {  	v31 =	vadd.f32 v57, v33;
	v62 =	vmul.f32 v34, v46;
	v35 =	vadd.f32 v58, v35  }
0x42a: {  	v40 =	vmul.f32 v49, v60;
	v34 =	vcvt.s32.f32 v63;
	v30 =	vadd.f32 $-8.917272940e+01, v59  }
0x42b: {  	v31 =	vadd.f32 v62, v31;
	v41 =	vmul.f32 v35, v43  }
0x42c: {  	v42 =	vadd.f32 $-8.917272940e+01, v40;
	v43 =	vmul.f32 $6.931471820e-01, v34;
	v30 =	vadd.f32 v30, v32;
	_ =	sdelay $0x1  }
0x42d: {  	v31 =	vadd.f32 v41, v31;
	v32 =	vadd.f32 v42, v43;
	v30 =	vmul.f32 v30, v39;
	_ =	sdelay $0x1  }
0x42e: {  	v44, _, _ =	vpop (xrf2);
	v45 =	vmul.f32 v32, v45;
	v30 =	vadd.f32 v30, v31  }
0x42f: {  	v46, _, _ =	vpop (xrf2)  }
0x430: {  	v33 =	vadd.f32 $6.400000080e-09, v44;
	v47, _, _ =	vpop (xrf2);
	v30 =	vadd.f32 v45, v30  }
0x431: {  	v48 =	vadd.f32 $6.400000080e-09, v47  }
0x432: {  	v33 =	vbroadcast v33, $0xF;
	(xrf2) =	vadd.scan.msk.f32 $0xffff, v30  }
0x433: {  	v27 =	vsub.f32 $1.382808800e+00, v27;
	v49 =	vbroadcast v48, $0xF  }
0x434: {  	v29 =	vbroadcast v29, $0xF;
	[tilespmem:s18+$0xFFFFFF90] =	vst v1;
	v50 =	vand.u32 $0x7FFFFF, v33;
	(erf) = vrcp.f32 v33  }
0x435: {  	[tilespmem:s18+$0xFFFFFFB0] =	vst v1;
	v31 =	vor.u32 $0x3F800000, v50;
	v51 =	vand.u32 $0x7FFFFF, v49;
	(erf) = vrcp.f32 v49  }
0x436: {  	v26 =	vmul.f32 $6.931471820e-01, v26;
	[tilespmem:s18+$0xFFFFFFA0] =	vst v1;
	v52 =	vmul.f32 $2.335195390e-01, v31;
	v34 =	vor.u32 $0x3F800000, v51  }
0x437: {  	v25 =	vmul.f32 v25, v27;
	[tilespmem:s18+$0xFFFFFFC0] =	vst v1;
	v53 =	vmul.f32 $2.335195390e-01, v34  }
0x438: {  	v22 =	vsel vm0, v24, v22;
	v28 =	vmul.f32 v29, v28;
	[tilespmem:s18+$0xFFFFFFD0] =	vst v1;
	v27 =	vsub.f32 $1.382808800e+00, v52  }
0x439: {  	v25 =	vadd.f32 $-8.917272940e+01, v25;
	[tilespmem:s18+$0x20] =	vst v1;
	v54 =	vshra.s32 v33, $0x17;
	v55 =	vsub.f32 $1.382808800e+00, v53  }
0x43a: {  	[tilespmem:s18+$0x30] =	vst v1;
	v24 =	vcvt.s32.f32 v54;
	v27 =	vmul.f32 v31, v27;
	v30 =	vshra.s32 v49, $0x17  }
0x43b: {  	v25 =	vadd.f32 v25, v26;
	[tilespmem:s18+$0xFFFFFFE0] =	vst v1;
	v56 =	vcvt.s32.f32 v30;
	v29 =	vmul.f32 v34, v55  }
0x43c: {  	[tilespmem:s18+$0xFFFFFFF0] =	vst v1;
	v57 =	vbroadcast v46, $0xF;
	v24 =	vmul.f32 $6.931471820e-01, v24;
	v27 =	vadd.f32 $-8.917272940e+01, v27;
	v58, _, _ =	vpop (xrf2)  }
0x43d: {  	[tilespmem:s18+$0x0] =	vst v1;
	v59 =	vpop (erf);
	v26 =	vmul.f32 $6.931471820e-01, v56;
	v29 =	vadd.f32 $-8.917272940e+01, v29;
	v31 =	vbroadcast v58, $0xF  }
0x43e: {  	v25 =	vsub.f32 v25, v28;
	[tilespmem:s18+$0x50] =	vst v1;
	v60 =	vmul.f32 v57, v59;
	v24 =	vadd.f32 v27, v24;
	v61 =	vpop (erf)  }
0x43f: {  	vm13 =	veq.s32 v23, v0;
	[tilespmem:s18+$0x10] =	vst v1;
	v26 =	vadd.f32 v29, v26;
	v23 =	vmul.f32 v31, v61  }
0x440: {  	p0 =	sne.s32 s15, $0x7;
	v22 =	vsel vm13, v25, v22;
	[tilespmem:s18+$0x40] =	vst v1;
	v62 =	vmov s17;
	v24 =	vsub.f32 v24, v60  }
.Ltmp2:
0x441: {  	[tilespmem:s18+$0x60] =	vst v1;
	v63 =	vmov s16;
	vm14 =	veq.s32 v62, v0;
	v23 =	vsub.f32 v26, v23;
	(pc) =	sbr.rel @p0 .LBB2_2-.Ltmp2, $4  }
0x442: {  	s13 =	sshll.u32 s13, $0x4;
	[tilespmem:s18+$0x80] =	vst v1;
	vm15 =	veq.s32 v63, v0;
	v22 =	vsel vm14, v24, v22  }
0x443: {  	s14 =	sshll.u32 s14, $0x1;
	s13 =	sand.u32 $0x3FFFFFF0, s13;
	[tilespmem:s18+$0x70] =	vst v1;
	v22 =	vsel vm15, v23, v22  }
0x444: {  	s31 =	sadd.s32 s3, s14;
	s30 =	sadd.s32 $0x700, s13;
	[tilespmem:s13+$0x700] =	vst v22;
	s13 =	smov.u32 s15  }
0x445: {  	[hbm4b:s31+s4] =	stream.linear.scatter [tilespmem:s30], [sflag:$0x1], $0x10, $0x38;
	[tilespmem:$0x1970] =	vst v63  }
0x446: {  	_ =	swait.ge [sflag:s6], $0x10  }
0x447: {  	[sflag:s6] =	ssyncset.done $0x0  }
0x448: {  	[sflag:s6] =	ssyncadd.s32 $0xFFFFFFF0  }
0x449: {  	_ =	swait.ge [sflag:s6], $0x10  }
0x44a: {  	[sflag:s6] =	ssyncset.done $0x0  }
0x44b: {  	[sflag:s6] =	ssyncadd.s32 $0xFFFFFFF0  }
0x44c: {  	_ =	swait.ge [sflag:s6], $0x10  }
0x44d: {  	[sflag:s6] =	ssyncset.done $0x0  }
0x44e: {  	[sflag:s6] =	ssyncadd.s32 $0xFFFFFFF0  }
0x44f: {  	_ =	swait.ge [sflag:s6], $0x10  }
0x450: {  	[sflag:s6] =	ssyncset.done $0x0  }
0x451: {  	[sflag:s6] =	ssyncadd.s32 $0xFFFFFFF0  }
0x452: {  	_ =	swait.ge [sflag:s6], $0x10  }
0x453: {  	[sflag:s6] =	ssyncset.done $0x0  }
0x454: {  	s12 =	sadd.s32 $0x1, s12;
	[sflag:s6] =	ssyncadd.s32 $0xFFFFFFF0  }
0x455: {  	p0 =	sne.s32 s12, s8;
	_ =	swait.ge [sflag:s6], $0x10  }
.Ltmp3:
0x456: {  	[sflag:s6] =	ssyncset.done $0x0;
	(pc) =	sbr.rel @p0 .LBB2_1-.Ltmp3, $4  }
0x457: {  	[sflag:s6] =	ssyncadd.s32 $0xFFFFFFF0  }
0x458: {  	_ =	swait.ge [sflag:s6], $0x10  }
0x459: {  	[sflag:s6] =	ssyncset.done $0x0  }
0x45a: {  	[sflag:s6] =	ssyncadd.s32 $0xFFFFFFF0  }
0x45b: {  	_ =	sfence.sel $0x180000  }
0x45c: {  	[bflag:$0x0] =	sbarrier.arrive $0xFFFF  }
0x45d: {  	p0 =	sne.s32 s0, $0x0;
	_ =	strace $0x90000047  }
0x45e: {  	s0 =	sadd.s32 @!p0 $0x100000, s2;
	[bflag:$0x2] =	sbarrier.arrive $0xFFFF  }
0x45f: {  	[sflag:s0] =	ssyncadd.tile.s32 @!p0 $0x1;
	_ =	shalt  }
.Lfunc_end2:
_tile_overlayer_lowered:
.L_overlay_start_2:
0x460: {  	(tag) =	ssettag $0x2  }
0x461: {  	s0 =	rddreg [dreg:$0x0];
	s2 =	stileid.u32  }
0x462: {  	s1 =	rddreg [dreg:$0x1];
	p0 =	sne.s32 s2, $0x0  }
0x463: {  	s3 =	rddreg [dreg:$0x2];
	[bflag:$0x3] =	sbarrier.arrive $0xFFFF;
	s2 =	simm.s32 @!p0 $0x1C04  }
0x464: {  	[timem:s3], [sflag:s2] =	dma.local @!p0 [hbm:s0], s1  }
0x465: {  	s0 =	simm.s32 @!p0 $0x4  }
0x466: {  	_ =	swait.ge @!p0 [sflag:s0], s1  }
0x467: {  	s1 =	ssub.s32 @!p0 $0x0, s1;
	[sflag:s0] =	ssyncset.done @!p0 $0x0  }
0x468: {  	[sflag:s0] =	ssyncadd.s32 @!p0 s1  }
0x469: {  	[bflag:$0x3] =	sbarrier.arrive $0xFFFF  }
0x46a: {  	_ =	shalt  }

</sc_bundles>
